<compile_context>
chip_gen: v7x
topology: tpu7x:2x2x1
jax: 0.10.2.dev20260603
libtpu: 0.0.44.dev20260713+nightly
codegen_flags: <defaults>
</compile_context>

<pallas_src>
import functools

import jax
import jax.numpy as jnp
from jax import lax
from jax.experimental import pallas as pl
from jax.experimental.pallas import tpu as pltpu
from jax.experimental.pallas import tpu_sc as plsc

N = 100000
E = 1600000
D = 128
GDIM = 7
HDIM = 256

BN = 2048
GRID = 49
NP = GRID * BN
NSUB = 16
SLICE = NP // NSUB

CH = 128
ROWS = 13
BIG = ROWS * CH
OUTER = 30
NCHUNK = E // CH
BASE_CHUNKS = 390
EXTRA_TILES = NCHUNK - 32 * BASE_CHUNKS

@functools.lru_cache(maxsize=None)
def _get_mesh():
    return plsc.VectorSubcoreMesh(core_axis_name="c", subcore_axis_name="s")


def _zero_slice(zero_v, shared, s):
    pltpu.sync_copy(zero_v, shared.at[pl.ds(s * SLICE, SLICE)])


def _tile_chunk_start(w):
    return jnp.where(w < EXTRA_TILES,
                     w * (BASE_CHUNKS + 1),
                     EXTRA_TILES * (BASE_CHUNKS + 1) + (w - EXTRA_TILES) * BASE_CHUNKS)


def _sc_hist(edge_hbm, outd_a, outd_b, ind_a, ind_b,
             src_v, dst_v, ones_v, zero_v, acc_out, acc_in, lsem, ssem):
    c = lax.axis_index("c")
    s = lax.axis_index("s")
    w = c * NSUB + s

    def fill_ones(i, _):
        ones_v[0, pl.ds(i * 16, 16)] = jnp.ones((16,), jnp.float32)
        return _
    lax.fori_loop(0, BIG // 16, fill_ones, None)

    def fill_zero(i, _):
        zero_v[pl.ds(i * 16, 16)] = jnp.zeros((16,), jnp.float32)
        return _
    lax.fori_loop(0, SLICE // 16, fill_zero, None)

    _zero_slice(zero_v, acc_out, s)
    _zero_slice(zero_v, acc_in, s)
    plsc.subcore_barrier()

    estart = _tile_chunk_start(w) * CH

    def load(o, b):
        e0 = estart + o * BIG
        pltpu.async_copy(edge_hbm.at[0, pl.ds(e0, BIG)], src_v.at[b, 0], lsem)
        pltpu.async_copy(edge_hbm.at[1, pl.ds(e0, BIG)], dst_v.at[b, 0], lsem)

    def drain_load(b):
        pltpu.make_async_copy(edge_hbm.at[0, pl.ds(0, BIG)], src_v.at[b, 0], lsem).wait()
        pltpu.make_async_copy(edge_hbm.at[1, pl.ds(0, BIG)], dst_v.at[b, 0], lsem).wait()

    load(0, 0)

    def drain_scatter(b):
        pltpu.make_async_copy(ones_v.at[0], acc_out.at[src_v.at[b, 0]],
                              ssem).wait()
        pltpu.make_async_copy(ones_v.at[0], acc_in.at[dst_v.at[b, 0]],
                              ssem).wait()

    def outer(o, _):
        b = lax.rem(o, 2)
        drain_load(b)

        @pl.when(o > 0)
        def _dr():
            drain_scatter(1 - b)

        @pl.when(o + 1 < OUTER)
        def _next():
            load(o + 1, 1 - b)

        pltpu.async_copy(ones_v.at[0], acc_out.at[src_v.at[b, 0]], ssem,
                         add=True)
        pltpu.async_copy(ones_v.at[0], acc_in.at[dst_v.at[b, 0]], ssem,
                         add=True)
        return _
    lax.fori_loop(0, OUTER, outer, None)
    drain_scatter((OUTER - 1) % 2)

    @pl.when(w < EXTRA_TILES)
    def _extra():
        e0 = estart + BASE_CHUNKS * CH
        pltpu.sync_copy(edge_hbm.at[0, pl.ds(e0, CH)], src_v.at[0, 0, pl.ds(0, CH)])
        pltpu.sync_copy(edge_hbm.at[1, pl.ds(e0, CH)], dst_v.at[0, 0, pl.ds(0, CH)])
        pltpu.sync_copy(ones_v.at[0, pl.ds(0, CH)],
                        acc_out.at[src_v.at[0, 0, pl.ds(0, CH)]], add=True)
        pltpu.sync_copy(ones_v.at[0, pl.ds(0, CH)],
                        acc_in.at[dst_v.at[0, 0, pl.ds(0, CH)]], add=True)

    plsc.subcore_barrier()
    off = s * SLICE

    @pl.when(c == 0)
    def _w0():
        pltpu.sync_copy(acc_out.at[pl.ds(off, SLICE)], outd_a.at[pl.ds(off, SLICE)])
        pltpu.sync_copy(acc_in.at[pl.ds(off, SLICE)], ind_a.at[pl.ds(off, SLICE)])

    @pl.when(c == 1)
    def _w1():
        pltpu.sync_copy(acc_out.at[pl.ds(off, SLICE)], outd_b.at[pl.ds(off, SLICE)])
        pltpu.sync_copy(acc_in.at[pl.ds(off, SLICE)], ind_b.at[pl.ds(off, SLICE)])


def _rsqrt16(x):
    i = lax.bitcast_convert_type(x, jnp.int32)
    i = jnp.int32(0x5F3759DF) - lax.shift_right_logical(i, 1)
    y = lax.bitcast_convert_type(i, jnp.float32)
    for _ in range(3):
        y = y * (1.5 - 0.5 * x * y * y)
    return y


QCH = SLICE // 4


def _sc_edge(edge_hbm, ia_hbm, ib_hbm, t_a, t_b, q_a, q_b,
             src_v, dst_v, val_v, iva_v, ivb_v, qsl_v, q_vmem,
             acc_t, lsem, ssem):
    c = lax.axis_index("c")
    s = lax.axis_index("s")
    w = c * NSUB + s

    def fill_zero(i, _):
        qsl_v[pl.ds(i * 16, 16)] = jnp.zeros((16,), jnp.float32)
        return _
    lax.fori_loop(0, QCH // 16, fill_zero, None)
    for qc in range(4):
        pltpu.sync_copy(qsl_v, acc_t.at[pl.ds(s * SLICE + qc * QCH, QCH)])

    for qc in range(4):
        off = s * SLICE + qc * QCH
        pltpu.sync_copy(ia_hbm.at[pl.ds(off, QCH)], iva_v)
        pltpu.sync_copy(ib_hbm.at[pl.ds(off, QCH)], ivb_v)

        def qbody(i, _):
            d = jnp.maximum(iva_v[pl.ds(i * 16, 16)] + ivb_v[pl.ds(i * 16, 16)],
                            1.0)
            qsl_v[pl.ds(i * 16, 16)] = _rsqrt16(d)
            return _
        lax.fori_loop(0, QCH // 16, qbody, None)

        @pl.when(c == 0)
        def _q0():
            pltpu.sync_copy(qsl_v, q_a.at[pl.ds(off, QCH)])

        @pl.when(c == 1)
        def _q1():
            pltpu.sync_copy(qsl_v, q_b.at[pl.ds(off, QCH)])

    plsc.subcore_barrier()

    @pl.when(c == 0)
    def _l0():
        pltpu.sync_copy(q_a, q_vmem)

    @pl.when(c == 1)
    def _l1():
        pltpu.sync_copy(q_b, q_vmem)

    estart = _tile_chunk_start(w) * CH

    def load(o, b):
        e0 = estart + o * BIG
        pltpu.async_copy(edge_hbm.at[0, pl.ds(e0, BIG)], src_v.at[b, 0], lsem)
        pltpu.async_copy(edge_hbm.at[1, pl.ds(e0, BIG)], dst_v.at[b, 0], lsem)

    def drain_load(b):
        pltpu.make_async_copy(edge_hbm.at[0, pl.ds(0, BIG)], src_v.at[b, 0], lsem).wait()
        pltpu.make_async_copy(edge_hbm.at[1, pl.ds(0, BIG)], dst_v.at[b, 0], lsem).wait()

    load(0, 0)

    def drain_scatter(b):
        pltpu.make_async_copy(val_v.at[b, 0], acc_t.at[src_v.at[b, 0]],
                              ssem).wait()

    def outer(o, _):
        b = lax.rem(o, 2)
        drain_load(b)

        @pl.when(o > 0)
        def _dr():
            drain_scatter(1 - b)

        @pl.when(o + 1 < OUTER)
        def _next():
            load(o + 1, 1 - b)

        for k in range(BIG // 16):
            idx16 = dst_v[b, 0, pl.ds(k * 16, 16)]
            val_v[b, 0, pl.ds(k * 16, 16)] = plsc.load_gather(q_vmem, [idx16])
        pltpu.async_copy(val_v.at[b, 0], acc_t.at[src_v.at[b, 0]], ssem,
                         add=True)
        return _
    lax.fori_loop(0, OUTER, outer, None)
    drain_scatter((OUTER - 1) % 2)

    @pl.when(w < EXTRA_TILES)
    def _extra():
        e0 = estart + BASE_CHUNKS * CH
        pltpu.sync_copy(edge_hbm.at[0, pl.ds(e0, CH)], src_v.at[0, 0, pl.ds(0, CH)])
        pltpu.sync_copy(edge_hbm.at[1, pl.ds(e0, CH)], dst_v.at[0, 0, pl.ds(0, CH)])
        for k in range(CH // 16):
            idx16 = dst_v[0, 0, pl.ds(k * 16, 16)]
            val_v[0, 0, pl.ds(k * 16, 16)] = plsc.load_gather(q_vmem, [idx16])
        pltpu.sync_copy(val_v.at[0, 0, pl.ds(0, CH)],
                        acc_t.at[src_v.at[0, 0, pl.ds(0, CH)]], add=True)

    plsc.subcore_barrier()
    off = s * SLICE

    @pl.when(c == 0)
    def _w0():
        pltpu.sync_copy(acc_t.at[pl.ds(off, SLICE)], t_a.at[pl.ds(off, SLICE)])

    @pl.when(c == 1)
    def _w1():
        pltpu.sync_copy(acc_t.at[pl.ds(off, SLICE)], t_b.at[pl.ds(off, SLICE)])


def _tc_final_body(x_ref, wg_ref, bg_ref, oa_ref, ob_ref, ta_ref, tb_ref,
                   wc_ref, bc_ref, out_ref, acc_ref):
    j = pl.program_id(0)

    @pl.when(j == 0)
    def _init():
        acc_ref[...] = jnp.zeros((8, 128), jnp.float32)

    z = lax.dot_general(wg_ref[...], x_ref[...],
                        (((1,), (1,)), ((), ())),
                        preferred_element_type=jnp.float32)
    z = z + bg_ref[:, 0:1]
    gt = 1.0 / (1.0 + jnp.exp(-z))

    outd = jnp.maximum(oa_ref[...] + ob_ref[...], 1.0)
    cvec = lax.rsqrt(outd) * (ta_ref[...] + tb_ref[...])
    node = j * BN + lax.broadcasted_iota(jnp.int32, (1, BN), 1)
    prod = jnp.where(node < N, gt * cvec, 0.0)
    acc = acc_ref[...]
    for k in range(BN // 128):
        acc = acc + prod[:, k * 128:(k + 1) * 128]
    acc_ref[...] = acc

    @pl.when(j == GRID - 1)
    def _fin():
        s8 = jnp.sum(acc_ref[...], axis=1, keepdims=True)
        out = lax.dot_general(s8, wc_ref[...],
                              (((0,), (0,)), ((), ())),
                              preferred_element_type=jnp.float32)
        out_ref[...] = out + float(N) * bc_ref[...]


@functools.lru_cache(maxsize=None)
def _get_sc_kernels():
    mesh = _get_mesh()
    params = pltpu.CompilerParams(use_tc_tiling_on_sc=False,
                                  needs_layout_passes=False)
    hist = functools.partial(
        pl.kernel,
        mesh=mesh,
        compiler_params=params,
        out_type=[jax.ShapeDtypeStruct((NP,), jnp.float32) for _ in range(4)],
        scratch_types=[
            pltpu.VMEM((2, 1, BIG), jnp.int32),
            pltpu.VMEM((2, 1, BIG), jnp.int32),
            pltpu.VMEM((1, BIG), jnp.float32),
            pltpu.VMEM((SLICE,), jnp.float32),
            pltpu.VMEM_SHARED((NP,), jnp.float32),
            pltpu.VMEM_SHARED((NP,), jnp.float32),
            pltpu.SemaphoreType.DMA,
            pltpu.SemaphoreType.DMA,
        ],
    )(_sc_hist)
    edge = functools.partial(
        pl.kernel,
        mesh=mesh,
        compiler_params=params,
        out_type=[jax.ShapeDtypeStruct((NP,), jnp.float32) for _ in range(4)],
        scratch_types=[
            pltpu.VMEM((2, 1, BIG), jnp.int32),
            pltpu.VMEM((2, 1, BIG), jnp.int32),
            pltpu.VMEM((2, 1, BIG), jnp.float32),
            pltpu.VMEM((QCH,), jnp.float32),
            pltpu.VMEM((QCH,), jnp.float32),
            pltpu.VMEM((QCH,), jnp.float32),
            pltpu.VMEM((NP,), jnp.float32),
            pltpu.VMEM_SHARED((NP,), jnp.float32),
            pltpu.SemaphoreType.DMA,
            pltpu.SemaphoreType.DMA,
        ],
    )(_sc_edge)
    return hist, edge


def kernel(x, edge_index, Wg, bg, Wc, bc):
    sc_hist, sc_edge = _get_sc_kernels()

    outd_a, outd_b, ind_a, ind_b = sc_hist(edge_index)
    t_a, t_b, _, _ = sc_edge(edge_index, ind_a, ind_b)

    Wg8 = jnp.zeros((8, D), jnp.float32).at[:GDIM].set(Wg)
    bg8 = jnp.broadcast_to(
        jnp.zeros((8,), jnp.float32).at[:GDIM].set(bg)[:, None], (8, 128))
    Wc8 = jnp.zeros((8, HDIM), jnp.float32).at[:GDIM].set(Wc)
    out = pl.pallas_call(
        _tc_final_body,
        grid=(GRID,),
        in_specs=[pl.BlockSpec((BN, D), lambda j: (j, 0)),
                  pl.BlockSpec((8, D), lambda j: (0, 0)),
                  pl.BlockSpec((8, 128), lambda j: (0, 0)),
                  pl.BlockSpec((1, BN), lambda j: (0, j)),
                  pl.BlockSpec((1, BN), lambda j: (0, j)),
                  pl.BlockSpec((1, BN), lambda j: (0, j)),
                  pl.BlockSpec((1, BN), lambda j: (0, j)),
                  pl.BlockSpec((8, HDIM), lambda j: (0, 0)),
                  pl.BlockSpec((1, HDIM), lambda j: (0, 0))],
        out_specs=pl.BlockSpec((1, HDIM), lambda j: (0, 0)),
        out_shape=jax.ShapeDtypeStruct((1, HDIM), jnp.float32),
        scratch_shapes=[pltpu.VMEM((8, 128), jnp.float32)],
    )(x, Wg8, bg8,
      outd_a.reshape(1, NP), outd_b.reshape(1, NP),
      t_a.reshape(1, NP), t_b.reshape(1, NP),
      Wc8, bc.reshape(1, HDIM))

    return out

# --- scband reference (transcript-rebuilt; emitter-appended) ---
"""Pipeline reference for scband-graph-embed-27582279975440 (READ-ONLY COPY).

The authoritative reference and input builder live on the scoring server;
editing this copy changes nothing except your own understanding.
"""

import jax, jax.numpy as jnp
import numpy as np

N = 100000
E = 1600000
D = 128          # node_hidden_size
H = 2 * D        # graph_hidden_size = GraphConv out_feats
G = 7            # gating / GraphConv in_feats


def setup_inputs(seed: int = 0) -> dict:
    key = jax.random.key(seed)
    k1, k2, k3, k4 = jax.random.split(key, 4)
    x = jax.random.normal(k1, (N, D), dtype=jnp.float32)
    edge_index = jax.random.randint(k2, (2, E), 0, N, dtype=jnp.int32)
    # node_gating = Linear(D, 7) followed by sigmoid
    Wg = jax.random.normal(k3, (G, D), dtype=jnp.float32) * (1.0 / np.sqrt(D))
    bg = jnp.zeros((G,), dtype=jnp.float32)
    # GraphConv(7, 2*D): weight [in_feats, out_feats], bias [out_feats]
    Wc = jax.random.normal(k4, (G, H), dtype=jnp.float32) * (1.0 / np.sqrt(G))
    bc = jnp.zeros((H,), dtype=jnp.float32)
    return {"x": x, "edge_index": edge_index, "Wg": Wg, "bg": bg, "Wc": Wc, "bc": bc}


def reference(x, edge_index, Wg, bg, Wc, bc):
    src = edge_index[0]
    dst = edge_index[1]
    # node_gating: sigmoid(Linear(D -> 7))
    g = jax.nn.sigmoid(x @ Wg.T + bg)  # [N, 7]
    # DGL GraphConv with norm='both', allow_zero_in_degree=True:
    # feat_src = feat * out_deg^{-1/2}; aggregate copy_u sum; rst = rst * in_deg^{-1/2}
    ones = jnp.ones((src.shape[0],), dtype=x.dtype)
    out_deg = jnp.maximum(jax.ops.segment_sum(ones, src, num_segments=N), 1.0)
    in_deg = jnp.maximum(jax.ops.segment_sum(ones, dst, num_segments=N), 1.0)
    h = g * (out_deg ** -0.5)[:, None]                      # [N, 7]
    agg = jax.ops.segment_sum(h[src], dst, num_segments=N)  # gather + scatter-add
    agg = agg * (in_deg ** -0.5)[:, None]                   # [N, 7]
    # in_feats (7) <= out_feats (256): aggregate first, then matmul weight + bias
    rst = agg @ Wc + bc                                     # [N, 2*D]
    # .sum(0, keepdim=True)
    return rst.sum(axis=0, keepdims=True)                   # [1, 2*D]

if __name__ == "__main__":
    import jax
    _d = setup_inputs()
    print(jax.jit(kernel)(*tuple(_d.values())))

</pallas_src>

<mosaic_0001>
#map = affine_map<(d0, d1) -> (0, 0)>
#map1 = affine_map<(d0, d1) -> (0)>
module attributes {stable_mosaic.version = 14 : i64} {
  func.func @_sc_edge(%arg0: i32, %arg1: i32, %arg2: memref<2x1600000xi32, #tpu.memory_space<hbm>>, %arg3: memref<100352xf32, #tpu.memory_space<hbm>>, %arg4: memref<100352xf32, #tpu.memory_space<hbm>>, %arg5: memref<100352xf32, #tpu.memory_space<hbm>>, %arg6: memref<100352xf32, #tpu.memory_space<hbm>>, %arg7: memref<100352xf32, #tpu.memory_space<hbm>>, %arg8: memref<100352xf32, #tpu.memory_space<hbm>>, %arg9: memref<2x1x1664xi32, #tpu.memory_space<vmem>>, %arg10: memref<2x1x1664xi32, #tpu.memory_space<vmem>>, %arg11: memref<2x1x1664xf32, #tpu.memory_space<vmem>>, %arg12: memref<1568xf32, #tpu.memory_space<vmem>>, %arg13: memref<1568xf32, #tpu.memory_space<vmem>>, %arg14: memref<1568xf32, #tpu.memory_space<vmem>>, %arg15: memref<100352xf32, #tpu.memory_space<vmem>>, %arg16: memref<100352xf32, #tpu.memory_space<vmem_shared>>, %arg17: memref<!tpu.dma_semaphore, #tpu.memory_space<semaphore_mem>>, %arg18: memref<!tpu.dma_semaphore, #tpu.memory_space<semaphore_mem>>) attributes {dimension_semantics = [#tpu.dimension_semantics<core_parallel>, #tpu.dimension_semantics<subcore_parallel>], iteration_bounds = array<i64: 2, 16>, scalar_prefetch = 0 : i64, scratch_operands = 10 : i64, tpu.core_type = #tpu.core_type<sc_vector_subcore>, window_params = [{transform_indices = #map}, {transform_indices = #map1}, {transform_indices = #map1}, {transform_indices = #map1}, {transform_indices = #map1}, {transform_indices = #map1}, {transform_indices = #map1}]} {
    %mul3A = arith.constant 16 : i32
    %mul3A_0 = arith.muli %arg0, %mul3A : i32
    %add3A = arith.addi %mul3A_0, %arg1 : i32
    %scan3A = arith.constant 0 : i32
    %scan3A_1 = arith.constant 98 : i32
    %scan3A_2 = arith.addi %scan3A, %scan3A_1 : i32
    %scan3A_3 = arith.constant 1 : i32
    scf.for %scan3A_175 = %scan3A to %scan3A_2 step %scan3A_3  : i32 {
      %broadcast_in_dim3A = arith.constant 0.000000e+00 : f32
      %broadcast_in_dim3A_176 = vector.broadcast %broadcast_in_dim3A : f32 to vector<16xf32>
      %mul3A_177 = arith.constant 16 : i32
      %mul3A_178 = arith.muli %scan3A_175, %mul3A_177 : i32
      %swap3A = arith.index_cast %mul3A_178 : i32 to index
      %swap3A_179 = tpu.vector_load %arg14[%swap3A] {strides = array<i32>} : memref<1568xf32, #tpu.memory_space<vmem>>, vector<16xf32>,
      tpu.vector_store %arg14[%swap3A], %broadcast_in_dim3A_176 {strides = array<i32>} : memref<1568xf32, #tpu.memory_space<vmem>>, vector<16xf32>,
    }
    %scan3A_4 = arith.constant 98 : i32
    %mul3A_5 = arith.constant 6272 : i32
    %mul3A_6 = arith.muli %arg1, %mul3A_5 : i32
    %add3A_7 = arith.constant 0 : i32
    %add3A_8 = arith.addi %mul3A_6, %add3A_7 : i32
    "tpu.region"() ({
      %run_scoped3A = tpu.sem_alloc : memref<!tpu.dma_semaphore, #tpu.memory_space<semaphore_mem>>
      %dma_start3A_175 = tpu.memref_slice %arg16[%add3A_8] : memref<100352xf32, #tpu.memory_space<vmem_shared>> -> memref<1568xf32, #tpu.memory_space<vmem_shared>>
      %dma_start3A_176 = tpu.memref_slice %arg16[%add3A_8] : memref<100352xf32, #tpu.memory_space<vmem_shared>> -> memref<1568xf32, #tpu.memory_space<vmem_shared>>
      tpu.enqueue_dma source(%arg14 : memref<1568xf32, #tpu.memory_space<vmem>>) target(%dma_start3A_176 : memref<1568xf32, #tpu.memory_space<vmem_shared>>) target_semaphore(%run_scoped3A : memref<!tpu.dma_semaphore, #tpu.memory_space<semaphore_mem>>)
      %dma_wait3A_177 = tpu.memref_slice %arg16[%add3A_8] : memref<100352xf32, #tpu.memory_space<vmem_shared>> -> memref<1568xf32, #tpu.memory_space<vmem_shared>>
      %dma_wait3A_178 = tpu.memref_slice %arg16[%add3A_8] : memref<100352xf32, #tpu.memory_space<vmem_shared>> -> memref<1568xf32, #tpu.memory_space<vmem_shared>>
      tpu.wait_dma2 semaphore(%run_scoped3A : memref<!tpu.dma_semaphore, #tpu.memory_space<semaphore_mem>>) src(%arg14 : memref<1568xf32, #tpu.memory_space<vmem>>) dst(%dma_wait3A_178 : memref<1568xf32, #tpu.memory_space<vmem_shared>>)
      tpu.yield
    }) : () -> ()
    %mul3A_9 = arith.constant 6272 : i32
    %mul3A_10 = arith.muli %arg1, %mul3A_9 : i32
    %add3A_11 = arith.constant 1568 : i32
    %add3A_12 = arith.addi %mul3A_10, %add3A_11 : i32
    "tpu.region"() ({
      %run_scoped3A = tpu.sem_alloc : memref<!tpu.dma_semaphore, #tpu.memory_space<semaphore_mem>>
      %dma_start3A_175 = tpu.memref_slice %arg16[%add3A_12] : memref<100352xf32, #tpu.memory_space<vmem_shared>> -> memref<1568xf32, #tpu.memory_space<vmem_shared>>
      %dma_start3A_176 = tpu.memref_slice %arg16[%add3A_12] : memref<100352xf32, #tpu.memory_space<vmem_shared>> -> memref<1568xf32, #tpu.memory_space<vmem_shared>>
      tpu.enqueue_dma source(%arg14 : memref<1568xf32, #tpu.memory_space<vmem>>) target(%dma_start3A_176 : memref<1568xf32, #tpu.memory_space<vmem_shared>>) target_semaphore(%run_scoped3A : memref<!tpu.dma_semaphore, #tpu.memory_space<semaphore_mem>>)
      %dma_wait3A_177 = tpu.memref_slice %arg16[%add3A_12] : memref<100352xf32, #tpu.memory_space<vmem_shared>> -> memref<1568xf32, #tpu.memory_space<vmem_shared>>
      %dma_wait3A_178 = tpu.memref_slice %arg16[%add3A_12] : memref<100352xf32, #tpu.memory_space<vmem_shared>> -> memref<1568xf32, #tpu.memory_space<vmem_shared>>
      tpu.wait_dma2 semaphore(%run_scoped3A : memref<!tpu.dma_semaphore, #tpu.memory_space<semaphore_mem>>) src(%arg14 : memref<1568xf32, #tpu.memory_space<vmem>>) dst(%dma_wait3A_178 : memref<1568xf32, #tpu.memory_space<vmem_shared>>)
      tpu.yield
    }) : () -> ()
    %mul3A_13 = arith.constant 6272 : i32
    %mul3A_14 = arith.muli %arg1, %mul3A_13 : i32
    %add3A_15 = arith.constant 3136 : i32
    %add3A_16 = arith.addi %mul3A_14, %add3A_15 : i32
    "tpu.region"() ({
      %run_scoped3A = tpu.sem_alloc : memref<!tpu.dma_semaphore, #tpu.memory_space<semaphore_mem>>
      %dma_start3A_175 = tpu.memref_slice %arg16[%add3A_16] : memref<100352xf32, #tpu.memory_space<vmem_shared>> -> memref<1568xf32, #tpu.memory_space<vmem_shared>>
      %dma_start3A_176 = tpu.memref_slice %arg16[%add3A_16] : memref<100352xf32, #tpu.memory_space<vmem_shared>> -> memref<1568xf32, #tpu.memory_space<vmem_shared>>
      tpu.enqueue_dma source(%arg14 : memref<1568xf32, #tpu.memory_space<vmem>>) target(%dma_start3A_176 : memref<1568xf32, #tpu.memory_space<vmem_shared>>) target_semaphore(%run_scoped3A : memref<!tpu.dma_semaphore, #tpu.memory_space<semaphore_mem>>)
      %dma_wait3A_177 = tpu.memref_slice %arg16[%add3A_16] : memref<100352xf32, #tpu.memory_space<vmem_shared>> -> memref<1568xf32, #tpu.memory_space<vmem_shared>>
      %dma_wait3A_178 = tpu.memref_slice %arg16[%add3A_16] : memref<100352xf32, #tpu.memory_space<vmem_shared>> -> memref<1568xf32, #tpu.memory_space<vmem_shared>>
      tpu.wait_dma2 semaphore(%run_scoped3A : memref<!tpu.dma_semaphore, #tpu.memory_space<semaphore_mem>>) src(%arg14 : memref<1568xf32, #tpu.memory_space<vmem>>) dst(%dma_wait3A_178 : memref<1568xf32, #tpu.memory_space<vmem_shared>>)
      tpu.yield
    }) : () -> ()
    %mul3A_17 = arith.constant 6272 : i32
    %mul3A_18 = arith.muli %arg1, %mul3A_17 : i32
    %add3A_19 = arith.constant 4704 : i32
    %add3A_20 = arith.addi %mul3A_18, %add3A_19 : i32
    "tpu.region"() ({
      %run_scoped3A = tpu.sem_alloc : memref<!tpu.dma_semaphore, #tpu.memory_space<semaphore_mem>>
      %dma_start3A_175 = tpu.memref_slice %arg16[%add3A_20] : memref<100352xf32, #tpu.memory_space<vmem_shared>> -> memref<1568xf32, #tpu.memory_space<vmem_shared>>
      %dma_start3A_176 = tpu.memref_slice %arg16[%add3A_20] : memref<100352xf32, #tpu.memory_space<vmem_shared>> -> memref<1568xf32, #tpu.memory_space<vmem_shared>>
      tpu.enqueue_dma source(%arg14 : memref<1568xf32, #tpu.memory_space<vmem>>) target(%dma_start3A_176 : memref<1568xf32, #tpu.memory_space<vmem_shared>>) target_semaphore(%run_scoped3A : memref<!tpu.dma_semaphore, #tpu.memory_space<semaphore_mem>>)
      %dma_wait3A_177 = tpu.memref_slice %arg16[%add3A_20] : memref<100352xf32, #tpu.memory_space<vmem_shared>> -> memref<1568xf32, #tpu.memory_space<vmem_shared>>
      %dma_wait3A_178 = tpu.memref_slice %arg16[%add3A_20] : memref<100352xf32, #tpu.memory_space<vmem_shared>> -> memref<1568xf32, #tpu.memory_space<vmem_shared>>
      tpu.wait_dma2 semaphore(%run_scoped3A : memref<!tpu.dma_semaphore, #tpu.memory_space<semaphore_mem>>) src(%arg14 : memref<1568xf32, #tpu.memory_space<vmem>>) dst(%dma_wait3A_178 : memref<1568xf32, #tpu.memory_space<vmem_shared>>)
      tpu.yield
    }) : () -> ()
    %mul3A_21 = arith.constant 6272 : i32
    %mul3A_22 = arith.muli %arg1, %mul3A_21 : i32
    %add3A_23 = arith.constant 0 : i32
    %add3A_24 = arith.addi %mul3A_22, %add3A_23 : i32
    "tpu.region"() ({
      %run_scoped3A = tpu.sem_alloc : memref<!tpu.dma_semaphore, #tpu.memory_space<semaphore_mem>>
      %dma_start3A_175 = tpu.memref_slice %arg3[%add3A_24] : memref<100352xf32, #tpu.memory_space<hbm>> -> memref<1568xf32, #tpu.memory_space<hbm>>
      %dma_start3A_176 = tpu.memref_slice %arg3[%add3A_24] : memref<100352xf32, #tpu.memory_space<hbm>> -> memref<1568xf32, #tpu.memory_space<hbm>>
      tpu.enqueue_dma source(%dma_start3A_176 : memref<1568xf32, #tpu.memory_space<hbm>>) target(%arg12 : memref<1568xf32, #tpu.memory_space<vmem>>) target_semaphore(%run_scoped3A : memref<!tpu.dma_semaphore, #tpu.memory_space<semaphore_mem>>)
      %dma_wait3A_177 = tpu.memref_slice %arg3[%add3A_24] : memref<100352xf32, #tpu.memory_space<hbm>> -> memref<1568xf32, #tpu.memory_space<hbm>>
      %dma_wait3A_178 = tpu.memref_slice %arg3[%add3A_24] : memref<100352xf32, #tpu.memory_space<hbm>> -> memref<1568xf32, #tpu.memory_space<hbm>>
      tpu.wait_dma2 semaphore(%run_scoped3A : memref<!tpu.dma_semaphore, #tpu.memory_space<semaphore_mem>>) src(%dma_wait3A_178 : memref<1568xf32, #tpu.memory_space<hbm>>) dst(%arg12 : memref<1568xf32, #tpu.memory_space<vmem>>)
      tpu.yield
    }) : () -> ()
    "tpu.region"() ({
      %run_scoped3A = tpu.sem_alloc : memref<!tpu.dma_semaphore, #tpu.memory_space<semaphore_mem>>
      %dma_start3A_175 = tpu.memref_slice %arg4[%add3A_24] : memref<100352xf32, #tpu.memory_space<hbm>> -> memref<1568xf32, #tpu.memory_space<hbm>>
      %dma_start3A_176 = tpu.memref_slice %arg4[%add3A_24] : memref<100352xf32, #tpu.memory_space<hbm>> -> memref<1568xf32, #tpu.memory_space<hbm>>
      tpu.enqueue_dma source(%dma_start3A_176 : memref<1568xf32, #tpu.memory_space<hbm>>) target(%arg13 : memref<1568xf32, #tpu.memory_space<vmem>>) target_semaphore(%run_scoped3A : memref<!tpu.dma_semaphore, #tpu.memory_space<semaphore_mem>>)
      %dma_wait3A_177 = tpu.memref_slice %arg4[%add3A_24] : memref<100352xf32, #tpu.memory_space<hbm>> -> memref<1568xf32, #tpu.memory_space<hbm>>
      %dma_wait3A_178 = tpu.memref_slice %arg4[%add3A_24] : memref<100352xf32, #tpu.memory_space<hbm>> -> memref<1568xf32, #tpu.memory_space<hbm>>
      tpu.wait_dma2 semaphore(%run_scoped3A : memref<!tpu.dma_semaphore, #tpu.memory_space<semaphore_mem>>) src(%dma_wait3A_178 : memref<1568xf32, #tpu.memory_space<hbm>>) dst(%arg13 : memref<1568xf32, #tpu.memory_space<vmem>>)
      tpu.yield
    }) : () -> ()
    %scan3A_25 = arith.constant 0 : i32
    %scan3A_26 = arith.constant 98 : i32
    %scan3A_27 = arith.addi %scan3A_25, %scan3A_26 : i32
    %scan3A_28 = arith.constant 1 : i32
    scf.for %scan3A_175 = %scan3A_25 to %scan3A_27 step %scan3A_28  : i32 {
      %mul3A_176 = arith.constant 16 : i32
      %mul3A_177 = arith.muli %scan3A_175, %mul3A_176 : i32
      %get3A = arith.index_cast %mul3A_177 : i32 to index
      %get3A_178 = tpu.vector_load %arg12[%get3A] {strides = array<i32>} : memref<1568xf32, #tpu.memory_space<vmem>>, vector<16xf32>,
      %mul3A_179 = arith.constant 16 : i32
      %mul3A_180 = arith.muli %scan3A_175, %mul3A_179 : i32
      %get3A_181 = arith.index_cast %mul3A_180 : i32 to index
      %get3A_182 = tpu.vector_load %arg13[%get3A_181] {strides = array<i32>} : memref<1568xf32, #tpu.memory_space<vmem>>, vector<16xf32>,
      %add3A_183 = arith.addf %get3A_178, %get3A_182 : vector<16xf32>
      %max3A = arith.constant 1.000000e+00 : f32
      %max3A_184 = vector.broadcast %max3A : f32 to vector<16xf32>
      %max3A_185 = arith.maximumf %add3A_183, %max3A_184 : vector<16xf32>
      %bitcast_convert_type3A = tpu.bitcast %max3A_185 : vector<16xf32> -> vector<16xi32>
      %shift_right_logical3A = arith.constant 1 : i32
      %shift_right_logical3A_186 = vector.broadcast %shift_right_logical3A : i32 to vector<16xi32>
      %shift_right_logical3A_187 = arith.shrui %bitcast_convert_type3A, %shift_right_logical3A_186 : vector<16xi32>
      %sub3A_188 = arith.constant 1597463007 : i32
      %sub3A_189 = vector.broadcast %sub3A_188 : i32 to vector<16xi32>
      %sub3A_190 = arith.subi %sub3A_189, %shift_right_logical3A_187 : vector<16xi32>
      %bitcast_convert_type3A_191 = tpu.bitcast %sub3A_190 : vector<16xi32> -> vector<16xf32>
      %mul3A_192 = arith.constant 5.000000e-01 : f32
      %mul3A_193 = vector.broadcast %mul3A_192 : f32 to vector<16xf32>
      %mul3A_194 = arith.mulf %mul3A_193, %max3A_185 : vector<16xf32>
      %mul3A_195 = arith.mulf %mul3A_194, %bitcast_convert_type3A_191 : vector<16xf32>
      %mul3A_196 = arith.mulf %mul3A_195, %bitcast_convert_type3A_191 : vector<16xf32>
      %sub3A_197 = arith.constant 1.500000e+00 : f32
      %sub3A_198 = vector.broadcast %sub3A_197 : f32 to vector<16xf32>
      %sub3A_199 = arith.subf %sub3A_198, %mul3A_196 : vector<16xf32>
      %mul3A_200 = arith.mulf %bitcast_convert_type3A_191, %sub3A_199 : vector<16xf32>
      %mul3A_201 = arith.constant 5.000000e-01 : f32
      %mul3A_202 = vector.broadcast %mul3A_201 : f32 to vector<16xf32>
      %mul3A_203 = arith.mulf %mul3A_202, %max3A_185 : vector<16xf32>
      %mul3A_204 = arith.mulf %mul3A_203, %mul3A_200 : vector<16xf32>
      %mul3A_205 = arith.mulf %mul3A_204, %mul3A_200 : vector<16xf32>
      %sub3A_206 = arith.constant 1.500000e+00 : f32
      %sub3A_207 = vector.broadcast %sub3A_206 : f32 to vector<16xf32>
      %sub3A_208 = arith.subf %sub3A_207, %mul3A_205 : vector<16xf32>
      %mul3A_209 = arith.mulf %mul3A_200, %sub3A_208 : vector<16xf32>
      %mul3A_210 = arith.constant 5.000000e-01 : f32
      %mul3A_211 = vector.broadcast %mul3A_210 : f32 to vector<16xf32>
      %mul3A_212 = arith.mulf %mul3A_211, %max3A_185 : vector<16xf32>
      %mul3A_213 = arith.mulf %mul3A_212, %mul3A_209 : vector<16xf32>
      %mul3A_214 = arith.mulf %mul3A_213, %mul3A_209 : vector<16xf32>
      %sub3A_215 = arith.constant 1.500000e+00 : f32
      %sub3A_216 = vector.broadcast %sub3A_215 : f32 to vector<16xf32>
      %sub3A_217 = arith.subf %sub3A_216, %mul3A_214 : vector<16xf32>
      %mul3A_218 = arith.mulf %mul3A_209, %sub3A_217 : vector<16xf32>
      %mul3A_219 = arith.constant 16 : i32
      %mul3A_220 = arith.muli %scan3A_175, %mul3A_219 : i32
      %swap3A = arith.index_cast %mul3A_220 : i32 to index
      %swap3A_221 = tpu.vector_load %arg14[%swap3A] {strides = array<i32>} : memref<1568xf32, #tpu.memory_space<vmem>>, vector<16xf32>,
      tpu.vector_store %arg14[%swap3A], %mul3A_218 {strides = array<i32>} : memref<1568xf32, #tpu.memory_space<vmem>>, vector<16xf32>,
    }
    %scan3A_29 = arith.constant 98 : i32
    %eq3A = arith.constant 0 : i32
    %eq3A_30 = arith.cmpi eq, %arg0, %eq3A : i32
    %convert_element_type3A = arith.extui %eq3A_30 : i1 to i32
    %cond3A = arith.constant 0 : i32
    %cond3A_31 = arith.cmpi ne, %convert_element_type3A, %cond3A : i32
    scf.if %cond3A_31 {
      "tpu.region"() ({
        %run_scoped3A = tpu.sem_alloc : memref<!tpu.dma_semaphore, #tpu.memory_space<semaphore_mem>>
        %dma_start3A_175 = tpu.memref_slice %arg7[%add3A_24] : memref<100352xf32, #tpu.memory_space<hbm>> -> memref<1568xf32, #tpu.memory_space<hbm>>
        %dma_start3A_176 = tpu.memref_slice %arg7[%add3A_24] : memref<100352xf32, #tpu.memory_space<hbm>> -> memref<1568xf32, #tpu.memory_space<hbm>>
        tpu.enqueue_dma source(%arg14 : memref<1568xf32, #tpu.memory_space<vmem>>) target(%dma_start3A_176 : memref<1568xf32, #tpu.memory_space<hbm>>) target_semaphore(%run_scoped3A : memref<!tpu.dma_semaphore, #tpu.memory_space<semaphore_mem>>)
        %dma_wait3A_177 = tpu.memref_slice %arg7[%add3A_24] : memref<100352xf32, #tpu.memory_space<hbm>> -> memref<1568xf32, #tpu.memory_space<hbm>>
        %dma_wait3A_178 = tpu.memref_slice %arg7[%add3A_24] : memref<100352xf32, #tpu.memory_space<hbm>> -> memref<1568xf32, #tpu.memory_space<hbm>>
        tpu.wait_dma2 semaphore(%run_scoped3A : memref<!tpu.dma_semaphore, #tpu.memory_space<semaphore_mem>>) src(%arg14 : memref<1568xf32, #tpu.memory_space<vmem>>) dst(%dma_wait3A_178 : memref<1568xf32, #tpu.memory_space<hbm>>)
        tpu.yield
      }) : () -> ()
    } else {
    }
    %eq3A_32 = arith.constant 1 : i32
    %eq3A_33 = arith.cmpi eq, %arg0, %eq3A_32 : i32
    %convert_element_type3A_34 = arith.extui %eq3A_33 : i1 to i32
    %cond3A_35 = arith.constant 0 : i32
    %cond3A_36 = arith.cmpi ne, %convert_element_type3A_34, %cond3A_35 : i32
    scf.if %cond3A_36 {
      "tpu.region"() ({
        %run_scoped3A = tpu.sem_alloc : memref<!tpu.dma_semaphore, #tpu.memory_space<semaphore_mem>>
        %dma_start3A_175 = tpu.memref_slice %arg8[%add3A_24] : memref<100352xf32, #tpu.memory_space<hbm>> -> memref<1568xf32, #tpu.memory_space<hbm>>
        %dma_start3A_176 = tpu.memref_slice %arg8[%add3A_24] : memref<100352xf32, #tpu.memory_space<hbm>> -> memref<1568xf32, #tpu.memory_space<hbm>>
        tpu.enqueue_dma source(%arg14 : memref<1568xf32, #tpu.memory_space<vmem>>) target(%dma_start3A_176 : memref<1568xf32, #tpu.memory_space<hbm>>) target_semaphore(%run_scoped3A : memref<!tpu.dma_semaphore, #tpu.memory_space<semaphore_mem>>)
        %dma_wait3A_177 = tpu.memref_slice %arg8[%add3A_24] : memref<100352xf32, #tpu.memory_space<hbm>> -> memref<1568xf32, #tpu.memory_space<hbm>>
        %dma_wait3A_178 = tpu.memref_slice %arg8[%add3A_24] : memref<100352xf32, #tpu.memory_space<hbm>> -> memref<1568xf32, #tpu.memory_space<hbm>>
        tpu.wait_dma2 semaphore(%run_scoped3A : memref<!tpu.dma_semaphore, #tpu.memory_space<semaphore_mem>>) src(%arg14 : memref<1568xf32, #tpu.memory_space<vmem>>) dst(%dma_wait3A_178 : memref<1568xf32, #tpu.memory_space<hbm>>)
        tpu.yield
      }) : () -> ()
    } else {
    }
    %mul3A_37 = arith.constant 6272 : i32
    %mul3A_38 = arith.muli %arg1, %mul3A_37 : i32
    %add3A_39 = arith.constant 1568 : i32
    %add3A_40 = arith.addi %mul3A_38, %add3A_39 : i32
    "tpu.region"() ({
      %run_scoped3A = tpu.sem_alloc : memref<!tpu.dma_semaphore, #tpu.memory_space<semaphore_mem>>
      %dma_start3A_175 = tpu.memref_slice %arg3[%add3A_40] : memref<100352xf32, #tpu.memory_space<hbm>> -> memref<1568xf32, #tpu.memory_space<hbm>>
      %dma_start3A_176 = tpu.memref_slice %arg3[%add3A_40] : memref<100352xf32, #tpu.memory_space<hbm>> -> memref<1568xf32, #tpu.memory_space<hbm>>
      tpu.enqueue_dma source(%dma_start3A_176 : memref<1568xf32, #tpu.memory_space<hbm>>) target(%arg12 : memref<1568xf32, #tpu.memory_space<vmem>>) target_semaphore(%run_scoped3A : memref<!tpu.dma_semaphore, #tpu.memory_space<semaphore_mem>>)
      %dma_wait3A_177 = tpu.memref_slice %arg3[%add3A_40] : memref<100352xf32, #tpu.memory_space<hbm>> -> memref<1568xf32, #tpu.memory_space<hbm>>
      %dma_wait3A_178 = tpu.memref_slice %arg3[%add3A_40] : memref<100352xf32, #tpu.memory_space<hbm>> -> memref<1568xf32, #tpu.memory_space<hbm>>
      tpu.wait_dma2 semaphore(%run_scoped3A : memref<!tpu.dma_semaphore, #tpu.memory_space<semaphore_mem>>) src(%dma_wait3A_178 : memref<1568xf32, #tpu.memory_space<hbm>>) dst(%arg12 : memref<1568xf32, #tpu.memory_space<vmem>>)
      tpu.yield
    }) : () -> ()
    "tpu.region"() ({
      %run_scoped3A = tpu.sem_alloc : memref<!tpu.dma_semaphore, #tpu.memory_space<semaphore_mem>>
      %dma_start3A_175 = tpu.memref_slice %arg4[%add3A_40] : memref<100352xf32, #tpu.memory_space<hbm>> -> memref<1568xf32, #tpu.memory_space<hbm>>
      %dma_start3A_176 = tpu.memref_slice %arg4[%add3A_40] : memref<100352xf32, #tpu.memory_space<hbm>> -> memref<1568xf32, #tpu.memory_space<hbm>>
      tpu.enqueue_dma source(%dma_start3A_176 : memref<1568xf32, #tpu.memory_space<hbm>>) target(%arg13 : memref<1568xf32, #tpu.memory_space<vmem>>) target_semaphore(%run_scoped3A : memref<!tpu.dma_semaphore, #tpu.memory_space<semaphore_mem>>)
      %dma_wait3A_177 = tpu.memref_slice %arg4[%add3A_40] : memref<100352xf32, #tpu.memory_space<hbm>> -> memref<1568xf32, #tpu.memory_space<hbm>>
      %dma_wait3A_178 = tpu.memref_slice %arg4[%add3A_40] : memref<100352xf32, #tpu.memory_space<hbm>> -> memref<1568xf32, #tpu.memory_space<hbm>>
      tpu.wait_dma2 semaphore(%run_scoped3A : memref<!tpu.dma_semaphore, #tpu.memory_space<semaphore_mem>>) src(%dma_wait3A_178 : memref<1568xf32, #tpu.memory_space<hbm>>) dst(%arg13 : memref<1568xf32, #tpu.memory_space<vmem>>)
      tpu.yield
    }) : () -> ()
    %scan3A_41 = arith.constant 0 : i32
    %scan3A_42 = arith.constant 98 : i32
    %scan3A_43 = arith.addi %scan3A_41, %scan3A_42 : i32
    %scan3A_44 = arith.constant 1 : i32
    scf.for %scan3A_175 = %scan3A_41 to %scan3A_43 step %scan3A_44  : i32 {
      %mul3A_176 = arith.constant 16 : i32
      %mul3A_177 = arith.muli %scan3A_175, %mul3A_176 : i32
      %get3A = arith.index_cast %mul3A_177 : i32 to index
      %get3A_178 = tpu.vector_load %arg12[%get3A] {strides = array<i32>} : memref<1568xf32, #tpu.memory_space<vmem>>, vector<16xf32>,
      %mul3A_179 = arith.constant 16 : i32
      %mul3A_180 = arith.muli %scan3A_175, %mul3A_179 : i32
      %get3A_181 = arith.index_cast %mul3A_180 : i32 to index
      %get3A_182 = tpu.vector_load %arg13[%get3A_181] {strides = array<i32>} : memref<1568xf32, #tpu.memory_space<vmem>>, vector<16xf32>,
      %add3A_183 = arith.addf %get3A_178, %get3A_182 : vector<16xf32>
      %max3A = arith.constant 1.000000e+00 : f32
      %max3A_184 = vector.broadcast %max3A : f32 to vector<16xf32>
      %max3A_185 = arith.maximumf %add3A_183, %max3A_184 : vector<16xf32>
      %bitcast_convert_type3A = tpu.bitcast %max3A_185 : vector<16xf32> -> vector<16xi32>
      %shift_right_logical3A = arith.constant 1 : i32
      %shift_right_logical3A_186 = vector.broadcast %shift_right_logical3A : i32 to vector<16xi32>
      %shift_right_logical3A_187 = arith.shrui %bitcast_convert_type3A, %shift_right_logical3A_186 : vector<16xi32>
      %sub3A_188 = arith.constant 1597463007 : i32
      %sub3A_189 = vector.broadcast %sub3A_188 : i32 to vector<16xi32>
      %sub3A_190 = arith.subi %sub3A_189, %shift_right_logical3A_187 : vector<16xi32>
      %bitcast_convert_type3A_191 = tpu.bitcast %sub3A_190 : vector<16xi32> -> vector<16xf32>
      %mul3A_192 = arith.constant 5.000000e-01 : f32
      %mul3A_193 = vector.broadcast %mul3A_192 : f32 to vector<16xf32>
      %mul3A_194 = arith.mulf %mul3A_193, %max3A_185 : vector<16xf32>
      %mul3A_195 = arith.mulf %mul3A_194, %bitcast_convert_type3A_191 : vector<16xf32>
      %mul3A_196 = arith.mulf %mul3A_195, %bitcast_convert_type3A_191 : vector<16xf32>
      %sub3A_197 = arith.constant 1.500000e+00 : f32
      %sub3A_198 = vector.broadcast %sub3A_197 : f32 to vector<16xf32>
      %sub3A_199 = arith.subf %sub3A_198, %mul3A_196 : vector<16xf32>
      %mul3A_200 = arith.mulf %bitcast_convert_type3A_191, %sub3A_199 : vector<16xf32>
      %mul3A_201 = arith.constant 5.000000e-01 : f32
      %mul3A_202 = vector.broadcast %mul3A_201 : f32 to vector<16xf32>
      %mul3A_203 = arith.mulf %mul3A_202, %max3A_185 : vector<16xf32>
      %mul3A_204 = arith.mulf %mul3A_203, %mul3A_200 : vector<16xf32>
      %mul3A_205 = arith.mulf %mul3A_204, %mul3A_200 : vector<16xf32>
      %sub3A_206 = arith.constant 1.500000e+00 : f32
      %sub3A_207 = vector.broadcast %sub3A_206 : f32 to vector<16xf32>
      %sub3A_208 = arith.subf %sub3A_207, %mul3A_205 : vector<16xf32>
      %mul3A_209 = arith.mulf %mul3A_200, %sub3A_208 : vector<16xf32>
      %mul3A_210 = arith.constant 5.000000e-01 : f32
      %mul3A_211 = vector.broadcast %mul3A_210 : f32 to vector<16xf32>
      %mul3A_212 = arith.mulf %mul3A_211, %max3A_185 : vector<16xf32>
      %mul3A_213 = arith.mulf %mul3A_212, %mul3A_209 : vector<16xf32>
      %mul3A_214 = arith.mulf %mul3A_213, %mul3A_209 : vector<16xf32>
      %sub3A_215 = arith.constant 1.500000e+00 : f32
      %sub3A_216 = vector.broadcast %sub3A_215 : f32 to vector<16xf32>
      %sub3A_217 = arith.subf %sub3A_216, %mul3A_214 : vector<16xf32>
      %mul3A_218 = arith.mulf %mul3A_209, %sub3A_217 : vector<16xf32>
      %mul3A_219 = arith.constant 16 : i32
      %mul3A_220 = arith.muli %scan3A_175, %mul3A_219 : i32
      %swap3A = arith.index_cast %mul3A_220 : i32 to index
      %swap3A_221 = tpu.vector_load %arg14[%swap3A] {strides = array<i32>} : memref<1568xf32, #tpu.memory_space<vmem>>, vector<16xf32>,
      tpu.vector_store %arg14[%swap3A], %mul3A_218 {strides = array<i32>} : memref<1568xf32, #tpu.memory_space<vmem>>, vector<16xf32>,
    }
    %scan3A_45 = arith.constant 98 : i32
    %eq3A_46 = arith.constant 0 : i32
    %eq3A_47 = arith.cmpi eq, %arg0, %eq3A_46 : i32
    %convert_element_type3A_48 = arith.extui %eq3A_47 : i1 to i32
    %cond3A_49 = arith.constant 0 : i32
    %cond3A_50 = arith.cmpi ne, %convert_element_type3A_48, %cond3A_49 : i32
    scf.if %cond3A_50 {
      "tpu.region"() ({
        %run_scoped3A = tpu.sem_alloc : memref<!tpu.dma_semaphore, #tpu.memory_space<semaphore_mem>>
        %dma_start3A_175 = tpu.memref_slice %arg7[%add3A_40] : memref<100352xf32, #tpu.memory_space<hbm>> -> memref<1568xf32, #tpu.memory_space<hbm>>
        %dma_start3A_176 = tpu.memref_slice %arg7[%add3A_40] : memref<100352xf32, #tpu.memory_space<hbm>> -> memref<1568xf32, #tpu.memory_space<hbm>>
        tpu.enqueue_dma source(%arg14 : memref<1568xf32, #tpu.memory_space<vmem>>) target(%dma_start3A_176 : memref<1568xf32, #tpu.memory_space<hbm>>) target_semaphore(%run_scoped3A : memref<!tpu.dma_semaphore, #tpu.memory_space<semaphore_mem>>)
        %dma_wait3A_177 = tpu.memref_slice %arg7[%add3A_40] : memref<100352xf32, #tpu.memory_space<hbm>> -> memref<1568xf32, #tpu.memory_space<hbm>>
        %dma_wait3A_178 = tpu.memref_slice %arg7[%add3A_40] : memref<100352xf32, #tpu.memory_space<hbm>> -> memref<1568xf32, #tpu.memory_space<hbm>>
        tpu.wait_dma2 semaphore(%run_scoped3A : memref<!tpu.dma_semaphore, #tpu.memory_space<semaphore_mem>>) src(%arg14 : memref<1568xf32, #tpu.memory_space<vmem>>) dst(%dma_wait3A_178 : memref<1568xf32, #tpu.memory_space<hbm>>)
        tpu.yield
      }) : () -> ()
    } else {
    }
    %eq3A_51 = arith.constant 1 : i32
    %eq3A_52 = arith.cmpi eq, %arg0, %eq3A_51 : i32
    %convert_element_type3A_53 = arith.extui %eq3A_52 : i1 to i32
    %cond3A_54 = arith.constant 0 : i32
    %cond3A_55 = arith.cmpi ne, %convert_element_type3A_53, %cond3A_54 : i32
    scf.if %cond3A_55 {
      "tpu.region"() ({
        %run_scoped3A = tpu.sem_alloc : memref<!tpu.dma_semaphore, #tpu.memory_space<semaphore_mem>>
        %dma_start3A_175 = tpu.memref_slice %arg8[%add3A_40] : memref<100352xf32, #tpu.memory_space<hbm>> -> memref<1568xf32, #tpu.memory_space<hbm>>
        %dma_start3A_176 = tpu.memref_slice %arg8[%add3A_40] : memref<100352xf32, #tpu.memory_space<hbm>> -> memref<1568xf32, #tpu.memory_space<hbm>>
        tpu.enqueue_dma source(%arg14 : memref<1568xf32, #tpu.memory_space<vmem>>) target(%dma_start3A_176 : memref<1568xf32, #tpu.memory_space<hbm>>) target_semaphore(%run_scoped3A : memref<!tpu.dma_semaphore, #tpu.memory_space<semaphore_mem>>)
        %dma_wait3A_177 = tpu.memref_slice %arg8[%add3A_40] : memref<100352xf32, #tpu.memory_space<hbm>> -> memref<1568xf32, #tpu.memory_space<hbm>>
        %dma_wait3A_178 = tpu.memref_slice %arg8[%add3A_40] : memref<100352xf32, #tpu.memory_space<hbm>> -> memref<1568xf32, #tpu.memory_space<hbm>>
        tpu.wait_dma2 semaphore(%run_scoped3A : memref<!tpu.dma_semaphore, #tpu.memory_space<semaphore_mem>>) src(%arg14 : memref<1568xf32, #tpu.memory_space<vmem>>) dst(%dma_wait3A_178 : memref<1568xf32, #tpu.memory_space<hbm>>)
        tpu.yield
      }) : () -> ()
    } else {
    }
    %mul3A_56 = arith.constant 6272 : i32
    %mul3A_57 = arith.muli %arg1, %mul3A_56 : i32
    %add3A_58 = arith.constant 3136 : i32
    %add3A_59 = arith.addi %mul3A_57, %add3A_58 : i32
    "tpu.region"() ({
      %run_scoped3A = tpu.sem_alloc : memref<!tpu.dma_semaphore, #tpu.memory_space<semaphore_mem>>
      %dma_start3A_175 = tpu.memref_slice %arg3[%add3A_59] : memref<100352xf32, #tpu.memory_space<hbm>> -> memref<1568xf32, #tpu.memory_space<hbm>>
      %dma_start3A_176 = tpu.memref_slice %arg3[%add3A_59] : memref<100352xf32, #tpu.memory_space<hbm>> -> memref<1568xf32, #tpu.memory_space<hbm>>
      tpu.enqueue_dma source(%dma_start3A_176 : memref<1568xf32, #tpu.memory_space<hbm>>) target(%arg12 : memref<1568xf32, #tpu.memory_space<vmem>>) target_semaphore(%run_scoped3A : memref<!tpu.dma_semaphore, #tpu.memory_space<semaphore_mem>>)
      %dma_wait3A_177 = tpu.memref_slice %arg3[%add3A_59] : memref<100352xf32, #tpu.memory_space<hbm>> -> memref<1568xf32, #tpu.memory_space<hbm>>
      %dma_wait3A_178 = tpu.memref_slice %arg3[%add3A_59] : memref<100352xf32, #tpu.memory_space<hbm>> -> memref<1568xf32, #tpu.memory_space<hbm>>
      tpu.wait_dma2 semaphore(%run_scoped3A : memref<!tpu.dma_semaphore, #tpu.memory_space<semaphore_mem>>) src(%dma_wait3A_178 : memref<1568xf32, #tpu.memory_space<hbm>>) dst(%arg12 : memref<1568xf32, #tpu.memory_space<vmem>>)
      tpu.yield
    }) : () -> ()
    "tpu.region"() ({
      %run_scoped3A = tpu.sem_alloc : memref<!tpu.dma_semaphore, #tpu.memory_space<semaphore_mem>>
      %dma_start3A_175 = tpu.memref_slice %arg4[%add3A_59] : memref<100352xf32, #tpu.memory_space<hbm>> -> memref<1568xf32, #tpu.memory_space<hbm>>
      %dma_start3A_176 = tpu.memref_slice %arg4[%add3A_59] : memref<100352xf32, #tpu.memory_space<hbm>> -> memref<1568xf32, #tpu.memory_space<hbm>>
      tpu.enqueue_dma source(%dma_start3A_176 : memref<1568xf32, #tpu.memory_space<hbm>>) target(%arg13 : memref<1568xf32, #tpu.memory_space<vmem>>) target_semaphore(%run_scoped3A : memref<!tpu.dma_semaphore, #tpu.memory_space<semaphore_mem>>)
      %dma_wait3A_177 = tpu.memref_slice %arg4[%add3A_59] : memref<100352xf32, #tpu.memory_space<hbm>> -> memref<1568xf32, #tpu.memory_space<hbm>>
      %dma_wait3A_178 = tpu.memref_slice %arg4[%add3A_59] : memref<100352xf32, #tpu.memory_space<hbm>> -> memref<1568xf32, #tpu.memory_space<hbm>>
      tpu.wait_dma2 semaphore(%run_scoped3A : memref<!tpu.dma_semaphore, #tpu.memory_space<semaphore_mem>>) src(%dma_wait3A_178 : memref<1568xf32, #tpu.memory_space<hbm>>) dst(%arg13 : memref<1568xf32, #tpu.memory_space<vmem>>)
      tpu.yield
    }) : () -> ()
    %scan3A_60 = arith.constant 0 : i32
    %scan3A_61 = arith.constant 98 : i32
    %scan3A_62 = arith.addi %scan3A_60, %scan3A_61 : i32
    %scan3A_63 = arith.constant 1 : i32
    scf.for %scan3A_175 = %scan3A_60 to %scan3A_62 step %scan3A_63  : i32 {
      %mul3A_176 = arith.constant 16 : i32
      %mul3A_177 = arith.muli %scan3A_175, %mul3A_176 : i32
      %get3A = arith.index_cast %mul3A_177 : i32 to index
      %get3A_178 = tpu.vector_load %arg12[%get3A] {strides = array<i32>} : memref<1568xf32, #tpu.memory_space<vmem>>, vector<16xf32>,
      %mul3A_179 = arith.constant 16 : i32
      %mul3A_180 = arith.muli %scan3A_175, %mul3A_179 : i32
      %get3A_181 = arith.index_cast %mul3A_180 : i32 to index
      %get3A_182 = tpu.vector_load %arg13[%get3A_181] {strides = array<i32>} : memref<1568xf32, #tpu.memory_space<vmem>>, vector<16xf32>,
      %add3A_183 = arith.addf %get3A_178, %get3A_182 : vector<16xf32>
      %max3A = arith.constant 1.000000e+00 : f32
      %max3A_184 = vector.broadcast %max3A : f32 to vector<16xf32>
      %max3A_185 = arith.maximumf %add3A_183, %max3A_184 : vector<16xf32>
      %bitcast_convert_type3A = tpu.bitcast %max3A_185 : vector<16xf32> -> vector<16xi32>
      %shift_right_logical3A = arith.constant 1 : i32
      %shift_right_logical3A_186 = vector.broadcast %shift_right_logical3A : i32 to vector<16xi32>
      %shift_right_logical3A_187 = arith.shrui %bitcast_convert_type3A, %shift_right_logical3A_186 : vector<16xi32>
      %sub3A_188 = arith.constant 1597463007 : i32
      %sub3A_189 = vector.broadcast %sub3A_188 : i32 to vector<16xi32>
      %sub3A_190 = arith.subi %sub3A_189, %shift_right_logical3A_187 : vector<16xi32>
      %bitcast_convert_type3A_191 = tpu.bitcast %sub3A_190 : vector<16xi32> -> vector<16xf32>
      %mul3A_192 = arith.constant 5.000000e-01 : f32
      %mul3A_193 = vector.broadcast %mul3A_192 : f32 to vector<16xf32>
      %mul3A_194 = arith.mulf %mul3A_193, %max3A_185 : vector<16xf32>
      %mul3A_195 = arith.mulf %mul3A_194, %bitcast_convert_type3A_191 : vector<16xf32>
      %mul3A_196 = arith.mulf %mul3A_195, %bitcast_convert_type3A_191 : vector<16xf32>
      %sub3A_197 = arith.constant 1.500000e+00 : f32
      %sub3A_198 = vector.broadcast %sub3A_197 : f32 to vector<16xf32>
      %sub3A_199 = arith.subf %sub3A_198, %mul3A_196 : vector<16xf32>
      %mul3A_200 = arith.mulf %bitcast_convert_type3A_191, %sub3A_199 : vector<16xf32>
      %mul3A_201 = arith.constant 5.000000e-01 : f32
      %mul3A_202 = vector.broadcast %mul3A_201 : f32 to vector<16xf32>
      %mul3A_203 = arith.mulf %mul3A_202, %max3A_185 : vector<16xf32>
      %mul3A_204 = arith.mulf %mul3A_203, %mul3A_200 : vector<16xf32>
      %mul3A_205 = arith.mulf %mul3A_204, %mul3A_200 : vector<16xf32>
      %sub3A_206 = arith.constant 1.500000e+00 : f32
      %sub3A_207 = vector.broadcast %sub3A_206 : f32 to vector<16xf32>
      %sub3A_208 = arith.subf %sub3A_207, %mul3A_205 : vector<16xf32>
      %mul3A_209 = arith.mulf %mul3A_200, %sub3A_208 : vector<16xf32>
      %mul3A_210 = arith.constant 5.000000e-01 : f32
      %mul3A_211 = vector.broadcast %mul3A_210 : f32 to vector<16xf32>
      %mul3A_212 = arith.mulf %mul3A_211, %max3A_185 : vector<16xf32>
      %mul3A_213 = arith.mulf %mul3A_212, %mul3A_209 : vector<16xf32>
      %mul3A_214 = arith.mulf %mul3A_213, %mul3A_209 : vector<16xf32>
      %sub3A_215 = arith.constant 1.500000e+00 : f32
      %sub3A_216 = vector.broadcast %sub3A_215 : f32 to vector<16xf32>
      %sub3A_217 = arith.subf %sub3A_216, %mul3A_214 : vector<16xf32>
      %mul3A_218 = arith.mulf %mul3A_209, %sub3A_217 : vector<16xf32>
      %mul3A_219 = arith.constant 16 : i32
      %mul3A_220 = arith.muli %scan3A_175, %mul3A_219 : i32
      %swap3A = arith.index_cast %mul3A_220 : i32 to index
      %swap3A_221 = tpu.vector_load %arg14[%swap3A] {strides = array<i32>} : memref<1568xf32, #tpu.memory_space<vmem>>, vector<16xf32>,
      tpu.vector_store %arg14[%swap3A], %mul3A_218 {strides = array<i32>} : memref<1568xf32, #tpu.memory_space<vmem>>, vector<16xf32>,
    }
    %scan3A_64 = arith.constant 98 : i32
    %eq3A_65 = arith.constant 0 : i32
    %eq3A_66 = arith.cmpi eq, %arg0, %eq3A_65 : i32
    %convert_element_type3A_67 = arith.extui %eq3A_66 : i1 to i32
    %cond3A_68 = arith.constant 0 : i32
    %cond3A_69 = arith.cmpi ne, %convert_element_type3A_67, %cond3A_68 : i32
    scf.if %cond3A_69 {
      "tpu.region"() ({
        %run_scoped3A = tpu.sem_alloc : memref<!tpu.dma_semaphore, #tpu.memory_space<semaphore_mem>>
        %dma_start3A_175 = tpu.memref_slice %arg7[%add3A_59] : memref<100352xf32, #tpu.memory_space<hbm>> -> memref<1568xf32, #tpu.memory_space<hbm>>
        %dma_start3A_176 = tpu.memref_slice %arg7[%add3A_59] : memref<100352xf32, #tpu.memory_space<hbm>> -> memref<1568xf32, #tpu.memory_space<hbm>>
        tpu.enqueue_dma source(%arg14 : memref<1568xf32, #tpu.memory_space<vmem>>) target(%dma_start3A_176 : memref<1568xf32, #tpu.memory_space<hbm>>) target_semaphore(%run_scoped3A : memref<!tpu.dma_semaphore, #tpu.memory_space<semaphore_mem>>)
        %dma_wait3A_177 = tpu.memref_slice %arg7[%add3A_59] : memref<100352xf32, #tpu.memory_space<hbm>> -> memref<1568xf32, #tpu.memory_space<hbm>>
        %dma_wait3A_178 = tpu.memref_slice %arg7[%add3A_59] : memref<100352xf32, #tpu.memory_space<hbm>> -> memref<1568xf32, #tpu.memory_space<hbm>>
        tpu.wait_dma2 semaphore(%run_scoped3A : memref<!tpu.dma_semaphore, #tpu.memory_space<semaphore_mem>>) src(%arg14 : memref<1568xf32, #tpu.memory_space<vmem>>) dst(%dma_wait3A_178 : memref<1568xf32, #tpu.memory_space<hbm>>)
        tpu.yield
      }) : () -> ()
    } else {
    }
    %eq3A_70 = arith.constant 1 : i32
    %eq3A_71 = arith.cmpi eq, %arg0, %eq3A_70 : i32
    %convert_element_type3A_72 = arith.extui %eq3A_71 : i1 to i32
    %cond3A_73 = arith.constant 0 : i32
    %cond3A_74 = arith.cmpi ne, %convert_element_type3A_72, %cond3A_73 : i32
    scf.if %cond3A_74 {
      "tpu.region"() ({
        %run_scoped3A = tpu.sem_alloc : memref<!tpu.dma_semaphore, #tpu.memory_space<semaphore_mem>>
        %dma_start3A_175 = tpu.memref_slice %arg8[%add3A_59] : memref<100352xf32, #tpu.memory_space<hbm>> -> memref<1568xf32, #tpu.memory_space<hbm>>
        %dma_start3A_176 = tpu.memref_slice %arg8[%add3A_59] : memref<100352xf32, #tpu.memory_space<hbm>> -> memref<1568xf32, #tpu.memory_space<hbm>>
        tpu.enqueue_dma source(%arg14 : memref<1568xf32, #tpu.memory_space<vmem>>) target(%dma_start3A_176 : memref<1568xf32, #tpu.memory_space<hbm>>) target_semaphore(%run_scoped3A : memref<!tpu.dma_semaphore, #tpu.memory_space<semaphore_mem>>)
        %dma_wait3A_177 = tpu.memref_slice %arg8[%add3A_59] : memref<100352xf32, #tpu.memory_space<hbm>> -> memref<1568xf32, #tpu.memory_space<hbm>>
        %dma_wait3A_178 = tpu.memref_slice %arg8[%add3A_59] : memref<100352xf32, #tpu.memory_space<hbm>> -> memref<1568xf32, #tpu.memory_space<hbm>>
        tpu.wait_dma2 semaphore(%run_scoped3A : memref<!tpu.dma_semaphore, #tpu.memory_space<semaphore_mem>>) src(%arg14 : memref<1568xf32, #tpu.memory_space<vmem>>) dst(%dma_wait3A_178 : memref<1568xf32, #tpu.memory_space<hbm>>)
        tpu.yield
      }) : () -> ()
    } else {
    }
    %mul3A_75 = arith.constant 6272 : i32
    %mul3A_76 = arith.muli %arg1, %mul3A_75 : i32
    %add3A_77 = arith.constant 4704 : i32
    %add3A_78 = arith.addi %mul3A_76, %add3A_77 : i32
    "tpu.region"() ({
      %run_scoped3A = tpu.sem_alloc : memref<!tpu.dma_semaphore, #tpu.memory_space<semaphore_mem>>
      %dma_start3A_175 = tpu.memref_slice %arg3[%add3A_78] : memref<100352xf32, #tpu.memory_space<hbm>> -> memref<1568xf32, #tpu.memory_space<hbm>>
      %dma_start3A_176 = tpu.memref_slice %arg3[%add3A_78] : memref<100352xf32, #tpu.memory_space<hbm>> -> memref<1568xf32, #tpu.memory_space<hbm>>
      tpu.enqueue_dma source(%dma_start3A_176 : memref<1568xf32, #tpu.memory_space<hbm>>) target(%arg12 : memref<1568xf32, #tpu.memory_space<vmem>>) target_semaphore(%run_scoped3A : memref<!tpu.dma_semaphore, #tpu.memory_space<semaphore_mem>>)
      %dma_wait3A_177 = tpu.memref_slice %arg3[%add3A_78] : memref<100352xf32, #tpu.memory_space<hbm>> -> memref<1568xf32, #tpu.memory_space<hbm>>
      %dma_wait3A_178 = tpu.memref_slice %arg3[%add3A_78] : memref<100352xf32, #tpu.memory_space<hbm>> -> memref<1568xf32, #tpu.memory_space<hbm>>
      tpu.wait_dma2 semaphore(%run_scoped3A : memref<!tpu.dma_semaphore, #tpu.memory_space<semaphore_mem>>) src(%dma_wait3A_178 : memref<1568xf32, #tpu.memory_space<hbm>>) dst(%arg12 : memref<1568xf32, #tpu.memory_space<vmem>>)
      tpu.yield
    }) : () -> ()
    "tpu.region"() ({
      %run_scoped3A = tpu.sem_alloc : memref<!tpu.dma_semaphore, #tpu.memory_space<semaphore_mem>>
      %dma_start3A_175 = tpu.memref_slice %arg4[%add3A_78] : memref<100352xf32, #tpu.memory_space<hbm>> -> memref<1568xf32, #tpu.memory_space<hbm>>
      %dma_start3A_176 = tpu.memref_slice %arg4[%add3A_78] : memref<100352xf32, #tpu.memory_space<hbm>> -> memref<1568xf32, #tpu.memory_space<hbm>>
      tpu.enqueue_dma source(%dma_start3A_176 : memref<1568xf32, #tpu.memory_space<hbm>>) target(%arg13 : memref<1568xf32, #tpu.memory_space<vmem>>) target_semaphore(%run_scoped3A : memref<!tpu.dma_semaphore, #tpu.memory_space<semaphore_mem>>)
      %dma_wait3A_177 = tpu.memref_slice %arg4[%add3A_78] : memref<100352xf32, #tpu.memory_space<hbm>> -> memref<1568xf32, #tpu.memory_space<hbm>>
      %dma_wait3A_178 = tpu.memref_slice %arg4[%add3A_78] : memref<100352xf32, #tpu.memory_space<hbm>> -> memref<1568xf32, #tpu.memory_space<hbm>>
      tpu.wait_dma2 semaphore(%run_scoped3A : memref<!tpu.dma_semaphore, #tpu.memory_space<semaphore_mem>>) src(%dma_wait3A_178 : memref<1568xf32, #tpu.memory_space<hbm>>) dst(%arg13 : memref<1568xf32, #tpu.memory_space<vmem>>)
      tpu.yield
    }) : () -> ()
    %scan3A_79 = arith.constant 0 : i32
    %scan3A_80 = arith.constant 98 : i32
    %scan3A_81 = arith.addi %scan3A_79, %scan3A_80 : i32
    %scan3A_82 = arith.constant 1 : i32
    scf.for %scan3A_175 = %scan3A_79 to %scan3A_81 step %scan3A_82  : i32 {
      %mul3A_176 = arith.constant 16 : i32
      %mul3A_177 = arith.muli %scan3A_175, %mul3A_176 : i32
      %get3A = arith.index_cast %mul3A_177 : i32 to index
      %get3A_178 = tpu.vector_load %arg12[%get3A] {strides = array<i32>} : memref<1568xf32, #tpu.memory_space<vmem>>, vector<16xf32>,
      %mul3A_179 = arith.constant 16 : i32
      %mul3A_180 = arith.muli %scan3A_175, %mul3A_179 : i32
      %get3A_181 = arith.index_cast %mul3A_180 : i32 to index
      %get3A_182 = tpu.vector_load %arg13[%get3A_181] {strides = array<i32>} : memref<1568xf32, #tpu.memory_space<vmem>>, vector<16xf32>,
      %add3A_183 = arith.addf %get3A_178, %get3A_182 : vector<16xf32>
      %max3A = arith.constant 1.000000e+00 : f32
      %max3A_184 = vector.broadcast %max3A : f32 to vector<16xf32>
      %max3A_185 = arith.maximumf %add3A_183, %max3A_184 : vector<16xf32>
      %bitcast_convert_type3A = tpu.bitcast %max3A_185 : vector<16xf32> -> vector<16xi32>
      %shift_right_logical3A = arith.constant 1 : i32
      %shift_right_logical3A_186 = vector.broadcast %shift_right_logical3A : i32 to vector<16xi32>
      %shift_right_logical3A_187 = arith.shrui %bitcast_convert_type3A, %shift_right_logical3A_186 : vector<16xi32>
      %sub3A_188 = arith.constant 1597463007 : i32
      %sub3A_189 = vector.broadcast %sub3A_188 : i32 to vector<16xi32>
      %sub3A_190 = arith.subi %sub3A_189, %shift_right_logical3A_187 : vector<16xi32>
      %bitcast_convert_type3A_191 = tpu.bitcast %sub3A_190 : vector<16xi32> -> vector<16xf32>
      %mul3A_192 = arith.constant 5.000000e-01 : f32
      %mul3A_193 = vector.broadcast %mul3A_192 : f32 to vector<16xf32>
      %mul3A_194 = arith.mulf %mul3A_193, %max3A_185 : vector<16xf32>
      %mul3A_195 = arith.mulf %mul3A_194, %bitcast_convert_type3A_191 : vector<16xf32>
      %mul3A_196 = arith.mulf %mul3A_195, %bitcast_convert_type3A_191 : vector<16xf32>
      %sub3A_197 = arith.constant 1.500000e+00 : f32
      %sub3A_198 = vector.broadcast %sub3A_197 : f32 to vector<16xf32>
      %sub3A_199 = arith.subf %sub3A_198, %mul3A_196 : vector<16xf32>
      %mul3A_200 = arith.mulf %bitcast_convert_type3A_191, %sub3A_199 : vector<16xf32>
      %mul3A_201 = arith.constant 5.000000e-01 : f32
      %mul3A_202 = vector.broadcast %mul3A_201 : f32 to vector<16xf32>
      %mul3A_203 = arith.mulf %mul3A_202, %max3A_185 : vector<16xf32>
      %mul3A_204 = arith.mulf %mul3A_203, %mul3A_200 : vector<16xf32>
      %mul3A_205 = arith.mulf %mul3A_204, %mul3A_200 : vector<16xf32>
      %sub3A_206 = arith.constant 1.500000e+00 : f32
      %sub3A_207 = vector.broadcast %sub3A_206 : f32 to vector<16xf32>
      %sub3A_208 = arith.subf %sub3A_207, %mul3A_205 : vector<16xf32>
      %mul3A_209 = arith.mulf %mul3A_200, %sub3A_208 : vector<16xf32>
      %mul3A_210 = arith.constant 5.000000e-01 : f32
      %mul3A_211 = vector.broadcast %mul3A_210 : f32 to vector<16xf32>
      %mul3A_212 = arith.mulf %mul3A_211, %max3A_185 : vector<16xf32>
      %mul3A_213 = arith.mulf %mul3A_212, %mul3A_209 : vector<16xf32>
      %mul3A_214 = arith.mulf %mul3A_213, %mul3A_209 : vector<16xf32>
      %sub3A_215 = arith.constant 1.500000e+00 : f32
      %sub3A_216 = vector.broadcast %sub3A_215 : f32 to vector<16xf32>
      %sub3A_217 = arith.subf %sub3A_216, %mul3A_214 : vector<16xf32>
      %mul3A_218 = arith.mulf %mul3A_209, %sub3A_217 : vector<16xf32>
      %mul3A_219 = arith.constant 16 : i32
      %mul3A_220 = arith.muli %scan3A_175, %mul3A_219 : i32
      %swap3A = arith.index_cast %mul3A_220 : i32 to index
      %swap3A_221 = tpu.vector_load %arg14[%swap3A] {strides = array<i32>} : memref<1568xf32, #tpu.memory_space<vmem>>, vector<16xf32>,
      tpu.vector_store %arg14[%swap3A], %mul3A_218 {strides = array<i32>} : memref<1568xf32, #tpu.memory_space<vmem>>, vector<16xf32>,
    }
    %scan3A_83 = arith.constant 98 : i32
    %eq3A_84 = arith.constant 0 : i32
    %eq3A_85 = arith.cmpi eq, %arg0, %eq3A_84 : i32
    %convert_element_type3A_86 = arith.extui %eq3A_85 : i1 to i32
    %cond3A_87 = arith.constant 0 : i32
    %cond3A_88 = arith.cmpi ne, %convert_element_type3A_86, %cond3A_87 : i32
    scf.if %cond3A_88 {
      "tpu.region"() ({
        %run_scoped3A = tpu.sem_alloc : memref<!tpu.dma_semaphore, #tpu.memory_space<semaphore_mem>>
        %dma_start3A_175 = tpu.memref_slice %arg7[%add3A_78] : memref<100352xf32, #tpu.memory_space<hbm>> -> memref<1568xf32, #tpu.memory_space<hbm>>
        %dma_start3A_176 = tpu.memref_slice %arg7[%add3A_78] : memref<100352xf32, #tpu.memory_space<hbm>> -> memref<1568xf32, #tpu.memory_space<hbm>>
        tpu.enqueue_dma source(%arg14 : memref<1568xf32, #tpu.memory_space<vmem>>) target(%dma_start3A_176 : memref<1568xf32, #tpu.memory_space<hbm>>) target_semaphore(%run_scoped3A : memref<!tpu.dma_semaphore, #tpu.memory_space<semaphore_mem>>)
        %dma_wait3A_177 = tpu.memref_slice %arg7[%add3A_78] : memref<100352xf32, #tpu.memory_space<hbm>> -> memref<1568xf32, #tpu.memory_space<hbm>>
        %dma_wait3A_178 = tpu.memref_slice %arg7[%add3A_78] : memref<100352xf32, #tpu.memory_space<hbm>> -> memref<1568xf32, #tpu.memory_space<hbm>>
        tpu.wait_dma2 semaphore(%run_scoped3A : memref<!tpu.dma_semaphore, #tpu.memory_space<semaphore_mem>>) src(%arg14 : memref<1568xf32, #tpu.memory_space<vmem>>) dst(%dma_wait3A_178 : memref<1568xf32, #tpu.memory_space<hbm>>)
        tpu.yield
      }) : () -> ()
    } else {
    }
    %eq3A_89 = arith.constant 1 : i32
    %eq3A_90 = arith.cmpi eq, %arg0, %eq3A_89 : i32
    %convert_element_type3A_91 = arith.extui %eq3A_90 : i1 to i32
    %cond3A_92 = arith.constant 0 : i32
    %cond3A_93 = arith.cmpi ne, %convert_element_type3A_91, %cond3A_92 : i32
    scf.if %cond3A_93 {
      "tpu.region"() ({
        %run_scoped3A = tpu.sem_alloc : memref<!tpu.dma_semaphore, #tpu.memory_space<semaphore_mem>>
        %dma_start3A_175 = tpu.memref_slice %arg8[%add3A_78] : memref<100352xf32, #tpu.memory_space<hbm>> -> memref<1568xf32, #tpu.memory_space<hbm>>
        %dma_start3A_176 = tpu.memref_slice %arg8[%add3A_78] : memref<100352xf32, #tpu.memory_space<hbm>> -> memref<1568xf32, #tpu.memory_space<hbm>>
        tpu.enqueue_dma source(%arg14 : memref<1568xf32, #tpu.memory_space<vmem>>) target(%dma_start3A_176 : memref<1568xf32, #tpu.memory_space<hbm>>) target_semaphore(%run_scoped3A : memref<!tpu.dma_semaphore, #tpu.memory_space<semaphore_mem>>)
        %dma_wait3A_177 = tpu.memref_slice %arg8[%add3A_78] : memref<100352xf32, #tpu.memory_space<hbm>> -> memref<1568xf32, #tpu.memory_space<hbm>>
        %dma_wait3A_178 = tpu.memref_slice %arg8[%add3A_78] : memref<100352xf32, #tpu.memory_space<hbm>> -> memref<1568xf32, #tpu.memory_space<hbm>>
        tpu.wait_dma2 semaphore(%run_scoped3A : memref<!tpu.dma_semaphore, #tpu.memory_space<semaphore_mem>>) src(%arg14 : memref<1568xf32, #tpu.memory_space<vmem>>) dst(%dma_wait3A_178 : memref<1568xf32, #tpu.memory_space<hbm>>)
        tpu.yield
      }) : () -> ()
    } else {
    }
    %barrier3A = arith.constant 0 : index
    tpu.barrier barrier_id(%barrier3A)
    %eq3A_94 = arith.constant 0 : i32
    %eq3A_95 = arith.cmpi eq, %arg0, %eq3A_94 : i32
    %convert_element_type3A_96 = arith.extui %eq3A_95 : i1 to i32
    %cond3A_97 = arith.constant 0 : i32
    %cond3A_98 = arith.cmpi ne, %convert_element_type3A_96, %cond3A_97 : i32
    scf.if %cond3A_98 {
      "tpu.region"() ({
        %run_scoped3A = tpu.sem_alloc : memref<!tpu.dma_semaphore, #tpu.memory_space<semaphore_mem>>
        tpu.enqueue_dma source(%arg7 : memref<100352xf32, #tpu.memory_space<hbm>>) target(%arg15 : memref<100352xf32, #tpu.memory_space<vmem>>) target_semaphore(%run_scoped3A : memref<!tpu.dma_semaphore, #tpu.memory_space<semaphore_mem>>)
        tpu.wait_dma2 semaphore(%run_scoped3A : memref<!tpu.dma_semaphore, #tpu.memory_space<semaphore_mem>>) src(%arg7 : memref<100352xf32, #tpu.memory_space<hbm>>) dst(%arg15 : memref<100352xf32, #tpu.memory_space<vmem>>)
        tpu.yield
      }) : () -> ()
    } else {
    }
    %eq3A_99 = arith.constant 1 : i32
    %eq3A_100 = arith.cmpi eq, %arg0, %eq3A_99 : i32
    %convert_element_type3A_101 = arith.extui %eq3A_100 : i1 to i32
    %cond3A_102 = arith.constant 0 : i32
    %cond3A_103 = arith.cmpi ne, %convert_element_type3A_101, %cond3A_102 : i32
    scf.if %cond3A_103 {
      "tpu.region"() ({
        %run_scoped3A = tpu.sem_alloc : memref<!tpu.dma_semaphore, #tpu.memory_space<semaphore_mem>>
        tpu.enqueue_dma source(%arg8 : memref<100352xf32, #tpu.memory_space<hbm>>) target(%arg15 : memref<100352xf32, #tpu.memory_space<vmem>>) target_semaphore(%run_scoped3A : memref<!tpu.dma_semaphore, #tpu.memory_space<semaphore_mem>>)
        tpu.wait_dma2 semaphore(%run_scoped3A : memref<!tpu.dma_semaphore, #tpu.memory_space<semaphore_mem>>) src(%arg8 : memref<100352xf32, #tpu.memory_space<hbm>>) dst(%arg15 : memref<100352xf32, #tpu.memory_space<vmem>>)
        tpu.yield
      }) : () -> ()
    } else {
    }
    %lt3A = arith.constant 20 : i32
    %lt3A_104 = arith.cmpi slt, %add3A, %lt3A : i32
    %mul3A_105 = arith.constant 391 : i32
    %mul3A_106 = arith.muli %add3A, %mul3A_105 : i32
    %sub3A = arith.constant 20 : i32
    %sub3A_107 = arith.subi %add3A, %sub3A : i32
    %mul3A_108 = arith.constant 390 : i32
    %mul3A_109 = arith.muli %sub3A_107, %mul3A_108 : i32
    %add3A_110 = arith.constant 7820 : i32
    %add3A_111 = arith.addi %add3A_110, %mul3A_109 : i32
    %select_n3A = arith.select %lt3A_104, %mul3A_106, %add3A_111 : i32
    %mul3A_112 = arith.constant 128 : i32
    %mul3A_113 = arith.muli %select_n3A, %mul3A_112 : i32
    %add3A_114 = arith.constant 0 : i32
    %add3A_115 = arith.addi %mul3A_113, %add3A_114 : i32
    %dma_start3A = arith.constant 0 : i32
    %dma_start3A_116 = arith.constant 0 : i32
    %dma_start3A_117 = arith.constant 0 : i32
    %dma_start3A_118 = arith.constant 0 : i32
    %dma_start3A_119 = tpu.memref_slice %arg9[%dma_start3A_116, %dma_start3A_117, %dma_start3A_118] : memref<2x1x1664xi32, #tpu.memory_space<vmem>> -> memref<1x1x1664xi32, #tpu.memory_space<vmem>>
    %dma_start3A_120 = tpu.memref_squeeze %dma_start3A_119 : memref<1x1x1664xi32, #tpu.memory_space<vmem>> -> memref<1664xi32, #tpu.memory_space<vmem>>
    %dma_start3A_121 = tpu.memref_slice %arg2[%dma_start3A, %add3A_115] : memref<2x1600000xi32, #tpu.memory_space<hbm>> -> memref<1x1664xi32, #tpu.memory_space<hbm>>
    %dma_start3A_122 = tpu.memref_squeeze %dma_start3A_121 : memref<1x1664xi32, #tpu.memory_space<hbm>> -> memref<1664xi32, #tpu.memory_space<hbm>>
    %dma_start3A_123 = arith.constant 0 : i32
    %dma_start3A_124 = tpu.memref_slice %arg9[%dma_start3A_116, %dma_start3A_117, %dma_start3A_123] : memref<2x1x1664xi32, #tpu.memory_space<vmem>> -> memref<1x1x1664xi32, #tpu.memory_space<vmem>>
    %dma_start3A_125 = tpu.memref_squeeze %dma_start3A_124 : memref<1x1x1664xi32, #tpu.memory_space<vmem>> -> memref<1664xi32, #tpu.memory_space<vmem>>
    %dma_start3A_126 = tpu.memref_slice %arg2[%dma_start3A, %add3A_115] : memref<2x1600000xi32, #tpu.memory_space<hbm>> -> memref<1x1664xi32, #tpu.memory_space<hbm>>
    %dma_start3A_127 = tpu.memref_squeeze %dma_start3A_126 : memref<1x1664xi32, #tpu.memory_space<hbm>> -> memref<1664xi32, #tpu.memory_space<hbm>>
    tpu.enqueue_dma source(%dma_start3A_127 : memref<1664xi32, #tpu.memory_space<hbm>>) target(%dma_start3A_125 : memref<1664xi32, #tpu.memory_space<vmem>>) target_semaphore(%arg17 : memref<!tpu.dma_semaphore, #tpu.memory_space<semaphore_mem>>)
    %dma_start3A_128 = arith.constant 1 : i32
    %dma_start3A_129 = arith.constant 0 : i32
    %dma_start3A_130 = arith.constant 0 : i32
    %dma_start3A_131 = arith.constant 0 : i32
    %dma_start3A_132 = tpu.memref_slice %arg10[%dma_start3A_129, %dma_start3A_130, %dma_start3A_131] : memref<2x1x1664xi32, #tpu.memory_space<vmem>> -> memref<1x1x1664xi32, #tpu.memory_space<vmem>>
    %dma_start3A_133 = tpu.memref_squeeze %dma_start3A_132 : memref<1x1x1664xi32, #tpu.memory_space<vmem>> -> memref<1664xi32, #tpu.memory_space<vmem>>
    %dma_start3A_134 = tpu.memref_slice %arg2[%dma_start3A_128, %add3A_115] : memref<2x1600000xi32, #tpu.memory_space<hbm>> -> memref<1x1664xi32, #tpu.memory_space<hbm>>
    %dma_start3A_135 = tpu.memref_squeeze %dma_start3A_134 : memref<1x1664xi32, #tpu.memory_space<hbm>> -> memref<1664xi32, #tpu.memory_space<hbm>>
    %dma_start3A_136 = arith.constant 0 : i32
    %dma_start3A_137 = tpu.memref_slice %arg10[%dma_start3A_129, %dma_start3A_130, %dma_start3A_136] : memref<2x1x1664xi32, #tpu.memory_space<vmem>> -> memref<1x1x1664xi32, #tpu.memory_space<vmem>>
    %dma_start3A_138 = tpu.memref_squeeze %dma_start3A_137 : memref<1x1x1664xi32, #tpu.memory_space<vmem>> -> memref<1664xi32, #tpu.memory_space<vmem>>
    %dma_start3A_139 = tpu.memref_slice %arg2[%dma_start3A_128, %add3A_115] : memref<2x1600000xi32, #tpu.memory_space<hbm>> -> memref<1x1664xi32, #tpu.memory_space<hbm>>
    %dma_start3A_140 = tpu.memref_squeeze %dma_start3A_139 : memref<1x1664xi32, #tpu.memory_space<hbm>> -> memref<1664xi32, #tpu.memory_space<hbm>>
    tpu.enqueue_dma source(%dma_start3A_140 : memref<1664xi32, #tpu.memory_space<hbm>>) target(%dma_start3A_138 : memref<1664xi32, #tpu.memory_space<vmem>>) target_semaphore(%arg17 : memref<!tpu.dma_semaphore, #tpu.memory_space<semaphore_mem>>)
    %scan3A_141 = arith.constant 0 : i32
    %scan3A_142 = arith.constant 30 : i32
    %scan3A_143 = arith.addi %scan3A_141, %scan3A_142 : i32
    %scan3A_144 = arith.constant 1 : i32
    scf.for %scan3A_175 = %scan3A_141 to %scan3A_143 step %scan3A_144  : i32 {
      %rem3A = arith.constant 2 : i32
      %rem3A_176 = arith.remsi %scan3A_175, %rem3A : i32
      %dma_wait3A_177 = arith.constant 0 : i32
      %dma_wait3A_178 = arith.constant 0 : i32
      %dma_wait3A_179 = arith.constant 0 : i32
      %dma_wait3A_180 = tpu.memref_slice %arg9[%rem3A_176, %dma_wait3A_178, %dma_wait3A_179] : memref<2x1x1664xi32, #tpu.memory_space<vmem>> -> memref<1x1x1664xi32, #tpu.memory_space<vmem>>
      %dma_wait3A_181 = tpu.memref_squeeze %dma_wait3A_180 : memref<1x1x1664xi32, #tpu.memory_space<vmem>> -> memref<1664xi32, #tpu.memory_space<vmem>>
      %dma_wait3A_182 = arith.constant 0 : i32
      %dma_wait3A_183 = tpu.memref_slice %arg2[%dma_wait3A_177, %dma_wait3A_182] : memref<2x1600000xi32, #tpu.memory_space<hbm>> -> memref<1x1664xi32, #tpu.memory_space<hbm>>
      %dma_wait3A_184 = tpu.memref_squeeze %dma_wait3A_183 : memref<1x1664xi32, #tpu.memory_space<hbm>> -> memref<1664xi32, #tpu.memory_space<hbm>>
      %dma_wait3A_185 = arith.constant 0 : i32
      %dma_wait3A_186 = tpu.memref_slice %arg9[%rem3A_176, %dma_wait3A_178, %dma_wait3A_185] : memref<2x1x1664xi32, #tpu.memory_space<vmem>> -> memref<1x1x1664xi32, #tpu.memory_space<vmem>>
      %dma_wait3A_187 = tpu.memref_squeeze %dma_wait3A_186 : memref<1x1x1664xi32, #tpu.memory_space<vmem>> -> memref<1664xi32, #tpu.memory_space<vmem>>
      %dma_wait3A_188 = arith.constant 0 : i32
      %dma_wait3A_189 = tpu.memref_slice %arg2[%dma_wait3A_177, %dma_wait3A_188] : memref<2x1600000xi32, #tpu.memory_space<hbm>> -> memref<1x1664xi32, #tpu.memory_space<hbm>>
      %dma_wait3A_190 = tpu.memref_squeeze %dma_wait3A_189 : memref<1x1664xi32, #tpu.memory_space<hbm>> -> memref<1664xi32, #tpu.memory_space<hbm>>
      tpu.wait_dma2 semaphore(%arg17 : memref<!tpu.dma_semaphore, #tpu.memory_space<semaphore_mem>>) src(%dma_wait3A_190 : memref<1664xi32, #tpu.memory_space<hbm>>) dst(%dma_wait3A_187 : memref<1664xi32, #tpu.memory_space<vmem>>)
      %dma_wait3A_191 = arith.constant 1 : i32
      %dma_wait3A_192 = arith.constant 0 : i32
      %dma_wait3A_193 = arith.constant 0 : i32
      %dma_wait3A_194 = tpu.memref_slice %arg10[%rem3A_176, %dma_wait3A_192, %dma_wait3A_193] : memref<2x1x1664xi32, #tpu.memory_space<vmem>> -> memref<1x1x1664xi32, #tpu.memory_space<vmem>>
      %dma_wait3A_195 = tpu.memref_squeeze %dma_wait3A_194 : memref<1x1x1664xi32, #tpu.memory_space<vmem>> -> memref<1664xi32, #tpu.memory_space<vmem>>
      %dma_wait3A_196 = arith.constant 0 : i32
      %dma_wait3A_197 = tpu.memref_slice %arg2[%dma_wait3A_191, %dma_wait3A_196] : memref<2x1600000xi32, #tpu.memory_space<hbm>> -> memref<1x1664xi32, #tpu.memory_space<hbm>>
      %dma_wait3A_198 = tpu.memref_squeeze %dma_wait3A_197 : memref<1x1664xi32, #tpu.memory_space<hbm>> -> memref<1664xi32, #tpu.memory_space<hbm>>
      %dma_wait3A_199 = arith.constant 0 : i32
      %dma_wait3A_200 = tpu.memref_slice %arg10[%rem3A_176, %dma_wait3A_192, %dma_wait3A_199] : memref<2x1x1664xi32, #tpu.memory_space<vmem>> -> memref<1x1x1664xi32, #tpu.memory_space<vmem>>
      %dma_wait3A_201 = tpu.memref_squeeze %dma_wait3A_200 : memref<1x1x1664xi32, #tpu.memory_space<vmem>> -> memref<1664xi32, #tpu.memory_space<vmem>>
      %dma_wait3A_202 = arith.constant 0 : i32
      %dma_wait3A_203 = tpu.memref_slice %arg2[%dma_wait3A_191, %dma_wait3A_202] : memref<2x1600000xi32, #tpu.memory_space<hbm>> -> memref<1x1664xi32, #tpu.memory_space<hbm>>
      %dma_wait3A_204 = tpu.memref_squeeze %dma_wait3A_203 : memref<1x1664xi32, #tpu.memory_space<hbm>> -> memref<1664xi32, #tpu.memory_space<hbm>>
      tpu.wait_dma2 semaphore(%arg17 : memref<!tpu.dma_semaphore, #tpu.memory_space<semaphore_mem>>) src(%dma_wait3A_204 : memref<1664xi32, #tpu.memory_space<hbm>>) dst(%dma_wait3A_201 : memref<1664xi32, #tpu.memory_space<vmem>>)
      %gt3A = arith.constant 0 : i32
      %gt3A_205 = arith.cmpi sgt, %scan3A_175, %gt3A : i32
      %convert_element_type3A_206 = arith.extui %gt3A_205 : i1 to i32
      %cond3A_207 = arith.constant 0 : i32
      %cond3A_208 = arith.cmpi ne, %convert_element_type3A_206, %cond3A_207 : i32
      scf.if %cond3A_208 {
        %sub3A_1367 = arith.constant 1 : i32
        %sub3A_1368 = arith.subi %sub3A_1367, %rem3A_176 : i32
        %dma_wait3A_1369 = arith.constant 0 : i32
        %dma_wait3A_1370 = arith.constant 0 : i32
        %dma_wait3A_1371 = arith.constant 0 : i32
        %dma_wait3A_1372 = tpu.memref_slice %arg11[%sub3A_1368, %dma_wait3A_1369, %dma_wait3A_1371] : memref<2x1x1664xf32, #tpu.memory_space<vmem>> -> memref<1x1x1664xf32, #tpu.memory_space<vmem>>
        %dma_wait3A_1373 = tpu.memref_squeeze %dma_wait3A_1372 : memref<1x1x1664xf32, #tpu.memory_space<vmem>> -> memref<1664xf32, #tpu.memory_space<vmem>>
        %dma_wait3A_1374 = arith.constant 0 : i32
        %dma_wait3A_1375 = tpu.memref_slice %arg9[%sub3A_1368, %dma_wait3A_1370, %dma_wait3A_1374] : memref<2x1x1664xi32, #tpu.memory_space<vmem>> -> memref<1x1x1664xi32, #tpu.memory_space<vmem>>
        %dma_wait3A_1376 = tpu.memref_squeeze %dma_wait3A_1375 : memref<1x1x1664xi32, #tpu.memory_space<vmem>> -> memref<1664xi32, #tpu.memory_space<vmem>>
        %dma_wait3A_1377 = arith.constant 0 : i32
        %dma_wait3A_1378 = tpu.memref_slice %arg16[%dma_wait3A_1377] : memref<100352xf32, #tpu.memory_space<vmem_shared>> -> memref<100352xf32, #tpu.memory_space<vmem_shared>>
        tpu.wait_indirect_dma semaphore(%arg18 : memref<!tpu.dma_semaphore, #tpu.memory_space<semaphore_mem>>) src(%dma_wait3A_1373 : memref<1664xf32, #tpu.memory_space<vmem>>) dst(%dma_wait3A_1378 : memref<100352xf32, #tpu.memory_space<vmem_shared>>)
      } else {
      }
      %add3A_209 = arith.constant 1 : i32
      %add3A_210 = arith.addi %scan3A_175, %add3A_209 : i32
      %lt3A_211 = arith.constant 30 : i32
      %lt3A_212 = arith.cmpi slt, %add3A_210, %lt3A_211 : i32
      %convert_element_type3A_213 = arith.extui %lt3A_212 : i1 to i32
      %cond3A_214 = arith.constant 0 : i32
      %cond3A_215 = arith.cmpi ne, %convert_element_type3A_213, %cond3A_214 : i32
      scf.if %cond3A_215 {
        %add3A_1367 = arith.constant 1 : i32
        %add3A_1368 = arith.addi %scan3A_175, %add3A_1367 : i32
        %sub3A_1369 = arith.constant 1 : i32
        %sub3A_1370 = arith.subi %sub3A_1369, %rem3A_176 : i32
        %mul3A_1371 = arith.constant 1664 : i32
        %mul3A_1372 = arith.muli %add3A_1368, %mul3A_1371 : i32
        %add3A_1373 = arith.addi %mul3A_113, %mul3A_1372 : i32
        %dma_start3A_1374 = arith.constant 0 : i32
        %dma_start3A_1375 = arith.constant 0 : i32
        %dma_start3A_1376 = arith.constant 0 : i32
        %dma_start3A_1377 = tpu.memref_slice %arg9[%sub3A_1370, %dma_start3A_1375, %dma_start3A_1376] : memref<2x1x1664xi32, #tpu.memory_space<vmem>> -> memref<1x1x1664xi32, #tpu.memory_space<vmem>>
        %dma_start3A_1378 = tpu.memref_squeeze %dma_start3A_1377 : memref<1x1x1664xi32, #tpu.memory_space<vmem>> -> memref<1664xi32, #tpu.memory_space<vmem>>
        %dma_start3A_1379 = tpu.memref_slice %arg2[%dma_start3A_1374, %add3A_1373] : memref<2x1600000xi32, #tpu.memory_space<hbm>> -> memref<1x1664xi32, #tpu.memory_space<hbm>>
        %dma_start3A_1380 = tpu.memref_squeeze %dma_start3A_1379 : memref<1x1664xi32, #tpu.memory_space<hbm>> -> memref<1664xi32, #tpu.memory_space<hbm>>
        %dma_start3A_1381 = arith.constant 0 : i32
        %dma_start3A_1382 = tpu.memref_slice %arg9[%sub3A_1370, %dma_start3A_1375, %dma_start3A_1381] : memref<2x1x1664xi32, #tpu.memory_space<vmem>> -> memref<1x1x1664xi32, #tpu.memory_space<vmem>>
        %dma_start3A_1383 = tpu.memref_squeeze %dma_start3A_1382 : memref<1x1x1664xi32, #tpu.memory_space<vmem>> -> memref<1664xi32, #tpu.memory_space<vmem>>
        %dma_start3A_1384 = tpu.memref_slice %arg2[%dma_start3A_1374, %add3A_1373] : memref<2x1600000xi32, #tpu.memory_space<hbm>> -> memref<1x1664xi32, #tpu.memory_space<hbm>>
        %dma_start3A_1385 = tpu.memref_squeeze %dma_start3A_1384 : memref<1x1664xi32, #tpu.memory_space<hbm>> -> memref<1664xi32, #tpu.memory_space<hbm>>
        tpu.enqueue_dma source(%dma_start3A_1385 : memref<1664xi32, #tpu.memory_space<hbm>>) target(%dma_start3A_1383 : memref<1664xi32, #tpu.memory_space<vmem>>) target_semaphore(%arg17 : memref<!tpu.dma_semaphore, #tpu.memory_space<semaphore_mem>>)
        %dma_start3A_1386 = arith.constant 1 : i32
        %dma_start3A_1387 = arith.constant 0 : i32
        %dma_start3A_1388 = arith.constant 0 : i32
        %dma_start3A_1389 = tpu.memref_slice %arg10[%sub3A_1370, %dma_start3A_1387, %dma_start3A_1388] : memref<2x1x1664xi32, #tpu.memory_space<vmem>> -> memref<1x1x1664xi32, #tpu.memory_space<vmem>>
        %dma_start3A_1390 = tpu.memref_squeeze %dma_start3A_1389 : memref<1x1x1664xi32, #tpu.memory_space<vmem>> -> memref<1664xi32, #tpu.memory_space<vmem>>
        %dma_start3A_1391 = tpu.memref_slice %arg2[%dma_start3A_1386, %add3A_1373] : memref<2x1600000xi32, #tpu.memory_space<hbm>> -> memref<1x1664xi32, #tpu.memory_space<hbm>>
        %dma_start3A_1392 = tpu.memref_squeeze %dma_start3A_1391 : memref<1x1664xi32, #tpu.memory_space<hbm>> -> memref<1664xi32, #tpu.memory_space<hbm>>
        %dma_start3A_1393 = arith.constant 0 : i32
        %dma_start3A_1394 = tpu.memref_slice %arg10[%sub3A_1370, %dma_start3A_1387, %dma_start3A_1393] : memref<2x1x1664xi32, #tpu.memory_space<vmem>> -> memref<1x1x1664xi32, #tpu.memory_space<vmem>>
        %dma_start3A_1395 = tpu.memref_squeeze %dma_start3A_1394 : memref<1x1x1664xi32, #tpu.memory_space<vmem>> -> memref<1664xi32, #tpu.memory_space<vmem>>
        %dma_start3A_1396 = tpu.memref_slice %arg2[%dma_start3A_1386, %add3A_1373] : memref<2x1600000xi32, #tpu.memory_space<hbm>> -> memref<1x1664xi32, #tpu.memory_space<hbm>>
        %dma_start3A_1397 = tpu.memref_squeeze %dma_start3A_1396 : memref<1x1664xi32, #tpu.memory_space<hbm>> -> memref<1664xi32, #tpu.memory_space<hbm>>
        tpu.enqueue_dma source(%dma_start3A_1397 : memref<1664xi32, #tpu.memory_space<hbm>>) target(%dma_start3A_1395 : memref<1664xi32, #tpu.memory_space<vmem>>) target_semaphore(%arg17 : memref<!tpu.dma_semaphore, #tpu.memory_space<semaphore_mem>>)
      } else {
      }
      %get3A = arith.constant 0 : i32
      %get3A_216 = arith.index_cast %rem3A_176 : i32 to index
      %get3A_217 = arith.index_cast %get3A : i32 to index
      %get3A_218 = arith.constant 0 : index
      %get3A_219 = tpu.vector_load %arg10[%get3A_216, %get3A_217, %get3A_218] {strides = array<i32>} : memref<2x1x1664xi32, #tpu.memory_space<vmem>>, vector<16xi32>,
      %gather3A = tpu.vector_load_idx %arg15[%get3A_219] : memref<100352xf32, #tpu.memory_space<vmem>>[vector<16xi32>], vector<16xf32>,
      %swap3A = arith.constant 0 : i32
      %swap3A_220 = arith.index_cast %rem3A_176 : i32 to index
      %swap3A_221 = arith.index_cast %swap3A : i32 to index
      %swap3A_222 = arith.constant 0 : index
      %swap3A_223 = tpu.vector_load %arg11[%swap3A_220, %swap3A_221, %swap3A_222] {strides = array<i32>} : memref<2x1x1664xf32, #tpu.memory_space<vmem>>, vector<16xf32>,
      tpu.vector_store %arg11[%swap3A_220, %swap3A_221, %swap3A_222], %gather3A {strides = array<i32>} : memref<2x1x1664xf32, #tpu.memory_space<vmem>>, vector<16xf32>,
      %get3A_224 = arith.constant 0 : i32
      %get3A_225 = arith.index_cast %rem3A_176 : i32 to index
      %get3A_226 = arith.index_cast %get3A_224 : i32 to index
      %get3A_227 = arith.constant 16 : index
      %get3A_228 = tpu.vector_load %arg10[%get3A_225, %get3A_226, %get3A_227] {strides = array<i32>} : memref<2x1x1664xi32, #tpu.memory_space<vmem>>, vector<16xi32>,
      %gather3A_229 = tpu.vector_load_idx %arg15[%get3A_228] : memref<100352xf32, #tpu.memory_space<vmem>>[vector<16xi32>], vector<16xf32>,
      %swap3A_230 = arith.constant 0 : i32
      %swap3A_231 = arith.index_cast %rem3A_176 : i32 to index
      %swap3A_232 = arith.index_cast %swap3A_230 : i32 to index
      %swap3A_233 = arith.constant 16 : index
      %swap3A_234 = tpu.vector_load %arg11[%swap3A_231, %swap3A_232, %swap3A_233] {strides = array<i32>} : memref<2x1x1664xf32, #tpu.memory_space<vmem>>, vector<16xf32>,
      tpu.vector_store %arg11[%swap3A_231, %swap3A_232, %swap3A_233], %gather3A_229 {strides = array<i32>} : memref<2x1x1664xf32, #tpu.memory_space<vmem>>, vector<16xf32>,
      %get3A_235 = arith.constant 0 : i32
      %get3A_236 = arith.index_cast %rem3A_176 : i32 to index
      %get3A_237 = arith.index_cast %get3A_235 : i32 to index
      %get3A_238 = arith.constant 32 : index
      %get3A_239 = tpu.vector_load %arg10[%get3A_236, %get3A_237, %get3A_238] {strides = array<i32>} : memref<2x1x1664xi32, #tpu.memory_space<vmem>>, vector<16xi32>,
      %gather3A_240 = tpu.vector_load_idx %arg15[%get3A_239] : memref<100352xf32, #tpu.memory_space<vmem>>[vector<16xi32>], vector<16xf32>,
      %swap3A_241 = arith.constant 0 : i32
      %swap3A_242 = arith.index_cast %rem3A_176 : i32 to index
      %swap3A_243 = arith.index_cast %swap3A_241 : i32 to index
      %swap3A_244 = arith.constant 32 : index
      %swap3A_245 = tpu.vector_load %arg11[%swap3A_242, %swap3A_243, %swap3A_244] {strides = array<i32>} : memref<2x1x1664xf32, #tpu.memory_space<vmem>>, vector<16xf32>,
      tpu.vector_store %arg11[%swap3A_242, %swap3A_243, %swap3A_244], %gather3A_240 {strides = array<i32>} : memref<2x1x1664xf32, #tpu.memory_space<vmem>>, vector<16xf32>,
      %get3A_246 = arith.constant 0 : i32
      %get3A_247 = arith.index_cast %rem3A_176 : i32 to index
      %get3A_248 = arith.index_cast %get3A_246 : i32 to index
      %get3A_249 = arith.constant 48 : index
      %get3A_250 = tpu.vector_load %arg10[%get3A_247, %get3A_248, %get3A_249] {strides = array<i32>} : memref<2x1x1664xi32, #tpu.memory_space<vmem>>, vector<16xi32>,
      %gather3A_251 = tpu.vector_load_idx %arg15[%get3A_250] : memref<100352xf32, #tpu.memory_space<vmem>>[vector<16xi32>], vector<16xf32>,
      %swap3A_252 = arith.constant 0 : i32
      %swap3A_253 = arith.index_cast %rem3A_176 : i32 to index
      %swap3A_254 = arith.index_cast %swap3A_252 : i32 to index
      %swap3A_255 = arith.constant 48 : index
      %swap3A_256 = tpu.vector_load %arg11[%swap3A_253, %swap3A_254, %swap3A_255] {strides = array<i32>} : memref<2x1x1664xf32, #tpu.memory_space<vmem>>, vector<16xf32>,
      tpu.vector_store %arg11[%swap3A_253, %swap3A_254, %swap3A_255], %gather3A_251 {strides = array<i32>} : memref<2x1x1664xf32, #tpu.memory_space<vmem>>, vector<16xf32>,
      %get3A_257 = arith.constant 0 : i32
      %get3A_258 = arith.index_cast %rem3A_176 : i32 to index
      %get3A_259 = arith.index_cast %get3A_257 : i32 to index
      %get3A_260 = arith.constant 64 : index
      %get3A_261 = tpu.vector_load %arg10[%get3A_258, %get3A_259, %get3A_260] {strides = array<i32>} : memref<2x1x1664xi32, #tpu.memory_space<vmem>>, vector<16xi32>,
      %gather3A_262 = tpu.vector_load_idx %arg15[%get3A_261] : memref<100352xf32, #tpu.memory_space<vmem>>[vector<16xi32>], vector<16xf32>,
      %swap3A_263 = arith.constant 0 : i32
      %swap3A_264 = arith.index_cast %rem3A_176 : i32 to index
      %swap3A_265 = arith.index_cast %swap3A_263 : i32 to index
      %swap3A_266 = arith.constant 64 : index
      %swap3A_267 = tpu.vector_load %arg11[%swap3A_264, %swap3A_265, %swap3A_266] {strides = array<i32>} : memref<2x1x1664xf32, #tpu.memory_space<vmem>>, vector<16xf32>,
      tpu.vector_store %arg11[%swap3A_264, %swap3A_265, %swap3A_266], %gather3A_262 {strides = array<i32>} : memref<2x1x1664xf32, #tpu.memory_space<vmem>>, vector<16xf32>,
      %get3A_268 = arith.constant 0 : i32
      %get3A_269 = arith.index_cast %rem3A_176 : i32 to index
      %get3A_270 = arith.index_cast %get3A_268 : i32 to index
      %get3A_271 = arith.constant 80 : index
      %get3A_272 = tpu.vector_load %arg10[%get3A_269, %get3A_270, %get3A_271] {strides = array<i32>} : memref<2x1x1664xi32, #tpu.memory_space<vmem>>, vector<16xi32>,
      %gather3A_273 = tpu.vector_load_idx %arg15[%get3A_272] : memref<100352xf32, #tpu.memory_space<vmem>>[vector<16xi32>], vector<16xf32>,
      %swap3A_274 = arith.constant 0 : i32
      %swap3A_275 = arith.index_cast %rem3A_176 : i32 to index
      %swap3A_276 = arith.index_cast %swap3A_274 : i32 to index
      %swap3A_277 = arith.constant 80 : index
      %swap3A_278 = tpu.vector_load %arg11[%swap3A_275, %swap3A_276, %swap3A_277] {strides = array<i32>} : memref<2x1x1664xf32, #tpu.memory_space<vmem>>, vector<16xf32>,
      tpu.vector_store %arg11[%swap3A_275, %swap3A_276, %swap3A_277], %gather3A_273 {strides = array<i32>} : memref<2x1x1664xf32, #tpu.memory_space<vmem>>, vector<16xf32>,
      %get3A_279 = arith.constant 0 : i32
      %get3A_280 = arith.index_cast %rem3A_176 : i32 to index
      %get3A_281 = arith.index_cast %get3A_279 : i32 to index
      %get3A_282 = arith.constant 96 : index
      %get3A_283 = tpu.vector_load %arg10[%get3A_280, %get3A_281, %get3A_282] {strides = array<i32>} : memref<2x1x1664xi32, #tpu.memory_space<vmem>>, vector<16xi32>,
      %gather3A_284 = tpu.vector_load_idx %arg15[%get3A_283] : memref<100352xf32, #tpu.memory_space<vmem>>[vector<16xi32>], vector<16xf32>,
      %swap3A_285 = arith.constant 0 : i32
      %swap3A_286 = arith.index_cast %rem3A_176 : i32 to index
      %swap3A_287 = arith.index_cast %swap3A_285 : i32 to index
      %swap3A_288 = arith.constant 96 : index
      %swap3A_289 = tpu.vector_load %arg11[%swap3A_286, %swap3A_287, %swap3A_288] {strides = array<i32>} : memref<2x1x1664xf32, #tpu.memory_space<vmem>>, vector<16xf32>,
      tpu.vector_store %arg11[%swap3A_286, %swap3A_287, %swap3A_288], %gather3A_284 {strides = array<i32>} : memref<2x1x1664xf32, #tpu.memory_space<vmem>>, vector<16xf32>,
      %get3A_290 = arith.constant 0 : i32
      %get3A_291 = arith.index_cast %rem3A_176 : i32 to index
      %get3A_292 = arith.index_cast %get3A_290 : i32 to index
      %get3A_293 = arith.constant 112 : index
      %get3A_294 = tpu.vector_load %arg10[%get3A_291, %get3A_292, %get3A_293] {strides = array<i32>} : memref<2x1x1664xi32, #tpu.memory_space<vmem>>, vector<16xi32>,
      %gather3A_295 = tpu.vector_load_idx %arg15[%get3A_294] : memref<100352xf32, #tpu.memory_space<vmem>>[vector<16xi32>], vector<16xf32>,
      %swap3A_296 = arith.constant 0 : i32
      %swap3A_297 = arith.index_cast %rem3A_176 : i32 to index
      %swap3A_298 = arith.index_cast %swap3A_296 : i32 to index
      %swap3A_299 = arith.constant 112 : index
      %swap3A_300 = tpu.vector_load %arg11[%swap3A_297, %swap3A_298, %swap3A_299] {strides = array<i32>} : memref<2x1x1664xf32, #tpu.memory_space<vmem>>, vector<16xf32>,
      tpu.vector_store %arg11[%swap3A_297, %swap3A_298, %swap3A_299], %gather3A_295 {strides = array<i32>} : memref<2x1x1664xf32, #tpu.memory_space<vmem>>, vector<16xf32>,
      %get3A_301 = arith.constant 0 : i32
      %get3A_302 = arith.index_cast %rem3A_176 : i32 to index
      %get3A_303 = arith.index_cast %get3A_301 : i32 to index
      %get3A_304 = arith.constant 128 : index
      %get3A_305 = tpu.vector_load %arg10[%get3A_302, %get3A_303, %get3A_304] {strides = array<i32>} : memref<2x1x1664xi32, #tpu.memory_space<vmem>>, vector<16xi32>,
      %gather3A_306 = tpu.vector_load_idx %arg15[%get3A_305] : memref<100352xf32, #tpu.memory_space<vmem>>[vector<16xi32>], vector<16xf32>,
      %swap3A_307 = arith.constant 0 : i32
      %swap3A_308 = arith.index_cast %rem3A_176 : i32 to index
      %swap3A_309 = arith.index_cast %swap3A_307 : i32 to index
      %swap3A_310 = arith.constant 128 : index
      %swap3A_311 = tpu.vector_load %arg11[%swap3A_308, %swap3A_309, %swap3A_310] {strides = array<i32>} : memref<2x1x1664xf32, #tpu.memory_space<vmem>>, vector<16xf32>,
      tpu.vector_store %arg11[%swap3A_308, %swap3A_309, %swap3A_310], %gather3A_306 {strides = array<i32>} : memref<2x1x1664xf32, #tpu.memory_space<vmem>>, vector<16xf32>,
      %get3A_312 = arith.constant 0 : i32
      %get3A_313 = arith.index_cast %rem3A_176 : i32 to index
      %get3A_314 = arith.index_cast %get3A_312 : i32 to index
      %get3A_315 = arith.constant 144 : index
      %get3A_316 = tpu.vector_load %arg10[%get3A_313, %get3A_314, %get3A_315] {strides = array<i32>} : memref<2x1x1664xi32, #tpu.memory_space<vmem>>, vector<16xi32>,
      %gather3A_317 = tpu.vector_load_idx %arg15[%get3A_316] : memref<100352xf32, #tpu.memory_space<vmem>>[vector<16xi32>], vector<16xf32>,
      %swap3A_318 = arith.constant 0 : i32
      %swap3A_319 = arith.index_cast %rem3A_176 : i32 to index
      %swap3A_320 = arith.index_cast %swap3A_318 : i32 to index
      %swap3A_321 = arith.constant 144 : index
      %swap3A_322 = tpu.vector_load %arg11[%swap3A_319, %swap3A_320, %swap3A_321] {strides = array<i32>} : memref<2x1x1664xf32, #tpu.memory_space<vmem>>, vector<16xf32>,
      tpu.vector_store %arg11[%swap3A_319, %swap3A_320, %swap3A_321], %gather3A_317 {strides = array<i32>} : memref<2x1x1664xf32, #tpu.memory_space<vmem>>, vector<16xf32>,
      %get3A_323 = arith.constant 0 : i32
      %get3A_324 = arith.index_cast %rem3A_176 : i32 to index
      %get3A_325 = arith.index_cast %get3A_323 : i32 to index
      %get3A_326 = arith.constant 160 : index
      %get3A_327 = tpu.vector_load %arg10[%get3A_324, %get3A_325, %get3A_326] {strides = array<i32>} : memref<2x1x1664xi32, #tpu.memory_space<vmem>>, vector<16xi32>,
      %gather3A_328 = tpu.vector_load_idx %arg15[%get3A_327] : memref<100352xf32, #tpu.memory_space<vmem>>[vector<16xi32>], vector<16xf32>,
      %swap3A_329 = arith.constant 0 : i32
      %swap3A_330 = arith.index_cast %rem3A_176 : i32 to index
      %swap3A_331 = arith.index_cast %swap3A_329 : i32 to index
      %swap3A_332 = arith.constant 160 : index
      %swap3A_333 = tpu.vector_load %arg11[%swap3A_330, %swap3A_331, %swap3A_332] {strides = array<i32>} : memref<2x1x1664xf32, #tpu.memory_space<vmem>>, vector<16xf32>,
      tpu.vector_store %arg11[%swap3A_330, %swap3A_331, %swap3A_332], %gather3A_328 {strides = array<i32>} : memref<2x1x1664xf32, #tpu.memory_space<vmem>>, vector<16xf32>,
      %get3A_334 = arith.constant 0 : i32
      %get3A_335 = arith.index_cast %rem3A_176 : i32 to index
      %get3A_336 = arith.index_cast %get3A_334 : i32 to index
      %get3A_337 = arith.constant 176 : index
      %get3A_338 = tpu.vector_load %arg10[%get3A_335, %get3A_336, %get3A_337] {strides = array<i32>} : memref<2x1x1664xi32, #tpu.memory_space<vmem>>, vector<16xi32>,
      %gather3A_339 = tpu.vector_load_idx %arg15[%get3A_338] : memref<100352xf32, #tpu.memory_space<vmem>>[vector<16xi32>], vector<16xf32>,
      %swap3A_340 = arith.constant 0 : i32
      %swap3A_341 = arith.index_cast %rem3A_176 : i32 to index
      %swap3A_342 = arith.index_cast %swap3A_340 : i32 to index
      %swap3A_343 = arith.constant 176 : index
      %swap3A_344 = tpu.vector_load %arg11[%swap3A_341, %swap3A_342, %swap3A_343] {strides = array<i32>} : memref<2x1x1664xf32, #tpu.memory_space<vmem>>, vector<16xf32>,
      tpu.vector_store %arg11[%swap3A_341, %swap3A_342, %swap3A_343], %gather3A_339 {strides = array<i32>} : memref<2x1x1664xf32, #tpu.memory_space<vmem>>, vector<16xf32>,
      %get3A_345 = arith.constant 0 : i32
      %get3A_346 = arith.index_cast %rem3A_176 : i32 to index
      %get3A_347 = arith.index_cast %get3A_345 : i32 to index
      %get3A_348 = arith.constant 192 : index
      %get3A_349 = tpu.vector_load %arg10[%get3A_346, %get3A_347, %get3A_348] {strides = array<i32>} : memref<2x1x1664xi32, #tpu.memory_space<vmem>>, vector<16xi32>,
      %gather3A_350 = tpu.vector_load_idx %arg15[%get3A_349] : memref<100352xf32, #tpu.memory_space<vmem>>[vector<16xi32>], vector<16xf32>,
      %swap3A_351 = arith.constant 0 : i32
      %swap3A_352 = arith.index_cast %rem3A_176 : i32 to index
      %swap3A_353 = arith.index_cast %swap3A_351 : i32 to index
      %swap3A_354 = arith.constant 192 : index
      %swap3A_355 = tpu.vector_load %arg11[%swap3A_352, %swap3A_353, %swap3A_354] {strides = array<i32>} : memref<2x1x1664xf32, #tpu.memory_space<vmem>>, vector<16xf32>,
      tpu.vector_store %arg11[%swap3A_352, %swap3A_353, %swap3A_354], %gather3A_350 {strides = array<i32>} : memref<2x1x1664xf32, #tpu.memory_space<vmem>>, vector<16xf32>,
      %get3A_356 = arith.constant 0 : i32
      %get3A_357 = arith.index_cast %rem3A_176 : i32 to index
      %get3A_358 = arith.index_cast %get3A_356 : i32 to index
      %get3A_359 = arith.constant 208 : index
      %get3A_360 = tpu.vector_load %arg10[%get3A_357, %get3A_358, %get3A_359] {strides = array<i32>} : memref<2x1x1664xi32, #tpu.memory_space<vmem>>, vector<16xi32>,
      %gather3A_361 = tpu.vector_load_idx %arg15[%get3A_360] : memref<100352xf32, #tpu.memory_space<vmem>>[vector<16xi32>], vector<16xf32>,
      %swap3A_362 = arith.constant 0 : i32
      %swap3A_363 = arith.index_cast %rem3A_176 : i32 to index
      %swap3A_364 = arith.index_cast %swap3A_362 : i32 to index
      %swap3A_365 = arith.constant 208 : index
      %swap3A_366 = tpu.vector_load %arg11[%swap3A_363, %swap3A_364, %swap3A_365] {strides = array<i32>} : memref<2x1x1664xf32, #tpu.memory_space<vmem>>, vector<16xf32>,
      tpu.vector_store %arg11[%swap3A_363, %swap3A_364, %swap3A_365], %gather3A_361 {strides = array<i32>} : memref<2x1x1664xf32, #tpu.memory_space<vmem>>, vector<16xf32>,
      %get3A_367 = arith.constant 0 : i32
      %get3A_368 = arith.index_cast %rem3A_176 : i32 to index
      %get3A_369 = arith.index_cast %get3A_367 : i32 to index
      %get3A_370 = arith.constant 224 : index
      %get3A_371 = tpu.vector_load %arg10[%get3A_368, %get3A_369, %get3A_370] {strides = array<i32>} : memref<2x1x1664xi32, #tpu.memory_space<vmem>>, vector<16xi32>,
      %gather3A_372 = tpu.vector_load_idx %arg15[%get3A_371] : memref<100352xf32, #tpu.memory_space<vmem>>[vector<16xi32>], vector<16xf32>,
      %swap3A_373 = arith.constant 0 : i32
      %swap3A_374 = arith.index_cast %rem3A_176 : i32 to index
      %swap3A_375 = arith.index_cast %swap3A_373 : i32 to index
      %swap3A_376 = arith.constant 224 : index
      %swap3A_377 = tpu.vector_load %arg11[%swap3A_374, %swap3A_375, %swap3A_376] {strides = array<i32>} : memref<2x1x1664xf32, #tpu.memory_space<vmem>>, vector<16xf32>,
      tpu.vector_store %arg11[%swap3A_374, %swap3A_375, %swap3A_376], %gather3A_372 {strides = array<i32>} : memref<2x1x1664xf32, #tpu.memory_space<vmem>>, vector<16xf32>,
      %get3A_378 = arith.constant 0 : i32
      %get3A_379 = arith.index_cast %rem3A_176 : i32 to index
      %get3A_380 = arith.index_cast %get3A_378 : i32 to index
      %get3A_381 = arith.constant 240 : index
      %get3A_382 = tpu.vector_load %arg10[%get3A_379, %get3A_380, %get3A_381] {strides = array<i32>} : memref<2x1x1664xi32, #tpu.memory_space<vmem>>, vector<16xi32>,
      %gather3A_383 = tpu.vector_load_idx %arg15[%get3A_382] : memref<100352xf32, #tpu.memory_space<vmem>>[vector<16xi32>], vector<16xf32>,
      %swap3A_384 = arith.constant 0 : i32
      %swap3A_385 = arith.index_cast %rem3A_176 : i32 to index
      %swap3A_386 = arith.index_cast %swap3A_384 : i32 to index
      %swap3A_387 = arith.constant 240 : index
      %swap3A_388 = tpu.vector_load %arg11[%swap3A_385, %swap3A_386, %swap3A_387] {strides = array<i32>} : memref<2x1x1664xf32, #tpu.memory_space<vmem>>, vector<16xf32>,
      tpu.vector_store %arg11[%swap3A_385, %swap3A_386, %swap3A_387], %gather3A_383 {strides = array<i32>} : memref<2x1x1664xf32, #tpu.memory_space<vmem>>, vector<16xf32>,
      %get3A_389 = arith.constant 0 : i32
      %get3A_390 = arith.index_cast %rem3A_176 : i32 to index
      %get3A_391 = arith.index_cast %get3A_389 : i32 to index
      %get3A_392 = arith.constant 256 : index
      %get3A_393 = tpu.vector_load %arg10[%get3A_390, %get3A_391, %get3A_392] {strides = array<i32>} : memref<2x1x1664xi32, #tpu.memory_space<vmem>>, vector<16xi32>,
      %gather3A_394 = tpu.vector_load_idx %arg15[%get3A_393] : memref<100352xf32, #tpu.memory_space<vmem>>[vector<16xi32>], vector<16xf32>,
      %swap3A_395 = arith.constant 0 : i32
      %swap3A_396 = arith.index_cast %rem3A_176 : i32 to index
      %swap3A_397 = arith.index_cast %swap3A_395 : i32 to index
      %swap3A_398 = arith.constant 256 : index
      %swap3A_399 = tpu.vector_load %arg11[%swap3A_396, %swap3A_397, %swap3A_398] {strides = array<i32>} : memref<2x1x1664xf32, #tpu.memory_space<vmem>>, vector<16xf32>,
      tpu.vector_store %arg11[%swap3A_396, %swap3A_397, %swap3A_398], %gather3A_394 {strides = array<i32>} : memref<2x1x1664xf32, #tpu.memory_space<vmem>>, vector<16xf32>,
      %get3A_400 = arith.constant 0 : i32
      %get3A_401 = arith.index_cast %rem3A_176 : i32 to index
      %get3A_402 = arith.index_cast %get3A_400 : i32 to index
      %get3A_403 = arith.constant 272 : index
      %get3A_404 = tpu.vector_load %arg10[%get3A_401, %get3A_402, %get3A_403] {strides = array<i32>} : memref<2x1x1664xi32, #tpu.memory_space<vmem>>, vector<16xi32>,
      %gather3A_405 = tpu.vector_load_idx %arg15[%get3A_404] : memref<100352xf32, #tpu.memory_space<vmem>>[vector<16xi32>], vector<16xf32>,
      %swap3A_406 = arith.constant 0 : i32
      %swap3A_407 = arith.index_cast %rem3A_176 : i32 to index
      %swap3A_408 = arith.index_cast %swap3A_406 : i32 to index
      %swap3A_409 = arith.constant 272 : index
      %swap3A_410 = tpu.vector_load %arg11[%swap3A_407, %swap3A_408, %swap3A_409] {strides = array<i32>} : memref<2x1x1664xf32, #tpu.memory_space<vmem>>, vector<16xf32>,
      tpu.vector_store %arg11[%swap3A_407, %swap3A_408, %swap3A_409], %gather3A_405 {strides = array<i32>} : memref<2x1x1664xf32, #tpu.memory_space<vmem>>, vector<16xf32>,
      %get3A_411 = arith.constant 0 : i32
      %get3A_412 = arith.index_cast %rem3A_176 : i32 to index
      %get3A_413 = arith.index_cast %get3A_411 : i32 to index
      %get3A_414 = arith.constant 288 : index
      %get3A_415 = tpu.vector_load %arg10[%get3A_412, %get3A_413, %get3A_414] {strides = array<i32>} : memref<2x1x1664xi32, #tpu.memory_space<vmem>>, vector<16xi32>,
      %gather3A_416 = tpu.vector_load_idx %arg15[%get3A_415] : memref<100352xf32, #tpu.memory_space<vmem>>[vector<16xi32>], vector<16xf32>,
      %swap3A_417 = arith.constant 0 : i32
      %swap3A_418 = arith.index_cast %rem3A_176 : i32 to index
      %swap3A_419 = arith.index_cast %swap3A_417 : i32 to index
      %swap3A_420 = arith.constant 288 : index
      %swap3A_421 = tpu.vector_load %arg11[%swap3A_418, %swap3A_419, %swap3A_420] {strides = array<i32>} : memref<2x1x1664xf32, #tpu.memory_space<vmem>>, vector<16xf32>,
      tpu.vector_store %arg11[%swap3A_418, %swap3A_419, %swap3A_420], %gather3A_416 {strides = array<i32>} : memref<2x1x1664xf32, #tpu.memory_space<vmem>>, vector<16xf32>,
      %get3A_422 = arith.constant 0 : i32
      %get3A_423 = arith.index_cast %rem3A_176 : i32 to index
      %get3A_424 = arith.index_cast %get3A_422 : i32 to index
      %get3A_425 = arith.constant 304 : index
      %get3A_426 = tpu.vector_load %arg10[%get3A_423, %get3A_424, %get3A_425] {strides = array<i32>} : memref<2x1x1664xi32, #tpu.memory_space<vmem>>, vector<16xi32>,
      %gather3A_427 = tpu.vector_load_idx %arg15[%get3A_426] : memref<100352xf32, #tpu.memory_space<vmem>>[vector<16xi32>], vector<16xf32>,
      %swap3A_428 = arith.constant 0 : i32
      %swap3A_429 = arith.index_cast %rem3A_176 : i32 to index
      %swap3A_430 = arith.index_cast %swap3A_428 : i32 to index
      %swap3A_431 = arith.constant 304 : index
      %swap3A_432 = tpu.vector_load %arg11[%swap3A_429, %swap3A_430, %swap3A_431] {strides = array<i32>} : memref<2x1x1664xf32, #tpu.memory_space<vmem>>, vector<16xf32>,
      tpu.vector_store %arg11[%swap3A_429, %swap3A_430, %swap3A_431], %gather3A_427 {strides = array<i32>} : memref<2x1x1664xf32, #tpu.memory_space<vmem>>, vector<16xf32>,
      %get3A_433 = arith.constant 0 : i32
      %get3A_434 = arith.index_cast %rem3A_176 : i32 to index
      %get3A_435 = arith.index_cast %get3A_433 : i32 to index
      %get3A_436 = arith.constant 320 : index
      %get3A_437 = tpu.vector_load %arg10[%get3A_434, %get3A_435, %get3A_436] {strides = array<i32>} : memref<2x1x1664xi32, #tpu.memory_space<vmem>>, vector<16xi32>,
      %gather3A_438 = tpu.vector_load_idx %arg15[%get3A_437] : memref<100352xf32, #tpu.memory_space<vmem>>[vector<16xi32>], vector<16xf32>,
      %swap3A_439 = arith.constant 0 : i32
      %swap3A_440 = arith.index_cast %rem3A_176 : i32 to index
      %swap3A_441 = arith.index_cast %swap3A_439 : i32 to index
      %swap3A_442 = arith.constant 320 : index
      %swap3A_443 = tpu.vector_load %arg11[%swap3A_440, %swap3A_441, %swap3A_442] {strides = array<i32>} : memref<2x1x1664xf32, #tpu.memory_space<vmem>>, vector<16xf32>,
      tpu.vector_store %arg11[%swap3A_440, %swap3A_441, %swap3A_442], %gather3A_438 {strides = array<i32>} : memref<2x1x1664xf32, #tpu.memory_space<vmem>>, vector<16xf32>,
      %get3A_444 = arith.constant 0 : i32
      %get3A_445 = arith.index_cast %rem3A_176 : i32 to index
      %get3A_446 = arith.index_cast %get3A_444 : i32 to index
      %get3A_447 = arith.constant 336 : index
      %get3A_448 = tpu.vector_load %arg10[%get3A_445, %get3A_446, %get3A_447] {strides = array<i32>} : memref<2x1x1664xi32, #tpu.memory_space<vmem>>, vector<16xi32>,
      %gather3A_449 = tpu.vector_load_idx %arg15[%get3A_448] : memref<100352xf32, #tpu.memory_space<vmem>>[vector<16xi32>], vector<16xf32>,
      %swap3A_450 = arith.constant 0 : i32
      %swap3A_451 = arith.index_cast %rem3A_176 : i32 to index
      %swap3A_452 = arith.index_cast %swap3A_450 : i32 to index
      %swap3A_453 = arith.constant 336 : index
      %swap3A_454 = tpu.vector_load %arg11[%swap3A_451, %swap3A_452, %swap3A_453] {strides = array<i32>} : memref<2x1x1664xf32, #tpu.memory_space<vmem>>, vector<16xf32>,
      tpu.vector_store %arg11[%swap3A_451, %swap3A_452, %swap3A_453], %gather3A_449 {strides = array<i32>} : memref<2x1x1664xf32, #tpu.memory_space<vmem>>, vector<16xf32>,
      %get3A_455 = arith.constant 0 : i32
      %get3A_456 = arith.index_cast %rem3A_176 : i32 to index
      %get3A_457 = arith.index_cast %get3A_455 : i32 to index
      %get3A_458 = arith.constant 352 : index
      %get3A_459 = tpu.vector_load %arg10[%get3A_456, %get3A_457, %get3A_458] {strides = array<i32>} : memref<2x1x1664xi32, #tpu.memory_space<vmem>>, vector<16xi32>,
      %gather3A_460 = tpu.vector_load_idx %arg15[%get3A_459] : memref<100352xf32, #tpu.memory_space<vmem>>[vector<16xi32>], vector<16xf32>,
      %swap3A_461 = arith.constant 0 : i32
      %swap3A_462 = arith.index_cast %rem3A_176 : i32 to index
      %swap3A_463 = arith.index_cast %swap3A_461 : i32 to index
      %swap3A_464 = arith.constant 352 : index
      %swap3A_465 = tpu.vector_load %arg11[%swap3A_462, %swap3A_463, %swap3A_464] {strides = array<i32>} : memref<2x1x1664xf32, #tpu.memory_space<vmem>>, vector<16xf32>,
      tpu.vector_store %arg11[%swap3A_462, %swap3A_463, %swap3A_464], %gather3A_460 {strides = array<i32>} : memref<2x1x1664xf32, #tpu.memory_space<vmem>>, vector<16xf32>,
      %get3A_466 = arith.constant 0 : i32
      %get3A_467 = arith.index_cast %rem3A_176 : i32 to index
      %get3A_468 = arith.index_cast %get3A_466 : i32 to index
      %get3A_469 = arith.constant 368 : index
      %get3A_470 = tpu.vector_load %arg10[%get3A_467, %get3A_468, %get3A_469] {strides = array<i32>} : memref<2x1x1664xi32, #tpu.memory_space<vmem>>, vector<16xi32>,
      %gather3A_471 = tpu.vector_load_idx %arg15[%get3A_470] : memref<100352xf32, #tpu.memory_space<vmem>>[vector<16xi32>], vector<16xf32>,
      %swap3A_472 = arith.constant 0 : i32
      %swap3A_473 = arith.index_cast %rem3A_176 : i32 to index
      %swap3A_474 = arith.index_cast %swap3A_472 : i32 to index
      %swap3A_475 = arith.constant 368 : index
      %swap3A_476 = tpu.vector_load %arg11[%swap3A_473, %swap3A_474, %swap3A_475] {strides = array<i32>} : memref<2x1x1664xf32, #tpu.memory_space<vmem>>, vector<16xf32>,
      tpu.vector_store %arg11[%swap3A_473, %swap3A_474, %swap3A_475], %gather3A_471 {strides = array<i32>} : memref<2x1x1664xf32, #tpu.memory_space<vmem>>, vector<16xf32>,
      %get3A_477 = arith.constant 0 : i32
      %get3A_478 = arith.index_cast %rem3A_176 : i32 to index
      %get3A_479 = arith.index_cast %get3A_477 : i32 to index
      %get3A_480 = arith.constant 384 : index
      %get3A_481 = tpu.vector_load %arg10[%get3A_478, %get3A_479, %get3A_480] {strides = array<i32>} : memref<2x1x1664xi32, #tpu.memory_space<vmem>>, vector<16xi32>,
      %gather3A_482 = tpu.vector_load_idx %arg15[%get3A_481] : memref<100352xf32, #tpu.memory_space<vmem>>[vector<16xi32>], vector<16xf32>,
      %swap3A_483 = arith.constant 0 : i32
      %swap3A_484 = arith.index_cast %rem3A_176 : i32 to index
      %swap3A_485 = arith.index_cast %swap3A_483 : i32 to index
      %swap3A_486 = arith.constant 384 : index
      %swap3A_487 = tpu.vector_load %arg11[%swap3A_484, %swap3A_485, %swap3A_486] {strides = array<i32>} : memref<2x1x1664xf32, #tpu.memory_space<vmem>>, vector<16xf32>,
      tpu.vector_store %arg11[%swap3A_484, %swap3A_485, %swap3A_486], %gather3A_482 {strides = array<i32>} : memref<2x1x1664xf32, #tpu.memory_space<vmem>>, vector<16xf32>,
      %get3A_488 = arith.constant 0 : i32
      %get3A_489 = arith.index_cast %rem3A_176 : i32 to index
      %get3A_490 = arith.index_cast %get3A_488 : i32 to index
      %get3A_491 = arith.constant 400 : index
      %get3A_492 = tpu.vector_load %arg10[%get3A_489, %get3A_490, %get3A_491] {strides = array<i32>} : memref<2x1x1664xi32, #tpu.memory_space<vmem>>, vector<16xi32>,
      %gather3A_493 = tpu.vector_load_idx %arg15[%get3A_492] : memref<100352xf32, #tpu.memory_space<vmem>>[vector<16xi32>], vector<16xf32>,
      %swap3A_494 = arith.constant 0 : i32
      %swap3A_495 = arith.index_cast %rem3A_176 : i32 to index
      %swap3A_496 = arith.index_cast %swap3A_494 : i32 to index
      %swap3A_497 = arith.constant 400 : index
      %swap3A_498 = tpu.vector_load %arg11[%swap3A_495, %swap3A_496, %swap3A_497] {strides = array<i32>} : memref<2x1x1664xf32, #tpu.memory_space<vmem>>, vector<16xf32>,
      tpu.vector_store %arg11[%swap3A_495, %swap3A_496, %swap3A_497], %gather3A_493 {strides = array<i32>} : memref<2x1x1664xf32, #tpu.memory_space<vmem>>, vector<16xf32>,
      %get3A_499 = arith.constant 0 : i32
      %get3A_500 = arith.index_cast %rem3A_176 : i32 to index
      %get3A_501 = arith.index_cast %get3A_499 : i32 to index
      %get3A_502 = arith.constant 416 : index
      %get3A_503 = tpu.vector_load %arg10[%get3A_500, %get3A_501, %get3A_502] {strides = array<i32>} : memref<2x1x1664xi32, #tpu.memory_space<vmem>>, vector<16xi32>,
      %gather3A_504 = tpu.vector_load_idx %arg15[%get3A_503] : memref<100352xf32, #tpu.memory_space<vmem>>[vector<16xi32>], vector<16xf32>,
      %swap3A_505 = arith.constant 0 : i32
      %swap3A_506 = arith.index_cast %rem3A_176 : i32 to index
      %swap3A_507 = arith.index_cast %swap3A_505 : i32 to index
      %swap3A_508 = arith.constant 416 : index
      %swap3A_509 = tpu.vector_load %arg11[%swap3A_506, %swap3A_507, %swap3A_508] {strides = array<i32>} : memref<2x1x1664xf32, #tpu.memory_space<vmem>>, vector<16xf32>,
      tpu.vector_store %arg11[%swap3A_506, %swap3A_507, %swap3A_508], %gather3A_504 {strides = array<i32>} : memref<2x1x1664xf32, #tpu.memory_space<vmem>>, vector<16xf32>,
      %get3A_510 = arith.constant 0 : i32
      %get3A_511 = arith.index_cast %rem3A_176 : i32 to index
      %get3A_512 = arith.index_cast %get3A_510 : i32 to index
      %get3A_513 = arith.constant 432 : index
      %get3A_514 = tpu.vector_load %arg10[%get3A_511, %get3A_512, %get3A_513] {strides = array<i32>} : memref<2x1x1664xi32, #tpu.memory_space<vmem>>, vector<16xi32>,
      %gather3A_515 = tpu.vector_load_idx %arg15[%get3A_514] : memref<100352xf32, #tpu.memory_space<vmem>>[vector<16xi32>], vector<16xf32>,
      %swap3A_516 = arith.constant 0 : i32
      %swap3A_517 = arith.index_cast %rem3A_176 : i32 to index
      %swap3A_518 = arith.index_cast %swap3A_516 : i32 to index
      %swap3A_519 = arith.constant 432 : index
      %swap3A_520 = tpu.vector_load %arg11[%swap3A_517, %swap3A_518, %swap3A_519] {strides = array<i32>} : memref<2x1x1664xf32, #tpu.memory_space<vmem>>, vector<16xf32>,
      tpu.vector_store %arg11[%swap3A_517, %swap3A_518, %swap3A_519], %gather3A_515 {strides = array<i32>} : memref<2x1x1664xf32, #tpu.memory_space<vmem>>, vector<16xf32>,
      %get3A_521 = arith.constant 0 : i32
      %get3A_522 = arith.index_cast %rem3A_176 : i32 to index
      %get3A_523 = arith.index_cast %get3A_521 : i32 to index
      %get3A_524 = arith.constant 448 : index
      %get3A_525 = tpu.vector_load %arg10[%get3A_522, %get3A_523, %get3A_524] {strides = array<i32>} : memref<2x1x1664xi32, #tpu.memory_space<vmem>>, vector<16xi32>,
      %gather3A_526 = tpu.vector_load_idx %arg15[%get3A_525] : memref<100352xf32, #tpu.memory_space<vmem>>[vector<16xi32>], vector<16xf32>,
      %swap3A_527 = arith.constant 0 : i32
      %swap3A_528 = arith.index_cast %rem3A_176 : i32 to index
      %swap3A_529 = arith.index_cast %swap3A_527 : i32 to index
      %swap3A_530 = arith.constant 448 : index
      %swap3A_531 = tpu.vector_load %arg11[%swap3A_528, %swap3A_529, %swap3A_530] {strides = array<i32>} : memref<2x1x1664xf32, #tpu.memory_space<vmem>>, vector<16xf32>,
      tpu.vector_store %arg11[%swap3A_528, %swap3A_529, %swap3A_530], %gather3A_526 {strides = array<i32>} : memref<2x1x1664xf32, #tpu.memory_space<vmem>>, vector<16xf32>,
      %get3A_532 = arith.constant 0 : i32
      %get3A_533 = arith.index_cast %rem3A_176 : i32 to index
      %get3A_534 = arith.index_cast %get3A_532 : i32 to index
      %get3A_535 = arith.constant 464 : index
      %get3A_536 = tpu.vector_load %arg10[%get3A_533, %get3A_534, %get3A_535] {strides = array<i32>} : memref<2x1x1664xi32, #tpu.memory_space<vmem>>, vector<16xi32>,
      %gather3A_537 = tpu.vector_load_idx %arg15[%get3A_536] : memref<100352xf32, #tpu.memory_space<vmem>>[vector<16xi32>], vector<16xf32>,
      %swap3A_538 = arith.constant 0 : i32
      %swap3A_539 = arith.index_cast %rem3A_176 : i32 to index
      %swap3A_540 = arith.index_cast %swap3A_538 : i32 to index
      %swap3A_541 = arith.constant 464 : index
      %swap3A_542 = tpu.vector_load %arg11[%swap3A_539, %swap3A_540, %swap3A_541] {strides = array<i32>} : memref<2x1x1664xf32, #tpu.memory_space<vmem>>, vector<16xf32>,
      tpu.vector_store %arg11[%swap3A_539, %swap3A_540, %swap3A_541], %gather3A_537 {strides = array<i32>} : memref<2x1x1664xf32, #tpu.memory_space<vmem>>, vector<16xf32>,
      %get3A_543 = arith.constant 0 : i32
      %get3A_544 = arith.index_cast %rem3A_176 : i32 to index
      %get3A_545 = arith.index_cast %get3A_543 : i32 to index
      %get3A_546 = arith.constant 480 : index
      %get3A_547 = tpu.vector_load %arg10[%get3A_544, %get3A_545, %get3A_546] {strides = array<i32>} : memref<2x1x1664xi32, #tpu.memory_space<vmem>>, vector<16xi32>,
      %gather3A_548 = tpu.vector_load_idx %arg15[%get3A_547] : memref<100352xf32, #tpu.memory_space<vmem>>[vector<16xi32>], vector<16xf32>,
      %swap3A_549 = arith.constant 0 : i32
      %swap3A_550 = arith.index_cast %rem3A_176 : i32 to index
      %swap3A_551 = arith.index_cast %swap3A_549 : i32 to index
      %swap3A_552 = arith.constant 480 : index
      %swap3A_553 = tpu.vector_load %arg11[%swap3A_550, %swap3A_551, %swap3A_552] {strides = array<i32>} : memref<2x1x1664xf32, #tpu.memory_space<vmem>>, vector<16xf32>,
      tpu.vector_store %arg11[%swap3A_550, %swap3A_551, %swap3A_552], %gather3A_548 {strides = array<i32>} : memref<2x1x1664xf32, #tpu.memory_space<vmem>>, vector<16xf32>,
      %get3A_554 = arith.constant 0 : i32
      %get3A_555 = arith.index_cast %rem3A_176 : i32 to index
      %get3A_556 = arith.index_cast %get3A_554 : i32 to index
      %get3A_557 = arith.constant 496 : index
      %get3A_558 = tpu.vector_load %arg10[%get3A_555, %get3A_556, %get3A_557] {strides = array<i32>} : memref<2x1x1664xi32, #tpu.memory_space<vmem>>, vector<16xi32>,
      %gather3A_559 = tpu.vector_load_idx %arg15[%get3A_558] : memref<100352xf32, #tpu.memory_space<vmem>>[vector<16xi32>], vector<16xf32>,
      %swap3A_560 = arith.constant 0 : i32
      %swap3A_561 = arith.index_cast %rem3A_176 : i32 to index
      %swap3A_562 = arith.index_cast %swap3A_560 : i32 to index
      %swap3A_563 = arith.constant 496 : index
      %swap3A_564 = tpu.vector_load %arg11[%swap3A_561, %swap3A_562, %swap3A_563] {strides = array<i32>} : memref<2x1x1664xf32, #tpu.memory_space<vmem>>, vector<16xf32>,
      tpu.vector_store %arg11[%swap3A_561, %swap3A_562, %swap3A_563], %gather3A_559 {strides = array<i32>} : memref<2x1x1664xf32, #tpu.memory_space<vmem>>, vector<16xf32>,
      %get3A_565 = arith.constant 0 : i32
      %get3A_566 = arith.index_cast %rem3A_176 : i32 to index
      %get3A_567 = arith.index_cast %get3A_565 : i32 to index
      %get3A_568 = arith.constant 512 : index
      %get3A_569 = tpu.vector_load %arg10[%get3A_566, %get3A_567, %get3A_568] {strides = array<i32>} : memref<2x1x1664xi32, #tpu.memory_space<vmem>>, vector<16xi32>,
      %gather3A_570 = tpu.vector_load_idx %arg15[%get3A_569] : memref<100352xf32, #tpu.memory_space<vmem>>[vector<16xi32>], vector<16xf32>,
      %swap3A_571 = arith.constant 0 : i32
      %swap3A_572 = arith.index_cast %rem3A_176 : i32 to index
      %swap3A_573 = arith.index_cast %swap3A_571 : i32 to index
      %swap3A_574 = arith.constant 512 : index
      %swap3A_575 = tpu.vector_load %arg11[%swap3A_572, %swap3A_573, %swap3A_574] {strides = array<i32>} : memref<2x1x1664xf32, #tpu.memory_space<vmem>>, vector<16xf32>,
      tpu.vector_store %arg11[%swap3A_572, %swap3A_573, %swap3A_574], %gather3A_570 {strides = array<i32>} : memref<2x1x1664xf32, #tpu.memory_space<vmem>>, vector<16xf32>,
      %get3A_576 = arith.constant 0 : i32
      %get3A_577 = arith.index_cast %rem3A_176 : i32 to index
      %get3A_578 = arith.index_cast %get3A_576 : i32 to index
      %get3A_579 = arith.constant 528 : index
      %get3A_580 = tpu.vector_load %arg10[%get3A_577, %get3A_578, %get3A_579] {strides = array<i32>} : memref<2x1x1664xi32, #tpu.memory_space<vmem>>, vector<16xi32>,
      %gather3A_581 = tpu.vector_load_idx %arg15[%get3A_580] : memref<100352xf32, #tpu.memory_space<vmem>>[vector<16xi32>], vector<16xf32>,
      %swap3A_582 = arith.constant 0 : i32
      %swap3A_583 = arith.index_cast %rem3A_176 : i32 to index
      %swap3A_584 = arith.index_cast %swap3A_582 : i32 to index
      %swap3A_585 = arith.constant 528 : index
      %swap3A_586 = tpu.vector_load %arg11[%swap3A_583, %swap3A_584, %swap3A_585] {strides = array<i32>} : memref<2x1x1664xf32, #tpu.memory_space<vmem>>, vector<16xf32>,
      tpu.vector_store %arg11[%swap3A_583, %swap3A_584, %swap3A_585], %gather3A_581 {strides = array<i32>} : memref<2x1x1664xf32, #tpu.memory_space<vmem>>, vector<16xf32>,
      %get3A_587 = arith.constant 0 : i32
      %get3A_588 = arith.index_cast %rem3A_176 : i32 to index
      %get3A_589 = arith.index_cast %get3A_587 : i32 to index
      %get3A_590 = arith.constant 544 : index
      %get3A_591 = tpu.vector_load %arg10[%get3A_588, %get3A_589, %get3A_590] {strides = array<i32>} : memref<2x1x1664xi32, #tpu.memory_space<vmem>>, vector<16xi32>,
      %gather3A_592 = tpu.vector_load_idx %arg15[%get3A_591] : memref<100352xf32, #tpu.memory_space<vmem>>[vector<16xi32>], vector<16xf32>,
      %swap3A_593 = arith.constant 0 : i32
      %swap3A_594 = arith.index_cast %rem3A_176 : i32 to index
      %swap3A_595 = arith.index_cast %swap3A_593 : i32 to index
      %swap3A_596 = arith.constant 544 : index
      %swap3A_597 = tpu.vector_load %arg11[%swap3A_594, %swap3A_595, %swap3A_596] {strides = array<i32>} : memref<2x1x1664xf32, #tpu.memory_space<vmem>>, vector<16xf32>,
      tpu.vector_store %arg11[%swap3A_594, %swap3A_595, %swap3A_596], %gather3A_592 {strides = array<i32>} : memref<2x1x1664xf32, #tpu.memory_space<vmem>>, vector<16xf32>,
      %get3A_598 = arith.constant 0 : i32
      %get3A_599 = arith.index_cast %rem3A_176 : i32 to index
      %get3A_600 = arith.index_cast %get3A_598 : i32 to index
      %get3A_601 = arith.constant 560 : index
      %get3A_602 = tpu.vector_load %arg10[%get3A_599, %get3A_600, %get3A_601] {strides = array<i32>} : memref<2x1x1664xi32, #tpu.memory_space<vmem>>, vector<16xi32>,
      %gather3A_603 = tpu.vector_load_idx %arg15[%get3A_602] : memref<100352xf32, #tpu.memory_space<vmem>>[vector<16xi32>], vector<16xf32>,
      %swap3A_604 = arith.constant 0 : i32
      %swap3A_605 = arith.index_cast %rem3A_176 : i32 to index
      %swap3A_606 = arith.index_cast %swap3A_604 : i32 to index
      %swap3A_607 = arith.constant 560 : index
      %swap3A_608 = tpu.vector_load %arg11[%swap3A_605, %swap3A_606, %swap3A_607] {strides = array<i32>} : memref<2x1x1664xf32, #tpu.memory_space<vmem>>, vector<16xf32>,
      tpu.vector_store %arg11[%swap3A_605, %swap3A_606, %swap3A_607], %gather3A_603 {strides = array<i32>} : memref<2x1x1664xf32, #tpu.memory_space<vmem>>, vector<16xf32>,
      %get3A_609 = arith.constant 0 : i32
      %get3A_610 = arith.index_cast %rem3A_176 : i32 to index
      %get3A_611 = arith.index_cast %get3A_609 : i32 to index
      %get3A_612 = arith.constant 576 : index
      %get3A_613 = tpu.vector_load %arg10[%get3A_610, %get3A_611, %get3A_612] {strides = array<i32>} : memref<2x1x1664xi32, #tpu.memory_space<vmem>>, vector<16xi32>,
      %gather3A_614 = tpu.vector_load_idx %arg15[%get3A_613] : memref<100352xf32, #tpu.memory_space<vmem>>[vector<16xi32>], vector<16xf32>,
      %swap3A_615 = arith.constant 0 : i32
      %swap3A_616 = arith.index_cast %rem3A_176 : i32 to index
      %swap3A_617 = arith.index_cast %swap3A_615 : i32 to index
      %swap3A_618 = arith.constant 576 : index
      %swap3A_619 = tpu.vector_load %arg11[%swap3A_616, %swap3A_617, %swap3A_618] {strides = array<i32>} : memref<2x1x1664xf32, #tpu.memory_space<vmem>>, vector<16xf32>,
      tpu.vector_store %arg11[%swap3A_616, %swap3A_617, %swap3A_618], %gather3A_614 {strides = array<i32>} : memref<2x1x1664xf32, #tpu.memory_space<vmem>>, vector<16xf32>,
      %get3A_620 = arith.constant 0 : i32
      %get3A_621 = arith.index_cast %rem3A_176 : i32 to index
      %get3A_622 = arith.index_cast %get3A_620 : i32 to index
      %get3A_623 = arith.constant 592 : index
      %get3A_624 = tpu.vector_load %arg10[%get3A_621, %get3A_622, %get3A_623] {strides = array<i32>} : memref<2x1x1664xi32, #tpu.memory_space<vmem>>, vector<16xi32>,
      %gather3A_625 = tpu.vector_load_idx %arg15[%get3A_624] : memref<100352xf32, #tpu.memory_space<vmem>>[vector<16xi32>], vector<16xf32>,
      %swap3A_626 = arith.constant 0 : i32
      %swap3A_627 = arith.index_cast %rem3A_176 : i32 to index
      %swap3A_628 = arith.index_cast %swap3A_626 : i32 to index
      %swap3A_629 = arith.constant 592 : index
      %swap3A_630 = tpu.vector_load %arg11[%swap3A_627, %swap3A_628, %swap3A_629] {strides = array<i32>} : memref<2x1x1664xf32, #tpu.memory_space<vmem>>, vector<16xf32>,
      tpu.vector_store %arg11[%swap3A_627, %swap3A_628, %swap3A_629], %gather3A_625 {strides = array<i32>} : memref<2x1x1664xf32, #tpu.memory_space<vmem>>, vector<16xf32>,
      %get3A_631 = arith.constant 0 : i32
      %get3A_632 = arith.index_cast %rem3A_176 : i32 to index
      %get3A_633 = arith.index_cast %get3A_631 : i32 to index
      %get3A_634 = arith.constant 608 : index
      %get3A_635 = tpu.vector_load %arg10[%get3A_632, %get3A_633, %get3A_634] {strides = array<i32>} : memref<2x1x1664xi32, #tpu.memory_space<vmem>>, vector<16xi32>,
      %gather3A_636 = tpu.vector_load_idx %arg15[%get3A_635] : memref<100352xf32, #tpu.memory_space<vmem>>[vector<16xi32>], vector<16xf32>,
      %swap3A_637 = arith.constant 0 : i32
      %swap3A_638 = arith.index_cast %rem3A_176 : i32 to index
      %swap3A_639 = arith.index_cast %swap3A_637 : i32 to index
      %swap3A_640 = arith.constant 608 : index
      %swap3A_641 = tpu.vector_load %arg11[%swap3A_638, %swap3A_639, %swap3A_640] {strides = array<i32>} : memref<2x1x1664xf32, #tpu.memory_space<vmem>>, vector<16xf32>,
      tpu.vector_store %arg11[%swap3A_638, %swap3A_639, %swap3A_640], %gather3A_636 {strides = array<i32>} : memref<2x1x1664xf32, #tpu.memory_space<vmem>>, vector<16xf32>,
      %get3A_642 = arith.constant 0 : i32
      %get3A_643 = arith.index_cast %rem3A_176 : i32 to index
      %get3A_644 = arith.index_cast %get3A_642 : i32 to index
      %get3A_645 = arith.constant 624 : index
      %get3A_646 = tpu.vector_load %arg10[%get3A_643, %get3A_644, %get3A_645] {strides = array<i32>} : memref<2x1x1664xi32, #tpu.memory_space<vmem>>, vector<16xi32>,
      %gather3A_647 = tpu.vector_load_idx %arg15[%get3A_646] : memref<100352xf32, #tpu.memory_space<vmem>>[vector<16xi32>], vector<16xf32>,
      %swap3A_648 = arith.constant 0 : i32
      %swap3A_649 = arith.index_cast %rem3A_176 : i32 to index
      %swap3A_650 = arith.index_cast %swap3A_648 : i32 to index
      %swap3A_651 = arith.constant 624 : index
      %swap3A_652 = tpu.vector_load %arg11[%swap3A_649, %swap3A_650, %swap3A_651] {strides = array<i32>} : memref<2x1x1664xf32, #tpu.memory_space<vmem>>, vector<16xf32>,
      tpu.vector_store %arg11[%swap3A_649, %swap3A_650, %swap3A_651], %gather3A_647 {strides = array<i32>} : memref<2x1x1664xf32, #tpu.memory_space<vmem>>, vector<16xf32>,
      %get3A_653 = arith.constant 0 : i32
      %get3A_654 = arith.index_cast %rem3A_176 : i32 to index
      %get3A_655 = arith.index_cast %get3A_653 : i32 to index
      %get3A_656 = arith.constant 640 : index
      %get3A_657 = tpu.vector_load %arg10[%get3A_654, %get3A_655, %get3A_656] {strides = array<i32>} : memref<2x1x1664xi32, #tpu.memory_space<vmem>>, vector<16xi32>,
      %gather3A_658 = tpu.vector_load_idx %arg15[%get3A_657] : memref<100352xf32, #tpu.memory_space<vmem>>[vector<16xi32>], vector<16xf32>,
      %swap3A_659 = arith.constant 0 : i32
      %swap3A_660 = arith.index_cast %rem3A_176 : i32 to index
      %swap3A_661 = arith.index_cast %swap3A_659 : i32 to index
      %swap3A_662 = arith.constant 640 : index
      %swap3A_663 = tpu.vector_load %arg11[%swap3A_660, %swap3A_661, %swap3A_662] {strides = array<i32>} : memref<2x1x1664xf32, #tpu.memory_space<vmem>>, vector<16xf32>,
      tpu.vector_store %arg11[%swap3A_660, %swap3A_661, %swap3A_662], %gather3A_658 {strides = array<i32>} : memref<2x1x1664xf32, #tpu.memory_space<vmem>>, vector<16xf32>,
      %get3A_664 = arith.constant 0 : i32
      %get3A_665 = arith.index_cast %rem3A_176 : i32 to index
      %get3A_666 = arith.index_cast %get3A_664 : i32 to index
      %get3A_667 = arith.constant 656 : index
      %get3A_668 = tpu.vector_load %arg10[%get3A_665, %get3A_666, %get3A_667] {strides = array<i32>} : memref<2x1x1664xi32, #tpu.memory_space<vmem>>, vector<16xi32>,
      %gather3A_669 = tpu.vector_load_idx %arg15[%get3A_668] : memref<100352xf32, #tpu.memory_space<vmem>>[vector<16xi32>], vector<16xf32>,
      %swap3A_670 = arith.constant 0 : i32
      %swap3A_671 = arith.index_cast %rem3A_176 : i32 to index
      %swap3A_672 = arith.index_cast %swap3A_670 : i32 to index
      %swap3A_673 = arith.constant 656 : index
      %swap3A_674 = tpu.vector_load %arg11[%swap3A_671, %swap3A_672, %swap3A_673] {strides = array<i32>} : memref<2x1x1664xf32, #tpu.memory_space<vmem>>, vector<16xf32>,
      tpu.vector_store %arg11[%swap3A_671, %swap3A_672, %swap3A_673], %gather3A_669 {strides = array<i32>} : memref<2x1x1664xf32, #tpu.memory_space<vmem>>, vector<16xf32>,
      %get3A_675 = arith.constant 0 : i32
      %get3A_676 = arith.index_cast %rem3A_176 : i32 to index
      %get3A_677 = arith.index_cast %get3A_675 : i32 to index
      %get3A_678 = arith.constant 672 : index
      %get3A_679 = tpu.vector_load %arg10[%get3A_676, %get3A_677, %get3A_678] {strides = array<i32>} : memref<2x1x1664xi32, #tpu.memory_space<vmem>>, vector<16xi32>,
      %gather3A_680 = tpu.vector_load_idx %arg15[%get3A_679] : memref<100352xf32, #tpu.memory_space<vmem>>[vector<16xi32>], vector<16xf32>,
      %swap3A_681 = arith.constant 0 : i32
      %swap3A_682 = arith.index_cast %rem3A_176 : i32 to index
      %swap3A_683 = arith.index_cast %swap3A_681 : i32 to index
      %swap3A_684 = arith.constant 672 : index
      %swap3A_685 = tpu.vector_load %arg11[%swap3A_682, %swap3A_683, %swap3A_684] {strides = array<i32>} : memref<2x1x1664xf32, #tpu.memory_space<vmem>>, vector<16xf32>,
      tpu.vector_store %arg11[%swap3A_682, %swap3A_683, %swap3A_684], %gather3A_680 {strides = array<i32>} : memref<2x1x1664xf32, #tpu.memory_space<vmem>>, vector<16xf32>,
      %get3A_686 = arith.constant 0 : i32
      %get3A_687 = arith.index_cast %rem3A_176 : i32 to index
      %get3A_688 = arith.index_cast %get3A_686 : i32 to index
      %get3A_689 = arith.constant 688 : index
      %get3A_690 = tpu.vector_load %arg10[%get3A_687, %get3A_688, %get3A_689] {strides = array<i32>} : memref<2x1x1664xi32, #tpu.memory_space<vmem>>, vector<16xi32>,
      %gather3A_691 = tpu.vector_load_idx %arg15[%get3A_690] : memref<100352xf32, #tpu.memory_space<vmem>>[vector<16xi32>], vector<16xf32>,
      %swap3A_692 = arith.constant 0 : i32
      %swap3A_693 = arith.index_cast %rem3A_176 : i32 to index
      %swap3A_694 = arith.index_cast %swap3A_692 : i32 to index
      %swap3A_695 = arith.constant 688 : index
      %swap3A_696 = tpu.vector_load %arg11[%swap3A_693, %swap3A_694, %swap3A_695] {strides = array<i32>} : memref<2x1x1664xf32, #tpu.memory_space<vmem>>, vector<16xf32>,
      tpu.vector_store %arg11[%swap3A_693, %swap3A_694, %swap3A_695], %gather3A_691 {strides = array<i32>} : memref<2x1x1664xf32, #tpu.memory_space<vmem>>, vector<16xf32>,
      %get3A_697 = arith.constant 0 : i32
      %get3A_698 = arith.index_cast %rem3A_176 : i32 to index
      %get3A_699 = arith.index_cast %get3A_697 : i32 to index
      %get3A_700 = arith.constant 704 : index
      %get3A_701 = tpu.vector_load %arg10[%get3A_698, %get3A_699, %get3A_700] {strides = array<i32>} : memref<2x1x1664xi32, #tpu.memory_space<vmem>>, vector<16xi32>,
      %gather3A_702 = tpu.vector_load_idx %arg15[%get3A_701] : memref<100352xf32, #tpu.memory_space<vmem>>[vector<16xi32>], vector<16xf32>,
      %swap3A_703 = arith.constant 0 : i32
      %swap3A_704 = arith.index_cast %rem3A_176 : i32 to index
      %swap3A_705 = arith.index_cast %swap3A_703 : i32 to index
      %swap3A_706 = arith.constant 704 : index
      %swap3A_707 = tpu.vector_load %arg11[%swap3A_704, %swap3A_705, %swap3A_706] {strides = array<i32>} : memref<2x1x1664xf32, #tpu.memory_space<vmem>>, vector<16xf32>,
      tpu.vector_store %arg11[%swap3A_704, %swap3A_705, %swap3A_706], %gather3A_702 {strides = array<i32>} : memref<2x1x1664xf32, #tpu.memory_space<vmem>>, vector<16xf32>,
      %get3A_708 = arith.constant 0 : i32
      %get3A_709 = arith.index_cast %rem3A_176 : i32 to index
      %get3A_710 = arith.index_cast %get3A_708 : i32 to index
      %get3A_711 = arith.constant 720 : index
      %get3A_712 = tpu.vector_load %arg10[%get3A_709, %get3A_710, %get3A_711] {strides = array<i32>} : memref<2x1x1664xi32, #tpu.memory_space<vmem>>, vector<16xi32>,
      %gather3A_713 = tpu.vector_load_idx %arg15[%get3A_712] : memref<100352xf32, #tpu.memory_space<vmem>>[vector<16xi32>], vector<16xf32>,
      %swap3A_714 = arith.constant 0 : i32
      %swap3A_715 = arith.index_cast %rem3A_176 : i32 to index
      %swap3A_716 = arith.index_cast %swap3A_714 : i32 to index
      %swap3A_717 = arith.constant 720 : index
      %swap3A_718 = tpu.vector_load %arg11[%swap3A_715, %swap3A_716, %swap3A_717] {strides = array<i32>} : memref<2x1x1664xf32, #tpu.memory_space<vmem>>, vector<16xf32>,
      tpu.vector_store %arg11[%swap3A_715, %swap3A_716, %swap3A_717], %gather3A_713 {strides = array<i32>} : memref<2x1x1664xf32, #tpu.memory_space<vmem>>, vector<16xf32>,
      %get3A_719 = arith.constant 0 : i32
      %get3A_720 = arith.index_cast %rem3A_176 : i32 to index
      %get3A_721 = arith.index_cast %get3A_719 : i32 to index
      %get3A_722 = arith.constant 736 : index
      %get3A_723 = tpu.vector_load %arg10[%get3A_720, %get3A_721, %get3A_722] {strides = array<i32>} : memref<2x1x1664xi32, #tpu.memory_space<vmem>>, vector<16xi32>,
      %gather3A_724 = tpu.vector_load_idx %arg15[%get3A_723] : memref<100352xf32, #tpu.memory_space<vmem>>[vector<16xi32>], vector<16xf32>,
      %swap3A_725 = arith.constant 0 : i32
      %swap3A_726 = arith.index_cast %rem3A_176 : i32 to index
      %swap3A_727 = arith.index_cast %swap3A_725 : i32 to index
      %swap3A_728 = arith.constant 736 : index
      %swap3A_729 = tpu.vector_load %arg11[%swap3A_726, %swap3A_727, %swap3A_728] {strides = array<i32>} : memref<2x1x1664xf32, #tpu.memory_space<vmem>>, vector<16xf32>,
      tpu.vector_store %arg11[%swap3A_726, %swap3A_727, %swap3A_728], %gather3A_724 {strides = array<i32>} : memref<2x1x1664xf32, #tpu.memory_space<vmem>>, vector<16xf32>,
      %get3A_730 = arith.constant 0 : i32
      %get3A_731 = arith.index_cast %rem3A_176 : i32 to index
      %get3A_732 = arith.index_cast %get3A_730 : i32 to index
      %get3A_733 = arith.constant 752 : index
      %get3A_734 = tpu.vector_load %arg10[%get3A_731, %get3A_732, %get3A_733] {strides = array<i32>} : memref<2x1x1664xi32, #tpu.memory_space<vmem>>, vector<16xi32>,
      %gather3A_735 = tpu.vector_load_idx %arg15[%get3A_734] : memref<100352xf32, #tpu.memory_space<vmem>>[vector<16xi32>], vector<16xf32>,
      %swap3A_736 = arith.constant 0 : i32
      %swap3A_737 = arith.index_cast %rem3A_176 : i32 to index
      %swap3A_738 = arith.index_cast %swap3A_736 : i32 to index
      %swap3A_739 = arith.constant 752 : index
      %swap3A_740 = tpu.vector_load %arg11[%swap3A_737, %swap3A_738, %swap3A_739] {strides = array<i32>} : memref<2x1x1664xf32, #tpu.memory_space<vmem>>, vector<16xf32>,
      tpu.vector_store %arg11[%swap3A_737, %swap3A_738, %swap3A_739], %gather3A_735 {strides = array<i32>} : memref<2x1x1664xf32, #tpu.memory_space<vmem>>, vector<16xf32>,
      %get3A_741 = arith.constant 0 : i32
      %get3A_742 = arith.index_cast %rem3A_176 : i32 to index
      %get3A_743 = arith.index_cast %get3A_741 : i32 to index
      %get3A_744 = arith.constant 768 : index
      %get3A_745 = tpu.vector_load %arg10[%get3A_742, %get3A_743, %get3A_744] {strides = array<i32>} : memref<2x1x1664xi32, #tpu.memory_space<vmem>>, vector<16xi32>,
      %gather3A_746 = tpu.vector_load_idx %arg15[%get3A_745] : memref<100352xf32, #tpu.memory_space<vmem>>[vector<16xi32>], vector<16xf32>,
      %swap3A_747 = arith.constant 0 : i32
      %swap3A_748 = arith.index_cast %rem3A_176 : i32 to index
      %swap3A_749 = arith.index_cast %swap3A_747 : i32 to index
      %swap3A_750 = arith.constant 768 : index
      %swap3A_751 = tpu.vector_load %arg11[%swap3A_748, %swap3A_749, %swap3A_750] {strides = array<i32>} : memref<2x1x1664xf32, #tpu.memory_space<vmem>>, vector<16xf32>,
      tpu.vector_store %arg11[%swap3A_748, %swap3A_749, %swap3A_750], %gather3A_746 {strides = array<i32>} : memref<2x1x1664xf32, #tpu.memory_space<vmem>>, vector<16xf32>,
      %get3A_752 = arith.constant 0 : i32
      %get3A_753 = arith.index_cast %rem3A_176 : i32 to index
      %get3A_754 = arith.index_cast %get3A_752 : i32 to index
      %get3A_755 = arith.constant 784 : index
      %get3A_756 = tpu.vector_load %arg10[%get3A_753, %get3A_754, %get3A_755] {strides = array<i32>} : memref<2x1x1664xi32, #tpu.memory_space<vmem>>, vector<16xi32>,
      %gather3A_757 = tpu.vector_load_idx %arg15[%get3A_756] : memref<100352xf32, #tpu.memory_space<vmem>>[vector<16xi32>], vector<16xf32>,
      %swap3A_758 = arith.constant 0 : i32
      %swap3A_759 = arith.index_cast %rem3A_176 : i32 to index
      %swap3A_760 = arith.index_cast %swap3A_758 : i32 to index
      %swap3A_761 = arith.constant 784 : index
      %swap3A_762 = tpu.vector_load %arg11[%swap3A_759, %swap3A_760, %swap3A_761] {strides = array<i32>} : memref<2x1x1664xf32, #tpu.memory_space<vmem>>, vector<16xf32>,
      tpu.vector_store %arg11[%swap3A_759, %swap3A_760, %swap3A_761], %gather3A_757 {strides = array<i32>} : memref<2x1x1664xf32, #tpu.memory_space<vmem>>, vector<16xf32>,
      %get3A_763 = arith.constant 0 : i32
      %get3A_764 = arith.index_cast %rem3A_176 : i32 to index
      %get3A_765 = arith.index_cast %get3A_763 : i32 to index
      %get3A_766 = arith.constant 800 : index
      %get3A_767 = tpu.vector_load %arg10[%get3A_764, %get3A_765, %get3A_766] {strides = array<i32>} : memref<2x1x1664xi32, #tpu.memory_space<vmem>>, vector<16xi32>,
      %gather3A_768 = tpu.vector_load_idx %arg15[%get3A_767] : memref<100352xf32, #tpu.memory_space<vmem>>[vector<16xi32>], vector<16xf32>,
      %swap3A_769 = arith.constant 0 : i32
      %swap3A_770 = arith.index_cast %rem3A_176 : i32 to index
      %swap3A_771 = arith.index_cast %swap3A_769 : i32 to index
      %swap3A_772 = arith.constant 800 : index
      %swap3A_773 = tpu.vector_load %arg11[%swap3A_770, %swap3A_771, %swap3A_772] {strides = array<i32>} : memref<2x1x1664xf32, #tpu.memory_space<vmem>>, vector<16xf32>,
      tpu.vector_store %arg11[%swap3A_770, %swap3A_771, %swap3A_772], %gather3A_768 {strides = array<i32>} : memref<2x1x1664xf32, #tpu.memory_space<vmem>>, vector<16xf32>,
      %get3A_774 = arith.constant 0 : i32
      %get3A_775 = arith.index_cast %rem3A_176 : i32 to index
      %get3A_776 = arith.index_cast %get3A_774 : i32 to index
      %get3A_777 = arith.constant 816 : index
      %get3A_778 = tpu.vector_load %arg10[%get3A_775, %get3A_776, %get3A_777] {strides = array<i32>} : memref<2x1x1664xi32, #tpu.memory_space<vmem>>, vector<16xi32>,
      %gather3A_779 = tpu.vector_load_idx %arg15[%get3A_778] : memref<100352xf32, #tpu.memory_space<vmem>>[vector<16xi32>], vector<16xf32>,
      %swap3A_780 = arith.constant 0 : i32
      %swap3A_781 = arith.index_cast %rem3A_176 : i32 to index
      %swap3A_782 = arith.index_cast %swap3A_780 : i32 to index
      %swap3A_783 = arith.constant 816 : index
      %swap3A_784 = tpu.vector_load %arg11[%swap3A_781, %swap3A_782, %swap3A_783] {strides = array<i32>} : memref<2x1x1664xf32, #tpu.memory_space<vmem>>, vector<16xf32>,
      tpu.vector_store %arg11[%swap3A_781, %swap3A_782, %swap3A_783], %gather3A_779 {strides = array<i32>} : memref<2x1x1664xf32, #tpu.memory_space<vmem>>, vector<16xf32>,
      %get3A_785 = arith.constant 0 : i32
      %get3A_786 = arith.index_cast %rem3A_176 : i32 to index
      %get3A_787 = arith.index_cast %get3A_785 : i32 to index
      %get3A_788 = arith.constant 832 : index
      %get3A_789 = tpu.vector_load %arg10[%get3A_786, %get3A_787, %get3A_788] {strides = array<i32>} : memref<2x1x1664xi32, #tpu.memory_space<vmem>>, vector<16xi32>,
      %gather3A_790 = tpu.vector_load_idx %arg15[%get3A_789] : memref<100352xf32, #tpu.memory_space<vmem>>[vector<16xi32>], vector<16xf32>,
      %swap3A_791 = arith.constant 0 : i32
      %swap3A_792 = arith.index_cast %rem3A_176 : i32 to index
      %swap3A_793 = arith.index_cast %swap3A_791 : i32 to index
      %swap3A_794 = arith.constant 832 : index
      %swap3A_795 = tpu.vector_load %arg11[%swap3A_792, %swap3A_793, %swap3A_794] {strides = array<i32>} : memref<2x1x1664xf32, #tpu.memory_space<vmem>>, vector<16xf32>,
      tpu.vector_store %arg11[%swap3A_792, %swap3A_793, %swap3A_794], %gather3A_790 {strides = array<i32>} : memref<2x1x1664xf32, #tpu.memory_space<vmem>>, vector<16xf32>,
      %get3A_796 = arith.constant 0 : i32
      %get3A_797 = arith.index_cast %rem3A_176 : i32 to index
      %get3A_798 = arith.index_cast %get3A_796 : i32 to index
      %get3A_799 = arith.constant 848 : index
      %get3A_800 = tpu.vector_load %arg10[%get3A_797, %get3A_798, %get3A_799] {strides = array<i32>} : memref<2x1x1664xi32, #tpu.memory_space<vmem>>, vector<16xi32>,
      %gather3A_801 = tpu.vector_load_idx %arg15[%get3A_800] : memref<100352xf32, #tpu.memory_space<vmem>>[vector<16xi32>], vector<16xf32>,
      %swap3A_802 = arith.constant 0 : i32
      %swap3A_803 = arith.index_cast %rem3A_176 : i32 to index
      %swap3A_804 = arith.index_cast %swap3A_802 : i32 to index
      %swap3A_805 = arith.constant 848 : index
      %swap3A_806 = tpu.vector_load %arg11[%swap3A_803, %swap3A_804, %swap3A_805] {strides = array<i32>} : memref<2x1x1664xf32, #tpu.memory_space<vmem>>, vector<16xf32>,
      tpu.vector_store %arg11[%swap3A_803, %swap3A_804, %swap3A_805], %gather3A_801 {strides = array<i32>} : memref<2x1x1664xf32, #tpu.memory_space<vmem>>, vector<16xf32>,
      %get3A_807 = arith.constant 0 : i32
      %get3A_808 = arith.index_cast %rem3A_176 : i32 to index
      %get3A_809 = arith.index_cast %get3A_807 : i32 to index
      %get3A_810 = arith.constant 864 : index
      %get3A_811 = tpu.vector_load %arg10[%get3A_808, %get3A_809, %get3A_810] {strides = array<i32>} : memref<2x1x1664xi32, #tpu.memory_space<vmem>>, vector<16xi32>,
      %gather3A_812 = tpu.vector_load_idx %arg15[%get3A_811] : memref<100352xf32, #tpu.memory_space<vmem>>[vector<16xi32>], vector<16xf32>,
      %swap3A_813 = arith.constant 0 : i32
      %swap3A_814 = arith.index_cast %rem3A_176 : i32 to index
      %swap3A_815 = arith.index_cast %swap3A_813 : i32 to index
      %swap3A_816 = arith.constant 864 : index
      %swap3A_817 = tpu.vector_load %arg11[%swap3A_814, %swap3A_815, %swap3A_816] {strides = array<i32>} : memref<2x1x1664xf32, #tpu.memory_space<vmem>>, vector<16xf32>,
      tpu.vector_store %arg11[%swap3A_814, %swap3A_815, %swap3A_816], %gather3A_812 {strides = array<i32>} : memref<2x1x1664xf32, #tpu.memory_space<vmem>>, vector<16xf32>,
      %get3A_818 = arith.constant 0 : i32
      %get3A_819 = arith.index_cast %rem3A_176 : i32 to index
      %get3A_820 = arith.index_cast %get3A_818 : i32 to index
      %get3A_821 = arith.constant 880 : index
      %get3A_822 = tpu.vector_load %arg10[%get3A_819, %get3A_820, %get3A_821] {strides = array<i32>} : memref<2x1x1664xi32, #tpu.memory_space<vmem>>, vector<16xi32>,
      %gather3A_823 = tpu.vector_load_idx %arg15[%get3A_822] : memref<100352xf32, #tpu.memory_space<vmem>>[vector<16xi32>], vector<16xf32>,
      %swap3A_824 = arith.constant 0 : i32
      %swap3A_825 = arith.index_cast %rem3A_176 : i32 to index
      %swap3A_826 = arith.index_cast %swap3A_824 : i32 to index
      %swap3A_827 = arith.constant 880 : index
      %swap3A_828 = tpu.vector_load %arg11[%swap3A_825, %swap3A_826, %swap3A_827] {strides = array<i32>} : memref<2x1x1664xf32, #tpu.memory_space<vmem>>, vector<16xf32>,
      tpu.vector_store %arg11[%swap3A_825, %swap3A_826, %swap3A_827], %gather3A_823 {strides = array<i32>} : memref<2x1x1664xf32, #tpu.memory_space<vmem>>, vector<16xf32>,
      %get3A_829 = arith.constant 0 : i32
      %get3A_830 = arith.index_cast %rem3A_176 : i32 to index
      %get3A_831 = arith.index_cast %get3A_829 : i32 to index
      %get3A_832 = arith.constant 896 : index
      %get3A_833 = tpu.vector_load %arg10[%get3A_830, %get3A_831, %get3A_832] {strides = array<i32>} : memref<2x1x1664xi32, #tpu.memory_space<vmem>>, vector<16xi32>,
      %gather3A_834 = tpu.vector_load_idx %arg15[%get3A_833] : memref<100352xf32, #tpu.memory_space<vmem>>[vector<16xi32>], vector<16xf32>,
      %swap3A_835 = arith.constant 0 : i32
      %swap3A_836 = arith.index_cast %rem3A_176 : i32 to index
      %swap3A_837 = arith.index_cast %swap3A_835 : i32 to index
      %swap3A_838 = arith.constant 896 : index
      %swap3A_839 = tpu.vector_load %arg11[%swap3A_836, %swap3A_837, %swap3A_838] {strides = array<i32>} : memref<2x1x1664xf32, #tpu.memory_space<vmem>>, vector<16xf32>,
      tpu.vector_store %arg11[%swap3A_836, %swap3A_837, %swap3A_838], %gather3A_834 {strides = array<i32>} : memref<2x1x1664xf32, #tpu.memory_space<vmem>>, vector<16xf32>,
      %get3A_840 = arith.constant 0 : i32
      %get3A_841 = arith.index_cast %rem3A_176 : i32 to index
      %get3A_842 = arith.index_cast %get3A_840 : i32 to index
      %get3A_843 = arith.constant 912 : index
      %get3A_844 = tpu.vector_load %arg10[%get3A_841, %get3A_842, %get3A_843] {strides = array<i32>} : memref<2x1x1664xi32, #tpu.memory_space<vmem>>, vector<16xi32>,
      %gather3A_845 = tpu.vector_load_idx %arg15[%get3A_844] : memref<100352xf32, #tpu.memory_space<vmem>>[vector<16xi32>], vector<16xf32>,
      %swap3A_846 = arith.constant 0 : i32
      %swap3A_847 = arith.index_cast %rem3A_176 : i32 to index
      %swap3A_848 = arith.index_cast %swap3A_846 : i32 to index
      %swap3A_849 = arith.constant 912 : index
      %swap3A_850 = tpu.vector_load %arg11[%swap3A_847, %swap3A_848, %swap3A_849] {strides = array<i32>} : memref<2x1x1664xf32, #tpu.memory_space<vmem>>, vector<16xf32>,
      tpu.vector_store %arg11[%swap3A_847, %swap3A_848, %swap3A_849], %gather3A_845 {strides = array<i32>} : memref<2x1x1664xf32, #tpu.memory_space<vmem>>, vector<16xf32>,
      %get3A_851 = arith.constant 0 : i32
      %get3A_852 = arith.index_cast %rem3A_176 : i32 to index
      %get3A_853 = arith.index_cast %get3A_851 : i32 to index
      %get3A_854 = arith.constant 928 : index
      %get3A_855 = tpu.vector_load %arg10[%get3A_852, %get3A_853, %get3A_854] {strides = array<i32>} : memref<2x1x1664xi32, #tpu.memory_space<vmem>>, vector<16xi32>,
      %gather3A_856 = tpu.vector_load_idx %arg15[%get3A_855] : memref<100352xf32, #tpu.memory_space<vmem>>[vector<16xi32>], vector<16xf32>,
      %swap3A_857 = arith.constant 0 : i32
      %swap3A_858 = arith.index_cast %rem3A_176 : i32 to index
      %swap3A_859 = arith.index_cast %swap3A_857 : i32 to index
      %swap3A_860 = arith.constant 928 : index
      %swap3A_861 = tpu.vector_load %arg11[%swap3A_858, %swap3A_859, %swap3A_860] {strides = array<i32>} : memref<2x1x1664xf32, #tpu.memory_space<vmem>>, vector<16xf32>,
      tpu.vector_store %arg11[%swap3A_858, %swap3A_859, %swap3A_860], %gather3A_856 {strides = array<i32>} : memref<2x1x1664xf32, #tpu.memory_space<vmem>>, vector<16xf32>,
      %get3A_862 = arith.constant 0 : i32
      %get3A_863 = arith.index_cast %rem3A_176 : i32 to index
      %get3A_864 = arith.index_cast %get3A_862 : i32 to index
      %get3A_865 = arith.constant 944 : index
      %get3A_866 = tpu.vector_load %arg10[%get3A_863, %get3A_864, %get3A_865] {strides = array<i32>} : memref<2x1x1664xi32, #tpu.memory_space<vmem>>, vector<16xi32>,
      %gather3A_867 = tpu.vector_load_idx %arg15[%get3A_866] : memref<100352xf32, #tpu.memory_space<vmem>>[vector<16xi32>], vector<16xf32>,
      %swap3A_868 = arith.constant 0 : i32
      %swap3A_869 = arith.index_cast %rem3A_176 : i32 to index
      %swap3A_870 = arith.index_cast %swap3A_868 : i32 to index
      %swap3A_871 = arith.constant 944 : index
      %swap3A_872 = tpu.vector_load %arg11[%swap3A_869, %swap3A_870, %swap3A_871] {strides = array<i32>} : memref<2x1x1664xf32, #tpu.memory_space<vmem>>, vector<16xf32>,
      tpu.vector_store %arg11[%swap3A_869, %swap3A_870, %swap3A_871], %gather3A_867 {strides = array<i32>} : memref<2x1x1664xf32, #tpu.memory_space<vmem>>, vector<16xf32>,
      %get3A_873 = arith.constant 0 : i32
      %get3A_874 = arith.index_cast %rem3A_176 : i32 to index
      %get3A_875 = arith.index_cast %get3A_873 : i32 to index
      %get3A_876 = arith.constant 960 : index
      %get3A_877 = tpu.vector_load %arg10[%get3A_874, %get3A_875, %get3A_876] {strides = array<i32>} : memref<2x1x1664xi32, #tpu.memory_space<vmem>>, vector<16xi32>,
      %gather3A_878 = tpu.vector_load_idx %arg15[%get3A_877] : memref<100352xf32, #tpu.memory_space<vmem>>[vector<16xi32>], vector<16xf32>,
      %swap3A_879 = arith.constant 0 : i32
      %swap3A_880 = arith.index_cast %rem3A_176 : i32 to index
      %swap3A_881 = arith.index_cast %swap3A_879 : i32 to index
      %swap3A_882 = arith.constant 960 : index
      %swap3A_883 = tpu.vector_load %arg11[%swap3A_880, %swap3A_881, %swap3A_882] {strides = array<i32>} : memref<2x1x1664xf32, #tpu.memory_space<vmem>>, vector<16xf32>,
      tpu.vector_store %arg11[%swap3A_880, %swap3A_881, %swap3A_882], %gather3A_878 {strides = array<i32>} : memref<2x1x1664xf32, #tpu.memory_space<vmem>>, vector<16xf32>,
      %get3A_884 = arith.constant 0 : i32
      %get3A_885 = arith.index_cast %rem3A_176 : i32 to index
      %get3A_886 = arith.index_cast %get3A_884 : i32 to index
      %get3A_887 = arith.constant 976 : index
      %get3A_888 = tpu.vector_load %arg10[%get3A_885, %get3A_886, %get3A_887] {strides = array<i32>} : memref<2x1x1664xi32, #tpu.memory_space<vmem>>, vector<16xi32>,
      %gather3A_889 = tpu.vector_load_idx %arg15[%get3A_888] : memref<100352xf32, #tpu.memory_space<vmem>>[vector<16xi32>], vector<16xf32>,
      %swap3A_890 = arith.constant 0 : i32
      %swap3A_891 = arith.index_cast %rem3A_176 : i32 to index
      %swap3A_892 = arith.index_cast %swap3A_890 : i32 to index
      %swap3A_893 = arith.constant 976 : index
      %swap3A_894 = tpu.vector_load %arg11[%swap3A_891, %swap3A_892, %swap3A_893] {strides = array<i32>} : memref<2x1x1664xf32, #tpu.memory_space<vmem>>, vector<16xf32>,
      tpu.vector_store %arg11[%swap3A_891, %swap3A_892, %swap3A_893], %gather3A_889 {strides = array<i32>} : memref<2x1x1664xf32, #tpu.memory_space<vmem>>, vector<16xf32>,
      %get3A_895 = arith.constant 0 : i32
      %get3A_896 = arith.index_cast %rem3A_176 : i32 to index
      %get3A_897 = arith.index_cast %get3A_895 : i32 to index
      %get3A_898 = arith.constant 992 : index
      %get3A_899 = tpu.vector_load %arg10[%get3A_896, %get3A_897, %get3A_898] {strides = array<i32>} : memref<2x1x1664xi32, #tpu.memory_space<vmem>>, vector<16xi32>,
      %gather3A_900 = tpu.vector_load_idx %arg15[%get3A_899] : memref<100352xf32, #tpu.memory_space<vmem>>[vector<16xi32>], vector<16xf32>,
      %swap3A_901 = arith.constant 0 : i32
      %swap3A_902 = arith.index_cast %rem3A_176 : i32 to index
      %swap3A_903 = arith.index_cast %swap3A_901 : i32 to index
      %swap3A_904 = arith.constant 992 : index
      %swap3A_905 = tpu.vector_load %arg11[%swap3A_902, %swap3A_903, %swap3A_904] {strides = array<i32>} : memref<2x1x1664xf32, #tpu.memory_space<vmem>>, vector<16xf32>,
      tpu.vector_store %arg11[%swap3A_902, %swap3A_903, %swap3A_904], %gather3A_900 {strides = array<i32>} : memref<2x1x1664xf32, #tpu.memory_space<vmem>>, vector<16xf32>,
      %get3A_906 = arith.constant 0 : i32
      %get3A_907 = arith.index_cast %rem3A_176 : i32 to index
      %get3A_908 = arith.index_cast %get3A_906 : i32 to index
      %get3A_909 = arith.constant 1008 : index
      %get3A_910 = tpu.vector_load %arg10[%get3A_907, %get3A_908, %get3A_909] {strides = array<i32>} : memref<2x1x1664xi32, #tpu.memory_space<vmem>>, vector<16xi32>,
      %gather3A_911 = tpu.vector_load_idx %arg15[%get3A_910] : memref<100352xf32, #tpu.memory_space<vmem>>[vector<16xi32>], vector<16xf32>,
      %swap3A_912 = arith.constant 0 : i32
      %swap3A_913 = arith.index_cast %rem3A_176 : i32 to index
      %swap3A_914 = arith.index_cast %swap3A_912 : i32 to index
      %swap3A_915 = arith.constant 1008 : index
      %swap3A_916 = tpu.vector_load %arg11[%swap3A_913, %swap3A_914, %swap3A_915] {strides = array<i32>} : memref<2x1x1664xf32, #tpu.memory_space<vmem>>, vector<16xf32>,
      tpu.vector_store %arg11[%swap3A_913, %swap3A_914, %swap3A_915], %gather3A_911 {strides = array<i32>} : memref<2x1x1664xf32, #tpu.memory_space<vmem>>, vector<16xf32>,
      %get3A_917 = arith.constant 0 : i32
      %get3A_918 = arith.index_cast %rem3A_176 : i32 to index
      %get3A_919 = arith.index_cast %get3A_917 : i32 to index
      %get3A_920 = arith.constant 1024 : index
      %get3A_921 = tpu.vector_load %arg10[%get3A_918, %get3A_919, %get3A_920] {strides = array<i32>} : memref<2x1x1664xi32, #tpu.memory_space<vmem>>, vector<16xi32>,
      %gather3A_922 = tpu.vector_load_idx %arg15[%get3A_921] : memref<100352xf32, #tpu.memory_space<vmem>>[vector<16xi32>], vector<16xf32>,
      %swap3A_923 = arith.constant 0 : i32
      %swap3A_924 = arith.index_cast %rem3A_176 : i32 to index
      %swap3A_925 = arith.index_cast %swap3A_923 : i32 to index
      %swap3A_926 = arith.constant 1024 : index
      %swap3A_927 = tpu.vector_load %arg11[%swap3A_924, %swap3A_925, %swap3A_926] {strides = array<i32>} : memref<2x1x1664xf32, #tpu.memory_space<vmem>>, vector<16xf32>,
      tpu.vector_store %arg11[%swap3A_924, %swap3A_925, %swap3A_926], %gather3A_922 {strides = array<i32>} : memref<2x1x1664xf32, #tpu.memory_space<vmem>>, vector<16xf32>,
      %get3A_928 = arith.constant 0 : i32
      %get3A_929 = arith.index_cast %rem3A_176 : i32 to index
      %get3A_930 = arith.index_cast %get3A_928 : i32 to index
      %get3A_931 = arith.constant 1040 : index
      %get3A_932 = tpu.vector_load %arg10[%get3A_929, %get3A_930, %get3A_931] {strides = array<i32>} : memref<2x1x1664xi32, #tpu.memory_space<vmem>>, vector<16xi32>,
      %gather3A_933 = tpu.vector_load_idx %arg15[%get3A_932] : memref<100352xf32, #tpu.memory_space<vmem>>[vector<16xi32>], vector<16xf32>,
      %swap3A_934 = arith.constant 0 : i32
      %swap3A_935 = arith.index_cast %rem3A_176 : i32 to index
      %swap3A_936 = arith.index_cast %swap3A_934 : i32 to index
      %swap3A_937 = arith.constant 1040 : index
      %swap3A_938 = tpu.vector_load %arg11[%swap3A_935, %swap3A_936, %swap3A_937] {strides = array<i32>} : memref<2x1x1664xf32, #tpu.memory_space<vmem>>, vector<16xf32>,
      tpu.vector_store %arg11[%swap3A_935, %swap3A_936, %swap3A_937], %gather3A_933 {strides = array<i32>} : memref<2x1x1664xf32, #tpu.memory_space<vmem>>, vector<16xf32>,
      %get3A_939 = arith.constant 0 : i32
      %get3A_940 = arith.index_cast %rem3A_176 : i32 to index
      %get3A_941 = arith.index_cast %get3A_939 : i32 to index
      %get3A_942 = arith.constant 1056 : index
      %get3A_943 = tpu.vector_load %arg10[%get3A_940, %get3A_941, %get3A_942] {strides = array<i32>} : memref<2x1x1664xi32, #tpu.memory_space<vmem>>, vector<16xi32>,
      %gather3A_944 = tpu.vector_load_idx %arg15[%get3A_943] : memref<100352xf32, #tpu.memory_space<vmem>>[vector<16xi32>], vector<16xf32>,
      %swap3A_945 = arith.constant 0 : i32
      %swap3A_946 = arith.index_cast %rem3A_176 : i32 to index
      %swap3A_947 = arith.index_cast %swap3A_945 : i32 to index
      %swap3A_948 = arith.constant 1056 : index
      %swap3A_949 = tpu.vector_load %arg11[%swap3A_946, %swap3A_947, %swap3A_948] {strides = array<i32>} : memref<2x1x1664xf32, #tpu.memory_space<vmem>>, vector<16xf32>,
      tpu.vector_store %arg11[%swap3A_946, %swap3A_947, %swap3A_948], %gather3A_944 {strides = array<i32>} : memref<2x1x1664xf32, #tpu.memory_space<vmem>>, vector<16xf32>,
      %get3A_950 = arith.constant 0 : i32
      %get3A_951 = arith.index_cast %rem3A_176 : i32 to index
      %get3A_952 = arith.index_cast %get3A_950 : i32 to index
      %get3A_953 = arith.constant 1072 : index
      %get3A_954 = tpu.vector_load %arg10[%get3A_951, %get3A_952, %get3A_953] {strides = array<i32>} : memref<2x1x1664xi32, #tpu.memory_space<vmem>>, vector<16xi32>,
      %gather3A_955 = tpu.vector_load_idx %arg15[%get3A_954] : memref<100352xf32, #tpu.memory_space<vmem>>[vector<16xi32>], vector<16xf32>,
      %swap3A_956 = arith.constant 0 : i32
      %swap3A_957 = arith.index_cast %rem3A_176 : i32 to index
      %swap3A_958 = arith.index_cast %swap3A_956 : i32 to index
      %swap3A_959 = arith.constant 1072 : index
      %swap3A_960 = tpu.vector_load %arg11[%swap3A_957, %swap3A_958, %swap3A_959] {strides = array<i32>} : memref<2x1x1664xf32, #tpu.memory_space<vmem>>, vector<16xf32>,
      tpu.vector_store %arg11[%swap3A_957, %swap3A_958, %swap3A_959], %gather3A_955 {strides = array<i32>} : memref<2x1x1664xf32, #tpu.memory_space<vmem>>, vector<16xf32>,
      %get3A_961 = arith.constant 0 : i32
      %get3A_962 = arith.index_cast %rem3A_176 : i32 to index
      %get3A_963 = arith.index_cast %get3A_961 : i32 to index
      %get3A_964 = arith.constant 1088 : index
      %get3A_965 = tpu.vector_load %arg10[%get3A_962, %get3A_963, %get3A_964] {strides = array<i32>} : memref<2x1x1664xi32, #tpu.memory_space<vmem>>, vector<16xi32>,
      %gather3A_966 = tpu.vector_load_idx %arg15[%get3A_965] : memref<100352xf32, #tpu.memory_space<vmem>>[vector<16xi32>], vector<16xf32>,
      %swap3A_967 = arith.constant 0 : i32
      %swap3A_968 = arith.index_cast %rem3A_176 : i32 to index
      %swap3A_969 = arith.index_cast %swap3A_967 : i32 to index
      %swap3A_970 = arith.constant 1088 : index
      %swap3A_971 = tpu.vector_load %arg11[%swap3A_968, %swap3A_969, %swap3A_970] {strides = array<i32>} : memref<2x1x1664xf32, #tpu.memory_space<vmem>>, vector<16xf32>,
      tpu.vector_store %arg11[%swap3A_968, %swap3A_969, %swap3A_970], %gather3A_966 {strides = array<i32>} : memref<2x1x1664xf32, #tpu.memory_space<vmem>>, vector<16xf32>,
      %get3A_972 = arith.constant 0 : i32
      %get3A_973 = arith.index_cast %rem3A_176 : i32 to index
      %get3A_974 = arith.index_cast %get3A_972 : i32 to index
      %get3A_975 = arith.constant 1104 : index
      %get3A_976 = tpu.vector_load %arg10[%get3A_973, %get3A_974, %get3A_975] {strides = array<i32>} : memref<2x1x1664xi32, #tpu.memory_space<vmem>>, vector<16xi32>,
      %gather3A_977 = tpu.vector_load_idx %arg15[%get3A_976] : memref<100352xf32, #tpu.memory_space<vmem>>[vector<16xi32>], vector<16xf32>,
      %swap3A_978 = arith.constant 0 : i32
      %swap3A_979 = arith.index_cast %rem3A_176 : i32 to index
      %swap3A_980 = arith.index_cast %swap3A_978 : i32 to index
      %swap3A_981 = arith.constant 1104 : index
      %swap3A_982 = tpu.vector_load %arg11[%swap3A_979, %swap3A_980, %swap3A_981] {strides = array<i32>} : memref<2x1x1664xf32, #tpu.memory_space<vmem>>, vector<16xf32>,
      tpu.vector_store %arg11[%swap3A_979, %swap3A_980, %swap3A_981], %gather3A_977 {strides = array<i32>} : memref<2x1x1664xf32, #tpu.memory_space<vmem>>, vector<16xf32>,
      %get3A_983 = arith.constant 0 : i32
      %get3A_984 = arith.index_cast %rem3A_176 : i32 to index
      %get3A_985 = arith.index_cast %get3A_983 : i32 to index
      %get3A_986 = arith.constant 1120 : index
      %get3A_987 = tpu.vector_load %arg10[%get3A_984, %get3A_985, %get3A_986] {strides = array<i32>} : memref<2x1x1664xi32, #tpu.memory_space<vmem>>, vector<16xi32>,
      %gather3A_988 = tpu.vector_load_idx %arg15[%get3A_987] : memref<100352xf32, #tpu.memory_space<vmem>>[vector<16xi32>], vector<16xf32>,
      %swap3A_989 = arith.constant 0 : i32
      %swap3A_990 = arith.index_cast %rem3A_176 : i32 to index
      %swap3A_991 = arith.index_cast %swap3A_989 : i32 to index
      %swap3A_992 = arith.constant 1120 : index
      %swap3A_993 = tpu.vector_load %arg11[%swap3A_990, %swap3A_991, %swap3A_992] {strides = array<i32>} : memref<2x1x1664xf32, #tpu.memory_space<vmem>>, vector<16xf32>,
      tpu.vector_store %arg11[%swap3A_990, %swap3A_991, %swap3A_992], %gather3A_988 {strides = array<i32>} : memref<2x1x1664xf32, #tpu.memory_space<vmem>>, vector<16xf32>,
      %get3A_994 = arith.constant 0 : i32
      %get3A_995 = arith.index_cast %rem3A_176 : i32 to index
      %get3A_996 = arith.index_cast %get3A_994 : i32 to index
      %get3A_997 = arith.constant 1136 : index
      %get3A_998 = tpu.vector_load %arg10[%get3A_995, %get3A_996, %get3A_997] {strides = array<i32>} : memref<2x1x1664xi32, #tpu.memory_space<vmem>>, vector<16xi32>,
      %gather3A_999 = tpu.vector_load_idx %arg15[%get3A_998] : memref<100352xf32, #tpu.memory_space<vmem>>[vector<16xi32>], vector<16xf32>,
      %swap3A_1000 = arith.constant 0 : i32
      %swap3A_1001 = arith.index_cast %rem3A_176 : i32 to index
      %swap3A_1002 = arith.index_cast %swap3A_1000 : i32 to index
      %swap3A_1003 = arith.constant 1136 : index
      %swap3A_1004 = tpu.vector_load %arg11[%swap3A_1001, %swap3A_1002, %swap3A_1003] {strides = array<i32>} : memref<2x1x1664xf32, #tpu.memory_space<vmem>>, vector<16xf32>,
      tpu.vector_store %arg11[%swap3A_1001, %swap3A_1002, %swap3A_1003], %gather3A_999 {strides = array<i32>} : memref<2x1x1664xf32, #tpu.memory_space<vmem>>, vector<16xf32>,
      %get3A_1005 = arith.constant 0 : i32
      %get3A_1006 = arith.index_cast %rem3A_176 : i32 to index
      %get3A_1007 = arith.index_cast %get3A_1005 : i32 to index
      %get3A_1008 = arith.constant 1152 : index
      %get3A_1009 = tpu.vector_load %arg10[%get3A_1006, %get3A_1007, %get3A_1008] {strides = array<i32>} : memref<2x1x1664xi32, #tpu.memory_space<vmem>>, vector<16xi32>,
      %gather3A_1010 = tpu.vector_load_idx %arg15[%get3A_1009] : memref<100352xf32, #tpu.memory_space<vmem>>[vector<16xi32>], vector<16xf32>,
      %swap3A_1011 = arith.constant 0 : i32
      %swap3A_1012 = arith.index_cast %rem3A_176 : i32 to index
      %swap3A_1013 = arith.index_cast %swap3A_1011 : i32 to index
      %swap3A_1014 = arith.constant 1152 : index
      %swap3A_1015 = tpu.vector_load %arg11[%swap3A_1012, %swap3A_1013, %swap3A_1014] {strides = array<i32>} : memref<2x1x1664xf32, #tpu.memory_space<vmem>>, vector<16xf32>,
      tpu.vector_store %arg11[%swap3A_1012, %swap3A_1013, %swap3A_1014], %gather3A_1010 {strides = array<i32>} : memref<2x1x1664xf32, #tpu.memory_space<vmem>>, vector<16xf32>,
      %get3A_1016 = arith.constant 0 : i32
      %get3A_1017 = arith.index_cast %rem3A_176 : i32 to index
      %get3A_1018 = arith.index_cast %get3A_1016 : i32 to index
      %get3A_1019 = arith.constant 1168 : index
      %get3A_1020 = tpu.vector_load %arg10[%get3A_1017, %get3A_1018, %get3A_1019] {strides = array<i32>} : memref<2x1x1664xi32, #tpu.memory_space<vmem>>, vector<16xi32>,
      %gather3A_1021 = tpu.vector_load_idx %arg15[%get3A_1020] : memref<100352xf32, #tpu.memory_space<vmem>>[vector<16xi32>], vector<16xf32>,
      %swap3A_1022 = arith.constant 0 : i32
      %swap3A_1023 = arith.index_cast %rem3A_176 : i32 to index
      %swap3A_1024 = arith.index_cast %swap3A_1022 : i32 to index
      %swap3A_1025 = arith.constant 1168 : index
      %swap3A_1026 = tpu.vector_load %arg11[%swap3A_1023, %swap3A_1024, %swap3A_1025] {strides = array<i32>} : memref<2x1x1664xf32, #tpu.memory_space<vmem>>, vector<16xf32>,
      tpu.vector_store %arg11[%swap3A_1023, %swap3A_1024, %swap3A_1025], %gather3A_1021 {strides = array<i32>} : memref<2x1x1664xf32, #tpu.memory_space<vmem>>, vector<16xf32>,
      %get3A_1027 = arith.constant 0 : i32
      %get3A_1028 = arith.index_cast %rem3A_176 : i32 to index
      %get3A_1029 = arith.index_cast %get3A_1027 : i32 to index
      %get3A_1030 = arith.constant 1184 : index
      %get3A_1031 = tpu.vector_load %arg10[%get3A_1028, %get3A_1029, %get3A_1030] {strides = array<i32>} : memref<2x1x1664xi32, #tpu.memory_space<vmem>>, vector<16xi32>,
      %gather3A_1032 = tpu.vector_load_idx %arg15[%get3A_1031] : memref<100352xf32, #tpu.memory_space<vmem>>[vector<16xi32>], vector<16xf32>,
      %swap3A_1033 = arith.constant 0 : i32
      %swap3A_1034 = arith.index_cast %rem3A_176 : i32 to index
      %swap3A_1035 = arith.index_cast %swap3A_1033 : i32 to index
      %swap3A_1036 = arith.constant 1184 : index
      %swap3A_1037 = tpu.vector_load %arg11[%swap3A_1034, %swap3A_1035, %swap3A_1036] {strides = array<i32>} : memref<2x1x1664xf32, #tpu.memory_space<vmem>>, vector<16xf32>,
      tpu.vector_store %arg11[%swap3A_1034, %swap3A_1035, %swap3A_1036], %gather3A_1032 {strides = array<i32>} : memref<2x1x1664xf32, #tpu.memory_space<vmem>>, vector<16xf32>,
      %get3A_1038 = arith.constant 0 : i32
      %get3A_1039 = arith.index_cast %rem3A_176 : i32 to index
      %get3A_1040 = arith.index_cast %get3A_1038 : i32 to index
      %get3A_1041 = arith.constant 1200 : index
      %get3A_1042 = tpu.vector_load %arg10[%get3A_1039, %get3A_1040, %get3A_1041] {strides = array<i32>} : memref<2x1x1664xi32, #tpu.memory_space<vmem>>, vector<16xi32>,
      %gather3A_1043 = tpu.vector_load_idx %arg15[%get3A_1042] : memref<100352xf32, #tpu.memory_space<vmem>>[vector<16xi32>], vector<16xf32>,
      %swap3A_1044 = arith.constant 0 : i32
      %swap3A_1045 = arith.index_cast %rem3A_176 : i32 to index
      %swap3A_1046 = arith.index_cast %swap3A_1044 : i32 to index
      %swap3A_1047 = arith.constant 1200 : index
      %swap3A_1048 = tpu.vector_load %arg11[%swap3A_1045, %swap3A_1046, %swap3A_1047] {strides = array<i32>} : memref<2x1x1664xf32, #tpu.memory_space<vmem>>, vector<16xf32>,
      tpu.vector_store %arg11[%swap3A_1045, %swap3A_1046, %swap3A_1047], %gather3A_1043 {strides = array<i32>} : memref<2x1x1664xf32, #tpu.memory_space<vmem>>, vector<16xf32>,
      %get3A_1049 = arith.constant 0 : i32
      %get3A_1050 = arith.index_cast %rem3A_176 : i32 to index
      %get3A_1051 = arith.index_cast %get3A_1049 : i32 to index
      %get3A_1052 = arith.constant 1216 : index
      %get3A_1053 = tpu.vector_load %arg10[%get3A_1050, %get3A_1051, %get3A_1052] {strides = array<i32>} : memref<2x1x1664xi32, #tpu.memory_space<vmem>>, vector<16xi32>,
      %gather3A_1054 = tpu.vector_load_idx %arg15[%get3A_1053] : memref<100352xf32, #tpu.memory_space<vmem>>[vector<16xi32>], vector<16xf32>,
      %swap3A_1055 = arith.constant 0 : i32
      %swap3A_1056 = arith.index_cast %rem3A_176 : i32 to index
      %swap3A_1057 = arith.index_cast %swap3A_1055 : i32 to index
      %swap3A_1058 = arith.constant 1216 : index
      %swap3A_1059 = tpu.vector_load %arg11[%swap3A_1056, %swap3A_1057, %swap3A_1058] {strides = array<i32>} : memref<2x1x1664xf32, #tpu.memory_space<vmem>>, vector<16xf32>,
      tpu.vector_store %arg11[%swap3A_1056, %swap3A_1057, %swap3A_1058], %gather3A_1054 {strides = array<i32>} : memref<2x1x1664xf32, #tpu.memory_space<vmem>>, vector<16xf32>,
      %get3A_1060 = arith.constant 0 : i32
      %get3A_1061 = arith.index_cast %rem3A_176 : i32 to index
      %get3A_1062 = arith.index_cast %get3A_1060 : i32 to index
      %get3A_1063 = arith.constant 1232 : index
      %get3A_1064 = tpu.vector_load %arg10[%get3A_1061, %get3A_1062, %get3A_1063] {strides = array<i32>} : memref<2x1x1664xi32, #tpu.memory_space<vmem>>, vector<16xi32>,
      %gather3A_1065 = tpu.vector_load_idx %arg15[%get3A_1064] : memref<100352xf32, #tpu.memory_space<vmem>>[vector<16xi32>], vector<16xf32>,
      %swap3A_1066 = arith.constant 0 : i32
      %swap3A_1067 = arith.index_cast %rem3A_176 : i32 to index
      %swap3A_1068 = arith.index_cast %swap3A_1066 : i32 to index
      %swap3A_1069 = arith.constant 1232 : index
      %swap3A_1070 = tpu.vector_load %arg11[%swap3A_1067, %swap3A_1068, %swap3A_1069] {strides = array<i32>} : memref<2x1x1664xf32, #tpu.memory_space<vmem>>, vector<16xf32>,
      tpu.vector_store %arg11[%swap3A_1067, %swap3A_1068, %swap3A_1069], %gather3A_1065 {strides = array<i32>} : memref<2x1x1664xf32, #tpu.memory_space<vmem>>, vector<16xf32>,
      %get3A_1071 = arith.constant 0 : i32
      %get3A_1072 = arith.index_cast %rem3A_176 : i32 to index
      %get3A_1073 = arith.index_cast %get3A_1071 : i32 to index
      %get3A_1074 = arith.constant 1248 : index
      %get3A_1075 = tpu.vector_load %arg10[%get3A_1072, %get3A_1073, %get3A_1074] {strides = array<i32>} : memref<2x1x1664xi32, #tpu.memory_space<vmem>>, vector<16xi32>,
      %gather3A_1076 = tpu.vector_load_idx %arg15[%get3A_1075] : memref<100352xf32, #tpu.memory_space<vmem>>[vector<16xi32>], vector<16xf32>,
      %swap3A_1077 = arith.constant 0 : i32
      %swap3A_1078 = arith.index_cast %rem3A_176 : i32 to index
      %swap3A_1079 = arith.index_cast %swap3A_1077 : i32 to index
      %swap3A_1080 = arith.constant 1248 : index
      %swap3A_1081 = tpu.vector_load %arg11[%swap3A_1078, %swap3A_1079, %swap3A_1080] {strides = array<i32>} : memref<2x1x1664xf32, #tpu.memory_space<vmem>>, vector<16xf32>,
      tpu.vector_store %arg11[%swap3A_1078, %swap3A_1079, %swap3A_1080], %gather3A_1076 {strides = array<i32>} : memref<2x1x1664xf32, #tpu.memory_space<vmem>>, vector<16xf32>,
      %get3A_1082 = arith.constant 0 : i32
      %get3A_1083 = arith.index_cast %rem3A_176 : i32 to index
      %get3A_1084 = arith.index_cast %get3A_1082 : i32 to index
      %get3A_1085 = arith.constant 1264 : index
      %get3A_1086 = tpu.vector_load %arg10[%get3A_1083, %get3A_1084, %get3A_1085] {strides = array<i32>} : memref<2x1x1664xi32, #tpu.memory_space<vmem>>, vector<16xi32>,
      %gather3A_1087 = tpu.vector_load_idx %arg15[%get3A_1086] : memref<100352xf32, #tpu.memory_space<vmem>>[vector<16xi32>], vector<16xf32>,
      %swap3A_1088 = arith.constant 0 : i32
      %swap3A_1089 = arith.index_cast %rem3A_176 : i32 to index
      %swap3A_1090 = arith.index_cast %swap3A_1088 : i32 to index
      %swap3A_1091 = arith.constant 1264 : index
      %swap3A_1092 = tpu.vector_load %arg11[%swap3A_1089, %swap3A_1090, %swap3A_1091] {strides = array<i32>} : memref<2x1x1664xf32, #tpu.memory_space<vmem>>, vector<16xf32>,
      tpu.vector_store %arg11[%swap3A_1089, %swap3A_1090, %swap3A_1091], %gather3A_1087 {strides = array<i32>} : memref<2x1x1664xf32, #tpu.memory_space<vmem>>, vector<16xf32>,
      %get3A_1093 = arith.constant 0 : i32
      %get3A_1094 = arith.index_cast %rem3A_176 : i32 to index
      %get3A_1095 = arith.index_cast %get3A_1093 : i32 to index
      %get3A_1096 = arith.constant 1280 : index
      %get3A_1097 = tpu.vector_load %arg10[%get3A_1094, %get3A_1095, %get3A_1096] {strides = array<i32>} : memref<2x1x1664xi32, #tpu.memory_space<vmem>>, vector<16xi32>,
      %gather3A_1098 = tpu.vector_load_idx %arg15[%get3A_1097] : memref<100352xf32, #tpu.memory_space<vmem>>[vector<16xi32>], vector<16xf32>,
      %swap3A_1099 = arith.constant 0 : i32
      %swap3A_1100 = arith.index_cast %rem3A_176 : i32 to index
      %swap3A_1101 = arith.index_cast %swap3A_1099 : i32 to index
      %swap3A_1102 = arith.constant 1280 : index
      %swap3A_1103 = tpu.vector_load %arg11[%swap3A_1100, %swap3A_1101, %swap3A_1102] {strides = array<i32>} : memref<2x1x1664xf32, #tpu.memory_space<vmem>>, vector<16xf32>,
      tpu.vector_store %arg11[%swap3A_1100, %swap3A_1101, %swap3A_1102], %gather3A_1098 {strides = array<i32>} : memref<2x1x1664xf32, #tpu.memory_space<vmem>>, vector<16xf32>,
      %get3A_1104 = arith.constant 0 : i32
      %get3A_1105 = arith.index_cast %rem3A_176 : i32 to index
      %get3A_1106 = arith.index_cast %get3A_1104 : i32 to index
      %get3A_1107 = arith.constant 1296 : index
      %get3A_1108 = tpu.vector_load %arg10[%get3A_1105, %get3A_1106, %get3A_1107] {strides = array<i32>} : memref<2x1x1664xi32, #tpu.memory_space<vmem>>, vector<16xi32>,
      %gather3A_1109 = tpu.vector_load_idx %arg15[%get3A_1108] : memref<100352xf32, #tpu.memory_space<vmem>>[vector<16xi32>], vector<16xf32>,
      %swap3A_1110 = arith.constant 0 : i32
      %swap3A_1111 = arith.index_cast %rem3A_176 : i32 to index
      %swap3A_1112 = arith.index_cast %swap3A_1110 : i32 to index
      %swap3A_1113 = arith.constant 1296 : index
      %swap3A_1114 = tpu.vector_load %arg11[%swap3A_1111, %swap3A_1112, %swap3A_1113] {strides = array<i32>} : memref<2x1x1664xf32, #tpu.memory_space<vmem>>, vector<16xf32>,
      tpu.vector_store %arg11[%swap3A_1111, %swap3A_1112, %swap3A_1113], %gather3A_1109 {strides = array<i32>} : memref<2x1x1664xf32, #tpu.memory_space<vmem>>, vector<16xf32>,
      %get3A_1115 = arith.constant 0 : i32
      %get3A_1116 = arith.index_cast %rem3A_176 : i32 to index
      %get3A_1117 = arith.index_cast %get3A_1115 : i32 to index
      %get3A_1118 = arith.constant 1312 : index
      %get3A_1119 = tpu.vector_load %arg10[%get3A_1116, %get3A_1117, %get3A_1118] {strides = array<i32>} : memref<2x1x1664xi32, #tpu.memory_space<vmem>>, vector<16xi32>,
      %gather3A_1120 = tpu.vector_load_idx %arg15[%get3A_1119] : memref<100352xf32, #tpu.memory_space<vmem>>[vector<16xi32>], vector<16xf32>,
      %swap3A_1121 = arith.constant 0 : i32
      %swap3A_1122 = arith.index_cast %rem3A_176 : i32 to index
      %swap3A_1123 = arith.index_cast %swap3A_1121 : i32 to index
      %swap3A_1124 = arith.constant 1312 : index
      %swap3A_1125 = tpu.vector_load %arg11[%swap3A_1122, %swap3A_1123, %swap3A_1124] {strides = array<i32>} : memref<2x1x1664xf32, #tpu.memory_space<vmem>>, vector<16xf32>,
      tpu.vector_store %arg11[%swap3A_1122, %swap3A_1123, %swap3A_1124], %gather3A_1120 {strides = array<i32>} : memref<2x1x1664xf32, #tpu.memory_space<vmem>>, vector<16xf32>,
      %get3A_1126 = arith.constant 0 : i32
      %get3A_1127 = arith.index_cast %rem3A_176 : i32 to index
      %get3A_1128 = arith.index_cast %get3A_1126 : i32 to index
      %get3A_1129 = arith.constant 1328 : index
      %get3A_1130 = tpu.vector_load %arg10[%get3A_1127, %get3A_1128, %get3A_1129] {strides = array<i32>} : memref<2x1x1664xi32, #tpu.memory_space<vmem>>, vector<16xi32>,
      %gather3A_1131 = tpu.vector_load_idx %arg15[%get3A_1130] : memref<100352xf32, #tpu.memory_space<vmem>>[vector<16xi32>], vector<16xf32>,
      %swap3A_1132 = arith.constant 0 : i32
      %swap3A_1133 = arith.index_cast %rem3A_176 : i32 to index
      %swap3A_1134 = arith.index_cast %swap3A_1132 : i32 to index
      %swap3A_1135 = arith.constant 1328 : index
      %swap3A_1136 = tpu.vector_load %arg11[%swap3A_1133, %swap3A_1134, %swap3A_1135] {strides = array<i32>} : memref<2x1x1664xf32, #tpu.memory_space<vmem>>, vector<16xf32>,
      tpu.vector_store %arg11[%swap3A_1133, %swap3A_1134, %swap3A_1135], %gather3A_1131 {strides = array<i32>} : memref<2x1x1664xf32, #tpu.memory_space<vmem>>, vector<16xf32>,
      %get3A_1137 = arith.constant 0 : i32
      %get3A_1138 = arith.index_cast %rem3A_176 : i32 to index
      %get3A_1139 = arith.index_cast %get3A_1137 : i32 to index
      %get3A_1140 = arith.constant 1344 : index
      %get3A_1141 = tpu.vector_load %arg10[%get3A_1138, %get3A_1139, %get3A_1140] {strides = array<i32>} : memref<2x1x1664xi32, #tpu.memory_space<vmem>>, vector<16xi32>,
      %gather3A_1142 = tpu.vector_load_idx %arg15[%get3A_1141] : memref<100352xf32, #tpu.memory_space<vmem>>[vector<16xi32>], vector<16xf32>,
      %swap3A_1143 = arith.constant 0 : i32
      %swap3A_1144 = arith.index_cast %rem3A_176 : i32 to index
      %swap3A_1145 = arith.index_cast %swap3A_1143 : i32 to index
      %swap3A_1146 = arith.constant 1344 : index
      %swap3A_1147 = tpu.vector_load %arg11[%swap3A_1144, %swap3A_1145, %swap3A_1146] {strides = array<i32>} : memref<2x1x1664xf32, #tpu.memory_space<vmem>>, vector<16xf32>,
      tpu.vector_store %arg11[%swap3A_1144, %swap3A_1145, %swap3A_1146], %gather3A_1142 {strides = array<i32>} : memref<2x1x1664xf32, #tpu.memory_space<vmem>>, vector<16xf32>,
      %get3A_1148 = arith.constant 0 : i32
      %get3A_1149 = arith.index_cast %rem3A_176 : i32 to index
      %get3A_1150 = arith.index_cast %get3A_1148 : i32 to index
      %get3A_1151 = arith.constant 1360 : index
      %get3A_1152 = tpu.vector_load %arg10[%get3A_1149, %get3A_1150, %get3A_1151] {strides = array<i32>} : memref<2x1x1664xi32, #tpu.memory_space<vmem>>, vector<16xi32>,
      %gather3A_1153 = tpu.vector_load_idx %arg15[%get3A_1152] : memref<100352xf32, #tpu.memory_space<vmem>>[vector<16xi32>], vector<16xf32>,
      %swap3A_1154 = arith.constant 0 : i32
      %swap3A_1155 = arith.index_cast %rem3A_176 : i32 to index
      %swap3A_1156 = arith.index_cast %swap3A_1154 : i32 to index
      %swap3A_1157 = arith.constant 1360 : index
      %swap3A_1158 = tpu.vector_load %arg11[%swap3A_1155, %swap3A_1156, %swap3A_1157] {strides = array<i32>} : memref<2x1x1664xf32, #tpu.memory_space<vmem>>, vector<16xf32>,
      tpu.vector_store %arg11[%swap3A_1155, %swap3A_1156, %swap3A_1157], %gather3A_1153 {strides = array<i32>} : memref<2x1x1664xf32, #tpu.memory_space<vmem>>, vector<16xf32>,
      %get3A_1159 = arith.constant 0 : i32
      %get3A_1160 = arith.index_cast %rem3A_176 : i32 to index
      %get3A_1161 = arith.index_cast %get3A_1159 : i32 to index
      %get3A_1162 = arith.constant 1376 : index
      %get3A_1163 = tpu.vector_load %arg10[%get3A_1160, %get3A_1161, %get3A_1162] {strides = array<i32>} : memref<2x1x1664xi32, #tpu.memory_space<vmem>>, vector<16xi32>,
      %gather3A_1164 = tpu.vector_load_idx %arg15[%get3A_1163] : memref<100352xf32, #tpu.memory_space<vmem>>[vector<16xi32>], vector<16xf32>,
      %swap3A_1165 = arith.constant 0 : i32
      %swap3A_1166 = arith.index_cast %rem3A_176 : i32 to index
      %swap3A_1167 = arith.index_cast %swap3A_1165 : i32 to index
      %swap3A_1168 = arith.constant 1376 : index
      %swap3A_1169 = tpu.vector_load %arg11[%swap3A_1166, %swap3A_1167, %swap3A_1168] {strides = array<i32>} : memref<2x1x1664xf32, #tpu.memory_space<vmem>>, vector<16xf32>,
      tpu.vector_store %arg11[%swap3A_1166, %swap3A_1167, %swap3A_1168], %gather3A_1164 {strides = array<i32>} : memref<2x1x1664xf32, #tpu.memory_space<vmem>>, vector<16xf32>,
      %get3A_1170 = arith.constant 0 : i32
      %get3A_1171 = arith.index_cast %rem3A_176 : i32 to index
      %get3A_1172 = arith.index_cast %get3A_1170 : i32 to index
      %get3A_1173 = arith.constant 1392 : index
      %get3A_1174 = tpu.vector_load %arg10[%get3A_1171, %get3A_1172, %get3A_1173] {strides = array<i32>} : memref<2x1x1664xi32, #tpu.memory_space<vmem>>, vector<16xi32>,
      %gather3A_1175 = tpu.vector_load_idx %arg15[%get3A_1174] : memref<100352xf32, #tpu.memory_space<vmem>>[vector<16xi32>], vector<16xf32>,
      %swap3A_1176 = arith.constant 0 : i32
      %swap3A_1177 = arith.index_cast %rem3A_176 : i32 to index
      %swap3A_1178 = arith.index_cast %swap3A_1176 : i32 to index
      %swap3A_1179 = arith.constant 1392 : index
      %swap3A_1180 = tpu.vector_load %arg11[%swap3A_1177, %swap3A_1178, %swap3A_1179] {strides = array<i32>} : memref<2x1x1664xf32, #tpu.memory_space<vmem>>, vector<16xf32>,
      tpu.vector_store %arg11[%swap3A_1177, %swap3A_1178, %swap3A_1179], %gather3A_1175 {strides = array<i32>} : memref<2x1x1664xf32, #tpu.memory_space<vmem>>, vector<16xf32>,
      %get3A_1181 = arith.constant 0 : i32
      %get3A_1182 = arith.index_cast %rem3A_176 : i32 to index
      %get3A_1183 = arith.index_cast %get3A_1181 : i32 to index
      %get3A_1184 = arith.constant 1408 : index
      %get3A_1185 = tpu.vector_load %arg10[%get3A_1182, %get3A_1183, %get3A_1184] {strides = array<i32>} : memref<2x1x1664xi32, #tpu.memory_space<vmem>>, vector<16xi32>,
      %gather3A_1186 = tpu.vector_load_idx %arg15[%get3A_1185] : memref<100352xf32, #tpu.memory_space<vmem>>[vector<16xi32>], vector<16xf32>,
      %swap3A_1187 = arith.constant 0 : i32
      %swap3A_1188 = arith.index_cast %rem3A_176 : i32 to index
      %swap3A_1189 = arith.index_cast %swap3A_1187 : i32 to index
      %swap3A_1190 = arith.constant 1408 : index
      %swap3A_1191 = tpu.vector_load %arg11[%swap3A_1188, %swap3A_1189, %swap3A_1190] {strides = array<i32>} : memref<2x1x1664xf32, #tpu.memory_space<vmem>>, vector<16xf32>,
      tpu.vector_store %arg11[%swap3A_1188, %swap3A_1189, %swap3A_1190], %gather3A_1186 {strides = array<i32>} : memref<2x1x1664xf32, #tpu.memory_space<vmem>>, vector<16xf32>,
      %get3A_1192 = arith.constant 0 : i32
      %get3A_1193 = arith.index_cast %rem3A_176 : i32 to index
      %get3A_1194 = arith.index_cast %get3A_1192 : i32 to index
      %get3A_1195 = arith.constant 1424 : index
      %get3A_1196 = tpu.vector_load %arg10[%get3A_1193, %get3A_1194, %get3A_1195] {strides = array<i32>} : memref<2x1x1664xi32, #tpu.memory_space<vmem>>, vector<16xi32>,
      %gather3A_1197 = tpu.vector_load_idx %arg15[%get3A_1196] : memref<100352xf32, #tpu.memory_space<vmem>>[vector<16xi32>], vector<16xf32>,
      %swap3A_1198 = arith.constant 0 : i32
      %swap3A_1199 = arith.index_cast %rem3A_176 : i32 to index
      %swap3A_1200 = arith.index_cast %swap3A_1198 : i32 to index
      %swap3A_1201 = arith.constant 1424 : index
      %swap3A_1202 = tpu.vector_load %arg11[%swap3A_1199, %swap3A_1200, %swap3A_1201] {strides = array<i32>} : memref<2x1x1664xf32, #tpu.memory_space<vmem>>, vector<16xf32>,
      tpu.vector_store %arg11[%swap3A_1199, %swap3A_1200, %swap3A_1201], %gather3A_1197 {strides = array<i32>} : memref<2x1x1664xf32, #tpu.memory_space<vmem>>, vector<16xf32>,
      %get3A_1203 = arith.constant 0 : i32
      %get3A_1204 = arith.index_cast %rem3A_176 : i32 to index
      %get3A_1205 = arith.index_cast %get3A_1203 : i32 to index
      %get3A_1206 = arith.constant 1440 : index
      %get3A_1207 = tpu.vector_load %arg10[%get3A_1204, %get3A_1205, %get3A_1206] {strides = array<i32>} : memref<2x1x1664xi32, #tpu.memory_space<vmem>>, vector<16xi32>,
      %gather3A_1208 = tpu.vector_load_idx %arg15[%get3A_1207] : memref<100352xf32, #tpu.memory_space<vmem>>[vector<16xi32>], vector<16xf32>,
      %swap3A_1209 = arith.constant 0 : i32
      %swap3A_1210 = arith.index_cast %rem3A_176 : i32 to index
      %swap3A_1211 = arith.index_cast %swap3A_1209 : i32 to index
      %swap3A_1212 = arith.constant 1440 : index
      %swap3A_1213 = tpu.vector_load %arg11[%swap3A_1210, %swap3A_1211, %swap3A_1212] {strides = array<i32>} : memref<2x1x1664xf32, #tpu.memory_space<vmem>>, vector<16xf32>,
      tpu.vector_store %arg11[%swap3A_1210, %swap3A_1211, %swap3A_1212], %gather3A_1208 {strides = array<i32>} : memref<2x1x1664xf32, #tpu.memory_space<vmem>>, vector<16xf32>,
      %get3A_1214 = arith.constant 0 : i32
      %get3A_1215 = arith.index_cast %rem3A_176 : i32 to index
      %get3A_1216 = arith.index_cast %get3A_1214 : i32 to index
      %get3A_1217 = arith.constant 1456 : index
      %get3A_1218 = tpu.vector_load %arg10[%get3A_1215, %get3A_1216, %get3A_1217] {strides = array<i32>} : memref<2x1x1664xi32, #tpu.memory_space<vmem>>, vector<16xi32>,
      %gather3A_1219 = tpu.vector_load_idx %arg15[%get3A_1218] : memref<100352xf32, #tpu.memory_space<vmem>>[vector<16xi32>], vector<16xf32>,
      %swap3A_1220 = arith.constant 0 : i32
      %swap3A_1221 = arith.index_cast %rem3A_176 : i32 to index
      %swap3A_1222 = arith.index_cast %swap3A_1220 : i32 to index
      %swap3A_1223 = arith.constant 1456 : index
      %swap3A_1224 = tpu.vector_load %arg11[%swap3A_1221, %swap3A_1222, %swap3A_1223] {strides = array<i32>} : memref<2x1x1664xf32, #tpu.memory_space<vmem>>, vector<16xf32>,
      tpu.vector_store %arg11[%swap3A_1221, %swap3A_1222, %swap3A_1223], %gather3A_1219 {strides = array<i32>} : memref<2x1x1664xf32, #tpu.memory_space<vmem>>, vector<16xf32>,
      %get3A_1225 = arith.constant 0 : i32
      %get3A_1226 = arith.index_cast %rem3A_176 : i32 to index
      %get3A_1227 = arith.index_cast %get3A_1225 : i32 to index
      %get3A_1228 = arith.constant 1472 : index
      %get3A_1229 = tpu.vector_load %arg10[%get3A_1226, %get3A_1227, %get3A_1228] {strides = array<i32>} : memref<2x1x1664xi32, #tpu.memory_space<vmem>>, vector<16xi32>,
      %gather3A_1230 = tpu.vector_load_idx %arg15[%get3A_1229] : memref<100352xf32, #tpu.memory_space<vmem>>[vector<16xi32>], vector<16xf32>,
      %swap3A_1231 = arith.constant 0 : i32
      %swap3A_1232 = arith.index_cast %rem3A_176 : i32 to index
      %swap3A_1233 = arith.index_cast %swap3A_1231 : i32 to index
      %swap3A_1234 = arith.constant 1472 : index
      %swap3A_1235 = tpu.vector_load %arg11[%swap3A_1232, %swap3A_1233, %swap3A_1234] {strides = array<i32>} : memref<2x1x1664xf32, #tpu.memory_space<vmem>>, vector<16xf32>,
      tpu.vector_store %arg11[%swap3A_1232, %swap3A_1233, %swap3A_1234], %gather3A_1230 {strides = array<i32>} : memref<2x1x1664xf32, #tpu.memory_space<vmem>>, vector<16xf32>,
      %get3A_1236 = arith.constant 0 : i32
      %get3A_1237 = arith.index_cast %rem3A_176 : i32 to index
      %get3A_1238 = arith.index_cast %get3A_1236 : i32 to index
      %get3A_1239 = arith.constant 1488 : index
      %get3A_1240 = tpu.vector_load %arg10[%get3A_1237, %get3A_1238, %get3A_1239] {strides = array<i32>} : memref<2x1x1664xi32, #tpu.memory_space<vmem>>, vector<16xi32>,
      %gather3A_1241 = tpu.vector_load_idx %arg15[%get3A_1240] : memref<100352xf32, #tpu.memory_space<vmem>>[vector<16xi32>], vector<16xf32>,
      %swap3A_1242 = arith.constant 0 : i32
      %swap3A_1243 = arith.index_cast %rem3A_176 : i32 to index
      %swap3A_1244 = arith.index_cast %swap3A_1242 : i32 to index
      %swap3A_1245 = arith.constant 1488 : index
      %swap3A_1246 = tpu.vector_load %arg11[%swap3A_1243, %swap3A_1244, %swap3A_1245] {strides = array<i32>} : memref<2x1x1664xf32, #tpu.memory_space<vmem>>, vector<16xf32>,
      tpu.vector_store %arg11[%swap3A_1243, %swap3A_1244, %swap3A_1245], %gather3A_1241 {strides = array<i32>} : memref<2x1x1664xf32, #tpu.memory_space<vmem>>, vector<16xf32>,
      %get3A_1247 = arith.constant 0 : i32
      %get3A_1248 = arith.index_cast %rem3A_176 : i32 to index
      %get3A_1249 = arith.index_cast %get3A_1247 : i32 to index
      %get3A_1250 = arith.constant 1504 : index
      %get3A_1251 = tpu.vector_load %arg10[%get3A_1248, %get3A_1249, %get3A_1250] {strides = array<i32>} : memref<2x1x1664xi32, #tpu.memory_space<vmem>>, vector<16xi32>,
      %gather3A_1252 = tpu.vector_load_idx %arg15[%get3A_1251] : memref<100352xf32, #tpu.memory_space<vmem>>[vector<16xi32>], vector<16xf32>,
      %swap3A_1253 = arith.constant 0 : i32
      %swap3A_1254 = arith.index_cast %rem3A_176 : i32 to index
      %swap3A_1255 = arith.index_cast %swap3A_1253 : i32 to index
      %swap3A_1256 = arith.constant 1504 : index
      %swap3A_1257 = tpu.vector_load %arg11[%swap3A_1254, %swap3A_1255, %swap3A_1256] {strides = array<i32>} : memref<2x1x1664xf32, #tpu.memory_space<vmem>>, vector<16xf32>,
      tpu.vector_store %arg11[%swap3A_1254, %swap3A_1255, %swap3A_1256], %gather3A_1252 {strides = array<i32>} : memref<2x1x1664xf32, #tpu.memory_space<vmem>>, vector<16xf32>,
      %get3A_1258 = arith.constant 0 : i32
      %get3A_1259 = arith.index_cast %rem3A_176 : i32 to index
      %get3A_1260 = arith.index_cast %get3A_1258 : i32 to index
      %get3A_1261 = arith.constant 1520 : index
      %get3A_1262 = tpu.vector_load %arg10[%get3A_1259, %get3A_1260, %get3A_1261] {strides = array<i32>} : memref<2x1x1664xi32, #tpu.memory_space<vmem>>, vector<16xi32>,
      %gather3A_1263 = tpu.vector_load_idx %arg15[%get3A_1262] : memref<100352xf32, #tpu.memory_space<vmem>>[vector<16xi32>], vector<16xf32>,
      %swap3A_1264 = arith.constant 0 : i32
      %swap3A_1265 = arith.index_cast %rem3A_176 : i32 to index
      %swap3A_1266 = arith.index_cast %swap3A_1264 : i32 to index
      %swap3A_1267 = arith.constant 1520 : index
      %swap3A_1268 = tpu.vector_load %arg11[%swap3A_1265, %swap3A_1266, %swap3A_1267] {strides = array<i32>} : memref<2x1x1664xf32, #tpu.memory_space<vmem>>, vector<16xf32>,
      tpu.vector_store %arg11[%swap3A_1265, %swap3A_1266, %swap3A_1267], %gather3A_1263 {strides = array<i32>} : memref<2x1x1664xf32, #tpu.memory_space<vmem>>, vector<16xf32>,
      %get3A_1269 = arith.constant 0 : i32
      %get3A_1270 = arith.index_cast %rem3A_176 : i32 to index
      %get3A_1271 = arith.index_cast %get3A_1269 : i32 to index
      %get3A_1272 = arith.constant 1536 : index
      %get3A_1273 = tpu.vector_load %arg10[%get3A_1270, %get3A_1271, %get3A_1272] {strides = array<i32>} : memref<2x1x1664xi32, #tpu.memory_space<vmem>>, vector<16xi32>,
      %gather3A_1274 = tpu.vector_load_idx %arg15[%get3A_1273] : memref<100352xf32, #tpu.memory_space<vmem>>[vector<16xi32>], vector<16xf32>,
      %swap3A_1275 = arith.constant 0 : i32
      %swap3A_1276 = arith.index_cast %rem3A_176 : i32 to index
      %swap3A_1277 = arith.index_cast %swap3A_1275 : i32 to index
      %swap3A_1278 = arith.constant 1536 : index
      %swap3A_1279 = tpu.vector_load %arg11[%swap3A_1276, %swap3A_1277, %swap3A_1278] {strides = array<i32>} : memref<2x1x1664xf32, #tpu.memory_space<vmem>>, vector<16xf32>,
      tpu.vector_store %arg11[%swap3A_1276, %swap3A_1277, %swap3A_1278], %gather3A_1274 {strides = array<i32>} : memref<2x1x1664xf32, #tpu.memory_space<vmem>>, vector<16xf32>,
      %get3A_1280 = arith.constant 0 : i32
      %get3A_1281 = arith.index_cast %rem3A_176 : i32 to index
      %get3A_1282 = arith.index_cast %get3A_1280 : i32 to index
      %get3A_1283 = arith.constant 1552 : index
      %get3A_1284 = tpu.vector_load %arg10[%get3A_1281, %get3A_1282, %get3A_1283] {strides = array<i32>} : memref<2x1x1664xi32, #tpu.memory_space<vmem>>, vector<16xi32>,
      %gather3A_1285 = tpu.vector_load_idx %arg15[%get3A_1284] : memref<100352xf32, #tpu.memory_space<vmem>>[vector<16xi32>], vector<16xf32>,
      %swap3A_1286 = arith.constant 0 : i32
      %swap3A_1287 = arith.index_cast %rem3A_176 : i32 to index
      %swap3A_1288 = arith.index_cast %swap3A_1286 : i32 to index
      %swap3A_1289 = arith.constant 1552 : index
      %swap3A_1290 = tpu.vector_load %arg11[%swap3A_1287, %swap3A_1288, %swap3A_1289] {strides = array<i32>} : memref<2x1x1664xf32, #tpu.memory_space<vmem>>, vector<16xf32>,
      tpu.vector_store %arg11[%swap3A_1287, %swap3A_1288, %swap3A_1289], %gather3A_1285 {strides = array<i32>} : memref<2x1x1664xf32, #tpu.memory_space<vmem>>, vector<16xf32>,
      %get3A_1291 = arith.constant 0 : i32
      %get3A_1292 = arith.index_cast %rem3A_176 : i32 to index
      %get3A_1293 = arith.index_cast %get3A_1291 : i32 to index
      %get3A_1294 = arith.constant 1568 : index
      %get3A_1295 = tpu.vector_load %arg10[%get3A_1292, %get3A_1293, %get3A_1294] {strides = array<i32>} : memref<2x1x1664xi32, #tpu.memory_space<vmem>>, vector<16xi32>,
      %gather3A_1296 = tpu.vector_load_idx %arg15[%get3A_1295] : memref<100352xf32, #tpu.memory_space<vmem>>[vector<16xi32>], vector<16xf32>,
      %swap3A_1297 = arith.constant 0 : i32
      %swap3A_1298 = arith.index_cast %rem3A_176 : i32 to index
      %swap3A_1299 = arith.index_cast %swap3A_1297 : i32 to index
      %swap3A_1300 = arith.constant 1568 : index
      %swap3A_1301 = tpu.vector_load %arg11[%swap3A_1298, %swap3A_1299, %swap3A_1300] {strides = array<i32>} : memref<2x1x1664xf32, #tpu.memory_space<vmem>>, vector<16xf32>,
      tpu.vector_store %arg11[%swap3A_1298, %swap3A_1299, %swap3A_1300], %gather3A_1296 {strides = array<i32>} : memref<2x1x1664xf32, #tpu.memory_space<vmem>>, vector<16xf32>,
      %get3A_1302 = arith.constant 0 : i32
      %get3A_1303 = arith.index_cast %rem3A_176 : i32 to index
      %get3A_1304 = arith.index_cast %get3A_1302 : i32 to index
      %get3A_1305 = arith.constant 1584 : index
      %get3A_1306 = tpu.vector_load %arg10[%get3A_1303, %get3A_1304, %get3A_1305] {strides = array<i32>} : memref<2x1x1664xi32, #tpu.memory_space<vmem>>, vector<16xi32>,
      %gather3A_1307 = tpu.vector_load_idx %arg15[%get3A_1306] : memref<100352xf32, #tpu.memory_space<vmem>>[vector<16xi32>], vector<16xf32>,
      %swap3A_1308 = arith.constant 0 : i32
      %swap3A_1309 = arith.index_cast %rem3A_176 : i32 to index
      %swap3A_1310 = arith.index_cast %swap3A_1308 : i32 to index
      %swap3A_1311 = arith.constant 1584 : index
      %swap3A_1312 = tpu.vector_load %arg11[%swap3A_1309, %swap3A_1310, %swap3A_1311] {strides = array<i32>} : memref<2x1x1664xf32, #tpu.memory_space<vmem>>, vector<16xf32>,
      tpu.vector_store %arg11[%swap3A_1309, %swap3A_1310, %swap3A_1311], %gather3A_1307 {strides = array<i32>} : memref<2x1x1664xf32, #tpu.memory_space<vmem>>, vector<16xf32>,
      %get3A_1313 = arith.constant 0 : i32
      %get3A_1314 = arith.index_cast %rem3A_176 : i32 to index
      %get3A_1315 = arith.index_cast %get3A_1313 : i32 to index
      %get3A_1316 = arith.constant 1600 : index
      %get3A_1317 = tpu.vector_load %arg10[%get3A_1314, %get3A_1315, %get3A_1316] {strides = array<i32>} : memref<2x1x1664xi32, #tpu.memory_space<vmem>>, vector<16xi32>,
      %gather3A_1318 = tpu.vector_load_idx %arg15[%get3A_1317] : memref<100352xf32, #tpu.memory_space<vmem>>[vector<16xi32>], vector<16xf32>,
      %swap3A_1319 = arith.constant 0 : i32
      %swap3A_1320 = arith.index_cast %rem3A_176 : i32 to index
      %swap3A_1321 = arith.index_cast %swap3A_1319 : i32 to index
      %swap3A_1322 = arith.constant 1600 : index
      %swap3A_1323 = tpu.vector_load %arg11[%swap3A_1320, %swap3A_1321, %swap3A_1322] {strides = array<i32>} : memref<2x1x1664xf32, #tpu.memory_space<vmem>>, vector<16xf32>,
      tpu.vector_store %arg11[%swap3A_1320, %swap3A_1321, %swap3A_1322], %gather3A_1318 {strides = array<i32>} : memref<2x1x1664xf32, #tpu.memory_space<vmem>>, vector<16xf32>,
      %get3A_1324 = arith.constant 0 : i32
      %get3A_1325 = arith.index_cast %rem3A_176 : i32 to index
      %get3A_1326 = arith.index_cast %get3A_1324 : i32 to index
      %get3A_1327 = arith.constant 1616 : index
      %get3A_1328 = tpu.vector_load %arg10[%get3A_1325, %get3A_1326, %get3A_1327] {strides = array<i32>} : memref<2x1x1664xi32, #tpu.memory_space<vmem>>, vector<16xi32>,
      %gather3A_1329 = tpu.vector_load_idx %arg15[%get3A_1328] : memref<100352xf32, #tpu.memory_space<vmem>>[vector<16xi32>], vector<16xf32>,
      %swap3A_1330 = arith.constant 0 : i32
      %swap3A_1331 = arith.index_cast %rem3A_176 : i32 to index
      %swap3A_1332 = arith.index_cast %swap3A_1330 : i32 to index
      %swap3A_1333 = arith.constant 1616 : index
      %swap3A_1334 = tpu.vector_load %arg11[%swap3A_1331, %swap3A_1332, %swap3A_1333] {strides = array<i32>} : memref<2x1x1664xf32, #tpu.memory_space<vmem>>, vector<16xf32>,
      tpu.vector_store %arg11[%swap3A_1331, %swap3A_1332, %swap3A_1333], %gather3A_1329 {strides = array<i32>} : memref<2x1x1664xf32, #tpu.memory_space<vmem>>, vector<16xf32>,
      %get3A_1335 = arith.constant 0 : i32
      %get3A_1336 = arith.index_cast %rem3A_176 : i32 to index
      %get3A_1337 = arith.index_cast %get3A_1335 : i32 to index
      %get3A_1338 = arith.constant 1632 : index
      %get3A_1339 = tpu.vector_load %arg10[%get3A_1336, %get3A_1337, %get3A_1338] {strides = array<i32>} : memref<2x1x1664xi32, #tpu.memory_space<vmem>>, vector<16xi32>,
      %gather3A_1340 = tpu.vector_load_idx %arg15[%get3A_1339] : memref<100352xf32, #tpu.memory_space<vmem>>[vector<16xi32>], vector<16xf32>,
      %swap3A_1341 = arith.constant 0 : i32
      %swap3A_1342 = arith.index_cast %rem3A_176 : i32 to index
      %swap3A_1343 = arith.index_cast %swap3A_1341 : i32 to index
      %swap3A_1344 = arith.constant 1632 : index
      %swap3A_1345 = tpu.vector_load %arg11[%swap3A_1342, %swap3A_1343, %swap3A_1344] {strides = array<i32>} : memref<2x1x1664xf32, #tpu.memory_space<vmem>>, vector<16xf32>,
      tpu.vector_store %arg11[%swap3A_1342, %swap3A_1343, %swap3A_1344], %gather3A_1340 {strides = array<i32>} : memref<2x1x1664xf32, #tpu.memory_space<vmem>>, vector<16xf32>,
      %get3A_1346 = arith.constant 0 : i32
      %get3A_1347 = arith.index_cast %rem3A_176 : i32 to index
      %get3A_1348 = arith.index_cast %get3A_1346 : i32 to index
      %get3A_1349 = arith.constant 1648 : index
      %get3A_1350 = tpu.vector_load %arg10[%get3A_1347, %get3A_1348, %get3A_1349] {strides = array<i32>} : memref<2x1x1664xi32, #tpu.memory_space<vmem>>, vector<16xi32>,
      %gather3A_1351 = tpu.vector_load_idx %arg15[%get3A_1350] : memref<100352xf32, #tpu.memory_space<vmem>>[vector<16xi32>], vector<16xf32>,
      %swap3A_1352 = arith.constant 0 : i32
      %swap3A_1353 = arith.index_cast %rem3A_176 : i32 to index
      %swap3A_1354 = arith.index_cast %swap3A_1352 : i32 to index
      %swap3A_1355 = arith.constant 1648 : index
      %swap3A_1356 = tpu.vector_load %arg11[%swap3A_1353, %swap3A_1354, %swap3A_1355] {strides = array<i32>} : memref<2x1x1664xf32, #tpu.memory_space<vmem>>, vector<16xf32>,
      tpu.vector_store %arg11[%swap3A_1353, %swap3A_1354, %swap3A_1355], %gather3A_1351 {strides = array<i32>} : memref<2x1x1664xf32, #tpu.memory_space<vmem>>, vector<16xf32>,
      %dma_start3A_1357 = arith.constant 0 : i32
      %dma_start3A_1358 = arith.constant 0 : i32
      %dma_start3A_1359 = arith.constant 0 : i32
      %dma_start3A_1360 = tpu.memref_slice %arg11[%rem3A_176, %dma_start3A_1357, %dma_start3A_1359] : memref<2x1x1664xf32, #tpu.memory_space<vmem>> -> memref<1x1x1664xf32, #tpu.memory_space<vmem>>
      %dma_start3A_1361 = tpu.memref_squeeze %dma_start3A_1360 : memref<1x1x1664xf32, #tpu.memory_space<vmem>> -> memref<1664xf32, #tpu.memory_space<vmem>>
      %dma_start3A_1362 = arith.constant 0 : i32
      %dma_start3A_1363 = tpu.memref_slice %arg9[%rem3A_176, %dma_start3A_1358, %dma_start3A_1362] : memref<2x1x1664xi32, #tpu.memory_space<vmem>> -> memref<1x1x1664xi32, #tpu.memory_space<vmem>>
      %dma_start3A_1364 = tpu.memref_squeeze %dma_start3A_1363 : memref<1x1x1664xi32, #tpu.memory_space<vmem>> -> memref<1664xi32, #tpu.memory_space<vmem>>
      %dma_start3A_1365 = arith.constant 0 : i32
      %dma_start3A_1366 = tpu.memref_slice %arg16[%dma_start3A_1365] : memref<100352xf32, #tpu.memory_space<vmem_shared>> -> memref<100352xf32, #tpu.memory_space<vmem_shared>>
      tpu.enqueue_indirect_dma source(%dma_start3A_1361 : memref<1664xf32, #tpu.memory_space<vmem>>) target(%dma_start3A_1366 : memref<100352xf32, #tpu.memory_space<vmem_shared>>) offsets(%dma_start3A_1364 : memref<1664xi32, #tpu.memory_space<vmem>>) semaphore(%arg18 : memref<!tpu.dma_semaphore, #tpu.memory_space<semaphore_mem>>) {add = true}
    }
    %scan3A_145 = arith.constant 30 : i32
    %dma_wait3A = arith.constant 1 : i32
    %dma_wait3A_146 = arith.constant 0 : i32
    %dma_wait3A_147 = arith.constant 1 : i32
    %dma_wait3A_148 = arith.constant 0 : i32
    %dma_wait3A_149 = arith.constant 0 : i32
    %dma_wait3A_150 = tpu.memref_slice %arg11[%dma_wait3A, %dma_wait3A_146, %dma_wait3A_149] : memref<2x1x1664xf32, #tpu.memory_space<vmem>> -> memref<1x1x1664xf32, #tpu.memory_space<vmem>>
    %dma_wait3A_151 = tpu.memref_squeeze %dma_wait3A_150 : memref<1x1x1664xf32, #tpu.memory_space<vmem>> -> memref<1664xf32, #tpu.memory_space<vmem>>
    %dma_wait3A_152 = arith.constant 0 : i32
    %dma_wait3A_153 = tpu.memref_slice %arg9[%dma_wait3A_147, %dma_wait3A_148, %dma_wait3A_152] : memref<2x1x1664xi32, #tpu.memory_space<vmem>> -> memref<1x1x1664xi32, #tpu.memory_space<vmem>>
    %dma_wait3A_154 = tpu.memref_squeeze %dma_wait3A_153 : memref<1x1x1664xi32, #tpu.memory_space<vmem>> -> memref<1664xi32, #tpu.memory_space<vmem>>
    %dma_wait3A_155 = arith.constant 0 : i32
    %dma_wait3A_156 = tpu.memref_slice %arg16[%dma_wait3A_155] : memref<100352xf32, #tpu.memory_space<vmem_shared>> -> memref<100352xf32, #tpu.memory_space<vmem_shared>>
    tpu.wait_indirect_dma semaphore(%arg18 : memref<!tpu.dma_semaphore, #tpu.memory_space<semaphore_mem>>) src(%dma_wait3A_151 : memref<1664xf32, #tpu.memory_space<vmem>>) dst(%dma_wait3A_156 : memref<100352xf32, #tpu.memory_space<vmem_shared>>)
    %lt3A_157 = arith.constant 20 : i32
    %lt3A_158 = arith.cmpi slt, %add3A, %lt3A_157 : i32
    %convert_element_type3A_159 = arith.extui %lt3A_158 : i1 to i32
    %cond3A_160 = arith.constant 0 : i32
    %cond3A_161 = arith.cmpi ne, %convert_element_type3A_159, %cond3A_160 : i32
    scf.if %cond3A_161 {
      %add3A_175 = arith.constant 49920 : i32
      %add3A_176 = arith.addi %mul3A_113, %add3A_175 : i32
      %run_scoped3A = arith.constant 0 : i32
      %run_scoped3A_177 = arith.constant 0 : i32
      %run_scoped3A_178 = arith.constant 0 : i32
      "tpu.region"() ({
        %run_scoped3A_287 = tpu.sem_alloc : memref<!tpu.dma_semaphore, #tpu.memory_space<semaphore_mem>>
        %dma_start3A_288 = arith.constant 0 : i32
        %dma_start3A_289 = tpu.memref_slice %arg9[%run_scoped3A_177, %run_scoped3A_178, %dma_start3A_288] : memref<2x1x1664xi32, #tpu.memory_space<vmem>> -> memref<1x1x128xi32, #tpu.memory_space<vmem>>
        %dma_start3A_290 = tpu.memref_squeeze %dma_start3A_289 : memref<1x1x128xi32, #tpu.memory_space<vmem>> -> memref<128xi32, #tpu.memory_space<vmem>>
        %dma_start3A_291 = tpu.memref_slice %arg2[%run_scoped3A, %add3A_176] : memref<2x1600000xi32, #tpu.memory_space<hbm>> -> memref<1x128xi32, #tpu.memory_space<hbm>>
        %dma_start3A_292 = tpu.memref_squeeze %dma_start3A_291 : memref<1x128xi32, #tpu.memory_space<hbm>> -> memref<128xi32, #tpu.memory_space<hbm>>
        %dma_start3A_293 = arith.constant 0 : i32
        %dma_start3A_294 = tpu.memref_slice %arg9[%run_scoped3A_177, %run_scoped3A_178, %dma_start3A_293] : memref<2x1x1664xi32, #tpu.memory_space<vmem>> -> memref<1x1x128xi32, #tpu.memory_space<vmem>>
        %dma_start3A_295 = tpu.memref_squeeze %dma_start3A_294 : memref<1x1x128xi32, #tpu.memory_space<vmem>> -> memref<128xi32, #tpu.memory_space<vmem>>
        %dma_start3A_296 = tpu.memref_slice %arg2[%run_scoped3A, %add3A_176] : memref<2x1600000xi32, #tpu.memory_space<hbm>> -> memref<1x128xi32, #tpu.memory_space<hbm>>
        %dma_start3A_297 = tpu.memref_squeeze %dma_start3A_296 : memref<1x128xi32, #tpu.memory_space<hbm>> -> memref<128xi32, #tpu.memory_space<hbm>>
        tpu.enqueue_dma source(%dma_start3A_297 : memref<128xi32, #tpu.memory_space<hbm>>) target(%dma_start3A_295 : memref<128xi32, #tpu.memory_space<vmem>>) target_semaphore(%run_scoped3A_287 : memref<!tpu.dma_semaphore, #tpu.memory_space<semaphore_mem>>)
        %dma_wait3A_298 = arith.constant 0 : i32
        %dma_wait3A_299 = tpu.memref_slice %arg9[%run_scoped3A_177, %run_scoped3A_178, %dma_wait3A_298] : memref<2x1x1664xi32, #tpu.memory_space<vmem>> -> memref<1x1x128xi32, #tpu.memory_space<vmem>>
        %dma_wait3A_300 = tpu.memref_squeeze %dma_wait3A_299 : memref<1x1x128xi32, #tpu.memory_space<vmem>> -> memref<128xi32, #tpu.memory_space<vmem>>
        %dma_wait3A_301 = tpu.memref_slice %arg2[%run_scoped3A, %add3A_176] : memref<2x1600000xi32, #tpu.memory_space<hbm>> -> memref<1x128xi32, #tpu.memory_space<hbm>>
        %dma_wait3A_302 = tpu.memref_squeeze %dma_wait3A_301 : memref<1x128xi32, #tpu.memory_space<hbm>> -> memref<128xi32, #tpu.memory_space<hbm>>
        %dma_wait3A_303 = arith.constant 0 : i32
        %dma_wait3A_304 = tpu.memref_slice %arg9[%run_scoped3A_177, %run_scoped3A_178, %dma_wait3A_303] : memref<2x1x1664xi32, #tpu.memory_space<vmem>> -> memref<1x1x128xi32, #tpu.memory_space<vmem>>
        %dma_wait3A_305 = tpu.memref_squeeze %dma_wait3A_304 : memref<1x1x128xi32, #tpu.memory_space<vmem>> -> memref<128xi32, #tpu.memory_space<vmem>>
        %dma_wait3A_306 = tpu.memref_slice %arg2[%run_scoped3A, %add3A_176] : memref<2x1600000xi32, #tpu.memory_space<hbm>> -> memref<1x128xi32, #tpu.memory_space<hbm>>
        %dma_wait3A_307 = tpu.memref_squeeze %dma_wait3A_306 : memref<1x128xi32, #tpu.memory_space<hbm>> -> memref<128xi32, #tpu.memory_space<hbm>>
        tpu.wait_dma2 semaphore(%run_scoped3A_287 : memref<!tpu.dma_semaphore, #tpu.memory_space<semaphore_mem>>) src(%dma_wait3A_307 : memref<128xi32, #tpu.memory_space<hbm>>) dst(%dma_wait3A_305 : memref<128xi32, #tpu.memory_space<vmem>>)
        tpu.yield
      }) : () -> ()
      %run_scoped3A_179 = arith.constant 1 : i32
      %run_scoped3A_180 = arith.constant 0 : i32
      %run_scoped3A_181 = arith.constant 0 : i32
      "tpu.region"() ({
        %run_scoped3A_287 = tpu.sem_alloc : memref<!tpu.dma_semaphore, #tpu.memory_space<semaphore_mem>>
        %dma_start3A_288 = arith.constant 0 : i32
        %dma_start3A_289 = tpu.memref_slice %arg10[%run_scoped3A_180, %run_scoped3A_181, %dma_start3A_288] : memref<2x1x1664xi32, #tpu.memory_space<vmem>> -> memref<1x1x128xi32, #tpu.memory_space<vmem>>
        %dma_start3A_290 = tpu.memref_squeeze %dma_start3A_289 : memref<1x1x128xi32, #tpu.memory_space<vmem>> -> memref<128xi32, #tpu.memory_space<vmem>>
        %dma_start3A_291 = tpu.memref_slice %arg2[%run_scoped3A_179, %add3A_176] : memref<2x1600000xi32, #tpu.memory_space<hbm>> -> memref<1x128xi32, #tpu.memory_space<hbm>>
        %dma_start3A_292 = tpu.memref_squeeze %dma_start3A_291 : memref<1x128xi32, #tpu.memory_space<hbm>> -> memref<128xi32, #tpu.memory_space<hbm>>
        %dma_start3A_293 = arith.constant 0 : i32
        %dma_start3A_294 = tpu.memref_slice %arg10[%run_scoped3A_180, %run_scoped3A_181, %dma_start3A_293] : memref<2x1x1664xi32, #tpu.memory_space<vmem>> -> memref<1x1x128xi32, #tpu.memory_space<vmem>>
        %dma_start3A_295 = tpu.memref_squeeze %dma_start3A_294 : memref<1x1x128xi32, #tpu.memory_space<vmem>> -> memref<128xi32, #tpu.memory_space<vmem>>
        %dma_start3A_296 = tpu.memref_slice %arg2[%run_scoped3A_179, %add3A_176] : memref<2x1600000xi32, #tpu.memory_space<hbm>> -> memref<1x128xi32, #tpu.memory_space<hbm>>
        %dma_start3A_297 = tpu.memref_squeeze %dma_start3A_296 : memref<1x128xi32, #tpu.memory_space<hbm>> -> memref<128xi32, #tpu.memory_space<hbm>>
        tpu.enqueue_dma source(%dma_start3A_297 : memref<128xi32, #tpu.memory_space<hbm>>) target(%dma_start3A_295 : memref<128xi32, #tpu.memory_space<vmem>>) target_semaphore(%run_scoped3A_287 : memref<!tpu.dma_semaphore, #tpu.memory_space<semaphore_mem>>)
        %dma_wait3A_298 = arith.constant 0 : i32
        %dma_wait3A_299 = tpu.memref_slice %arg10[%run_scoped3A_180, %run_scoped3A_181, %dma_wait3A_298] : memref<2x1x1664xi32, #tpu.memory_space<vmem>> -> memref<1x1x128xi32, #tpu.memory_space<vmem>>
        %dma_wait3A_300 = tpu.memref_squeeze %dma_wait3A_299 : memref<1x1x128xi32, #tpu.memory_space<vmem>> -> memref<128xi32, #tpu.memory_space<vmem>>
        %dma_wait3A_301 = tpu.memref_slice %arg2[%run_scoped3A_179, %add3A_176] : memref<2x1600000xi32, #tpu.memory_space<hbm>> -> memref<1x128xi32, #tpu.memory_space<hbm>>
        %dma_wait3A_302 = tpu.memref_squeeze %dma_wait3A_301 : memref<1x128xi32, #tpu.memory_space<hbm>> -> memref<128xi32, #tpu.memory_space<hbm>>
        %dma_wait3A_303 = arith.constant 0 : i32
        %dma_wait3A_304 = tpu.memref_slice %arg10[%run_scoped3A_180, %run_scoped3A_181, %dma_wait3A_303] : memref<2x1x1664xi32, #tpu.memory_space<vmem>> -> memref<1x1x128xi32, #tpu.memory_space<vmem>>
        %dma_wait3A_305 = tpu.memref_squeeze %dma_wait3A_304 : memref<1x1x128xi32, #tpu.memory_space<vmem>> -> memref<128xi32, #tpu.memory_space<vmem>>
        %dma_wait3A_306 = tpu.memref_slice %arg2[%run_scoped3A_179, %add3A_176] : memref<2x1600000xi32, #tpu.memory_space<hbm>> -> memref<1x128xi32, #tpu.memory_space<hbm>>
        %dma_wait3A_307 = tpu.memref_squeeze %dma_wait3A_306 : memref<1x128xi32, #tpu.memory_space<hbm>> -> memref<128xi32, #tpu.memory_space<hbm>>
        tpu.wait_dma2 semaphore(%run_scoped3A_287 : memref<!tpu.dma_semaphore, #tpu.memory_space<semaphore_mem>>) src(%dma_wait3A_307 : memref<128xi32, #tpu.memory_space<hbm>>) dst(%dma_wait3A_305 : memref<128xi32, #tpu.memory_space<vmem>>)
        tpu.yield
      }) : () -> ()
      %get3A = arith.constant 0 : i32
      %get3A_182 = arith.constant 0 : i32
      %get3A_183 = arith.index_cast %get3A : i32 to index
      %get3A_184 = arith.index_cast %get3A_182 : i32 to index
      %get3A_185 = arith.constant 0 : index
      %get3A_186 = tpu.vector_load %arg10[%get3A_183, %get3A_184, %get3A_185] {strides = array<i32>} : memref<2x1x1664xi32, #tpu.memory_space<vmem>>, vector<16xi32>,
      %gather3A = tpu.vector_load_idx %arg15[%get3A_186] : memref<100352xf32, #tpu.memory_space<vmem>>[vector<16xi32>], vector<16xf32>,
      %swap3A = arith.constant 0 : i32
      %swap3A_187 = arith.constant 0 : i32
      %swap3A_188 = arith.index_cast %swap3A : i32 to index
      %swap3A_189 = arith.index_cast %swap3A_187 : i32 to index
      %swap3A_190 = arith.constant 0 : index
      %swap3A_191 = tpu.vector_load %arg11[%swap3A_188, %swap3A_189, %swap3A_190] {strides = array<i32>} : memref<2x1x1664xf32, #tpu.memory_space<vmem>>, vector<16xf32>,
      tpu.vector_store %arg11[%swap3A_188, %swap3A_189, %swap3A_190], %gather3A {strides = array<i32>} : memref<2x1x1664xf32, #tpu.memory_space<vmem>>, vector<16xf32>,
      %get3A_192 = arith.constant 0 : i32
      %get3A_193 = arith.constant 0 : i32
      %get3A_194 = arith.index_cast %get3A_192 : i32 to index
      %get3A_195 = arith.index_cast %get3A_193 : i32 to index
      %get3A_196 = arith.constant 16 : index
      %get3A_197 = tpu.vector_load %arg10[%get3A_194, %get3A_195, %get3A_196] {strides = array<i32>} : memref<2x1x1664xi32, #tpu.memory_space<vmem>>, vector<16xi32>,
      %gather3A_198 = tpu.vector_load_idx %arg15[%get3A_197] : memref<100352xf32, #tpu.memory_space<vmem>>[vector<16xi32>], vector<16xf32>,
      %swap3A_199 = arith.constant 0 : i32
      %swap3A_200 = arith.constant 0 : i32
      %swap3A_201 = arith.index_cast %swap3A_199 : i32 to index
      %swap3A_202 = arith.index_cast %swap3A_200 : i32 to index
      %swap3A_203 = arith.constant 16 : index
      %swap3A_204 = tpu.vector_load %arg11[%swap3A_201, %swap3A_202, %swap3A_203] {strides = array<i32>} : memref<2x1x1664xf32, #tpu.memory_space<vmem>>, vector<16xf32>,
      tpu.vector_store %arg11[%swap3A_201, %swap3A_202, %swap3A_203], %gather3A_198 {strides = array<i32>} : memref<2x1x1664xf32, #tpu.memory_space<vmem>>, vector<16xf32>,
      %get3A_205 = arith.constant 0 : i32
      %get3A_206 = arith.constant 0 : i32
      %get3A_207 = arith.index_cast %get3A_205 : i32 to index
      %get3A_208 = arith.index_cast %get3A_206 : i32 to index
      %get3A_209 = arith.constant 32 : index
      %get3A_210 = tpu.vector_load %arg10[%get3A_207, %get3A_208, %get3A_209] {strides = array<i32>} : memref<2x1x1664xi32, #tpu.memory_space<vmem>>, vector<16xi32>,
      %gather3A_211 = tpu.vector_load_idx %arg15[%get3A_210] : memref<100352xf32, #tpu.memory_space<vmem>>[vector<16xi32>], vector<16xf32>,
      %swap3A_212 = arith.constant 0 : i32
      %swap3A_213 = arith.constant 0 : i32
      %swap3A_214 = arith.index_cast %swap3A_212 : i32 to index
      %swap3A_215 = arith.index_cast %swap3A_213 : i32 to index
      %swap3A_216 = arith.constant 32 : index
      %swap3A_217 = tpu.vector_load %arg11[%swap3A_214, %swap3A_215, %swap3A_216] {strides = array<i32>} : memref<2x1x1664xf32, #tpu.memory_space<vmem>>, vector<16xf32>,
      tpu.vector_store %arg11[%swap3A_214, %swap3A_215, %swap3A_216], %gather3A_211 {strides = array<i32>} : memref<2x1x1664xf32, #tpu.memory_space<vmem>>, vector<16xf32>,
      %get3A_218 = arith.constant 0 : i32
      %get3A_219 = arith.constant 0 : i32
      %get3A_220 = arith.index_cast %get3A_218 : i32 to index
      %get3A_221 = arith.index_cast %get3A_219 : i32 to index
      %get3A_222 = arith.constant 48 : index
      %get3A_223 = tpu.vector_load %arg10[%get3A_220, %get3A_221, %get3A_222] {strides = array<i32>} : memref<2x1x1664xi32, #tpu.memory_space<vmem>>, vector<16xi32>,
      %gather3A_224 = tpu.vector_load_idx %arg15[%get3A_223] : memref<100352xf32, #tpu.memory_space<vmem>>[vector<16xi32>], vector<16xf32>,
      %swap3A_225 = arith.constant 0 : i32
      %swap3A_226 = arith.constant 0 : i32
      %swap3A_227 = arith.index_cast %swap3A_225 : i32 to index
      %swap3A_228 = arith.index_cast %swap3A_226 : i32 to index
      %swap3A_229 = arith.constant 48 : index
      %swap3A_230 = tpu.vector_load %arg11[%swap3A_227, %swap3A_228, %swap3A_229] {strides = array<i32>} : memref<2x1x1664xf32, #tpu.memory_space<vmem>>, vector<16xf32>,
      tpu.vector_store %arg11[%swap3A_227, %swap3A_228, %swap3A_229], %gather3A_224 {strides = array<i32>} : memref<2x1x1664xf32, #tpu.memory_space<vmem>>, vector<16xf32>,
      %get3A_231 = arith.constant 0 : i32
      %get3A_232 = arith.constant 0 : i32
      %get3A_233 = arith.index_cast %get3A_231 : i32 to index
      %get3A_234 = arith.index_cast %get3A_232 : i32 to index
      %get3A_235 = arith.constant 64 : index
      %get3A_236 = tpu.vector_load %arg10[%get3A_233, %get3A_234, %get3A_235] {strides = array<i32>} : memref<2x1x1664xi32, #tpu.memory_space<vmem>>, vector<16xi32>,
      %gather3A_237 = tpu.vector_load_idx %arg15[%get3A_236] : memref<100352xf32, #tpu.memory_space<vmem>>[vector<16xi32>], vector<16xf32>,
      %swap3A_238 = arith.constant 0 : i32
      %swap3A_239 = arith.constant 0 : i32
      %swap3A_240 = arith.index_cast %swap3A_238 : i32 to index
      %swap3A_241 = arith.index_cast %swap3A_239 : i32 to index
      %swap3A_242 = arith.constant 64 : index
      %swap3A_243 = tpu.vector_load %arg11[%swap3A_240, %swap3A_241, %swap3A_242] {strides = array<i32>} : memref<2x1x1664xf32, #tpu.memory_space<vmem>>, vector<16xf32>,
      tpu.vector_store %arg11[%swap3A_240, %swap3A_241, %swap3A_242], %gather3A_237 {strides = array<i32>} : memref<2x1x1664xf32, #tpu.memory_space<vmem>>, vector<16xf32>,
      %get3A_244 = arith.constant 0 : i32
      %get3A_245 = arith.constant 0 : i32
      %get3A_246 = arith.index_cast %get3A_244 : i32 to index
      %get3A_247 = arith.index_cast %get3A_245 : i32 to index
      %get3A_248 = arith.constant 80 : index
      %get3A_249 = tpu.vector_load %arg10[%get3A_246, %get3A_247, %get3A_248] {strides = array<i32>} : memref<2x1x1664xi32, #tpu.memory_space<vmem>>, vector<16xi32>,
      %gather3A_250 = tpu.vector_load_idx %arg15[%get3A_249] : memref<100352xf32, #tpu.memory_space<vmem>>[vector<16xi32>], vector<16xf32>,
      %swap3A_251 = arith.constant 0 : i32
      %swap3A_252 = arith.constant 0 : i32
      %swap3A_253 = arith.index_cast %swap3A_251 : i32 to index
      %swap3A_254 = arith.index_cast %swap3A_252 : i32 to index
      %swap3A_255 = arith.constant 80 : index
      %swap3A_256 = tpu.vector_load %arg11[%swap3A_253, %swap3A_254, %swap3A_255] {strides = array<i32>} : memref<2x1x1664xf32, #tpu.memory_space<vmem>>, vector<16xf32>,
      tpu.vector_store %arg11[%swap3A_253, %swap3A_254, %swap3A_255], %gather3A_250 {strides = array<i32>} : memref<2x1x1664xf32, #tpu.memory_space<vmem>>, vector<16xf32>,
      %get3A_257 = arith.constant 0 : i32
      %get3A_258 = arith.constant 0 : i32
      %get3A_259 = arith.index_cast %get3A_257 : i32 to index
      %get3A_260 = arith.index_cast %get3A_258 : i32 to index
      %get3A_261 = arith.constant 96 : index
      %get3A_262 = tpu.vector_load %arg10[%get3A_259, %get3A_260, %get3A_261] {strides = array<i32>} : memref<2x1x1664xi32, #tpu.memory_space<vmem>>, vector<16xi32>,
      %gather3A_263 = tpu.vector_load_idx %arg15[%get3A_262] : memref<100352xf32, #tpu.memory_space<vmem>>[vector<16xi32>], vector<16xf32>,
      %swap3A_264 = arith.constant 0 : i32
      %swap3A_265 = arith.constant 0 : i32
      %swap3A_266 = arith.index_cast %swap3A_264 : i32 to index
      %swap3A_267 = arith.index_cast %swap3A_265 : i32 to index
      %swap3A_268 = arith.constant 96 : index
      %swap3A_269 = tpu.vector_load %arg11[%swap3A_266, %swap3A_267, %swap3A_268] {strides = array<i32>} : memref<2x1x1664xf32, #tpu.memory_space<vmem>>, vector<16xf32>,
      tpu.vector_store %arg11[%swap3A_266, %swap3A_267, %swap3A_268], %gather3A_263 {strides = array<i32>} : memref<2x1x1664xf32, #tpu.memory_space<vmem>>, vector<16xf32>,
      %get3A_270 = arith.constant 0 : i32
      %get3A_271 = arith.constant 0 : i32
      %get3A_272 = arith.index_cast %get3A_270 : i32 to index
      %get3A_273 = arith.index_cast %get3A_271 : i32 to index
      %get3A_274 = arith.constant 112 : index
      %get3A_275 = tpu.vector_load %arg10[%get3A_272, %get3A_273, %get3A_274] {strides = array<i32>} : memref<2x1x1664xi32, #tpu.memory_space<vmem>>, vector<16xi32>,
      %gather3A_276 = tpu.vector_load_idx %arg15[%get3A_275] : memref<100352xf32, #tpu.memory_space<vmem>>[vector<16xi32>], vector<16xf32>,
      %swap3A_277 = arith.constant 0 : i32
      %swap3A_278 = arith.constant 0 : i32
      %swap3A_279 = arith.index_cast %swap3A_277 : i32 to index
      %swap3A_280 = arith.index_cast %swap3A_278 : i32 to index
      %swap3A_281 = arith.constant 112 : index
      %swap3A_282 = tpu.vector_load %arg11[%swap3A_279, %swap3A_280, %swap3A_281] {strides = array<i32>} : memref<2x1x1664xf32, #tpu.memory_space<vmem>>, vector<16xf32>,
      tpu.vector_store %arg11[%swap3A_279, %swap3A_280, %swap3A_281], %gather3A_276 {strides = array<i32>} : memref<2x1x1664xf32, #tpu.memory_space<vmem>>, vector<16xf32>,
      %run_scoped3A_283 = arith.constant 0 : i32
      %run_scoped3A_284 = arith.constant 0 : i32
      %run_scoped3A_285 = arith.constant 0 : i32
      %run_scoped3A_286 = arith.constant 0 : i32
      "tpu.region"() ({
        %run_scoped3A_287 = tpu.sem_alloc : memref<!tpu.dma_semaphore, #tpu.memory_space<semaphore_mem>>
        %dma_start3A_288 = arith.constant 0 : i32
        %dma_start3A_289 = tpu.memref_slice %arg11[%run_scoped3A_283, %run_scoped3A_284, %dma_start3A_288] : memref<2x1x1664xf32, #tpu.memory_space<vmem>> -> memref<1x1x128xf32, #tpu.memory_space<vmem>>
        %dma_start3A_290 = tpu.memref_squeeze %dma_start3A_289 : memref<1x1x128xf32, #tpu.memory_space<vmem>> -> memref<128xf32, #tpu.memory_space<vmem>>
        %dma_start3A_291 = arith.constant 0 : i32
        %dma_start3A_292 = tpu.memref_slice %arg9[%run_scoped3A_285, %run_scoped3A_286, %dma_start3A_291] : memref<2x1x1664xi32, #tpu.memory_space<vmem>> -> memref<1x1x128xi32, #tpu.memory_space<vmem>>
        %dma_start3A_293 = tpu.memref_squeeze %dma_start3A_292 : memref<1x1x128xi32, #tpu.memory_space<vmem>> -> memref<128xi32, #tpu.memory_space<vmem>>
        %dma_start3A_294 = arith.constant 0 : i32
        %dma_start3A_295 = tpu.memref_slice %arg16[%dma_start3A_294] : memref<100352xf32, #tpu.memory_space<vmem_shared>> -> memref<100352xf32, #tpu.memory_space<vmem_shared>>
        tpu.enqueue_indirect_dma source(%dma_start3A_290 : memref<128xf32, #tpu.memory_space<vmem>>) target(%dma_start3A_295 : memref<100352xf32, #tpu.memory_space<vmem_shared>>) offsets(%dma_start3A_293 : memref<128xi32, #tpu.memory_space<vmem>>) semaphore(%run_scoped3A_287 : memref<!tpu.dma_semaphore, #tpu.memory_space<semaphore_mem>>) {add = true}
        %dma_wait3A_296 = arith.constant 0 : i32
        %dma_wait3A_297 = tpu.memref_slice %arg11[%run_scoped3A_283, %run_scoped3A_284, %dma_wait3A_296] : memref<2x1x1664xf32, #tpu.memory_space<vmem>> -> memref<1x1x128xf32, #tpu.memory_space<vmem>>
        %dma_wait3A_298 = tpu.memref_squeeze %dma_wait3A_297 : memref<1x1x128xf32, #tpu.memory_space<vmem>> -> memref<128xf32, #tpu.memory_space<vmem>>
        %dma_wait3A_299 = arith.constant 0 : i32
        %dma_wait3A_300 = tpu.memref_slice %arg9[%run_scoped3A_285, %run_scoped3A_286, %dma_wait3A_299] : memref<2x1x1664xi32, #tpu.memory_space<vmem>> -> memref<1x1x128xi32, #tpu.memory_space<vmem>>
        %dma_wait3A_301 = tpu.memref_squeeze %dma_wait3A_300 : memref<1x1x128xi32, #tpu.memory_space<vmem>> -> memref<128xi32, #tpu.memory_space<vmem>>
        %dma_wait3A_302 = arith.constant 0 : i32
        %dma_wait3A_303 = tpu.memref_slice %arg16[%dma_wait3A_302] : memref<100352xf32, #tpu.memory_space<vmem_shared>> -> memref<100352xf32, #tpu.memory_space<vmem_shared>>
        tpu.wait_indirect_dma semaphore(%run_scoped3A_287 : memref<!tpu.dma_semaphore, #tpu.memory_space<semaphore_mem>>) src(%dma_wait3A_298 : memref<128xf32, #tpu.memory_space<vmem>>) dst(%dma_wait3A_303 : memref<100352xf32, #tpu.memory_space<vmem_shared>>)
        tpu.yield
      }) : () -> ()
    } else {
    }
    %barrier3A_162 = arith.constant 0 : index
    tpu.barrier barrier_id(%barrier3A_162)
    %mul3A_163 = arith.constant 6272 : i32
    %mul3A_164 = arith.muli %arg1, %mul3A_163 : i32
    %eq3A_165 = arith.constant 0 : i32
    %eq3A_166 = arith.cmpi eq, %arg0, %eq3A_165 : i32
    %convert_element_type3A_167 = arith.extui %eq3A_166 : i1 to i32
    %cond3A_168 = arith.constant 0 : i32
    %cond3A_169 = arith.cmpi ne, %convert_element_type3A_167, %cond3A_168 : i32
    scf.if %cond3A_169 {
      "tpu.region"() ({
        %run_scoped3A = tpu.sem_alloc : memref<!tpu.dma_semaphore, #tpu.memory_space<semaphore_mem>>
        %dma_start3A_175 = tpu.memref_slice %arg5[%mul3A_164] : memref<100352xf32, #tpu.memory_space<hbm>> -> memref<6272xf32, #tpu.memory_space<hbm>>
        %dma_start3A_176 = tpu.memref_slice %arg16[%mul3A_164] : memref<100352xf32, #tpu.memory_space<vmem_shared>> -> memref<6272xf32, #tpu.memory_space<vmem_shared>>
        tpu.enqueue_dma source(%dma_start3A_176 : memref<6272xf32, #tpu.memory_space<vmem_shared>>) target(%dma_start3A_175 : memref<6272xf32, #tpu.memory_space<hbm>>) target_semaphore(%run_scoped3A : memref<!tpu.dma_semaphore, #tpu.memory_space<semaphore_mem>>)
        %dma_wait3A_177 = tpu.memref_slice %arg5[%mul3A_164] : memref<100352xf32, #tpu.memory_space<hbm>> -> memref<6272xf32, #tpu.memory_space<hbm>>
        %dma_wait3A_178 = tpu.memref_slice %arg16[%mul3A_164] : memref<100352xf32, #tpu.memory_space<vmem_shared>> -> memref<6272xf32, #tpu.memory_space<vmem_shared>>
        tpu.wait_dma2 semaphore(%run_scoped3A : memref<!tpu.dma_semaphore, #tpu.memory_space<semaphore_mem>>) src(%dma_wait3A_178 : memref<6272xf32, #tpu.memory_space<vmem_shared>>) dst(%dma_wait3A_177 : memref<6272xf32, #tpu.memory_space<hbm>>)
        tpu.yield
      }) : () -> ()
    } else {
    }
    %eq3A_170 = arith.constant 1 : i32
    %eq3A_171 = arith.cmpi eq, %arg0, %eq3A_170 : i32
    %convert_element_type3A_172 = arith.extui %eq3A_171 : i1 to i32
    %cond3A_173 = arith.constant 0 : i32
    %cond3A_174 = arith.cmpi ne, %convert_element_type3A_172, %cond3A_173 : i32
    scf.if %cond3A_174 {
      "tpu.region"() ({
        %run_scoped3A = tpu.sem_alloc : memref<!tpu.dma_semaphore, #tpu.memory_space<semaphore_mem>>
        %dma_start3A_175 = tpu.memref_slice %arg6[%mul3A_164] : memref<100352xf32, #tpu.memory_space<hbm>> -> memref<6272xf32, #tpu.memory_space<hbm>>
        %dma_start3A_176 = tpu.memref_slice %arg16[%mul3A_164] : memref<100352xf32, #tpu.memory_space<vmem_shared>> -> memref<6272xf32, #tpu.memory_space<vmem_shared>>
        tpu.enqueue_dma source(%dma_start3A_176 : memref<6272xf32, #tpu.memory_space<vmem_shared>>) target(%dma_start3A_175 : memref<6272xf32, #tpu.memory_space<hbm>>) target_semaphore(%run_scoped3A : memref<!tpu.dma_semaphore, #tpu.memory_space<semaphore_mem>>)
        %dma_wait3A_177 = tpu.memref_slice %arg6[%mul3A_164] : memref<100352xf32, #tpu.memory_space<hbm>> -> memref<6272xf32, #tpu.memory_space<hbm>>
        %dma_wait3A_178 = tpu.memref_slice %arg16[%mul3A_164] : memref<100352xf32, #tpu.memory_space<vmem_shared>> -> memref<6272xf32, #tpu.memory_space<vmem_shared>>
        tpu.wait_dma2 semaphore(%run_scoped3A : memref<!tpu.dma_semaphore, #tpu.memory_space<semaphore_mem>>) src(%dma_wait3A_178 : memref<6272xf32, #tpu.memory_space<vmem_shared>>) dst(%dma_wait3A_177 : memref<6272xf32, #tpu.memory_space<hbm>>)
        tpu.yield
      }) : () -> ()
    } else {
    }
    return
  }
}

#map = affine_map<(d0, d1) -> (0, 0)>
#map1 = affine_map<(d0, d1) -> (0)>
module attributes {stable_mosaic.version = 14 : i64} {
  func.func @_sc_hist(%arg0: i32, %arg1: i32, %arg2: memref<2x1600000xi32, #tpu.memory_space<hbm>>, %arg3: memref<100352xf32, #tpu.memory_space<hbm>>, %arg4: memref<100352xf32, #tpu.memory_space<hbm>>, %arg5: memref<100352xf32, #tpu.memory_space<hbm>>, %arg6: memref<100352xf32, #tpu.memory_space<hbm>>, %arg7: memref<2x1x1664xi32, #tpu.memory_space<vmem>>, %arg8: memref<2x1x1664xi32, #tpu.memory_space<vmem>>, %arg9: memref<1x1664xf32, #tpu.memory_space<vmem>>, %arg10: memref<6272xf32, #tpu.memory_space<vmem>>, %arg11: memref<100352xf32, #tpu.memory_space<vmem_shared>>, %arg12: memref<100352xf32, #tpu.memory_space<vmem_shared>>, %arg13: memref<!tpu.dma_semaphore, #tpu.memory_space<semaphore_mem>>, %arg14: memref<!tpu.dma_semaphore, #tpu.memory_space<semaphore_mem>>) attributes {dimension_semantics = [#tpu.dimension_semantics<core_parallel>, #tpu.dimension_semantics<subcore_parallel>], iteration_bounds = array<i64: 2, 16>, scalar_prefetch = 0 : i64, scratch_operands = 8 : i64, tpu.core_type = #tpu.core_type<sc_vector_subcore>, window_params = [{transform_indices = #map}, {transform_indices = #map1}, {transform_indices = #map1}, {transform_indices = #map1}, {transform_indices = #map1}]} {
    %mul3A = arith.constant 16 : i32
    %mul3A_0 = arith.muli %arg0, %mul3A : i32
    %add3A = arith.addi %mul3A_0, %arg1 : i32
    %scan3A = arith.constant 0 : i32
    %scan3A_1 = arith.constant 104 : i32
    %scan3A_2 = arith.addi %scan3A, %scan3A_1 : i32
    %scan3A_3 = arith.constant 1 : i32
    scf.for %scan3A_92 = %scan3A to %scan3A_2 step %scan3A_3  : i32 {
      %broadcast_in_dim3A = arith.constant 1.000000e+00 : f32
      %broadcast_in_dim3A_93 = vector.broadcast %broadcast_in_dim3A : f32 to vector<16xf32>
      %mul3A_94 = arith.constant 16 : i32
      %mul3A_95 = arith.muli %scan3A_92, %mul3A_94 : i32
      %swap3A = arith.constant 0 : i32
      %swap3A_96 = arith.index_cast %swap3A : i32 to index
      %swap3A_97 = arith.index_cast %mul3A_95 : i32 to index
      %swap3A_98 = tpu.vector_load %arg9[%swap3A_96, %swap3A_97] {strides = array<i32>} : memref<1x1664xf32, #tpu.memory_space<vmem>>, vector<16xf32>,
      tpu.vector_store %arg9[%swap3A_96, %swap3A_97], %broadcast_in_dim3A_93 {strides = array<i32>} : memref<1x1664xf32, #tpu.memory_space<vmem>>, vector<16xf32>,
    }
    %scan3A_4 = arith.constant 104 : i32
    %scan3A_5 = arith.constant 0 : i32
    %scan3A_6 = arith.constant 392 : i32
    %scan3A_7 = arith.addi %scan3A_5, %scan3A_6 : i32
    %scan3A_8 = arith.constant 1 : i32
    scf.for %scan3A_92 = %scan3A_5 to %scan3A_7 step %scan3A_8  : i32 {
      %broadcast_in_dim3A = arith.constant 0.000000e+00 : f32
      %broadcast_in_dim3A_93 = vector.broadcast %broadcast_in_dim3A : f32 to vector<16xf32>
      %mul3A_94 = arith.constant 16 : i32
      %mul3A_95 = arith.muli %scan3A_92, %mul3A_94 : i32
      %swap3A = arith.index_cast %mul3A_95 : i32 to index
      %swap3A_96 = tpu.vector_load %arg10[%swap3A] {strides = array<i32>} : memref<6272xf32, #tpu.memory_space<vmem>>, vector<16xf32>,
      tpu.vector_store %arg10[%swap3A], %broadcast_in_dim3A_93 {strides = array<i32>} : memref<6272xf32, #tpu.memory_space<vmem>>, vector<16xf32>,
    }
    %scan3A_9 = arith.constant 392 : i32
    %mul3A_10 = arith.constant 6272 : i32
    %mul3A_11 = arith.muli %arg1, %mul3A_10 : i32
    "tpu.region"() ({
      %run_scoped3A = tpu.sem_alloc : memref<!tpu.dma_semaphore, #tpu.memory_space<semaphore_mem>>
      %dma_start3A_92 = tpu.memref_slice %arg11[%mul3A_11] : memref<100352xf32, #tpu.memory_space<vmem_shared>> -> memref<6272xf32, #tpu.memory_space<vmem_shared>>
      %dma_start3A_93 = tpu.memref_slice %arg11[%mul3A_11] : memref<100352xf32, #tpu.memory_space<vmem_shared>> -> memref<6272xf32, #tpu.memory_space<vmem_shared>>
      tpu.enqueue_dma source(%arg10 : memref<6272xf32, #tpu.memory_space<vmem>>) target(%dma_start3A_93 : memref<6272xf32, #tpu.memory_space<vmem_shared>>) target_semaphore(%run_scoped3A : memref<!tpu.dma_semaphore, #tpu.memory_space<semaphore_mem>>)
      %dma_wait3A_94 = tpu.memref_slice %arg11[%mul3A_11] : memref<100352xf32, #tpu.memory_space<vmem_shared>> -> memref<6272xf32, #tpu.memory_space<vmem_shared>>
      %dma_wait3A_95 = tpu.memref_slice %arg11[%mul3A_11] : memref<100352xf32, #tpu.memory_space<vmem_shared>> -> memref<6272xf32, #tpu.memory_space<vmem_shared>>
      tpu.wait_dma2 semaphore(%run_scoped3A : memref<!tpu.dma_semaphore, #tpu.memory_space<semaphore_mem>>) src(%arg10 : memref<6272xf32, #tpu.memory_space<vmem>>) dst(%dma_wait3A_95 : memref<6272xf32, #tpu.memory_space<vmem_shared>>)
      tpu.yield
    }) : () -> ()
    %mul3A_12 = arith.constant 6272 : i32
    %mul3A_13 = arith.muli %arg1, %mul3A_12 : i32
    "tpu.region"() ({
      %run_scoped3A = tpu.sem_alloc : memref<!tpu.dma_semaphore, #tpu.memory_space<semaphore_mem>>
      %dma_start3A_92 = tpu.memref_slice %arg12[%mul3A_13] : memref<100352xf32, #tpu.memory_space<vmem_shared>> -> memref<6272xf32, #tpu.memory_space<vmem_shared>>
      %dma_start3A_93 = tpu.memref_slice %arg12[%mul3A_13] : memref<100352xf32, #tpu.memory_space<vmem_shared>> -> memref<6272xf32, #tpu.memory_space<vmem_shared>>
      tpu.enqueue_dma source(%arg10 : memref<6272xf32, #tpu.memory_space<vmem>>) target(%dma_start3A_93 : memref<6272xf32, #tpu.memory_space<vmem_shared>>) target_semaphore(%run_scoped3A : memref<!tpu.dma_semaphore, #tpu.memory_space<semaphore_mem>>)
      %dma_wait3A_94 = tpu.memref_slice %arg12[%mul3A_13] : memref<100352xf32, #tpu.memory_space<vmem_shared>> -> memref<6272xf32, #tpu.memory_space<vmem_shared>>
      %dma_wait3A_95 = tpu.memref_slice %arg12[%mul3A_13] : memref<100352xf32, #tpu.memory_space<vmem_shared>> -> memref<6272xf32, #tpu.memory_space<vmem_shared>>
      tpu.wait_dma2 semaphore(%run_scoped3A : memref<!tpu.dma_semaphore, #tpu.memory_space<semaphore_mem>>) src(%arg10 : memref<6272xf32, #tpu.memory_space<vmem>>) dst(%dma_wait3A_95 : memref<6272xf32, #tpu.memory_space<vmem_shared>>)
      tpu.yield
    }) : () -> ()
    %barrier3A = arith.constant 0 : index
    tpu.barrier barrier_id(%barrier3A)
    %lt3A = arith.constant 20 : i32
    %lt3A_14 = arith.cmpi slt, %add3A, %lt3A : i32
    %mul3A_15 = arith.constant 391 : i32
    %mul3A_16 = arith.muli %add3A, %mul3A_15 : i32
    %sub3A = arith.constant 20 : i32
    %sub3A_17 = arith.subi %add3A, %sub3A : i32
    %mul3A_18 = arith.constant 390 : i32
    %mul3A_19 = arith.muli %sub3A_17, %mul3A_18 : i32
    %add3A_20 = arith.constant 7820 : i32
    %add3A_21 = arith.addi %add3A_20, %mul3A_19 : i32
    %select_n3A = arith.select %lt3A_14, %mul3A_16, %add3A_21 : i32
    %mul3A_22 = arith.constant 128 : i32
    %mul3A_23 = arith.muli %select_n3A, %mul3A_22 : i32
    %add3A_24 = arith.constant 0 : i32
    %add3A_25 = arith.addi %mul3A_23, %add3A_24 : i32
    %dma_start3A = arith.constant 0 : i32
    %dma_start3A_26 = arith.constant 0 : i32
    %dma_start3A_27 = arith.constant 0 : i32
    %dma_start3A_28 = arith.constant 0 : i32
    %dma_start3A_29 = tpu.memref_slice %arg7[%dma_start3A_26, %dma_start3A_27, %dma_start3A_28] : memref<2x1x1664xi32, #tpu.memory_space<vmem>> -> memref<1x1x1664xi32, #tpu.memory_space<vmem>>
    %dma_start3A_30 = tpu.memref_squeeze %dma_start3A_29 : memref<1x1x1664xi32, #tpu.memory_space<vmem>> -> memref<1664xi32, #tpu.memory_space<vmem>>
    %dma_start3A_31 = tpu.memref_slice %arg2[%dma_start3A, %add3A_25] : memref<2x1600000xi32, #tpu.memory_space<hbm>> -> memref<1x1664xi32, #tpu.memory_space<hbm>>
    %dma_start3A_32 = tpu.memref_squeeze %dma_start3A_31 : memref<1x1664xi32, #tpu.memory_space<hbm>> -> memref<1664xi32, #tpu.memory_space<hbm>>
    %dma_start3A_33 = arith.constant 0 : i32
    %dma_start3A_34 = tpu.memref_slice %arg7[%dma_start3A_26, %dma_start3A_27, %dma_start3A_33] : memref<2x1x1664xi32, #tpu.memory_space<vmem>> -> memref<1x1x1664xi32, #tpu.memory_space<vmem>>
    %dma_start3A_35 = tpu.memref_squeeze %dma_start3A_34 : memref<1x1x1664xi32, #tpu.memory_space<vmem>> -> memref<1664xi32, #tpu.memory_space<vmem>>
    %dma_start3A_36 = tpu.memref_slice %arg2[%dma_start3A, %add3A_25] : memref<2x1600000xi32, #tpu.memory_space<hbm>> -> memref<1x1664xi32, #tpu.memory_space<hbm>>
    %dma_start3A_37 = tpu.memref_squeeze %dma_start3A_36 : memref<1x1664xi32, #tpu.memory_space<hbm>> -> memref<1664xi32, #tpu.memory_space<hbm>>
    tpu.enqueue_dma source(%dma_start3A_37 : memref<1664xi32, #tpu.memory_space<hbm>>) target(%dma_start3A_35 : memref<1664xi32, #tpu.memory_space<vmem>>) target_semaphore(%arg13 : memref<!tpu.dma_semaphore, #tpu.memory_space<semaphore_mem>>)
    %dma_start3A_38 = arith.constant 1 : i32
    %dma_start3A_39 = arith.constant 0 : i32
    %dma_start3A_40 = arith.constant 0 : i32
    %dma_start3A_41 = arith.constant 0 : i32
    %dma_start3A_42 = tpu.memref_slice %arg8[%dma_start3A_39, %dma_start3A_40, %dma_start3A_41] : memref<2x1x1664xi32, #tpu.memory_space<vmem>> -> memref<1x1x1664xi32, #tpu.memory_space<vmem>>
    %dma_start3A_43 = tpu.memref_squeeze %dma_start3A_42 : memref<1x1x1664xi32, #tpu.memory_space<vmem>> -> memref<1664xi32, #tpu.memory_space<vmem>>
    %dma_start3A_44 = tpu.memref_slice %arg2[%dma_start3A_38, %add3A_25] : memref<2x1600000xi32, #tpu.memory_space<hbm>> -> memref<1x1664xi32, #tpu.memory_space<hbm>>
    %dma_start3A_45 = tpu.memref_squeeze %dma_start3A_44 : memref<1x1664xi32, #tpu.memory_space<hbm>> -> memref<1664xi32, #tpu.memory_space<hbm>>
    %dma_start3A_46 = arith.constant 0 : i32
    %dma_start3A_47 = tpu.memref_slice %arg8[%dma_start3A_39, %dma_start3A_40, %dma_start3A_46] : memref<2x1x1664xi32, #tpu.memory_space<vmem>> -> memref<1x1x1664xi32, #tpu.memory_space<vmem>>
    %dma_start3A_48 = tpu.memref_squeeze %dma_start3A_47 : memref<1x1x1664xi32, #tpu.memory_space<vmem>> -> memref<1664xi32, #tpu.memory_space<vmem>>
    %dma_start3A_49 = tpu.memref_slice %arg2[%dma_start3A_38, %add3A_25] : memref<2x1600000xi32, #tpu.memory_space<hbm>> -> memref<1x1664xi32, #tpu.memory_space<hbm>>
    %dma_start3A_50 = tpu.memref_squeeze %dma_start3A_49 : memref<1x1664xi32, #tpu.memory_space<hbm>> -> memref<1664xi32, #tpu.memory_space<hbm>>
    tpu.enqueue_dma source(%dma_start3A_50 : memref<1664xi32, #tpu.memory_space<hbm>>) target(%dma_start3A_48 : memref<1664xi32, #tpu.memory_space<vmem>>) target_semaphore(%arg13 : memref<!tpu.dma_semaphore, #tpu.memory_space<semaphore_mem>>)
    %scan3A_51 = arith.constant 0 : i32
    %scan3A_52 = arith.constant 30 : i32
    %scan3A_53 = arith.addi %scan3A_51, %scan3A_52 : i32
    %scan3A_54 = arith.constant 1 : i32
    scf.for %scan3A_92 = %scan3A_51 to %scan3A_53 step %scan3A_54  : i32 {
      %rem3A = arith.constant 2 : i32
      %rem3A_93 = arith.remsi %scan3A_92, %rem3A : i32
      %dma_wait3A_94 = arith.constant 0 : i32
      %dma_wait3A_95 = arith.constant 0 : i32
      %dma_wait3A_96 = arith.constant 0 : i32
      %dma_wait3A_97 = tpu.memref_slice %arg7[%rem3A_93, %dma_wait3A_95, %dma_wait3A_96] : memref<2x1x1664xi32, #tpu.memory_space<vmem>> -> memref<1x1x1664xi32, #tpu.memory_space<vmem>>
      %dma_wait3A_98 = tpu.memref_squeeze %dma_wait3A_97 : memref<1x1x1664xi32, #tpu.memory_space<vmem>> -> memref<1664xi32, #tpu.memory_space<vmem>>
      %dma_wait3A_99 = arith.constant 0 : i32
      %dma_wait3A_100 = tpu.memref_slice %arg2[%dma_wait3A_94, %dma_wait3A_99] : memref<2x1600000xi32, #tpu.memory_space<hbm>> -> memref<1x1664xi32, #tpu.memory_space<hbm>>
      %dma_wait3A_101 = tpu.memref_squeeze %dma_wait3A_100 : memref<1x1664xi32, #tpu.memory_space<hbm>> -> memref<1664xi32, #tpu.memory_space<hbm>>
      %dma_wait3A_102 = arith.constant 0 : i32
      %dma_wait3A_103 = tpu.memref_slice %arg7[%rem3A_93, %dma_wait3A_95, %dma_wait3A_102] : memref<2x1x1664xi32, #tpu.memory_space<vmem>> -> memref<1x1x1664xi32, #tpu.memory_space<vmem>>
      %dma_wait3A_104 = tpu.memref_squeeze %dma_wait3A_103 : memref<1x1x1664xi32, #tpu.memory_space<vmem>> -> memref<1664xi32, #tpu.memory_space<vmem>>
      %dma_wait3A_105 = arith.constant 0 : i32
      %dma_wait3A_106 = tpu.memref_slice %arg2[%dma_wait3A_94, %dma_wait3A_105] : memref<2x1600000xi32, #tpu.memory_space<hbm>> -> memref<1x1664xi32, #tpu.memory_space<hbm>>
      %dma_wait3A_107 = tpu.memref_squeeze %dma_wait3A_106 : memref<1x1664xi32, #tpu.memory_space<hbm>> -> memref<1664xi32, #tpu.memory_space<hbm>>
      tpu.wait_dma2 semaphore(%arg13 : memref<!tpu.dma_semaphore, #tpu.memory_space<semaphore_mem>>) src(%dma_wait3A_107 : memref<1664xi32, #tpu.memory_space<hbm>>) dst(%dma_wait3A_104 : memref<1664xi32, #tpu.memory_space<vmem>>)
      %dma_wait3A_108 = arith.constant 1 : i32
      %dma_wait3A_109 = arith.constant 0 : i32
      %dma_wait3A_110 = arith.constant 0 : i32
      %dma_wait3A_111 = tpu.memref_slice %arg8[%rem3A_93, %dma_wait3A_109, %dma_wait3A_110] : memref<2x1x1664xi32, #tpu.memory_space<vmem>> -> memref<1x1x1664xi32, #tpu.memory_space<vmem>>
      %dma_wait3A_112 = tpu.memref_squeeze %dma_wait3A_111 : memref<1x1x1664xi32, #tpu.memory_space<vmem>> -> memref<1664xi32, #tpu.memory_space<vmem>>
      %dma_wait3A_113 = arith.constant 0 : i32
      %dma_wait3A_114 = tpu.memref_slice %arg2[%dma_wait3A_108, %dma_wait3A_113] : memref<2x1600000xi32, #tpu.memory_space<hbm>> -> memref<1x1664xi32, #tpu.memory_space<hbm>>
      %dma_wait3A_115 = tpu.memref_squeeze %dma_wait3A_114 : memref<1x1664xi32, #tpu.memory_space<hbm>> -> memref<1664xi32, #tpu.memory_space<hbm>>
      %dma_wait3A_116 = arith.constant 0 : i32
      %dma_wait3A_117 = tpu.memref_slice %arg8[%rem3A_93, %dma_wait3A_109, %dma_wait3A_116] : memref<2x1x1664xi32, #tpu.memory_space<vmem>> -> memref<1x1x1664xi32, #tpu.memory_space<vmem>>
      %dma_wait3A_118 = tpu.memref_squeeze %dma_wait3A_117 : memref<1x1x1664xi32, #tpu.memory_space<vmem>> -> memref<1664xi32, #tpu.memory_space<vmem>>
      %dma_wait3A_119 = arith.constant 0 : i32
      %dma_wait3A_120 = tpu.memref_slice %arg2[%dma_wait3A_108, %dma_wait3A_119] : memref<2x1600000xi32, #tpu.memory_space<hbm>> -> memref<1x1664xi32, #tpu.memory_space<hbm>>
      %dma_wait3A_121 = tpu.memref_squeeze %dma_wait3A_120 : memref<1x1664xi32, #tpu.memory_space<hbm>> -> memref<1664xi32, #tpu.memory_space<hbm>>
      tpu.wait_dma2 semaphore(%arg13 : memref<!tpu.dma_semaphore, #tpu.memory_space<semaphore_mem>>) src(%dma_wait3A_121 : memref<1664xi32, #tpu.memory_space<hbm>>) dst(%dma_wait3A_118 : memref<1664xi32, #tpu.memory_space<vmem>>)
      %gt3A = arith.constant 0 : i32
      %gt3A_122 = arith.cmpi sgt, %scan3A_92, %gt3A : i32
      %convert_element_type3A_123 = arith.extui %gt3A_122 : i1 to i32
      %cond3A_124 = arith.constant 0 : i32
      %cond3A_125 = arith.cmpi ne, %convert_element_type3A_123, %cond3A_124 : i32
      scf.if %cond3A_125 {
        %sub3A_153 = arith.constant 1 : i32
        %sub3A_154 = arith.subi %sub3A_153, %rem3A_93 : i32
        %dma_wait3A_155 = arith.constant 0 : i32
        %dma_wait3A_156 = arith.constant 0 : i32
        %dma_wait3A_157 = arith.constant 0 : i32
        %dma_wait3A_158 = tpu.memref_slice %arg9[%dma_wait3A_155, %dma_wait3A_157] : memref<1x1664xf32, #tpu.memory_space<vmem>> -> memref<1x1664xf32, #tpu.memory_space<vmem>>
        %dma_wait3A_159 = tpu.memref_squeeze %dma_wait3A_158 : memref<1x1664xf32, #tpu.memory_space<vmem>> -> memref<1664xf32, #tpu.memory_space<vmem>>
        %dma_wait3A_160 = arith.constant 0 : i32
        %dma_wait3A_161 = tpu.memref_slice %arg7[%sub3A_154, %dma_wait3A_156, %dma_wait3A_160] : memref<2x1x1664xi32, #tpu.memory_space<vmem>> -> memref<1x1x1664xi32, #tpu.memory_space<vmem>>
        %dma_wait3A_162 = tpu.memref_squeeze %dma_wait3A_161 : memref<1x1x1664xi32, #tpu.memory_space<vmem>> -> memref<1664xi32, #tpu.memory_space<vmem>>
        %dma_wait3A_163 = arith.constant 0 : i32
        %dma_wait3A_164 = tpu.memref_slice %arg11[%dma_wait3A_163] : memref<100352xf32, #tpu.memory_space<vmem_shared>> -> memref<100352xf32, #tpu.memory_space<vmem_shared>>
        tpu.wait_indirect_dma semaphore(%arg14 : memref<!tpu.dma_semaphore, #tpu.memory_space<semaphore_mem>>) src(%dma_wait3A_159 : memref<1664xf32, #tpu.memory_space<vmem>>) dst(%dma_wait3A_164 : memref<100352xf32, #tpu.memory_space<vmem_shared>>)
        %dma_wait3A_165 = arith.constant 0 : i32
        %dma_wait3A_166 = arith.constant 0 : i32
        %dma_wait3A_167 = arith.constant 0 : i32
        %dma_wait3A_168 = tpu.memref_slice %arg9[%dma_wait3A_165, %dma_wait3A_167] : memref<1x1664xf32, #tpu.memory_space<vmem>> -> memref<1x1664xf32, #tpu.memory_space<vmem>>
        %dma_wait3A_169 = tpu.memref_squeeze %dma_wait3A_168 : memref<1x1664xf32, #tpu.memory_space<vmem>> -> memref<1664xf32, #tpu.memory_space<vmem>>
        %dma_wait3A_170 = arith.constant 0 : i32
        %dma_wait3A_171 = tpu.memref_slice %arg8[%sub3A_154, %dma_wait3A_166, %dma_wait3A_170] : memref<2x1x1664xi32, #tpu.memory_space<vmem>> -> memref<1x1x1664xi32, #tpu.memory_space<vmem>>
        %dma_wait3A_172 = tpu.memref_squeeze %dma_wait3A_171 : memref<1x1x1664xi32, #tpu.memory_space<vmem>> -> memref<1664xi32, #tpu.memory_space<vmem>>
        %dma_wait3A_173 = arith.constant 0 : i32
        %dma_wait3A_174 = tpu.memref_slice %arg12[%dma_wait3A_173] : memref<100352xf32, #tpu.memory_space<vmem_shared>> -> memref<100352xf32, #tpu.memory_space<vmem_shared>>
        tpu.wait_indirect_dma semaphore(%arg14 : memref<!tpu.dma_semaphore, #tpu.memory_space<semaphore_mem>>) src(%dma_wait3A_169 : memref<1664xf32, #tpu.memory_space<vmem>>) dst(%dma_wait3A_174 : memref<100352xf32, #tpu.memory_space<vmem_shared>>)
      } else {
      }
      %add3A_126 = arith.constant 1 : i32
      %add3A_127 = arith.addi %scan3A_92, %add3A_126 : i32
      %lt3A_128 = arith.constant 30 : i32
      %lt3A_129 = arith.cmpi slt, %add3A_127, %lt3A_128 : i32
      %convert_element_type3A_130 = arith.extui %lt3A_129 : i1 to i32
      %cond3A_131 = arith.constant 0 : i32
      %cond3A_132 = arith.cmpi ne, %convert_element_type3A_130, %cond3A_131 : i32
      scf.if %cond3A_132 {
        %add3A_153 = arith.constant 1 : i32
        %add3A_154 = arith.addi %scan3A_92, %add3A_153 : i32
        %sub3A_155 = arith.constant 1 : i32
        %sub3A_156 = arith.subi %sub3A_155, %rem3A_93 : i32
        %mul3A_157 = arith.constant 1664 : i32
        %mul3A_158 = arith.muli %add3A_154, %mul3A_157 : i32
        %add3A_159 = arith.addi %mul3A_23, %mul3A_158 : i32
        %dma_start3A_160 = arith.constant 0 : i32
        %dma_start3A_161 = arith.constant 0 : i32
        %dma_start3A_162 = arith.constant 0 : i32
        %dma_start3A_163 = tpu.memref_slice %arg7[%sub3A_156, %dma_start3A_161, %dma_start3A_162] : memref<2x1x1664xi32, #tpu.memory_space<vmem>> -> memref<1x1x1664xi32, #tpu.memory_space<vmem>>
        %dma_start3A_164 = tpu.memref_squeeze %dma_start3A_163 : memref<1x1x1664xi32, #tpu.memory_space<vmem>> -> memref<1664xi32, #tpu.memory_space<vmem>>
        %dma_start3A_165 = tpu.memref_slice %arg2[%dma_start3A_160, %add3A_159] : memref<2x1600000xi32, #tpu.memory_space<hbm>> -> memref<1x1664xi32, #tpu.memory_space<hbm>>
        %dma_start3A_166 = tpu.memref_squeeze %dma_start3A_165 : memref<1x1664xi32, #tpu.memory_space<hbm>> -> memref<1664xi32, #tpu.memory_space<hbm>>
        %dma_start3A_167 = arith.constant 0 : i32
        %dma_start3A_168 = tpu.memref_slice %arg7[%sub3A_156, %dma_start3A_161, %dma_start3A_167] : memref<2x1x1664xi32, #tpu.memory_space<vmem>> -> memref<1x1x1664xi32, #tpu.memory_space<vmem>>
        %dma_start3A_169 = tpu.memref_squeeze %dma_start3A_168 : memref<1x1x1664xi32, #tpu.memory_space<vmem>> -> memref<1664xi32, #tpu.memory_space<vmem>>
        %dma_start3A_170 = tpu.memref_slice %arg2[%dma_start3A_160, %add3A_159] : memref<2x1600000xi32, #tpu.memory_space<hbm>> -> memref<1x1664xi32, #tpu.memory_space<hbm>>
        %dma_start3A_171 = tpu.memref_squeeze %dma_start3A_170 : memref<1x1664xi32, #tpu.memory_space<hbm>> -> memref<1664xi32, #tpu.memory_space<hbm>>
        tpu.enqueue_dma source(%dma_start3A_171 : memref<1664xi32, #tpu.memory_space<hbm>>) target(%dma_start3A_169 : memref<1664xi32, #tpu.memory_space<vmem>>) target_semaphore(%arg13 : memref<!tpu.dma_semaphore, #tpu.memory_space<semaphore_mem>>)
        %dma_start3A_172 = arith.constant 1 : i32
        %dma_start3A_173 = arith.constant 0 : i32
        %dma_start3A_174 = arith.constant 0 : i32
        %dma_start3A_175 = tpu.memref_slice %arg8[%sub3A_156, %dma_start3A_173, %dma_start3A_174] : memref<2x1x1664xi32, #tpu.memory_space<vmem>> -> memref<1x1x1664xi32, #tpu.memory_space<vmem>>
        %dma_start3A_176 = tpu.memref_squeeze %dma_start3A_175 : memref<1x1x1664xi32, #tpu.memory_space<vmem>> -> memref<1664xi32, #tpu.memory_space<vmem>>
        %dma_start3A_177 = tpu.memref_slice %arg2[%dma_start3A_172, %add3A_159] : memref<2x1600000xi32, #tpu.memory_space<hbm>> -> memref<1x1664xi32, #tpu.memory_space<hbm>>
        %dma_start3A_178 = tpu.memref_squeeze %dma_start3A_177 : memref<1x1664xi32, #tpu.memory_space<hbm>> -> memref<1664xi32, #tpu.memory_space<hbm>>
        %dma_start3A_179 = arith.constant 0 : i32
        %dma_start3A_180 = tpu.memref_slice %arg8[%sub3A_156, %dma_start3A_173, %dma_start3A_179] : memref<2x1x1664xi32, #tpu.memory_space<vmem>> -> memref<1x1x1664xi32, #tpu.memory_space<vmem>>
        %dma_start3A_181 = tpu.memref_squeeze %dma_start3A_180 : memref<1x1x1664xi32, #tpu.memory_space<vmem>> -> memref<1664xi32, #tpu.memory_space<vmem>>
        %dma_start3A_182 = tpu.memref_slice %arg2[%dma_start3A_172, %add3A_159] : memref<2x1600000xi32, #tpu.memory_space<hbm>> -> memref<1x1664xi32, #tpu.memory_space<hbm>>
        %dma_start3A_183 = tpu.memref_squeeze %dma_start3A_182 : memref<1x1664xi32, #tpu.memory_space<hbm>> -> memref<1664xi32, #tpu.memory_space<hbm>>
        tpu.enqueue_dma source(%dma_start3A_183 : memref<1664xi32, #tpu.memory_space<hbm>>) target(%dma_start3A_181 : memref<1664xi32, #tpu.memory_space<vmem>>) target_semaphore(%arg13 : memref<!tpu.dma_semaphore, #tpu.memory_space<semaphore_mem>>)
      } else {
      }
      %dma_start3A_133 = arith.constant 0 : i32
      %dma_start3A_134 = arith.constant 0 : i32
      %dma_start3A_135 = arith.constant 0 : i32
      %dma_start3A_136 = tpu.memref_slice %arg9[%dma_start3A_133, %dma_start3A_135] : memref<1x1664xf32, #tpu.memory_space<vmem>> -> memref<1x1664xf32, #tpu.memory_space<vmem>>
      %dma_start3A_137 = tpu.memref_squeeze %dma_start3A_136 : memref<1x1664xf32, #tpu.memory_space<vmem>> -> memref<1664xf32, #tpu.memory_space<vmem>>
      %dma_start3A_138 = arith.constant 0 : i32
      %dma_start3A_139 = tpu.memref_slice %arg7[%rem3A_93, %dma_start3A_134, %dma_start3A_138] : memref<2x1x1664xi32, #tpu.memory_space<vmem>> -> memref<1x1x1664xi32, #tpu.memory_space<vmem>>
      %dma_start3A_140 = tpu.memref_squeeze %dma_start3A_139 : memref<1x1x1664xi32, #tpu.memory_space<vmem>> -> memref<1664xi32, #tpu.memory_space<vmem>>
      %dma_start3A_141 = arith.constant 0 : i32
      %dma_start3A_142 = tpu.memref_slice %arg11[%dma_start3A_141] : memref<100352xf32, #tpu.memory_space<vmem_shared>> -> memref<100352xf32, #tpu.memory_space<vmem_shared>>
      tpu.enqueue_indirect_dma source(%dma_start3A_137 : memref<1664xf32, #tpu.memory_space<vmem>>) target(%dma_start3A_142 : memref<100352xf32, #tpu.memory_space<vmem_shared>>) offsets(%dma_start3A_140 : memref<1664xi32, #tpu.memory_space<vmem>>) semaphore(%arg14 : memref<!tpu.dma_semaphore, #tpu.memory_space<semaphore_mem>>) {add = true}
      %dma_start3A_143 = arith.constant 0 : i32
      %dma_start3A_144 = arith.constant 0 : i32
      %dma_start3A_145 = arith.constant 0 : i32
      %dma_start3A_146 = tpu.memref_slice %arg9[%dma_start3A_143, %dma_start3A_145] : memref<1x1664xf32, #tpu.memory_space<vmem>> -> memref<1x1664xf32, #tpu.memory_space<vmem>>
      %dma_start3A_147 = tpu.memref_squeeze %dma_start3A_146 : memref<1x1664xf32, #tpu.memory_space<vmem>> -> memref<1664xf32, #tpu.memory_space<vmem>>
      %dma_start3A_148 = arith.constant 0 : i32
      %dma_start3A_149 = tpu.memref_slice %arg8[%rem3A_93, %dma_start3A_144, %dma_start3A_148] : memref<2x1x1664xi32, #tpu.memory_space<vmem>> -> memref<1x1x1664xi32, #tpu.memory_space<vmem>>
      %dma_start3A_150 = tpu.memref_squeeze %dma_start3A_149 : memref<1x1x1664xi32, #tpu.memory_space<vmem>> -> memref<1664xi32, #tpu.memory_space<vmem>>
      %dma_start3A_151 = arith.constant 0 : i32
      %dma_start3A_152 = tpu.memref_slice %arg12[%dma_start3A_151] : memref<100352xf32, #tpu.memory_space<vmem_shared>> -> memref<100352xf32, #tpu.memory_space<vmem_shared>>
      tpu.enqueue_indirect_dma source(%dma_start3A_147 : memref<1664xf32, #tpu.memory_space<vmem>>) target(%dma_start3A_152 : memref<100352xf32, #tpu.memory_space<vmem_shared>>) offsets(%dma_start3A_150 : memref<1664xi32, #tpu.memory_space<vmem>>) semaphore(%arg14 : memref<!tpu.dma_semaphore, #tpu.memory_space<semaphore_mem>>) {add = true}
    }
    %scan3A_55 = arith.constant 30 : i32
    %dma_wait3A = arith.constant 0 : i32
    %dma_wait3A_56 = arith.constant 1 : i32
    %dma_wait3A_57 = arith.constant 0 : i32
    %dma_wait3A_58 = arith.constant 0 : i32
    %dma_wait3A_59 = tpu.memref_slice %arg9[%dma_wait3A, %dma_wait3A_58] : memref<1x1664xf32, #tpu.memory_space<vmem>> -> memref<1x1664xf32, #tpu.memory_space<vmem>>
    %dma_wait3A_60 = tpu.memref_squeeze %dma_wait3A_59 : memref<1x1664xf32, #tpu.memory_space<vmem>> -> memref<1664xf32, #tpu.memory_space<vmem>>
    %dma_wait3A_61 = arith.constant 0 : i32
    %dma_wait3A_62 = tpu.memref_slice %arg7[%dma_wait3A_56, %dma_wait3A_57, %dma_wait3A_61] : memref<2x1x1664xi32, #tpu.memory_space<vmem>> -> memref<1x1x1664xi32, #tpu.memory_space<vmem>>
    %dma_wait3A_63 = tpu.memref_squeeze %dma_wait3A_62 : memref<1x1x1664xi32, #tpu.memory_space<vmem>> -> memref<1664xi32, #tpu.memory_space<vmem>>
    %dma_wait3A_64 = arith.constant 0 : i32
    %dma_wait3A_65 = tpu.memref_slice %arg11[%dma_wait3A_64] : memref<100352xf32, #tpu.memory_space<vmem_shared>> -> memref<100352xf32, #tpu.memory_space<vmem_shared>>
    tpu.wait_indirect_dma semaphore(%arg14 : memref<!tpu.dma_semaphore, #tpu.memory_space<semaphore_mem>>) src(%dma_wait3A_60 : memref<1664xf32, #tpu.memory_space<vmem>>) dst(%dma_wait3A_65 : memref<100352xf32, #tpu.memory_space<vmem_shared>>)
    %dma_wait3A_66 = arith.constant 0 : i32
    %dma_wait3A_67 = arith.constant 1 : i32
    %dma_wait3A_68 = arith.constant 0 : i32
    %dma_wait3A_69 = arith.constant 0 : i32
    %dma_wait3A_70 = tpu.memref_slice %arg9[%dma_wait3A_66, %dma_wait3A_69] : memref<1x1664xf32, #tpu.memory_space<vmem>> -> memref<1x1664xf32, #tpu.memory_space<vmem>>
    %dma_wait3A_71 = tpu.memref_squeeze %dma_wait3A_70 : memref<1x1664xf32, #tpu.memory_space<vmem>> -> memref<1664xf32, #tpu.memory_space<vmem>>
    %dma_wait3A_72 = arith.constant 0 : i32
    %dma_wait3A_73 = tpu.memref_slice %arg8[%dma_wait3A_67, %dma_wait3A_68, %dma_wait3A_72] : memref<2x1x1664xi32, #tpu.memory_space<vmem>> -> memref<1x1x1664xi32, #tpu.memory_space<vmem>>
    %dma_wait3A_74 = tpu.memref_squeeze %dma_wait3A_73 : memref<1x1x1664xi32, #tpu.memory_space<vmem>> -> memref<1664xi32, #tpu.memory_space<vmem>>
    %dma_wait3A_75 = arith.constant 0 : i32
    %dma_wait3A_76 = tpu.memref_slice %arg12[%dma_wait3A_75] : memref<100352xf32, #tpu.memory_space<vmem_shared>> -> memref<100352xf32, #tpu.memory_space<vmem_shared>>
    tpu.wait_indirect_dma semaphore(%arg14 : memref<!tpu.dma_semaphore, #tpu.memory_space<semaphore_mem>>) src(%dma_wait3A_71 : memref<1664xf32, #tpu.memory_space<vmem>>) dst(%dma_wait3A_76 : memref<100352xf32, #tpu.memory_space<vmem_shared>>)
    %lt3A_77 = arith.constant 20 : i32
    %lt3A_78 = arith.cmpi slt, %add3A, %lt3A_77 : i32
    %convert_element_type3A = arith.extui %lt3A_78 : i1 to i32
    %cond3A = arith.constant 0 : i32
    %cond3A_79 = arith.cmpi ne, %convert_element_type3A, %cond3A : i32
    scf.if %cond3A_79 {
      %add3A_92 = arith.constant 49920 : i32
      %add3A_93 = arith.addi %mul3A_23, %add3A_92 : i32
      %run_scoped3A = arith.constant 0 : i32
      %run_scoped3A_94 = arith.constant 0 : i32
      %run_scoped3A_95 = arith.constant 0 : i32
      "tpu.region"() ({
        %run_scoped3A_105 = tpu.sem_alloc : memref<!tpu.dma_semaphore, #tpu.memory_space<semaphore_mem>>
        %dma_start3A_106 = arith.constant 0 : i32
        %dma_start3A_107 = tpu.memref_slice %arg7[%run_scoped3A_94, %run_scoped3A_95, %dma_start3A_106] : memref<2x1x1664xi32, #tpu.memory_space<vmem>> -> memref<1x1x128xi32, #tpu.memory_space<vmem>>
        %dma_start3A_108 = tpu.memref_squeeze %dma_start3A_107 : memref<1x1x128xi32, #tpu.memory_space<vmem>> -> memref<128xi32, #tpu.memory_space<vmem>>
        %dma_start3A_109 = tpu.memref_slice %arg2[%run_scoped3A, %add3A_93] : memref<2x1600000xi32, #tpu.memory_space<hbm>> -> memref<1x128xi32, #tpu.memory_space<hbm>>
        %dma_start3A_110 = tpu.memref_squeeze %dma_start3A_109 : memref<1x128xi32, #tpu.memory_space<hbm>> -> memref<128xi32, #tpu.memory_space<hbm>>
        %dma_start3A_111 = arith.constant 0 : i32
        %dma_start3A_112 = tpu.memref_slice %arg7[%run_scoped3A_94, %run_scoped3A_95, %dma_start3A_111] : memref<2x1x1664xi32, #tpu.memory_space<vmem>> -> memref<1x1x128xi32, #tpu.memory_space<vmem>>
        %dma_start3A_113 = tpu.memref_squeeze %dma_start3A_112 : memref<1x1x128xi32, #tpu.memory_space<vmem>> -> memref<128xi32, #tpu.memory_space<vmem>>
        %dma_start3A_114 = tpu.memref_slice %arg2[%run_scoped3A, %add3A_93] : memref<2x1600000xi32, #tpu.memory_space<hbm>> -> memref<1x128xi32, #tpu.memory_space<hbm>>
        %dma_start3A_115 = tpu.memref_squeeze %dma_start3A_114 : memref<1x128xi32, #tpu.memory_space<hbm>> -> memref<128xi32, #tpu.memory_space<hbm>>
        tpu.enqueue_dma source(%dma_start3A_115 : memref<128xi32, #tpu.memory_space<hbm>>) target(%dma_start3A_113 : memref<128xi32, #tpu.memory_space<vmem>>) target_semaphore(%run_scoped3A_105 : memref<!tpu.dma_semaphore, #tpu.memory_space<semaphore_mem>>)
        %dma_wait3A_116 = arith.constant 0 : i32
        %dma_wait3A_117 = tpu.memref_slice %arg7[%run_scoped3A_94, %run_scoped3A_95, %dma_wait3A_116] : memref<2x1x1664xi32, #tpu.memory_space<vmem>> -> memref<1x1x128xi32, #tpu.memory_space<vmem>>
        %dma_wait3A_118 = tpu.memref_squeeze %dma_wait3A_117 : memref<1x1x128xi32, #tpu.memory_space<vmem>> -> memref<128xi32, #tpu.memory_space<vmem>>
        %dma_wait3A_119 = tpu.memref_slice %arg2[%run_scoped3A, %add3A_93] : memref<2x1600000xi32, #tpu.memory_space<hbm>> -> memref<1x128xi32, #tpu.memory_space<hbm>>
        %dma_wait3A_120 = tpu.memref_squeeze %dma_wait3A_119 : memref<1x128xi32, #tpu.memory_space<hbm>> -> memref<128xi32, #tpu.memory_space<hbm>>
        %dma_wait3A_121 = arith.constant 0 : i32
        %dma_wait3A_122 = tpu.memref_slice %arg7[%run_scoped3A_94, %run_scoped3A_95, %dma_wait3A_121] : memref<2x1x1664xi32, #tpu.memory_space<vmem>> -> memref<1x1x128xi32, #tpu.memory_space<vmem>>
        %dma_wait3A_123 = tpu.memref_squeeze %dma_wait3A_122 : memref<1x1x128xi32, #tpu.memory_space<vmem>> -> memref<128xi32, #tpu.memory_space<vmem>>
        %dma_wait3A_124 = tpu.memref_slice %arg2[%run_scoped3A, %add3A_93] : memref<2x1600000xi32, #tpu.memory_space<hbm>> -> memref<1x128xi32, #tpu.memory_space<hbm>>
        %dma_wait3A_125 = tpu.memref_squeeze %dma_wait3A_124 : memref<1x128xi32, #tpu.memory_space<hbm>> -> memref<128xi32, #tpu.memory_space<hbm>>
        tpu.wait_dma2 semaphore(%run_scoped3A_105 : memref<!tpu.dma_semaphore, #tpu.memory_space<semaphore_mem>>) src(%dma_wait3A_125 : memref<128xi32, #tpu.memory_space<hbm>>) dst(%dma_wait3A_123 : memref<128xi32, #tpu.memory_space<vmem>>)
        tpu.yield
      }) : () -> ()
      %run_scoped3A_96 = arith.constant 1 : i32
      %run_scoped3A_97 = arith.constant 0 : i32
      %run_scoped3A_98 = arith.constant 0 : i32
      "tpu.region"() ({
        %run_scoped3A_105 = tpu.sem_alloc : memref<!tpu.dma_semaphore, #tpu.memory_space<semaphore_mem>>
        %dma_start3A_106 = arith.constant 0 : i32
        %dma_start3A_107 = tpu.memref_slice %arg8[%run_scoped3A_97, %run_scoped3A_98, %dma_start3A_106] : memref<2x1x1664xi32, #tpu.memory_space<vmem>> -> memref<1x1x128xi32, #tpu.memory_space<vmem>>
        %dma_start3A_108 = tpu.memref_squeeze %dma_start3A_107 : memref<1x1x128xi32, #tpu.memory_space<vmem>> -> memref<128xi32, #tpu.memory_space<vmem>>
        %dma_start3A_109 = tpu.memref_slice %arg2[%run_scoped3A_96, %add3A_93] : memref<2x1600000xi32, #tpu.memory_space<hbm>> -> memref<1x128xi32, #tpu.memory_space<hbm>>
        %dma_start3A_110 = tpu.memref_squeeze %dma_start3A_109 : memref<1x128xi32, #tpu.memory_space<hbm>> -> memref<128xi32, #tpu.memory_space<hbm>>
        %dma_start3A_111 = arith.constant 0 : i32
        %dma_start3A_112 = tpu.memref_slice %arg8[%run_scoped3A_97, %run_scoped3A_98, %dma_start3A_111] : memref<2x1x1664xi32, #tpu.memory_space<vmem>> -> memref<1x1x128xi32, #tpu.memory_space<vmem>>
        %dma_start3A_113 = tpu.memref_squeeze %dma_start3A_112 : memref<1x1x128xi32, #tpu.memory_space<vmem>> -> memref<128xi32, #tpu.memory_space<vmem>>
        %dma_start3A_114 = tpu.memref_slice %arg2[%run_scoped3A_96, %add3A_93] : memref<2x1600000xi32, #tpu.memory_space<hbm>> -> memref<1x128xi32, #tpu.memory_space<hbm>>
        %dma_start3A_115 = tpu.memref_squeeze %dma_start3A_114 : memref<1x128xi32, #tpu.memory_space<hbm>> -> memref<128xi32, #tpu.memory_space<hbm>>
        tpu.enqueue_dma source(%dma_start3A_115 : memref<128xi32, #tpu.memory_space<hbm>>) target(%dma_start3A_113 : memref<128xi32, #tpu.memory_space<vmem>>) target_semaphore(%run_scoped3A_105 : memref<!tpu.dma_semaphore, #tpu.memory_space<semaphore_mem>>)
        %dma_wait3A_116 = arith.constant 0 : i32
        %dma_wait3A_117 = tpu.memref_slice %arg8[%run_scoped3A_97, %run_scoped3A_98, %dma_wait3A_116] : memref<2x1x1664xi32, #tpu.memory_space<vmem>> -> memref<1x1x128xi32, #tpu.memory_space<vmem>>
        %dma_wait3A_118 = tpu.memref_squeeze %dma_wait3A_117 : memref<1x1x128xi32, #tpu.memory_space<vmem>> -> memref<128xi32, #tpu.memory_space<vmem>>
        %dma_wait3A_119 = tpu.memref_slice %arg2[%run_scoped3A_96, %add3A_93] : memref<2x1600000xi32, #tpu.memory_space<hbm>> -> memref<1x128xi32, #tpu.memory_space<hbm>>
        %dma_wait3A_120 = tpu.memref_squeeze %dma_wait3A_119 : memref<1x128xi32, #tpu.memory_space<hbm>> -> memref<128xi32, #tpu.memory_space<hbm>>
        %dma_wait3A_121 = arith.constant 0 : i32
        %dma_wait3A_122 = tpu.memref_slice %arg8[%run_scoped3A_97, %run_scoped3A_98, %dma_wait3A_121] : memref<2x1x1664xi32, #tpu.memory_space<vmem>> -> memref<1x1x128xi32, #tpu.memory_space<vmem>>
        %dma_wait3A_123 = tpu.memref_squeeze %dma_wait3A_122 : memref<1x1x128xi32, #tpu.memory_space<vmem>> -> memref<128xi32, #tpu.memory_space<vmem>>
        %dma_wait3A_124 = tpu.memref_slice %arg2[%run_scoped3A_96, %add3A_93] : memref<2x1600000xi32, #tpu.memory_space<hbm>> -> memref<1x128xi32, #tpu.memory_space<hbm>>
        %dma_wait3A_125 = tpu.memref_squeeze %dma_wait3A_124 : memref<1x128xi32, #tpu.memory_space<hbm>> -> memref<128xi32, #tpu.memory_space<hbm>>
        tpu.wait_dma2 semaphore(%run_scoped3A_105 : memref<!tpu.dma_semaphore, #tpu.memory_space<semaphore_mem>>) src(%dma_wait3A_125 : memref<128xi32, #tpu.memory_space<hbm>>) dst(%dma_wait3A_123 : memref<128xi32, #tpu.memory_space<vmem>>)
        tpu.yield
      }) : () -> ()
      %run_scoped3A_99 = arith.constant 0 : i32
      %run_scoped3A_100 = arith.constant 0 : i32
      %run_scoped3A_101 = arith.constant 0 : i32
      "tpu.region"() ({
        %run_scoped3A_105 = tpu.sem_alloc : memref<!tpu.dma_semaphore, #tpu.memory_space<semaphore_mem>>
        %dma_start3A_106 = arith.constant 0 : i32
        %dma_start3A_107 = tpu.memref_slice %arg9[%run_scoped3A_99, %dma_start3A_106] : memref<1x1664xf32, #tpu.memory_space<vmem>> -> memref<1x128xf32, #tpu.memory_space<vmem>>
        %dma_start3A_108 = tpu.memref_squeeze %dma_start3A_107 : memref<1x128xf32, #tpu.memory_space<vmem>> -> memref<128xf32, #tpu.memory_space<vmem>>
        %dma_start3A_109 = arith.constant 0 : i32
        %dma_start3A_110 = tpu.memref_slice %arg7[%run_scoped3A_100, %run_scoped3A_101, %dma_start3A_109] : memref<2x1x1664xi32, #tpu.memory_space<vmem>> -> memref<1x1x128xi32, #tpu.memory_space<vmem>>
        %dma_start3A_111 = tpu.memref_squeeze %dma_start3A_110 : memref<1x1x128xi32, #tpu.memory_space<vmem>> -> memref<128xi32, #tpu.memory_space<vmem>>
        %dma_start3A_112 = arith.constant 0 : i32
        %dma_start3A_113 = tpu.memref_slice %arg11[%dma_start3A_112] : memref<100352xf32, #tpu.memory_space<vmem_shared>> -> memref<100352xf32, #tpu.memory_space<vmem_shared>>
        tpu.enqueue_indirect_dma source(%dma_start3A_108 : memref<128xf32, #tpu.memory_space<vmem>>) target(%dma_start3A_113 : memref<100352xf32, #tpu.memory_space<vmem_shared>>) offsets(%dma_start3A_111 : memref<128xi32, #tpu.memory_space<vmem>>) semaphore(%run_scoped3A_105 : memref<!tpu.dma_semaphore, #tpu.memory_space<semaphore_mem>>) {add = true}
        %dma_wait3A_114 = arith.constant 0 : i32
        %dma_wait3A_115 = tpu.memref_slice %arg9[%run_scoped3A_99, %dma_wait3A_114] : memref<1x1664xf32, #tpu.memory_space<vmem>> -> memref<1x128xf32, #tpu.memory_space<vmem>>
        %dma_wait3A_116 = tpu.memref_squeeze %dma_wait3A_115 : memref<1x128xf32, #tpu.memory_space<vmem>> -> memref<128xf32, #tpu.memory_space<vmem>>
        %dma_wait3A_117 = arith.constant 0 : i32
        %dma_wait3A_118 = tpu.memref_slice %arg7[%run_scoped3A_100, %run_scoped3A_101, %dma_wait3A_117] : memref<2x1x1664xi32, #tpu.memory_space<vmem>> -> memref<1x1x128xi32, #tpu.memory_space<vmem>>
        %dma_wait3A_119 = tpu.memref_squeeze %dma_wait3A_118 : memref<1x1x128xi32, #tpu.memory_space<vmem>> -> memref<128xi32, #tpu.memory_space<vmem>>
        %dma_wait3A_120 = arith.constant 0 : i32
        %dma_wait3A_121 = tpu.memref_slice %arg11[%dma_wait3A_120] : memref<100352xf32, #tpu.memory_space<vmem_shared>> -> memref<100352xf32, #tpu.memory_space<vmem_shared>>
        tpu.wait_indirect_dma semaphore(%run_scoped3A_105 : memref<!tpu.dma_semaphore, #tpu.memory_space<semaphore_mem>>) src(%dma_wait3A_116 : memref<128xf32, #tpu.memory_space<vmem>>) dst(%dma_wait3A_121 : memref<100352xf32, #tpu.memory_space<vmem_shared>>)
        tpu.yield
      }) : () -> ()
      %run_scoped3A_102 = arith.constant 0 : i32
      %run_scoped3A_103 = arith.constant 0 : i32
      %run_scoped3A_104 = arith.constant 0 : i32
      "tpu.region"() ({
        %run_scoped3A_105 = tpu.sem_alloc : memref<!tpu.dma_semaphore, #tpu.memory_space<semaphore_mem>>
        %dma_start3A_106 = arith.constant 0 : i32
        %dma_start3A_107 = tpu.memref_slice %arg9[%run_scoped3A_102, %dma_start3A_106] : memref<1x1664xf32, #tpu.memory_space<vmem>> -> memref<1x128xf32, #tpu.memory_space<vmem>>
        %dma_start3A_108 = tpu.memref_squeeze %dma_start3A_107 : memref<1x128xf32, #tpu.memory_space<vmem>> -> memref<128xf32, #tpu.memory_space<vmem>>
        %dma_start3A_109 = arith.constant 0 : i32
        %dma_start3A_110 = tpu.memref_slice %arg8[%run_scoped3A_103, %run_scoped3A_104, %dma_start3A_109] : memref<2x1x1664xi32, #tpu.memory_space<vmem>> -> memref<1x1x128xi32, #tpu.memory_space<vmem>>
        %dma_start3A_111 = tpu.memref_squeeze %dma_start3A_110 : memref<1x1x128xi32, #tpu.memory_space<vmem>> -> memref<128xi32, #tpu.memory_space<vmem>>
        %dma_start3A_112 = arith.constant 0 : i32
        %dma_start3A_113 = tpu.memref_slice %arg12[%dma_start3A_112] : memref<100352xf32, #tpu.memory_space<vmem_shared>> -> memref<100352xf32, #tpu.memory_space<vmem_shared>>
        tpu.enqueue_indirect_dma source(%dma_start3A_108 : memref<128xf32, #tpu.memory_space<vmem>>) target(%dma_start3A_113 : memref<100352xf32, #tpu.memory_space<vmem_shared>>) offsets(%dma_start3A_111 : memref<128xi32, #tpu.memory_space<vmem>>) semaphore(%run_scoped3A_105 : memref<!tpu.dma_semaphore, #tpu.memory_space<semaphore_mem>>) {add = true}
        %dma_wait3A_114 = arith.constant 0 : i32
        %dma_wait3A_115 = tpu.memref_slice %arg9[%run_scoped3A_102, %dma_wait3A_114] : memref<1x1664xf32, #tpu.memory_space<vmem>> -> memref<1x128xf32, #tpu.memory_space<vmem>>
        %dma_wait3A_116 = tpu.memref_squeeze %dma_wait3A_115 : memref<1x128xf32, #tpu.memory_space<vmem>> -> memref<128xf32, #tpu.memory_space<vmem>>
        %dma_wait3A_117 = arith.constant 0 : i32
        %dma_wait3A_118 = tpu.memref_slice %arg8[%run_scoped3A_103, %run_scoped3A_104, %dma_wait3A_117] : memref<2x1x1664xi32, #tpu.memory_space<vmem>> -> memref<1x1x128xi32, #tpu.memory_space<vmem>>
        %dma_wait3A_119 = tpu.memref_squeeze %dma_wait3A_118 : memref<1x1x128xi32, #tpu.memory_space<vmem>> -> memref<128xi32, #tpu.memory_space<vmem>>
        %dma_wait3A_120 = arith.constant 0 : i32
        %dma_wait3A_121 = tpu.memref_slice %arg12[%dma_wait3A_120] : memref<100352xf32, #tpu.memory_space<vmem_shared>> -> memref<100352xf32, #tpu.memory_space<vmem_shared>>
        tpu.wait_indirect_dma semaphore(%run_scoped3A_105 : memref<!tpu.dma_semaphore, #tpu.memory_space<semaphore_mem>>) src(%dma_wait3A_116 : memref<128xf32, #tpu.memory_space<vmem>>) dst(%dma_wait3A_121 : memref<100352xf32, #tpu.memory_space<vmem_shared>>)
        tpu.yield
      }) : () -> ()
    } else {
    }
    %barrier3A_80 = arith.constant 0 : index
    tpu.barrier barrier_id(%barrier3A_80)
    %mul3A_81 = arith.constant 6272 : i32
    %mul3A_82 = arith.muli %arg1, %mul3A_81 : i32
    %eq3A = arith.constant 0 : i32
    %eq3A_83 = arith.cmpi eq, %arg0, %eq3A : i32
    %convert_element_type3A_84 = arith.extui %eq3A_83 : i1 to i32
    %cond3A_85 = arith.constant 0 : i32
    %cond3A_86 = arith.cmpi ne, %convert_element_type3A_84, %cond3A_85 : i32
    scf.if %cond3A_86 {
      "tpu.region"() ({
        %run_scoped3A = tpu.sem_alloc : memref<!tpu.dma_semaphore, #tpu.memory_space<semaphore_mem>>
        %dma_start3A_92 = tpu.memref_slice %arg3[%mul3A_82] : memref<100352xf32, #tpu.memory_space<hbm>> -> memref<6272xf32, #tpu.memory_space<hbm>>
        %dma_start3A_93 = tpu.memref_slice %arg11[%mul3A_82] : memref<100352xf32, #tpu.memory_space<vmem_shared>> -> memref<6272xf32, #tpu.memory_space<vmem_shared>>
        tpu.enqueue_dma source(%dma_start3A_93 : memref<6272xf32, #tpu.memory_space<vmem_shared>>) target(%dma_start3A_92 : memref<6272xf32, #tpu.memory_space<hbm>>) target_semaphore(%run_scoped3A : memref<!tpu.dma_semaphore, #tpu.memory_space<semaphore_mem>>)
        %dma_wait3A_94 = tpu.memref_slice %arg3[%mul3A_82] : memref<100352xf32, #tpu.memory_space<hbm>> -> memref<6272xf32, #tpu.memory_space<hbm>>
        %dma_wait3A_95 = tpu.memref_slice %arg11[%mul3A_82] : memref<100352xf32, #tpu.memory_space<vmem_shared>> -> memref<6272xf32, #tpu.memory_space<vmem_shared>>
        tpu.wait_dma2 semaphore(%run_scoped3A : memref<!tpu.dma_semaphore, #tpu.memory_space<semaphore_mem>>) src(%dma_wait3A_95 : memref<6272xf32, #tpu.memory_space<vmem_shared>>) dst(%dma_wait3A_94 : memref<6272xf32, #tpu.memory_space<hbm>>)
        tpu.yield
      }) : () -> ()
      "tpu.region"() ({
        %run_scoped3A = tpu.sem_alloc : memref<!tpu.dma_semaphore, #tpu.memory_space<semaphore_mem>>
        %dma_start3A_92 = tpu.memref_slice %arg5[%mul3A_82] : memref<100352xf32, #tpu.memory_space<hbm>> -> memref<6272xf32, #tpu.memory_space<hbm>>
        %dma_start3A_93 = tpu.memref_slice %arg12[%mul3A_82] : memref<100352xf32, #tpu.memory_space<vmem_shared>> -> memref<6272xf32, #tpu.memory_space<vmem_shared>>
        tpu.enqueue_dma source(%dma_start3A_93 : memref<6272xf32, #tpu.memory_space<vmem_shared>>) target(%dma_start3A_92 : memref<6272xf32, #tpu.memory_space<hbm>>) target_semaphore(%run_scoped3A : memref<!tpu.dma_semaphore, #tpu.memory_space<semaphore_mem>>)
        %dma_wait3A_94 = tpu.memref_slice %arg5[%mul3A_82] : memref<100352xf32, #tpu.memory_space<hbm>> -> memref<6272xf32, #tpu.memory_space<hbm>>
        %dma_wait3A_95 = tpu.memref_slice %arg12[%mul3A_82] : memref<100352xf32, #tpu.memory_space<vmem_shared>> -> memref<6272xf32, #tpu.memory_space<vmem_shared>>
        tpu.wait_dma2 semaphore(%run_scoped3A : memref<!tpu.dma_semaphore, #tpu.memory_space<semaphore_mem>>) src(%dma_wait3A_95 : memref<6272xf32, #tpu.memory_space<vmem_shared>>) dst(%dma_wait3A_94 : memref<6272xf32, #tpu.memory_space<hbm>>)
        tpu.yield
      }) : () -> ()
    } else {
    }
    %eq3A_87 = arith.constant 1 : i32
    %eq3A_88 = arith.cmpi eq, %arg0, %eq3A_87 : i32
    %convert_element_type3A_89 = arith.extui %eq3A_88 : i1 to i32
    %cond3A_90 = arith.constant 0 : i32
    %cond3A_91 = arith.cmpi ne, %convert_element_type3A_89, %cond3A_90 : i32
    scf.if %cond3A_91 {
      "tpu.region"() ({
        %run_scoped3A = tpu.sem_alloc : memref<!tpu.dma_semaphore, #tpu.memory_space<semaphore_mem>>
        %dma_start3A_92 = tpu.memref_slice %arg4[%mul3A_82] : memref<100352xf32, #tpu.memory_space<hbm>> -> memref<6272xf32, #tpu.memory_space<hbm>>
        %dma_start3A_93 = tpu.memref_slice %arg11[%mul3A_82] : memref<100352xf32, #tpu.memory_space<vmem_shared>> -> memref<6272xf32, #tpu.memory_space<vmem_shared>>
        tpu.enqueue_dma source(%dma_start3A_93 : memref<6272xf32, #tpu.memory_space<vmem_shared>>) target(%dma_start3A_92 : memref<6272xf32, #tpu.memory_space<hbm>>) target_semaphore(%run_scoped3A : memref<!tpu.dma_semaphore, #tpu.memory_space<semaphore_mem>>)
        %dma_wait3A_94 = tpu.memref_slice %arg4[%mul3A_82] : memref<100352xf32, #tpu.memory_space<hbm>> -> memref<6272xf32, #tpu.memory_space<hbm>>
        %dma_wait3A_95 = tpu.memref_slice %arg11[%mul3A_82] : memref<100352xf32, #tpu.memory_space<vmem_shared>> -> memref<6272xf32, #tpu.memory_space<vmem_shared>>
        tpu.wait_dma2 semaphore(%run_scoped3A : memref<!tpu.dma_semaphore, #tpu.memory_space<semaphore_mem>>) src(%dma_wait3A_95 : memref<6272xf32, #tpu.memory_space<vmem_shared>>) dst(%dma_wait3A_94 : memref<6272xf32, #tpu.memory_space<hbm>>)
        tpu.yield
      }) : () -> ()
      "tpu.region"() ({
        %run_scoped3A = tpu.sem_alloc : memref<!tpu.dma_semaphore, #tpu.memory_space<semaphore_mem>>
        %dma_start3A_92 = tpu.memref_slice %arg6[%mul3A_82] : memref<100352xf32, #tpu.memory_space<hbm>> -> memref<6272xf32, #tpu.memory_space<hbm>>
        %dma_start3A_93 = tpu.memref_slice %arg12[%mul3A_82] : memref<100352xf32, #tpu.memory_space<vmem_shared>> -> memref<6272xf32, #tpu.memory_space<vmem_shared>>
        tpu.enqueue_dma source(%dma_start3A_93 : memref<6272xf32, #tpu.memory_space<vmem_shared>>) target(%dma_start3A_92 : memref<6272xf32, #tpu.memory_space<hbm>>) target_semaphore(%run_scoped3A : memref<!tpu.dma_semaphore, #tpu.memory_space<semaphore_mem>>)
        %dma_wait3A_94 = tpu.memref_slice %arg6[%mul3A_82] : memref<100352xf32, #tpu.memory_space<hbm>> -> memref<6272xf32, #tpu.memory_space<hbm>>
        %dma_wait3A_95 = tpu.memref_slice %arg12[%mul3A_82] : memref<100352xf32, #tpu.memory_space<vmem_shared>> -> memref<6272xf32, #tpu.memory_space<vmem_shared>>
        tpu.wait_dma2 semaphore(%run_scoped3A : memref<!tpu.dma_semaphore, #tpu.memory_space<semaphore_mem>>) src(%dma_wait3A_95 : memref<6272xf32, #tpu.memory_space<vmem_shared>>) dst(%dma_wait3A_94 : memref<6272xf32, #tpu.memory_space<hbm>>)
        tpu.yield
      }) : () -> ()
    } else {
    }
    return
  }
}

module attributes {stable_mosaic.version = 14 : i64} {
  func.func @_tc_final_body(%arg0: i32, %arg1: memref<2048x128xf32, #tpu.memory_space<vmem>>, %arg2: memref<8x128xf32, #tpu.memory_space<vmem>>, %arg3: memref<8x128xf32, #tpu.memory_space<vmem>>, %arg4: memref<1x2048xf32, #tpu.memory_space<vmem>>, %arg5: memref<1x2048xf32, #tpu.memory_space<vmem>>, %arg6: memref<1x2048xf32, #tpu.memory_space<vmem>>, %arg7: memref<1x2048xf32, #tpu.memory_space<vmem>>, %arg8: memref<8x256xf32, #tpu.memory_space<vmem>>, %arg9: memref<1x256xf32, #tpu.memory_space<vmem>>, %arg10: memref<1x256xf32, #tpu.memory_space<vmem>>, %arg11: memref<8x128xf32, #tpu.memory_space<vmem>>) attributes {dimension_semantics = [#tpu.dimension_semantics<arbitrary>], iteration_bounds = array<i64: 49>, scalar_prefetch = 0 : i64, scratch_operands = 1 : i64, tpu.core_type = #tpu.core_type<tc>, window_params = [{transform_indices = @transform_0, window_bounds = array<i64: 2048, 128>}, {pipeline_mode = #tpu.pipeline_mode<synchronous>, transform_indices = @transform_1, window_bounds = array<i64: 8, 128>}, {pipeline_mode = #tpu.pipeline_mode<synchronous>, transform_indices = @transform_2, window_bounds = array<i64: 8, 128>}, {transform_indices = @transform_3, window_bounds = array<i64: 1, 2048>}, {transform_indices = @transform_4, window_bounds = array<i64: 1, 2048>}, {transform_indices = @transform_5, window_bounds = array<i64: 1, 2048>}, {transform_indices = @transform_6, window_bounds = array<i64: 1, 2048>}, {pipeline_mode = #tpu.pipeline_mode<synchronous>, transform_indices = @transform_7, window_bounds = array<i64: 8, 256>}, {pipeline_mode = #tpu.pipeline_mode<synchronous>, transform_indices = @transform_8, window_bounds = array<i64: 1, 256>}, {pipeline_mode = #tpu.pipeline_mode<synchronous>, transform_indices = @transform_9, window_bounds = array<i64: 1, 256>}]} {
    %eq3A = arith.constant 0 : i32
    %eq3A_0 = arith.cmpi eq, %arg0, %eq3A : i32
    %convert_element_type3A = arith.extui %eq3A_0 : i1 to i32
    %cond3A = arith.constant 0 : i32
    %cond3A_1 = arith.cmpi ne, %convert_element_type3A, %cond3A : i32
    scf.if %cond3A_1 {
      %broadcast_in_dim3A_86 = arith.constant 0.000000e+00 : f32
      %broadcast_in_dim3A_87 = vector.broadcast %broadcast_in_dim3A_86 : f32 to vector<8x128xf32>
      %swap3A_88 = arith.constant 0 : index
      %swap3A_89 = arith.constant 0 : index
      %swap3A_90 = vector.load %arg11[%swap3A_88, %swap3A_89] : memref<8x128xf32, #tpu.memory_space<vmem>>, vector<8x128xf32>
      tpu.vector_store %arg11[%swap3A_88, %swap3A_89], %broadcast_in_dim3A_87 {strides = array<i32>} : memref<8x128xf32, #tpu.memory_space<vmem>>, vector<8x128xf32>,
    } else {
    }
    %get3A = arith.constant 0 : index
    %get3A_2 = arith.constant 0 : index
    %get3A_3 = vector.load %arg2[%get3A, %get3A_2] : memref<8x128xf32, #tpu.memory_space<vmem>>, vector<8x128xf32>
    %get3A_4 = arith.constant 0 : index
    %get3A_5 = arith.constant 0 : index
    %get3A_6 = vector.load %arg1[%get3A_4, %get3A_5] : memref<2048x128xf32, #tpu.memory_space<vmem>>, vector<2048x128xf32>
    %dot_general3A = arith.constant dense<0.000000e+00> : vector<8x2048xf32>
    %dot_general3A_7 = tpu.matmul %get3A_3, %get3A_6, %dot_general3A {dimension_numbers = #tpu.dot_dimension_numbers<[1], [1], [0], [0], [0, 0, 1, 0], [], []>, transpose_lhs_hint = false} : vector<8x128xf32>, vector<2048x128xf32>, vector<8x2048xf32> -> vector<8x2048xf32>
    %get3A_8 = arith.constant 0 : index
    %get3A_9 = arith.constant 0 : index
    %get3A_10 = vector.load %arg3[%get3A_8, %get3A_9] : memref<8x128xf32, #tpu.memory_space<vmem>>, vector<8x1xf32>
    %add3A = vector.broadcast %get3A_10 : vector<8x1xf32> to vector<8x2048xf32>
    %add3A_11 = arith.addf %dot_general3A_7, %add3A : vector<8x2048xf32>
    %neg3A = arith.constant 0.000000e+00 : f32
    %neg3A_12 = vector.broadcast %neg3A : f32 to vector<8x2048xf32>
    %neg3A_13 = arith.subf %neg3A_12, %add3A_11 : vector<8x2048xf32>
    %exp3A = math.exp %neg3A_13 : vector<8x2048xf32>
    %add3A_14 = arith.constant 1.000000e+00 : f32
    %add3A_15 = vector.broadcast %add3A_14 : f32 to vector<8x2048xf32>
    %add3A_16 = arith.addf %add3A_15, %exp3A : vector<8x2048xf32>
    %div3A = arith.constant 1.000000e+00 : f32
    %div3A_17 = vector.broadcast %div3A : f32 to vector<8x2048xf32>
    %div3A_18 = arith.divf %div3A_17, %add3A_16 : vector<8x2048xf32>
    %get3A_19 = arith.constant 0 : index
    %get3A_20 = arith.constant 0 : index
    %get3A_21 = vector.load %arg4[%get3A_19, %get3A_20] : memref<1x2048xf32, #tpu.memory_space<vmem>>, vector<1x2048xf32>
    %get3A_22 = arith.constant 0 : index
    %get3A_23 = arith.constant 0 : index
    %get3A_24 = vector.load %arg5[%get3A_22, %get3A_23] : memref<1x2048xf32, #tpu.memory_space<vmem>>, vector<1x2048xf32>
    %add3A_25 = arith.addf %get3A_21, %get3A_24 : vector<1x2048xf32>
    %max3A = arith.constant 1.000000e+00 : f32
    %max3A_26 = vector.broadcast %max3A : f32 to vector<1x2048xf32>
    %max3A_27 = arith.maximumf %add3A_25, %max3A_26 : vector<1x2048xf32>
    %rsqrt3A = math.rsqrt %max3A_27 : vector<1x2048xf32>
    %get3A_28 = arith.constant 0 : index
    %get3A_29 = arith.constant 0 : index
    %get3A_30 = vector.load %arg6[%get3A_28, %get3A_29] : memref<1x2048xf32, #tpu.memory_space<vmem>>, vector<1x2048xf32>
    %get3A_31 = arith.constant 0 : index
    %get3A_32 = arith.constant 0 : index
    %get3A_33 = vector.load %arg7[%get3A_31, %get3A_32] : memref<1x2048xf32, #tpu.memory_space<vmem>>, vector<1x2048xf32>
    %add3A_34 = arith.addf %get3A_30, %get3A_33 : vector<1x2048xf32>
    %mul3A = arith.mulf %rsqrt3A, %add3A_34 : vector<1x2048xf32>
    %mul3A_35 = arith.constant 2048 : i32
    %mul3A_36 = arith.muli %arg0, %mul3A_35 : i32
    %iota3A = tpu.iota {dimensions = array<i32: 1>} : vector<1x2048xi32>
    %add3A_37 = vector.broadcast %mul3A_36 : i32 to vector<1x2048xi32>
    %add3A_38 = arith.addi %add3A_37, %iota3A : vector<1x2048xi32>
    %lt3A = arith.constant 100000 : i32
    %lt3A_39 = vector.broadcast %lt3A : i32 to vector<1x2048xi32>
    %lt3A_40 = arith.cmpi slt, %add3A_38, %lt3A_39 : vector<1x2048xi32>
    %mul3A_41 = vector.broadcast %mul3A : vector<1x2048xf32> to vector<8x2048xf32>
    %mul3A_42 = arith.mulf %div3A_18, %mul3A_41 : vector<8x2048xf32>
    %jit3A = arith.constant 0.000000e+00 : f32
    %broadcast_in_dim3A = vector.shape_cast %lt3A_40 : vector<1x2048xi1> to vector<1x2048xi1>
    %broadcast_in_dim3A_43 = vector.broadcast %broadcast_in_dim3A : vector<1x2048xi1> to vector<8x2048xi1>
    %broadcast_in_dim3A_44 = vector.broadcast %jit3A : f32 to vector<8x2048xf32>
    %select_n3A = arith.select %broadcast_in_dim3A_43, %mul3A_42, %broadcast_in_dim3A_44 : vector<8x2048xi1>, vector<8x2048xf32>
    %get3A_45 = arith.constant 0 : index
    %get3A_46 = arith.constant 0 : index
    %get3A_47 = vector.load %arg11[%get3A_45, %get3A_46] : memref<8x128xf32, #tpu.memory_space<vmem>>, vector<8x128xf32>
    %slice3A = vector.extract_strided_slice %select_n3A {offsets = [0, 0], sizes = [8, 128], strides = [1, 1]} : vector<8x2048xf32> to vector<8x128xf32>
    %add3A_48 = arith.addf %get3A_47, %slice3A : vector<8x128xf32>
    %slice3A_49 = vector.extract_strided_slice %select_n3A {offsets = [0, 128], sizes = [8, 128], strides = [1, 1]} : vector<8x2048xf32> to vector<8x128xf32>
    %add3A_50 = arith.addf %add3A_48, %slice3A_49 : vector<8x128xf32>
    %slice3A_51 = vector.extract_strided_slice %select_n3A {offsets = [0, 256], sizes = [8, 128], strides = [1, 1]} : vector<8x2048xf32> to vector<8x128xf32>
    %add3A_52 = arith.addf %add3A_50, %slice3A_51 : vector<8x128xf32>
    %slice3A_53 = vector.extract_strided_slice %select_n3A {offsets = [0, 384], sizes = [8, 128], strides = [1, 1]} : vector<8x2048xf32> to vector<8x128xf32>
    %add3A_54 = arith.addf %add3A_52, %slice3A_53 : vector<8x128xf32>
    %slice3A_55 = vector.extract_strided_slice %select_n3A {offsets = [0, 512], sizes = [8, 128], strides = [1, 1]} : vector<8x2048xf32> to vector<8x128xf32>
    %add3A_56 = arith.addf %add3A_54, %slice3A_55 : vector<8x128xf32>
    %slice3A_57 = vector.extract_strided_slice %select_n3A {offsets = [0, 640], sizes = [8, 128], strides = [1, 1]} : vector<8x2048xf32> to vector<8x128xf32>
    %add3A_58 = arith.addf %add3A_56, %slice3A_57 : vector<8x128xf32>
    %slice3A_59 = vector.extract_strided_slice %select_n3A {offsets = [0, 768], sizes = [8, 128], strides = [1, 1]} : vector<8x2048xf32> to vector<8x128xf32>
    %add3A_60 = arith.addf %add3A_58, %slice3A_59 : vector<8x128xf32>
    %slice3A_61 = vector.extract_strided_slice %select_n3A {offsets = [0, 896], sizes = [8, 128], strides = [1, 1]} : vector<8x2048xf32> to vector<8x128xf32>
    %add3A_62 = arith.addf %add3A_60, %slice3A_61 : vector<8x128xf32>
    %slice3A_63 = vector.extract_strided_slice %select_n3A {offsets = [0, 1024], sizes = [8, 128], strides = [1, 1]} : vector<8x2048xf32> to vector<8x128xf32>
    %add3A_64 = arith.addf %add3A_62, %slice3A_63 : vector<8x128xf32>
    %slice3A_65 = vector.extract_strided_slice %select_n3A {offsets = [0, 1152], sizes = [8, 128], strides = [1, 1]} : vector<8x2048xf32> to vector<8x128xf32>
    %add3A_66 = arith.addf %add3A_64, %slice3A_65 : vector<8x128xf32>
    %slice3A_67 = vector.extract_strided_slice %select_n3A {offsets = [0, 1280], sizes = [8, 128], strides = [1, 1]} : vector<8x2048xf32> to vector<8x128xf32>
    %add3A_68 = arith.addf %add3A_66, %slice3A_67 : vector<8x128xf32>
    %slice3A_69 = vector.extract_strided_slice %select_n3A {offsets = [0, 1408], sizes = [8, 128], strides = [1, 1]} : vector<8x2048xf32> to vector<8x128xf32>
    %add3A_70 = arith.addf %add3A_68, %slice3A_69 : vector<8x128xf32>
    %slice3A_71 = vector.extract_strided_slice %select_n3A {offsets = [0, 1536], sizes = [8, 128], strides = [1, 1]} : vector<8x2048xf32> to vector<8x128xf32>
    %add3A_72 = arith.addf %add3A_70, %slice3A_71 : vector<8x128xf32>
    %slice3A_73 = vector.extract_strided_slice %select_n3A {offsets = [0, 1664], sizes = [8, 128], strides = [1, 1]} : vector<8x2048xf32> to vector<8x128xf32>
    %add3A_74 = arith.addf %add3A_72, %slice3A_73 : vector<8x128xf32>
    %slice3A_75 = vector.extract_strided_slice %select_n3A {offsets = [0, 1792], sizes = [8, 128], strides = [1, 1]} : vector<8x2048xf32> to vector<8x128xf32>
    %add3A_76 = arith.addf %add3A_74, %slice3A_75 : vector<8x128xf32>
    %slice3A_77 = vector.extract_strided_slice %select_n3A {offsets = [0, 1920], sizes = [8, 128], strides = [1, 1]} : vector<8x2048xf32> to vector<8x128xf32>
    %add3A_78 = arith.addf %add3A_76, %slice3A_77 : vector<8x128xf32>
    %swap3A = arith.constant 0 : index
    %swap3A_79 = arith.constant 0 : index
    %swap3A_80 = vector.load %arg11[%swap3A, %swap3A_79] : memref<8x128xf32, #tpu.memory_space<vmem>>, vector<8x128xf32>
    tpu.vector_store %arg11[%swap3A, %swap3A_79], %add3A_78 {strides = array<i32>} : memref<8x128xf32, #tpu.memory_space<vmem>>, vector<8x128xf32>,
    %eq3A_81 = arith.constant 48 : i32
    %eq3A_82 = arith.cmpi eq, %arg0, %eq3A_81 : i32
    %convert_element_type3A_83 = arith.extui %eq3A_82 : i1 to i32
    %cond3A_84 = arith.constant 0 : i32
    %cond3A_85 = arith.cmpi ne, %convert_element_type3A_83, %cond3A_84 : i32
    scf.if %cond3A_85 {
      %get3A_86 = arith.constant 0 : index
      %get3A_87 = arith.constant 0 : index
      %get3A_88 = vector.load %arg11[%get3A_86, %get3A_87] : memref<8x128xf32, #tpu.memory_space<vmem>>, vector<8x128xf32>
      %reduce_sum3A = arith.constant dense<0.000000e+00> : vector<8xf32>
      %reduce_sum3A_89 = vector.multi_reduction <add>, %get3A_88, %reduce_sum3A [1] : vector<8x128xf32> to vector<8xf32>
      %broadcast_in_dim3A_90 = vector.shape_cast %reduce_sum3A_89 : vector<8xf32> to vector<8x1xf32>
      %get3A_91 = arith.constant 0 : index
      %get3A_92 = arith.constant 0 : index
      %get3A_93 = vector.load %arg8[%get3A_91, %get3A_92] : memref<8x256xf32, #tpu.memory_space<vmem>>, vector<8x256xf32>
      %dot_general3A_94 = arith.constant dense<0.000000e+00> : vector<1x256xf32>
      %dot_general3A_95 = tpu.matmul %broadcast_in_dim3A_90, %get3A_93, %dot_general3A_94 {dimension_numbers = #tpu.dot_dimension_numbers<[0], [0], [1], [1], [0, 1, 1, 1], [], []>, transpose_lhs_hint = false} : vector<8x1xf32>, vector<8x256xf32>, vector<1x256xf32> -> vector<1x256xf32>
      %get3A_96 = arith.constant 0 : index
      %get3A_97 = arith.constant 0 : index
      %get3A_98 = vector.load %arg9[%get3A_96, %get3A_97] : memref<1x256xf32, #tpu.memory_space<vmem>>, vector<1x256xf32>
      %mul3A_99 = arith.constant 1.000000e+05 : f32
      %mul3A_100 = vector.broadcast %mul3A_99 : f32 to vector<1x256xf32>
      %mul3A_101 = arith.mulf %mul3A_100, %get3A_98 : vector<1x256xf32>
      %add3A_102 = arith.addf %dot_general3A_95, %mul3A_101 : vector<1x256xf32>
      %swap3A_103 = arith.constant 0 : index
      %swap3A_104 = arith.constant 0 : index
      %swap3A_105 = vector.load %arg10[%swap3A_103, %swap3A_104] : memref<1x256xf32, #tpu.memory_space<vmem>>, vector<1x256xf32>
      tpu.vector_store %arg10[%swap3A_103, %swap3A_104], %add3A_102 {strides = array<i32>} : memref<1x256xf32, #tpu.memory_space<vmem>>, vector<1x256xf32>,
    } else {
    }
    return
  }
  func.func @transform_0(%arg0: i32) -> (i32, i32) {
    %c0_i32 = arith.constant 0 : i32
    %c0_i32_0 = arith.constant 0 : i32
    return %arg0, %c0_i32 : i32, i32
  }
  func.func @transform_1(%arg0: i32) -> (i32, i32) {
    %c0_i32 = arith.constant 0 : i32
    %c0_i32_0 = arith.constant 0 : i32
    %c0_i32_1 = arith.constant 0 : i32
    return %c0_i32, %c0_i32_0 : i32, i32
  }
  func.func @transform_2(%arg0: i32) -> (i32, i32) {
    %c0_i32 = arith.constant 0 : i32
    %c0_i32_0 = arith.constant 0 : i32
    %c0_i32_1 = arith.constant 0 : i32
    return %c0_i32, %c0_i32_0 : i32, i32
  }
  func.func @transform_3(%arg0: i32) -> (i32, i32) {
    %c0_i32 = arith.constant 0 : i32
    %c0_i32_0 = arith.constant 0 : i32
    return %c0_i32, %arg0 : i32, i32
  }
  func.func @transform_4(%arg0: i32) -> (i32, i32) {
    %c0_i32 = arith.constant 0 : i32
    %c0_i32_0 = arith.constant 0 : i32
    return %c0_i32, %arg0 : i32, i32
  }
  func.func @transform_5(%arg0: i32) -> (i32, i32) {
    %c0_i32 = arith.constant 0 : i32
    %c0_i32_0 = arith.constant 0 : i32
    return %c0_i32, %arg0 : i32, i32
  }
  func.func @transform_6(%arg0: i32) -> (i32, i32) {
    %c0_i32 = arith.constant 0 : i32
    %c0_i32_0 = arith.constant 0 : i32
    return %c0_i32, %arg0 : i32, i32
  }
  func.func @transform_7(%arg0: i32) -> (i32, i32) {
    %c0_i32 = arith.constant 0 : i32
    %c0_i32_0 = arith.constant 0 : i32
    %c0_i32_1 = arith.constant 0 : i32
    return %c0_i32, %c0_i32_0 : i32, i32
  }
  func.func @transform_8(%arg0: i32) -> (i32, i32) {
    %c0_i32 = arith.constant 0 : i32
    %c0_i32_0 = arith.constant 0 : i32
    %c0_i32_1 = arith.constant 0 : i32
    return %c0_i32, %c0_i32_0 : i32, i32
  }
  func.func @transform_9(%arg0: i32) -> (i32, i32) {
    %c0_i32 = arith.constant 0 : i32
    %c0_i32_0 = arith.constant 0 : i32
    %c0_i32_1 = arith.constant 0 : i32
    return %c0_i32, %c0_i32_0 : i32, i32
  }
}

</mosaic_0001>

<sc_bundles>
// kernel: kernel.5.cloned.1.call-start
scs
__scs_entry_jumppad:
0x0: {  	(pc) =	sbr.rel $0x88, $3  }
0x1: {  	(tag) =	ssettag $0x0;
	lr =	simm.s32 $0x1  }
0x2: {  	[smem:$0x3F9B] =	sst lr;
	_ =	strace $0xD0000000  }
0x3: {  	_ = 	snop  }
0x4: {  	_ = 	snop  }
0x5: {  	_ = 	snop  }
0x6: {  	_ = 	snop  }
0x7: {  	_ = 	snop  }
__scs_overlays_trampoline_lowered:
0x8: {  	[smem:$0x3FAA] =	sst s0  }
0x9: {  	[smem:$0x3FAB] =	sst s1  }
0xa: {  	[smem:$0x3FAC] =	sst s2  }
0xb: {  	[smem:$0x3FAD] =	sst s3  }
0xc: {  	[smem:$0x3FAE] =	sst s4  }
0xd: {  	[smem:$0x3FAF] =	sst s5  }
0xe: {  	[smem:$0x3FB0] =	sst s6  }
0xf: {  	[smem:$0x3FB1] =	sst s7  }
0x10: {  	[smem:$0x3FB2] =	sst s8  }
0x11: {  	[smem:$0x3FB3] =	sst s9;
	s0 =	simm.s32 @!p0 $0x0  }
0x12: {  	s1 =	sld [smem:$0x3F99];
	s0 =	simm.s32 @p0 $0x1  }
0x13: {  	[smem:$0x3FB4] =	sst s0;
	s0 =	simm.s32 @!p1 $0x0  }
0x14: {  	s2 =	sld [smem:$0x3F98];
	s0 =	simm.s32 @p1 $0x1  }
0x15: {  	[smem:$0x3FB5] =	sst s0;
	s0 =	simm.s32 @!p2 $0x0  }
0x16: {  	s3 =	sld [smem:$0x3FDB];
	s0 =	simm.s32 @p2 $0x1  }
0x17: {  	s4 =	simm.s32 $0x1BF5;
	[smem:$0x3FB7] =	sst s0  }
0x18: {  	s0 =	sld [smem:$0x3F9A];
	_ =	swait.ge [sflag:s4], $0x0  }
0x19: {  	s7 =	sld [smem:$0x3F9B]  }
0x1a: {  	s8 =	sadd.s32 $0xFFFFE003, lr  }
0x1b: {  	s9 =	sadd.s32 $0xFFFFFEF7, lr;
	s5 =	simm.s32 $0xFFFFFFFF;
	p2 =	slt.u32 s8, $0xFFFFF086  }
0x1c: {  	p1 =	slt.u32 s9, $0xF7A;
	s5 =	simm.s32 @!p2 $0x0  }
0x1d: {  	s5 =	simm.s32 @p1 $0x1;
	p0 =	seq.s32 s7, s2  }
0x1e: {  	s7 =	smul.u32 @!p0 $0xF7A, s2;
	p2 =	seq.s32 @!p0 s5, $0x0  }
0x1f: {  	s9 =	smul.u32 $0xF7A, s1;
	s8 =	simm.s32 @!p0 $0x1BF5;
	p2 =	por !p2, p0  }
0x20: {  	[sflag:s8] =	ssyncset.s32 @!p0 $0xFFFFF086;
	s6 =	sadd.s32 @!p0 s3, s7;
	s7 =	simm.s32 @!p0 $0x108  }
0x21: {  	s3 =	sadd.s32 s3, s9;
	s6 =	sadd.s32 @!p0 $0x88, s6;
	s7 =	simm.s32 @p2 $0x1082  }
0x22: {  	[simem:s7], [sflag:s8] =	dma.local @!p0 [hbm:s6], $0xF7A  }
0x23: {  	s9 =	sor.u32 $0xD0000000, s2;
	s6 =	simm.s32 $0x108;
	_ =	swait.ge @!p0 [sflag:s8], $0x0  }
0x24: {  	s3 =	sadd.s32 $0x88, s3;
	s6 =	simm.s32 @!p1 $0x1082;
	[sflag:s4] =	ssyncset.s32 $0xFFFFF086  }
0x25: {  	[simem:s6], [sflag:s4] =	dma.local [hbm:s3], $0xF7A  }
0x26: {  	[smem:$0x3F9B] =	sst s1;
	(tag) =	ssettag s2;
	_ =	strace s9  }
0x27: {  	s1 =	sld [smem:$0x3FAB]  }
0x28: {  	s2 =	sld [smem:$0x3FAC]  }
0x29: {  	s4 =	sld [smem:$0x3FAE]  }
0x2a: {  	p0 =	seq.s32 s5, $0x0;
	s5 =	sld [smem:$0x3FAF]  }
0x2b: {  	s6 =	sld [smem:$0x3FB0]  }
0x2c: {  	s7 =	sld [smem:$0x3FB1]  }
0x2d: {  	s3 =	simm.s32 $0x108;
	s8 =	sld [smem:$0x3FB2]  }
0x2e: {  	s3 =	simm.s32 @!p0 $0x1082;
	s9 =	sld [smem:$0x3FB3]  }
0x2f: {  	lr =	sadd.s32 s0, s3;
	s0 =	sld [smem:$0x3FAA]  }
0x30: {  	s3 =	sld [smem:$0x3FAD]  }
0x31: {  	[smem:$0x3FB6] =	sst s10  }
0x32: {  	s10 =	sld [smem:$0x3FB4];
	_ =	sdelay $0x3  }
0x33: {  	p0 =	seq.s32 s10, $0x1;
	s10 =	sld [smem:$0x3FB6];
	_ =	sdelay $0x3  }
0x34: {  	[smem:$0x3FB6] =	sst s10  }
0x35: {  	s10 =	sld [smem:$0x3FB5];
	_ =	sdelay $0x3  }
0x36: {  	p1 =	seq.s32 s10, $0x1;
	s10 =	sld [smem:$0x3FB6];
	_ =	sdelay $0x3  }
0x37: {  	[smem:$0x3FB6] =	sst s10  }
0x38: {  	s10 =	sld [smem:$0x3FB7]  }
0x39: {  	_ = 	snop;
	(pc) =	sbr.ind lr, $3  }
0x3a: {  	_ = 	snop  }
0x3b: {  	_ = 	snop  }
0x3c: {  	p2 =	seq.s32 s10, $0x1;
	s10 =	sld [smem:$0x3FB6]  }
0x3d: {  	_ =	shalt  }
0x3e: {  	_ =	shalt  }
0x3f: {  	_ =	shalt  }
0x40: {  	_ =	shalt  }
0x41: {  	_ =	shalt  }
0x42: {  	_ =	shalt  }
0x43: {  	_ =	shalt  }
0x44: {  	_ =	shalt  }
0x45: {  	_ =	shalt  }
0x46: {  	_ =	shalt  }
0x47: {  	_ =	shalt  }
0x48: {  	_ =	shalt  }
0x49: {  	_ =	shalt  }
0x4a: {  	_ =	shalt  }
0x4b: {  	_ =	shalt  }
0x4c: {  	_ =	shalt  }
0x4d: {  	_ =	shalt  }
0x4e: {  	_ =	shalt  }
0x4f: {  	_ =	shalt  }
0x50: {  	_ =	shalt  }
0x51: {  	_ =	shalt  }
0x52: {  	_ =	shalt  }
0x53: {  	_ =	shalt  }
0x54: {  	_ =	shalt  }
0x55: {  	_ =	shalt  }
0x56: {  	_ =	shalt  }
0x57: {  	_ =	shalt  }
0x58: {  	_ =	shalt  }
0x59: {  	_ =	shalt  }
0x5a: {  	_ =	shalt  }
0x5b: {  	_ =	shalt  }
0x5c: {  	_ =	shalt  }
0x5d: {  	_ =	shalt  }
0x5e: {  	_ =	shalt  }
0x5f: {  	_ =	shalt  }
0x60: {  	_ =	shalt  }
0x61: {  	_ =	shalt  }
0x62: {  	_ =	shalt  }
0x63: {  	_ =	shalt  }
0x64: {  	_ =	shalt  }
0x65: {  	_ =	shalt  }
0x66: {  	_ =	shalt  }
0x67: {  	_ =	shalt  }
0x68: {  	_ =	shalt  }
0x69: {  	_ =	shalt  }
0x6a: {  	_ =	shalt  }
0x6b: {  	_ =	shalt  }
0x6c: {  	_ =	shalt  }
0x6d: {  	_ =	shalt  }
0x6e: {  	_ =	shalt  }
0x6f: {  	_ =	shalt  }
0x70: {  	_ =	shalt  }
0x71: {  	_ =	shalt  }
0x72: {  	_ =	shalt  }
0x73: {  	_ =	shalt  }
0x74: {  	_ =	shalt  }
0x75: {  	_ =	shalt  }
0x76: {  	_ =	shalt  }
0x77: {  	_ =	shalt  }
0x78: {  	_ =	shalt  }
0x79: {  	_ =	shalt  }
0x7a: {  	_ =	shalt  }
0x7b: {  	_ =	shalt  }
0x7c: {  	_ =	shalt  }
0x7d: {  	_ =	shalt  }
0x7e: {  	_ =	shalt  }
0x7f: {  	_ =	shalt  }
0x80: {  	_ =	shalt  }
0x81: {  	_ =	shalt  }
0x82: {  	_ =	shalt  }
0x83: {  	_ =	shalt  }
0x84: {  	_ =	shalt  }
0x85: {  	_ =	shalt  }
0x86: {  	_ =	shalt  }
0x87: {  	_ =	shalt  }
.Lfunc_end0:
.L_simem_size_0:
called_computation_lowered:
.L_overlay_start_0:
0x88: {  	s2 =	sld [smem:$0x3FD9]  }
0x89: {  	s3 =	sld [smem:$0x3FFE];
	_ =	sdelay $0x1  }
0x8a: {  	s1 =	srdreg.scid  }
0x8b: {  	s0 =	sand.u32 $0x1, s1  }
0x8c: {  	s16 =	sshll.u32 s0, $0xA;
	s2 =	sadd.s32 s3, s2  }
0x8d: {  	s2 =	sadd.s32 s2, s16  }
0x8e: {  	[smem:$0x3FC2] =	sst s2  }
0x8f: {  	_ = 	snop  }
0x90: {  	(tm) =	ssettm $0x1  }
0x91: {  	s17 =	sld [smem:$0x3FFB];
	_ =	sdelay $0x3  }
0x92: {  	_ =	strace s17  }
0x93: {  	s2 =	sld [smem:$0x3FFC];
	_ =	sdelay $0x3  }
0x94: {  	_ =	strace s2  }
0x95: {  	s2 =	sld [smem:$0x3FFD];
	_ =	sdelay $0x3  }
0x96: {  	_ =	strace s2  }
0x97: {  	_ =	strace $0x8FFFFFFF  }
0x98: {  	s18 =	sld [smem:$0x3FDB];
	_ =	sdelay $0x1  }
0x99: {  	s19 =	simm.s32 $_scs_section_size  }
0x9a: {  	s4 =	simm.s32 $_size__tile_overlayer_lowered;
	s5 =	simm.s32 $_tile_overlayer_lowered  }
0x9b: {  	s22 =	simm.s32 $0x1BFF;
	s21 =	sshll.u32 s5, $0x1;
	s2 =	sadd.s32 s19, s18  }
0x9c: {  	s6 =	simm.s32 $0x0;
	s20 =	sshll.u32 s4, $0x1;
	s4 =	sadd.s32 s21, s2  }
0x9d: {  	[timem:s6], [sflag:s22] =	dma.local [hbm:s4], s20  }
0x9e: {  	_ =	swait.ge [sflag:s22], s20  }
0x9f: {  	s3 =	ssub.s32 $0x0, s20;
	[sflag:s22] =	ssyncset.done $0x0  }
0xa0: {  	[sflag:s22] =	ssyncadd.s32 s3;
	_ =	sdelay $0x1  }
0xa1: {  	s23 =	simm.s32 $0x1B8B  }
0xa2: {  	_ =	swait.ge [sflag:s23], $0x1  }
0xa3: {  	[sflag:s23] =	ssyncset.done $0x0  }
0xa4: {  	s25 =	simm.s32 $0x1B8E;
	s24 =	sld [smem:$0x3FFE];
	[sflag:s23] =	ssyncadd.s32 $0xFFFFFFFF  }
0xa5: {  	s26 =	simm.s32 $execute0_lowered;
	[smem:$0x3FD2] =	sst s25  }
0xa6: {  	s4 =	sshll.u32 s26, $0x1;
	_ =	strace $0x80000046;
	[dreg:$0x1] =	wrdreg $0xFFFFFFFF  }
0xa7: {  	s28 =	simm.s32 $_size_execute0_lowered;
	s2 =	sadd.s32 s2, s4;
	[dreg:$0x0] =	wrdreg $0x0  }
0xa8: {  	s4 =	sshll.u32 s28, $0x1;
	[dreg:$0x2] =	wrdreg s2  }
0xa9: {  	[dreg:$0x3] =	wrdreg s4  }
0xaa: {  	[dreg:$0x4] =	wrdreg $0xC0  }
0xab: {  	_ =	task [dreg:s6], $0x5FFFF  }
0xac: {  	[dreg:$0x1] =	wrdreg $0xFFFFFFFF  }
0xad: {  	[dreg:$0x0] =	wrdreg $0x60  }
0xae: {  	[dreg:$0x2] =	wrdreg s24  }
0xaf: {  	[dreg:$0x3] =	wrdreg $0x39000  }
0xb0: {  	[dreg:$0x4] =	wrdreg $0x51800  }
0xb1: {  	[dreg:$0x5] =	wrdreg $0x9  }
0xb2: {  	_ =	task.clear_ibuf [dreg:s6], $0x6FFFF;
	_ =	strace $0x90000046  }
0xb3: {  	s29 =	simm.s32 $0x9;
	_ =	strace $0x80000048  }
0xb4: {  	_ =	swait.ge [sflag:s29], $0x1  }
0xb5: {  	[sflag:s29] =	ssyncadd.s32 $0xFFFFFFFF  }
0xb6: {  	_ =	strace $0x90000048  }
0xb7: {  	_ =	sfence  }
0xb8: {  	s30 =	sld [smem:$0x0];
	_ =	sdelay $0x2  }
0xb9: {  	s31 =	sshll.u32 s1, $0xD;
	s1 =	sshrl.u32 s1, $0x2  }
0xba: {  	s3 =	sand.u32 $0x4000, s31;
	s1 =	sadd.s32 s1, s30  }
0xbb: {  	s0 =	sor.u32 s3, s0;
	s1 =	sshll.u32 s1, $0x11  }
0xbc: {  	s0 =	sor.u32 s1, s0  }
0xbd: {  	s0 =	sadd.s32 $0x8F2B, s0  }
0xbe: {  	[sflag:s0] =	ssyncadd.remote.s32 $0x1  }
0xbf: {  	_ =	sfence.sel $0xFFFF  }
0xc0: {  	[dreg:$0x0] =	wrdreg $0xFFFFFFFF;
	(pc) =	sbr.abs _section_cstart, $3  }
0xc1: {  	[dreg:$0x1] =	wrdreg $0xFFFFFFFF  }
0xc2: {  	_ =	task.clear_ibuf [dreg:s6], $0x2FFFF;
	_ =	strace $0x9FFFFFFF  }
0xc3: {  	(tm) =	ssettm $0x7FFFFFFF  }
tec
execute0_lowered:
.L_overlay_start_1:
0x0: {  	(tag) =	ssettag $0x1  }
0x1: {  	s6 =	rddreg [dreg:$0x0]  }
0x2: {  	s1 =	rddreg [dreg:$0x1]  }
0x3: {  	s2 =	rddreg [dreg:$0x2]  }
0x4: {  	s3 =	srdreg.scid;
	s0 =	rddreg [dreg:$0x3]  }
0x5: {  	s4 =	simm.s32 $0x0;
	s23 =	simm.s32 $0x0;
	s12 =	sand.u32 $0x1, s3  }
0x6: {  	s3 =	stileid.u32;
	[smem:$0x7FF] =	sst s4;
	s13 =	sadd.s32 $0x6A000, s6  }
0x7: {  	s14 =	sadd.s32 $0x6D200, s6;
	s15 =	sadd.s32 $0x63C00, s6;
	s16 =	smul.u32 $0x1880, s3  }
0x8: {  	s17 =	sadd.s32 $0x66E00, s6;
	s5 =	sshll.u32 s12, $0x4;
	s19 =	smul.u32 $0x1860, s12  }
0x9: {  	_ =	strace $0x80000047;
	s22 =	smul.u32 $0x186, s3;
	s20 =	sor.u32 s3, s5  }
0xa: {  	s9 =	ssub.s32 $0x2, s12;
	s5 =	sadd.s32 $0x2000, s6;
	s7 =	smul.u32 $0x186, s20  }
0xb: {  	s28 =	sshrl.u32 s9, $0x1;
	s8 =	smul.u32 $0x187, s20;
	p0 =	slt.u32 s20, $0x14  }
0xc: {  	s18 =	ssub.s32 s9, s28;
	s6 =	sadd.s32 s16, s1;
	s21 =	smin.u32 s20, $0x14  }
0xd: {  	s19 =	sor.u32 s19, s21;
	s21 =	simm.s32 $0x1A00;
	s7 =	sadd.s32 $0x14, s7  }
0xe: {  	s30 =	sadd.s32 s22, s19;
	s19 =	simm.s32 $0x1;
	s22 =	simm.s32 $0x2  }
0xf: {  	s7 =	smov.u32 @p0 s8;
	p0 =	seq.s32 s12, $0x1;
	s12 =	smax.u32 s18, $0x1  }
0x10: {  	s31 =	sshll.u32 s30, $0x7;
	s18 =	simm.s32 $0xD00;
	s10 =	sshll.u32 s7, $0x4  }
0x11: {  	s7 =	sadd.s32 s16, s2;
	s16 =	sshrl.u32 s16, $0x3;
	s13 =	smov.u32 @p0 s14  }
.Ltmp0:
0x12: {  	s15 =	smov.u32 @p0 s17;
	s17 =	simm.s32 $0x3;
	(pc) =	sbr.rel .LBB2_1-.Ltmp0, $4  }
0x13: {  	p0 =	sgt.u32 s20, $0x13;
	s20 =	simm.s32 $0x680;
	s29 =	sand.u32 $0x1FFFFFF0, s10  }
0x14: {  	s8 =	sadd.s32 s5, s10;
	s13 =	sadd.s32 s13, s16;
	s14 =	sadd.s32 s15, s16  }
0x15: {  	s15 =	sadd.s32 $0x187080, s31;
	s16 =	simm.s32 $0x2080;
	s11 =	sadd.s32 s5, s29  }
0x16: {  	v0 =	vimm.f32 $1.000000000e+00;
	v1 =	vimm.f32 $0.0e+00;
	s9 =	sadd.s32 $0x30D40, s11;
	s10 =	sadd.s32 $0x1860, s11;
	s11 =	sadd.s32 $0x325A0, s11  }
.LBB2_8:
0x17: {  	[spmem:s1] =	stream.indirect.scatter.add.f32 [tilespmem:s21], [sflag:$0x2], $0x1, s26, s20, $0xb8;
	[tilespmem:$0x6A00] =	vst v63  }
0x18: {  	_ = 	snop  }
0x19: {  	[spmem:s2] =	stream.indirect.scatter.add.f32 [tilespmem:s21], [sflag:$0x2], $0x1, s28, s20, $0xb8;
	[tilespmem:$0x6A00] =	vst v63  }
0x1a: {  	_ =	swait.ge [sflag:s22], $0x680  }
0x1b: {  	[sflag:s22] =	ssyncset.done $0x0  }
0x1c: {  	[sflag:s22] =	ssyncadd.s32 $0xFFFFF980  }
0x1d: {  	_ =	swait.ge [sflag:s22], $0x680  }
0x1e: {  	[sflag:s22] =	ssyncset.done $0x0  }
0x1f: {  	s24 =	simm.s32 @!p0 $0x0;
	s25 =	simm.s32 @!p0 $0x3;
	[sflag:s22] =	ssyncadd.s32 $0xFFFFF980  }
0x20: {  	[tilespmem:s24], [sflag:$0x3] =	stream.linear.gather @!p0 [hbm4b:s10+s24], $0x80, $0x38;
	[tilespmem:$0x6A00] =	vst v63  }
0x21: {  	_ =	swait.ge @!p0 [sflag:s25], $0x80  }
0x22: {  	[sflag:s25] =	ssyncset.done @!p0 $0x0  }
0x23: {  	s26 =	simm.s32 @!p0 $0xD00;
	[sflag:s25] =	ssyncadd.s32 @!p0 $0xFFFFFF80  }
0x24: {  	[tilespmem:s26], [sflag:$0x3] =	stream.linear.gather @!p0 [hbm4b:s11+s24], $0x80, $0x38;
	[tilespmem:$0x6A00] =	vst v63  }
0x25: {  	_ =	swait.ge @!p0 [sflag:s25], $0x80  }
0x26: {  	[sflag:s25] =	ssyncset.done @!p0 $0x0  }
0x27: {  	s29 =	simm.s32 @!p0 $0x1A00;
	s28 =	simm.s32 @!p0 $0x80;
	[sflag:s25] =	ssyncadd.s32 @!p0 $0xFFFFFF80  }
0x28: {  	[spmem:s1] =	stream.indirect.scatter.add.f32 @!p0 [tilespmem:s29], [sflag:$0x3], $0x1, s24, s28, $0xb8;
	[tilespmem:$0x6A00] =	vst v63  }
0x29: {  	_ =	swait.ge @!p0 [sflag:s25], $0x80  }
0x2a: {  	[sflag:s25] =	ssyncset.done @!p0 $0x0  }
0x2b: {  	[sflag:s25] =	ssyncadd.s32 @!p0 $0xFFFFFF80  }
0x2c: {  	[spmem:s2] =	stream.indirect.scatter.add.f32 @!p0 [tilespmem:s29], [sflag:$0x3], $0x1, s26, s28, $0xb8;
	[tilespmem:$0x6A00] =	vst v63  }
0x2d: {  	_ =	swait.ge @!p0 [sflag:s25], $0x80  }
0x2e: {  	[sflag:s25] =	ssyncset.done @!p0 $0x0  }
0x2f: {  	s29 =	sshll.u32 s3, $0x6;
	[sflag:s25] =	ssyncadd.s32 @!p0 $0xFFFFFF80  }
0x30: {  	s30 =	sshrl.u32 s6, $0x3;
	s24 =	sor.u32 $0x1C03, s29;
	[bflag:$0x0] =	sbarrier.arrive $0xFFFF  }
0x31: {  	[hbm:s13], [sflag:s24] =	dma.local [spmem:s30], $0x310  }
0x32: {  	s23 =	sadd.s32 $0x1, s23;
	_ =	swait.ge [sflag:s17], $0x310  }
0x33: {  	p1 =	sne.s32 s23, s12;
	[sflag:s17] =	ssyncset.done $0x0  }
.Ltmp1:
0x34: {  	s31 =	sshrl.u32 s7, $0x3;
	[sflag:s17] =	ssyncadd.s32 $0xFFFFFCF0;
	(pc) =	sbr.rel @!p1 .LBB2_9-.Ltmp1, $4  }
0x35: {  	[hbm:s14], [sflag:s24] =	dma.local [spmem:s31], $0x310  }
0x36: {  	_ =	swait.ge [sflag:s17], $0x310  }
0x37: {  	[sflag:s17] =	ssyncset.done $0x0  }
0x38: {  	[sflag:s17] =	ssyncadd.s32 $0xFFFFFCF0  }
.LBB2_1:
0x39: {  	s24 =	simm.s32 $0x0  }
.LBB2_2:
0x3a: {  	p1 =	sne.s32 s24, $0x19C0  }
.Ltmp2:
0x3b: {  	_ = 	snop;
	(pc) =	sbr.rel @p1 .LBB2_2-.Ltmp2, $3  }
0x3c: {  	_ =	sdelay $0x1  }
0x3d: {  	s25 =	sshra.s32 s24, $0x2  }
0x3e: {  	s24 =	sadd.s32 $0x40, s24;
	[tilespmem:s25+$0x1A00] =	vst v0  }
0x3f: {  	s24 =	simm.s32 $0x40;
	s25 =	simm.s32 $0x0  }
.LBB2_4:
0x40: {  	p1 =	sne.s32 s24, $0x61C0;
	[tilespmem:s25+$0x2080] =	vst v1;
	s25 =	smov.u32 s24;
	s24 =	sadd.s32 $0x40, s24  }
.Ltmp3:
0x41: {  	(pc) =	sbr.rel @p1 .LBB2_4-.Ltmp3, $2  }
0x42: {  	_ =	sdelay $0x2  }
0x43: {  	s25 =	sshra.s32 s25, $0x2  }
0x44: {  	[tilespmem:s25+$0x2080] =	vst v1  }
0x45: {  	[spmem:s6] =	stream.linear.scatter [tilespmem:s16], [sflag:$0x3], $0x1880, $0x38;
	[tilespmem:$0x6A00] =	vst v63  }
0x46: {  	_ =	swait.ge [sflag:s17], $0x1880  }
0x47: {  	[sflag:s17] =	ssyncset.done $0x0  }
0x48: {  	[sflag:s17] =	ssyncadd.s32 $0xFFFFE780  }
0x49: {  	[spmem:s7] =	stream.linear.scatter [tilespmem:s16], [sflag:$0x3], $0x1880, $0x38;
	[tilespmem:$0x6A00] =	vst v63  }
0x4a: {  	_ =	swait.ge [sflag:s17], $0x1880  }
0x4b: {  	[sflag:s17] =	ssyncset.done $0x0  }
0x4c: {  	[sflag:s17] =	ssyncadd.s32 $0xFFFFE780  }
0x4d: {  	s24 =	simm.s32 $0x0;
	[bflag:$0x0] =	sbarrier.arrive $0xFFFF  }
0x4e: {  	[tilespmem:s24], [sflag:$0x1] =	stream.linear.gather [hbm4b:s8+s24], $0x680, $0x38;
	[tilespmem:$0x6A00] =	vst v63  }
0x4f: {  	s25 =	smov.u32 s15  }
0x50: {  	[tilespmem:s18], [sflag:$0x1] =	stream.linear.gather [hbm4b:s9+s24], $0x680, $0x38;
	[tilespmem:$0x6A00] =	vst v63  }
.LBB2_6:
0x51: {  	_ =	swait.ge [sflag:s19], $0x680  }
0x52: {  	[sflag:s19] =	ssyncset.done $0x0  }
0x53: {  	[sflag:s19] =	ssyncadd.s32 $0xFFFFF980  }
0x54: {  	_ =	swait.ge [sflag:s19], $0x680  }
0x55: {  	p1 =	seq.s32 s24, $0x0;
	[sflag:s19] =	ssyncset.done $0x0  }
0x56: {  	s30 =	simm.s32 @!p1 $0x2;
	p2 =	seq.s32 @!p1 s24, $0x1D;
	[sflag:s19] =	ssyncadd.s32 $0xFFFFF980  }
0x57: {  	p2 =	por p1, !p2;
	_ =	swait.ge @!p1 [sflag:s30], $0x680  }
.Ltmp4:
0x58: {  	[sflag:s30] =	ssyncset.done @!p1 $0x0;
	(pc) =	sbr.rel @!p2 .LBB2_8-.Ltmp4, $4  }
0x59: {  	s29 =	sand.u32 $0x1, s24;
	[sflag:s30] =	ssyncadd.s32 @!p1 $0xFFFFF980  }
0x5a: {  	s26 =	smul.u32 $0x680, s29;
	_ =	swait.ge @!p1 [sflag:s30], $0x680  }
0x5b: {  	[sflag:s30] =	ssyncset.done @!p1 $0x0  }
0x5c: {  	s28 =	sadd.s32 $0xD00, s26;
	[sflag:s30] =	ssyncadd.s32 @!p1 $0xFFFFF980  }
0x5d: {  	s29 =	sxor.u32 $0x1, s29;
	s30 =	sadd.s32 $0xFFE79600, s25  }
0x5e: {  	s29 =	smul.u32 $0x680, s29;
	s30 =	sshrl.u32 s30, $0x3  }
0x5f: {  	s31 =	sshrl.u32 s25, $0x3;
	s30 =	sadd.s32 s5, s30  }
0x60: {  	[tilespmem:s29], [sflag:$0x1] =	stream.linear.gather [hbm4b:s30+s4], $0x680, $0x38;
	[tilespmem:$0x6A00] =	vst v63  }
0x61: {  	s29 =	sadd.s32 $0xD00, s29;
	s30 =	sadd.s32 s5, s31  }
0x62: {  	[tilespmem:s29], [sflag:$0x1] =	stream.linear.gather [hbm4b:s30+s4], $0x680, $0x38;
	[tilespmem:$0x6A00] =	vst v63  }
.Ltmp5:
0x63: {  	_ = 	snop;
	(pc) =	sbr.rel .LBB2_6-.Ltmp5, $4  }
0x64: {  	_ = 	snop  }
0x65: {  	[spmem:s1] =	stream.indirect.scatter.add.f32 [tilespmem:s21], [sflag:$0x2], $0x1, s26, s20, $0xb8;
	[tilespmem:$0x6A00] =	vst v63  }
0x66: {  	s25 =	sadd.s32 $0x680, s25;
	s24 =	sadd.s32 $0x1, s24  }
0x67: {  	[spmem:s2] =	stream.indirect.scatter.add.f32 [tilespmem:s21], [sflag:$0x2], $0x1, s28, s20, $0xb8;
	[tilespmem:$0x6A00] =	vst v63  }
.LBB2_9:
0x68: {  	_ =	sfence.sel $0x180000  }
0x69: {  	[bflag:$0x0] =	sbarrier.arrive $0xFFFF  }
0x6a: {  	p0 =	sne.s32 s3, $0x0;
	_ =	strace $0x90000047  }
0x6b: {  	s0 =	sadd.s32 @!p0 $0x100000, s0;
	[bflag:$0x2] =	sbarrier.arrive $0xFFFF  }
0x6c: {  	[sflag:s0] =	ssyncadd.tile.s32 @!p0 $0x1;
	_ =	shalt  }
.Lfunc_end2:
_tile_overlayer_lowered:
.L_overlay_start_2:
0x6d: {  	(tag) =	ssettag $0x2  }
0x6e: {  	s0 =	rddreg [dreg:$0x0];
	s2 =	stileid.u32  }
0x6f: {  	s1 =	rddreg [dreg:$0x1];
	p0 =	sne.s32 s2, $0x0  }
0x70: {  	s3 =	rddreg [dreg:$0x2];
	[bflag:$0x3] =	sbarrier.arrive $0xFFFF;
	s2 =	simm.s32 @!p0 $0x1C03  }
0x71: {  	[timem:s3], [sflag:s2] =	dma.local @!p0 [hbm:s0], s1  }
0x72: {  	s0 =	simm.s32 @!p0 $0x3  }
0x73: {  	_ =	swait.ge @!p0 [sflag:s0], s1  }
0x74: {  	s1 =	ssub.s32 @!p0 $0x0, s1;
	[sflag:s0] =	ssyncset.done @!p0 $0x0  }
0x75: {  	[sflag:s0] =	ssyncadd.s32 @!p0 s1  }
0x76: {  	[bflag:$0x3] =	sbarrier.arrive $0xFFFF  }
0x77: {  	_ =	shalt  }

// kernel: kernel.8.cloned.1.call-start
scs
__scs_entry_jumppad:
0x0: {  	(pc) =	sbr.rel $0x88, $3  }
0x1: {  	(tag) =	ssettag $0x0;
	lr =	simm.s32 $0x1  }
0x2: {  	[smem:$0x3F9B] =	sst lr;
	_ =	strace $0xD0000000  }
0x3: {  	_ = 	snop  }
0x4: {  	_ = 	snop  }
0x5: {  	_ = 	snop  }
0x6: {  	_ = 	snop  }
0x7: {  	_ = 	snop  }
__scs_overlays_trampoline_lowered:
0x8: {  	[smem:$0x3FAA] =	sst s0  }
0x9: {  	[smem:$0x3FAB] =	sst s1  }
0xa: {  	[smem:$0x3FAC] =	sst s2  }
0xb: {  	[smem:$0x3FAD] =	sst s3  }
0xc: {  	[smem:$0x3FAE] =	sst s4  }
0xd: {  	[smem:$0x3FAF] =	sst s5  }
0xe: {  	[smem:$0x3FB0] =	sst s6  }
0xf: {  	[smem:$0x3FB1] =	sst s7  }
0x10: {  	[smem:$0x3FB2] =	sst s8  }
0x11: {  	[smem:$0x3FB3] =	sst s9;
	s0 =	simm.s32 @!p0 $0x0  }
0x12: {  	s1 =	sld [smem:$0x3F99];
	s0 =	simm.s32 @p0 $0x1  }
0x13: {  	[smem:$0x3FB4] =	sst s0;
	s0 =	simm.s32 @!p1 $0x0  }
0x14: {  	s2 =	sld [smem:$0x3F98];
	s0 =	simm.s32 @p1 $0x1  }
0x15: {  	[smem:$0x3FB5] =	sst s0;
	s0 =	simm.s32 @!p2 $0x0  }
0x16: {  	s3 =	sld [smem:$0x3FDB];
	s0 =	simm.s32 @p2 $0x1  }
0x17: {  	s4 =	simm.s32 $0x1BF5;
	[smem:$0x3FB7] =	sst s0  }
0x18: {  	s0 =	sld [smem:$0x3F9A];
	_ =	swait.ge [sflag:s4], $0x0  }
0x19: {  	s7 =	sld [smem:$0x3F9B]  }
0x1a: {  	s8 =	sadd.s32 $0xFFFFE003, lr  }
0x1b: {  	s9 =	sadd.s32 $0xFFFFFEF7, lr;
	s5 =	simm.s32 $0xFFFFFFFF;
	p2 =	slt.u32 s8, $0xFFFFF086  }
0x1c: {  	p1 =	slt.u32 s9, $0xF7A;
	s5 =	simm.s32 @!p2 $0x0  }
0x1d: {  	s5 =	simm.s32 @p1 $0x1;
	p0 =	seq.s32 s7, s2  }
0x1e: {  	s7 =	smul.u32 @!p0 $0xF7A, s2;
	p2 =	seq.s32 @!p0 s5, $0x0  }
0x1f: {  	s9 =	smul.u32 $0xF7A, s1;
	s8 =	simm.s32 @!p0 $0x1BF5;
	p2 =	por !p2, p0  }
0x20: {  	[sflag:s8] =	ssyncset.s32 @!p0 $0xFFFFF086;
	s6 =	sadd.s32 @!p0 s3, s7;
	s7 =	simm.s32 @!p0 $0x108  }
0x21: {  	s3 =	sadd.s32 s3, s9;
	s6 =	sadd.s32 @!p0 $0x88, s6;
	s7 =	simm.s32 @p2 $0x1082  }
0x22: {  	[simem:s7], [sflag:s8] =	dma.local @!p0 [hbm:s6], $0xF7A  }
0x23: {  	s9 =	sor.u32 $0xD0000000, s2;
	s6 =	simm.s32 $0x108;
	_ =	swait.ge @!p0 [sflag:s8], $0x0  }
0x24: {  	s3 =	sadd.s32 $0x88, s3;
	s6 =	simm.s32 @!p1 $0x1082;
	[sflag:s4] =	ssyncset.s32 $0xFFFFF086  }
0x25: {  	[simem:s6], [sflag:s4] =	dma.local [hbm:s3], $0xF7A  }
0x26: {  	[smem:$0x3F9B] =	sst s1;
	(tag) =	ssettag s2;
	_ =	strace s9  }
0x27: {  	s1 =	sld [smem:$0x3FAB]  }
0x28: {  	s2 =	sld [smem:$0x3FAC]  }
0x29: {  	s4 =	sld [smem:$0x3FAE]  }
0x2a: {  	p0 =	seq.s32 s5, $0x0;
	s5 =	sld [smem:$0x3FAF]  }
0x2b: {  	s6 =	sld [smem:$0x3FB0]  }
0x2c: {  	s7 =	sld [smem:$0x3FB1]  }
0x2d: {  	s3 =	simm.s32 $0x108;
	s8 =	sld [smem:$0x3FB2]  }
0x2e: {  	s3 =	simm.s32 @!p0 $0x1082;
	s9 =	sld [smem:$0x3FB3]  }
0x2f: {  	lr =	sadd.s32 s0, s3;
	s0 =	sld [smem:$0x3FAA]  }
0x30: {  	s3 =	sld [smem:$0x3FAD]  }
0x31: {  	[smem:$0x3FB6] =	sst s10  }
0x32: {  	s10 =	sld [smem:$0x3FB4];
	_ =	sdelay $0x3  }
0x33: {  	p0 =	seq.s32 s10, $0x1;
	s10 =	sld [smem:$0x3FB6];
	_ =	sdelay $0x3  }
0x34: {  	[smem:$0x3FB6] =	sst s10  }
0x35: {  	s10 =	sld [smem:$0x3FB5];
	_ =	sdelay $0x3  }
0x36: {  	p1 =	seq.s32 s10, $0x1;
	s10 =	sld [smem:$0x3FB6];
	_ =	sdelay $0x3  }
0x37: {  	[smem:$0x3FB6] =	sst s10  }
0x38: {  	s10 =	sld [smem:$0x3FB7]  }
0x39: {  	_ = 	snop;
	(pc) =	sbr.ind lr, $3  }
0x3a: {  	_ = 	snop  }
0x3b: {  	_ = 	snop  }
0x3c: {  	p2 =	seq.s32 s10, $0x1;
	s10 =	sld [smem:$0x3FB6]  }
0x3d: {  	_ =	shalt  }
0x3e: {  	_ =	shalt  }
0x3f: {  	_ =	shalt  }
0x40: {  	_ =	shalt  }
0x41: {  	_ =	shalt  }
0x42: {  	_ =	shalt  }
0x43: {  	_ =	shalt  }
0x44: {  	_ =	shalt  }
0x45: {  	_ =	shalt  }
0x46: {  	_ =	shalt  }
0x47: {  	_ =	shalt  }
0x48: {  	_ =	shalt  }
0x49: {  	_ =	shalt  }
0x4a: {  	_ =	shalt  }
0x4b: {  	_ =	shalt  }
0x4c: {  	_ =	shalt  }
0x4d: {  	_ =	shalt  }
0x4e: {  	_ =	shalt  }
0x4f: {  	_ =	shalt  }
0x50: {  	_ =	shalt  }
0x51: {  	_ =	shalt  }
0x52: {  	_ =	shalt  }
0x53: {  	_ =	shalt  }
0x54: {  	_ =	shalt  }
0x55: {  	_ =	shalt  }
0x56: {  	_ =	shalt  }
0x57: {  	_ =	shalt  }
0x58: {  	_ =	shalt  }
0x59: {  	_ =	shalt  }
0x5a: {  	_ =	shalt  }
0x5b: {  	_ =	shalt  }
0x5c: {  	_ =	shalt  }
0x5d: {  	_ =	shalt  }
0x5e: {  	_ =	shalt  }
0x5f: {  	_ =	shalt  }
0x60: {  	_ =	shalt  }
0x61: {  	_ =	shalt  }
0x62: {  	_ =	shalt  }
0x63: {  	_ =	shalt  }
0x64: {  	_ =	shalt  }
0x65: {  	_ =	shalt  }
0x66: {  	_ =	shalt  }
0x67: {  	_ =	shalt  }
0x68: {  	_ =	shalt  }
0x69: {  	_ =	shalt  }
0x6a: {  	_ =	shalt  }
0x6b: {  	_ =	shalt  }
0x6c: {  	_ =	shalt  }
0x6d: {  	_ =	shalt  }
0x6e: {  	_ =	shalt  }
0x6f: {  	_ =	shalt  }
0x70: {  	_ =	shalt  }
0x71: {  	_ =	shalt  }
0x72: {  	_ =	shalt  }
0x73: {  	_ =	shalt  }
0x74: {  	_ =	shalt  }
0x75: {  	_ =	shalt  }
0x76: {  	_ =	shalt  }
0x77: {  	_ =	shalt  }
0x78: {  	_ =	shalt  }
0x79: {  	_ =	shalt  }
0x7a: {  	_ =	shalt  }
0x7b: {  	_ =	shalt  }
0x7c: {  	_ =	shalt  }
0x7d: {  	_ =	shalt  }
0x7e: {  	_ =	shalt  }
0x7f: {  	_ =	shalt  }
0x80: {  	_ =	shalt  }
0x81: {  	_ =	shalt  }
0x82: {  	_ =	shalt  }
0x83: {  	_ =	shalt  }
0x84: {  	_ =	shalt  }
0x85: {  	_ =	shalt  }
0x86: {  	_ =	shalt  }
0x87: {  	_ =	shalt  }
.Lfunc_end0:
.L_simem_size_0:
called_computation.1_lowered:
.L_overlay_start_0:
0x88: {  	s2 =	sld [smem:$0x3FD9]  }
0x89: {  	s3 =	sld [smem:$0x3FFE];
	_ =	sdelay $0x1  }
0x8a: {  	s1 =	srdreg.scid  }
0x8b: {  	s0 =	sand.u32 $0x1, s1  }
0x8c: {  	s16 =	sshll.u32 s0, $0xA;
	s2 =	sadd.s32 s3, s2  }
0x8d: {  	s2 =	sadd.s32 s2, s16  }
0x8e: {  	[smem:$0x3FC2] =	sst s2  }
0x8f: {  	_ = 	snop  }
0x90: {  	(tm) =	ssettm $0x1  }
0x91: {  	s17 =	sld [smem:$0x3FFB];
	_ =	sdelay $0x3  }
0x92: {  	_ =	strace s17  }
0x93: {  	s2 =	sld [smem:$0x3FFC];
	_ =	sdelay $0x3  }
0x94: {  	_ =	strace s2  }
0x95: {  	s2 =	sld [smem:$0x3FFD];
	_ =	sdelay $0x3  }
0x96: {  	_ =	strace s2  }
0x97: {  	_ =	strace $0x8FFFFFFF  }
0x98: {  	s18 =	sld [smem:$0x3FDB];
	_ =	sdelay $0x1  }
0x99: {  	s19 =	simm.s32 $_scs_section_size  }
0x9a: {  	s4 =	simm.s32 $_size__tile_overlayer_lowered;
	s5 =	simm.s32 $_tile_overlayer_lowered  }
0x9b: {  	s22 =	simm.s32 $0x1BFF;
	s21 =	sshll.u32 s5, $0x1;
	s2 =	sadd.s32 s19, s18  }
0x9c: {  	s6 =	simm.s32 $0x0;
	s20 =	sshll.u32 s4, $0x1;
	s4 =	sadd.s32 s21, s2  }
0x9d: {  	[timem:s6], [sflag:s22] =	dma.local [hbm:s4], s20  }
0x9e: {  	_ =	swait.ge [sflag:s22], s20  }
0x9f: {  	s3 =	ssub.s32 $0x0, s20;
	[sflag:s22] =	ssyncset.done $0x0  }
0xa0: {  	[sflag:s22] =	ssyncadd.s32 s3;
	_ =	sdelay $0x1  }
0xa1: {  	s23 =	simm.s32 $0x1B8B  }
0xa2: {  	_ =	swait.ge [sflag:s23], $0x1  }
0xa3: {  	[sflag:s23] =	ssyncset.done $0x0  }
0xa4: {  	s25 =	simm.s32 $0x1B8E;
	s24 =	sld [smem:$0x3FFE];
	[sflag:s23] =	ssyncadd.s32 $0xFFFFFFFF  }
0xa5: {  	s26 =	simm.s32 $execute0_lowered;
	[smem:$0x3FD2] =	sst s25  }
0xa6: {  	s4 =	sshll.u32 s26, $0x1;
	_ =	strace $0x80000049;
	[dreg:$0x1] =	wrdreg $0xFFFFFFFF  }
0xa7: {  	s28 =	simm.s32 $_size_execute0_lowered;
	s2 =	sadd.s32 s2, s4;
	[dreg:$0x0] =	wrdreg $0x0  }
0xa8: {  	s4 =	sshll.u32 s28, $0x1;
	[dreg:$0x2] =	wrdreg s2  }
0xa9: {  	[dreg:$0x3] =	wrdreg s4  }
0xaa: {  	[dreg:$0x4] =	wrdreg $0xC0  }
0xab: {  	_ =	task [dreg:s6], $0x5FFFF  }
0xac: {  	[dreg:$0x1] =	wrdreg $0xFFFFFFFF  }
0xad: {  	[dreg:$0x0] =	wrdreg $0x60  }
0xae: {  	[dreg:$0x2] =	wrdreg s24  }
0xaf: {  	[dreg:$0x3] =	wrdreg $0x1C1600  }
0xb0: {  	[dreg:$0x4] =	wrdreg $0x9  }
0xb1: {  	_ =	task.clear_ibuf [dreg:s6], $0x5FFFF;
	_ =	strace $0x90000049  }
0xb2: {  	s29 =	simm.s32 $0x9;
	_ =	strace $0x8000004B  }
0xb3: {  	_ =	swait.ge [sflag:s29], $0x1  }
0xb4: {  	[sflag:s29] =	ssyncadd.s32 $0xFFFFFFFF  }
0xb5: {  	_ =	strace $0x9000004B  }
0xb6: {  	_ =	sfence  }
0xb7: {  	s30 =	sld [smem:$0x0];
	_ =	sdelay $0x2  }
0xb8: {  	s31 =	sshll.u32 s1, $0xD;
	s1 =	sshrl.u32 s1, $0x2  }
0xb9: {  	s3 =	sand.u32 $0x4000, s31;
	s1 =	sadd.s32 s1, s30  }
0xba: {  	s0 =	sor.u32 s3, s0;
	s1 =	sshll.u32 s1, $0x11  }
0xbb: {  	s0 =	sor.u32 s1, s0  }
0xbc: {  	s0 =	sadd.s32 $0x8F2B, s0  }
0xbd: {  	[sflag:s0] =	ssyncadd.remote.s32 $0x1  }
0xbe: {  	_ =	sfence.sel $0xFFFF  }
0xbf: {  	[dreg:$0x0] =	wrdreg $0xFFFFFFFF;
	(pc) =	sbr.abs _section_cstart, $3  }
0xc0: {  	[dreg:$0x1] =	wrdreg $0xFFFFFFFF  }
0xc1: {  	_ =	task.clear_ibuf [dreg:s6], $0x2FFFF;
	_ =	strace $0x9FFFFFFF  }
0xc2: {  	(tm) =	ssettm $0x7FFFFFFF  }
0xc3: {  	_ =	shalt  }
tec
execute0_lowered:
.L_overlay_start_1:
0x0: {  	(tag) =	ssettag $0x1  }
0x1: {  	s0 =	rddreg [dreg:$0x0]  }
0x2: {  	s1 =	rddreg [dreg:$0x1]  }
0x3: {  	s2 =	simm.s32 $0x0;
	s5 =	srdreg.scid;
	s14 =	stileid.u32  }
0x4: {  	s30 =	simm.s32 $0x3340;
	s31 =	simm.s32 $0x3;
	[smem:$0x7FF] =	sst s2  }
0x5: {  	s3 =	sadd.s32 $0x2000, s0;
	s4 =	sadd.s32 $0x63C00, s0;
	s7 =	sadd.s32 $0x66E00, s0  }
0x6: {  	s8 =	sadd.s32 $0x76800, s0;
	s9 =	sadd.s32 $0x79A00, s0;
	s10 =	sand.u32 $0x1, s5  }
0x7: {  	s11 =	sadd.s32 $0x70400, s0;
	s12 =	smul.u32 $0x1880, s14;
	s5 =	sadd.s32 $0x73600, s0  }
0x8: {  	_ =	strace $0x8000004A;
	s6 =	ssub.s32 $0x2, s10;
	s13 =	sshll.u32 s10, $0x4  }
0x9: {  	p0 =	seq.s32 s10, $0x0;
	s20 =	sshrl.u32 s6, $0x1;
	s13 =	sor.u32 s14, s13  }
0xa: {  	s21 =	sadd.s32 $0x620, s12;
	s22 =	sadd.s32 $0xC40, s12;
	s23 =	sadd.s32 $0x1260, s12  }
0xb: {  	s5 =	smov.u32 @p0 s11;
	s9 =	smov.u32 @p0 s8;
	s8 =	simm.s32 $0x1  }
0xc: {  	s11 =	simm.s32 $0x0;
	s0 =	ssub.s32 s6, s20;
	s6 =	sadd.s32 s12, s1  }
0xd: {  	s15 =	sadd.s32 s21, s1;
	s16 =	sadd.s32 s22, s1;
	s12 =	sshrl.u32 s12, $0x3  }
0xe: {  	s17 =	sadd.s32 s23, s1;
	s25 =	smul.u32 $0x186, s13;
	[dreg:$0x3] =	wrdreg s15  }
0xf: {  	s10 =	smul.u32 $0x187, s13;
	s14 =	sshrl.u32 s21, $0x3;
	[dreg:$0x4] =	wrdreg s16  }
0x10: {  	p1 =	slt.u32 s13, $0x14;
	[dreg:$0x5] =	wrdreg s17;
	s24 =	sadd.s32 s4, s12  }
0x11: {  	s20 =	sshrl.u32 s23, $0x3;
	s18 =	sadd.s32 s7, s12;
	[dreg:$0x6] =	wrdreg s24  }
0x12: {  	p0 =	sgt.u32 s13, $0x13;
	s26 =	sadd.s32 s4, s14;
	[dreg:$0x7] =	wrdreg s18  }
0x13: {  	s15 =	sadd.s32 s7, s14;
	s29 =	sadd.s32 s5, s20;
	[dreg:$0x8] =	wrdreg s26  }
0x14: {  	s17 =	sadd.s32 $0x14, s25;
	s18 =	sshrl.u32 s22, $0x3;
	[dreg:$0x9] =	wrdreg s15  }
0x15: {  	s17 =	smov.u32 @p1 s10;
	s19 =	sadd.s32 s4, s18;
	s4 =	sadd.s32 s4, s20  }
0x16: {  	s24 =	sadd.s32 s7, s18;
	s7 =	sadd.s32 s7, s20;
	[dreg:$0xa] =	wrdreg s19  }
0x17: {  	s28 =	sadd.s32 s5, s18;
	s10 =	simm.s32 $0x2;
	[dreg:$0xb] =	wrdreg s4  }
0x18: {  	s15 =	sshll.u32 s17, $0x7;
	s23 =	sshll.u32 s17, $0x4;
	[dreg:$0xc] =	wrdreg s24  }
0x19: {  	[dreg:$0xd] =	wrdreg s7;
	s24 =	sadd.s32 s9, s12;
	s7 =	simm.s32 $0x3960  }
.Ltmp0:
0x1a: {  	s9 =	simm.s32 $0x680;
	s22 =	sshrl.u32 s15, $0x3;
	(pc) =	sbr.rel .LBB2_1-.Ltmp0, $4  }
0x1b: {  	s25 =	sadd.s32 s3, s23;
	s23 =	smax.u32 s0, $0x1;
	s0 =	simm.s32 $0x2700  }
0x1c: {  	s4 =	sadd.s32 s3, s22;
	[dreg:$0xe] =	wrdreg s25;
	s25 =	sadd.s32 s5, s12  }
0x1d: {  	s26 =	sadd.s32 $0x30D40, s4;
	s21 =	sadd.s32 $0x1860, s4;
	s22 =	sadd.s32 $0x325A0, s4  }
0x1e: {  	v0 =	vimm.f32 $0.0e+00;
	s4 =	simm.s32 $0x2D20;
	[dreg:$0xf] =	wrdreg s26;
	s26 =	sadd.s32 s5, s14  }
.LBB2_15:
0x1f: {  	_ =	swait.ge [sflag:s10], $0x680  }
0x20: {  	[sflag:s10] =	ssyncset.done $0x0  }
0x21: {  	s12 =	simm.s32 @!p0 $0x0;
	s13 =	simm.s32 @!p0 $0x3;
	[sflag:s10] =	ssyncadd.s32 $0xFFFFF980  }
0x22: {  	[tilespmem:s12], [sflag:$0x3] =	stream.linear.gather @!p0 [hbm4b:s21+s12], $0x80, $0x38;
	[tilespmem:$0x1D9E0] =	vst v63  }
0x23: {  	_ =	swait.ge @!p0 [sflag:s13], $0x80  }
0x24: {  	[sflag:s13] =	ssyncset.done @!p0 $0x0  }
0x25: {  	s14 =	simm.s32 @!p0 $0xD00;
	[sflag:s13] =	ssyncadd.s32 @!p0 $0xFFFFFF80  }
0x26: {  	[tilespmem:s14], [sflag:$0x3] =	stream.linear.gather @!p0 [hbm4b:s22+s12], $0x80, $0x38;
	[tilespmem:$0x1D9E0] =	vst v63  }
0x27: {  	_ =	swait.ge @!p0 [sflag:s13], $0x80  }
0x28: {  	[sflag:s13] =	ssyncset.done @!p0 $0x0  }
0x29: {  	[sflag:s13] =	ssyncadd.s32 @!p0 $0xFFFFFF80  }
0x2a: {  	v1 =	vld @!p0 [tilespmem:$0xD00];
	_ =	sdelay $0x5  }
0x2b: {  	v2 =	vld @!p0 [tilespmem:$0xD10]  }
0x2c: {  	s14 =	simm.s32 @!p0 $0x3960  }
0x2d: {  	v1 =	vld.idx.msk @!p0 [tilespmem:v1+s14+$0x0], $0xffff;
	_ =	sdelay $0x3  }
0x2e: {  	v3 =	vld @!p0 [tilespmem:$0xD20]  }
0x2f: {  	[tilespmem:$0x1A00] =	vst @!p0 v1  }
0x30: {  	v1 =	vld.idx.msk @!p0 [tilespmem:v2+s14+$0x0], $0xffff;
	_ =	sdelay $0x3  }
0x31: {  	v2 =	vld @!p0 [tilespmem:$0xD30]  }
0x32: {  	[tilespmem:$0x1A10] =	vst @!p0 v1  }
0x33: {  	v1 =	vld.idx.msk @!p0 [tilespmem:v3+s14+$0x0], $0xffff;
	_ =	sdelay $0x3  }
0x34: {  	v3 =	vld @!p0 [tilespmem:$0xD40]  }
0x35: {  	[tilespmem:$0x1A20] =	vst @!p0 v1  }
0x36: {  	v1 =	vld.idx.msk @!p0 [tilespmem:v2+s14+$0x0], $0xffff;
	_ =	sdelay $0x3  }
0x37: {  	v2 =	vld @!p0 [tilespmem:$0xD50]  }
0x38: {  	[tilespmem:$0x1A30] =	vst @!p0 v1  }
0x39: {  	v1 =	vld.idx.msk @!p0 [tilespmem:v3+s14+$0x0], $0xffff;
	_ =	sdelay $0x3  }
0x3a: {  	v3 =	vld @!p0 [tilespmem:$0xD60]  }
0x3b: {  	[tilespmem:$0x1A40] =	vst @!p0 v1  }
0x3c: {  	v1 =	vld.idx.msk @!p0 [tilespmem:v2+s14+$0x0], $0xffff;
	_ =	sdelay $0x3  }
0x3d: {  	v2 =	vld @!p0 [tilespmem:$0xD70]  }
0x3e: {  	[tilespmem:$0x1A50] =	vst @!p0 v1  }
0x3f: {  	v1 =	vld.idx.msk @!p0 [tilespmem:v3+s14+$0x0], $0xffff;
	_ =	sdelay $0x4  }
0x40: {  	[tilespmem:$0x1A60] =	vst @!p0 v1  }
0x41: {  	v1 =	vld.idx.msk @!p0 [tilespmem:v2+s14+$0x0], $0xffff;
	_ =	sdelay $0x4  }
0x42: {  	s16 =	simm.s32 @!p0 $0x1A00;
	s14 =	simm.s32 @!p0 $0x80;
	[tilespmem:$0x1A70] =	vst @!p0 v1  }
0x43: {  	[spmem:s1] =	stream.indirect.scatter.add.f32 @!p0 [tilespmem:s16], [sflag:$0x3], $0x1, s12, s14, $0xb8;
	[tilespmem:$0x1D9E0] =	vst v63  }
0x44: {  	s19 =	stileid.u32;
	_ =	swait.ge @!p0 [sflag:s13], $0x80  }
0x45: {  	s20 =	sshrl.u32 s6, $0x3;
	s11 =	sadd.s32 $0x1, s11;
	[sflag:s13] =	ssyncset.done @!p0 $0x0  }
0x46: {  	p1 =	sne.s32 s11, s23;
	s12 =	sshll.u32 s19, $0x6;
	[sflag:s13] =	ssyncadd.s32 @!p0 $0xFFFFFF80  }
.Ltmp1:
0x47: {  	s12 =	sor.u32 $0x1C03, s12;
	[bflag:$0x0] =	sbarrier.arrive $0xFFFF;
	(pc) =	sbr.rel @!p1 .LBB2_16-.Ltmp1, $4  }
0x48: {  	[hbm:s24], [sflag:s12] =	dma.local [spmem:s20], $0x310  }
0x49: {  	_ =	swait.ge [sflag:s31], $0x310  }
0x4a: {  	[sflag:s31] =	ssyncset.done $0x0  }
0x4b: {  	[sflag:s31] =	ssyncadd.s32 $0xFFFFFCF0  }
.LBB2_1:
0x4c: {  	s12 =	simm.s32 $0x40;
	s13 =	simm.s32 $0x0  }
.LBB2_2:
0x4d: {  	p1 =	sne.s32 s12, $0x1840;
	[tilespmem:s13+$0x3340] =	vst v0;
	s13 =	smov.u32 s12;
	s12 =	sadd.s32 $0x40, s12  }
.Ltmp2:
0x4e: {  	(pc) =	sbr.rel @p1 .LBB2_2-.Ltmp2, $2  }
0x4f: {  	_ =	sdelay $0x2  }
0x50: {  	s13 =	sshra.s32 s13, $0x2  }
0x51: {  	[tilespmem:s13+$0x3340] =	vst v0  }
0x52: {  	[spmem:s6] =	stream.linear.scatter [tilespmem:s30], [sflag:$0x3], $0x620, $0x38;
	[tilespmem:$0x1D9E0] =	vst v63  }
0x53: {  	_ =	swait.ge [sflag:s31], $0x620  }
0x54: {  	[sflag:s31] =	ssyncset.done $0x0  }
0x55: {  	s12 =	rddreg [dreg:$0x3];
	[sflag:s31] =	ssyncadd.s32 $0xFFFFF9E0  }
0x56: {  	[spmem:s12] =	stream.linear.scatter [tilespmem:s30], [sflag:$0x3], $0x620, $0x38;
	[tilespmem:$0x1D9E0] =	vst v63  }
0x57: {  	_ =	swait.ge [sflag:s31], $0x620  }
0x58: {  	[sflag:s31] =	ssyncset.done $0x0  }
0x59: {  	s16 =	rddreg [dreg:$0x4];
	[sflag:s31] =	ssyncadd.s32 $0xFFFFF9E0  }
0x5a: {  	[spmem:s16] =	stream.linear.scatter [tilespmem:s30], [sflag:$0x3], $0x620, $0x38;
	[tilespmem:$0x1D9E0] =	vst v63  }
0x5b: {  	_ =	swait.ge [sflag:s31], $0x620  }
0x5c: {  	[sflag:s31] =	ssyncset.done $0x0  }
0x5d: {  	s17 =	rddreg [dreg:$0x5];
	[sflag:s31] =	ssyncadd.s32 $0xFFFFF9E0  }
0x5e: {  	[spmem:s17] =	stream.linear.scatter [tilespmem:s30], [sflag:$0x3], $0x620, $0x38;
	[tilespmem:$0x1D9E0] =	vst v63  }
0x5f: {  	_ =	swait.ge [sflag:s31], $0x620  }
0x60: {  	[sflag:s31] =	ssyncset.done $0x0  }
0x61: {  	s18 =	simm.s32 $0x0;
	s19 =	rddreg [dreg:$0x6];
	[sflag:s31] =	ssyncadd.s32 $0xFFFFF9E0  }
0x62: {  	[tilespmem:s0], [sflag:$0x3] =	stream.linear.gather [hbm4b:s19+s18], $0x620, $0x38;
	[tilespmem:$0x1D9E0] =	vst v63  }
0x63: {  	_ =	swait.ge [sflag:s31], $0x620  }
0x64: {  	[sflag:s31] =	ssyncset.done $0x0  }
0x65: {  	s20 =	rddreg [dreg:$0x7];
	[sflag:s31] =	ssyncadd.s32 $0xFFFFF9E0  }
0x66: {  	[tilespmem:s4], [sflag:$0x3] =	stream.linear.gather [hbm4b:s20+s18], $0x620, $0x38;
	[tilespmem:$0x1D9E0] =	vst v63  }
0x67: {  	_ =	swait.ge [sflag:s31], $0x620  }
0x68: {  	[sflag:s31] =	ssyncset.done $0x0  }
0x69: {  	s13 =	simm.s32 $0x0;
	[sflag:s31] =	ssyncadd.s32 $0xFFFFF9E0  }
0x6a: {  	v1 =	vld [tilespmem:s13+$0x2700]  }
0x6b: {  	v2 =	vld [tilespmem:s13+$0x2D20];
	_ =	sdelay $0x3  }
0x6c: {  	s12 =	simm.s32 $0x10  }
0x6d: {  	v3 =	vld [tilespmem:s12+$0x2700];
	v1 =	vadd.f32 v2, v1  }
0x6e: {  	v2 =	vld [tilespmem:s12+$0x2D20]  }
0x6f: {  	v1 =	vmax.f32 v1, $1.000000000e+00  }
0x70: {  	v4 =	vshrl.u32 v1, $0x1;
	v5 =	vmul.f32 $5.000000000e-01, v1  }
0x71: {  	s14 =	simm.s32 $0x20;
	v4 =	vsub.s32 $0x5F3759DF, v4  }
0x72: {  	v6 =	vld [tilespmem:s14+$0x2700];
	v1 =	vmul.f32 v4, v5  }
0x73: {  	v2 =	vadd.f32 v2, v3;
	v3 =	vld [tilespmem:s14+$0x2D20]  }
0x74: {  	v7 =	vmul.f32 v4, v1  }
0x75: {  	v1 =	vmax.f32 v2, $1.000000000e+00  }
0x76: {  	s16 =	simm.s32 $0x30;
	v2 =	vshrl.u32 v1, $0x1;
	v1 =	vmul.f32 $5.000000000e-01, v1;
	v7 =	vsub.f32 $1.500000000e+00, v7  }
0x77: {  	s17 =	simm.s32 $0x40;
	v8 =	vld [tilespmem:s16+$0x2700];
	v2 =	vsub.s32 $0x5F3759DF, v2  }
0x78: {  	v11 =	vld [tilespmem:s17+$0x2700];
	v3 =	vadd.f32 v3, v6;
	v6 =	vmul.f32 v2, v1;
	v4 =	vmul.f32 v4, v7  }
0x79: {  	v7 =	vld [tilespmem:s16+$0x2D20]  }
0x7a: {  	v13 =	vld [tilespmem:s17+$0x2D20];
	v3 =	vmax.f32 v3, $1.000000000e+00;
	v6 =	vmul.f32 v2, v6;
	v9 =	vmul.f32 v4, v5  }
0x7b: {  	v10 =	vshrl.u32 v3, $0x1;
	v3 =	vmul.f32 $5.000000000e-01, v3  }
0x7c: {  	v6 =	vsub.f32 $1.500000000e+00, v6;
	v10 =	vsub.s32 $0x5F3759DF, v10;
	v9 =	vmul.f32 v9, v4  }
0x7d: {  	v12 =	vmul.f32 v10, v3  }
0x7e: {  	v7 =	vadd.f32 v7, v8;
	v8 =	vmul.f32 v2, v6;
	v2 =	vsub.f32 $1.500000000e+00, v9  }
0x7f: {  	v11 =	vadd.f32 v13, v11;
	v6 =	vmul.f32 v10, v12  }
0x80: {  	v7 =	vmax.f32 v7, $1.000000000e+00;
	v9 =	vmul.f32 v8, v1;
	v2 =	vmul.f32 v2, v4  }
0x81: {  	v12 =	vshrl.u32 v7, $0x1;
	v4 =	vmul.f32 $5.000000000e-01, v7;
	v7 =	vsub.f32 $1.500000000e+00, v6  }
0x82: {  	s18 =	simm.s32 $0x50;
	v9 =	vmul.f32 v9, v8;
	v6 =	vsub.s32 $0x5F3759DF, v12;
	v12 =	vmul.f32 v2, v5  }
0x83: {  	v13 =	vmul.f32 v6, v4;
	v5 =	vmul.f32 v10, v7;
	v10 =	vld [tilespmem:s18+$0x2700]  }
0x84: {  	v7 =	vsub.f32 $1.500000000e+00, v9;
	v9 =	vmul.f32 v12, v2;
	v12 =	vmax.f32 v11, $1.000000000e+00;
	v11 =	vld [tilespmem:s18+$0x2D20]  }
0x85: {  	v13 =	vmul.f32 v6, v13;
	v15 =	vmul.f32 v5, v3  }
0x86: {  	v14 =	vshrl.u32 v12, $0x1;
	v7 =	vmul.f32 v7, v8;
	v9 =	vsub.f32 $1.500000000e+00, v9  }
0x87: {  	s19 =	simm.s32 $0x180;
	v8 =	vmul.f32 $5.000000000e-01, v12;
	v13 =	vsub.f32 $1.500000000e+00, v13;
	v12 =	vmul.f32 v15, v5  }
.LBB2_4:
0x88: {  	s20 =	sshra.s32 s19, $0x2;
	v14 =	vsub.s32 $0x5F3759DF, v14;
	v15 =	vmul.f32 v7, v1;
	v9 =	vmul.f32 v9, v2;
	v2 =	vmovc v7;
	v1 =	vmovc v3;
	p1 =	sne.s32 s19, $0x1840  }
.Ltmp3:
0x89: {  	v7 =	vadd.f32 v11, v10;
	v10 =	vld [tilespmem:s20+$0x2700];
	v16 =	vmul.f32 v14, v8;
	v13 =	vmul.f32 v6, v13;
	v6 =	vmovc v14;
	(pc) =	sbr.rel @p1 .LBB2_4-.Ltmp3, $4  }
0x8a: {  	v3 =	vmovc v4;
	v12 =	vsub.f32 $1.500000000e+00, v12;
	v4 =	vmov v8;
	v11 =	vld [tilespmem:s20+$0x2D20];
	v15 =	vmul.f32 v15, v2;
	[tilespmem:s13+$0x3340] =	vst v9;
	s13 =	smov.u32 s12;
	s12 =	smov.u32 s14;
	s14 =	smov.u32 s16  }
0x8b: {  	s19 =	sadd.s32 $0x40, s19;
	s16 =	smov.u32 s17;
	v8 =	vmax.f32 v7, $1.000000000e+00;
	v16 =	vmul.f32 v6, v16;
	v17 =	vmul.f32 v13, v3  }
0x8c: {  	s17 =	smov.u32 s18;
	s18 =	smov.u32 s20;
	v7 =	vmul.f32 v12, v5;
	v5 =	vmovc v13;
	v14 =	vshrl.u32 v8, $0x1;
	v9 =	vsub.f32 $1.500000000e+00, v15  }
0x8d: {  	v8 =	vmul.f32 $5.000000000e-01, v8;
	v13 =	vsub.f32 $1.500000000e+00, v16;
	v12 =	vmul.f32 v17, v5  }
0x8e: {  	_ = 	snop  }
0x8f: {  	v10 =	vadd.f32 v11, v10;
	_ =	sdelay $0x1  }
0x90: {  	v10 =	vmax.f32 v10, $1.000000000e+00  }
0x91: {  	v11 =	vsub.s32 $0x5F3759DF, v14;
	v14 =	vshrl.u32 v10, $0x1;
	v10 =	vmul.f32 $5.000000000e-01, v10  }
0x92: {  	v15 =	vmul.f32 v11, v8;
	v14 =	vsub.s32 $0x5F3759DF, v14  }
0x93: {  	v16 =	vmul.f32 v14, v10  }
0x94: {  	v15 =	vmul.f32 v11, v15  }
0x95: {  	v16 =	vmul.f32 v14, v16  }
0x96: {  	v15 =	vsub.f32 $1.500000000e+00, v15  }
0x97: {  	v6 =	vmul.f32 v6, v13;
	v13 =	vsub.f32 $1.500000000e+00, v16  }
0x98: {  	v11 =	vmul.f32 v11, v15  }
0x99: {  	v15 =	vmul.f32 v6, v4;
	v13 =	vmul.f32 v14, v13  }
0x9a: {  	v14 =	vmul.f32 v11, v8  }
0x9b: {  	v15 =	vmul.f32 v15, v6;
	v63 =	vmul.f32 v13, v10  }
0x9c: {  	v12 =	vsub.f32 $1.500000000e+00, v12;
	v14 =	vmul.f32 v14, v11  }
0x9d: {  	v1 =	vmul.f32 v7, v1;
	v15 =	vsub.f32 $1.500000000e+00, v15;
	v16 =	vmul.f32 v63, v13  }
0x9e: {  	v5 =	vmul.f32 v12, v5;
	v12 =	vsub.f32 $1.500000000e+00, v14  }
0x9f: {  	v1 =	vmul.f32 v1, v7;
	v6 =	vmul.f32 v15, v6;
	v14 =	vsub.f32 $1.500000000e+00, v16  }
0xa0: {  	v3 =	vmul.f32 v5, v3;
	v11 =	vmul.f32 v12, v11  }
0xa1: {  	v4 =	vmul.f32 v6, v4;
	v12 =	vmul.f32 v14, v13  }
0xa2: {  	v3 =	vmul.f32 v3, v5;
	v8 =	vmul.f32 v11, v8  }
0xa3: {  	v1 =	vsub.f32 $1.500000000e+00, v1;
	v4 =	vmul.f32 v4, v6;
	v10 =	vmul.f32 v12, v10  }
0xa4: {  	v2 =	vmul.f32 v9, v2;
	v3 =	vsub.f32 $1.500000000e+00, v3;
	v8 =	vmul.f32 v8, v11  }
0xa5: {  	v1 =	vmul.f32 v1, v7;
	v4 =	vsub.f32 $1.500000000e+00, v4;
	v7 =	vmul.f32 v10, v12  }
0xa6: {  	[tilespmem:s13+$0x3340] =	vst v2;
	v2 =	vmul.f32 v3, v5;
	v3 =	vsub.f32 $1.500000000e+00, v8  }
0xa7: {  	[tilespmem:s12+$0x3340] =	vst v1;
	v1 =	vmul.f32 v4, v6;
	v4 =	vsub.f32 $1.500000000e+00, v7  }
0xa8: {  	[tilespmem:s14+$0x3340] =	vst v2;
	v2 =	vmul.f32 v3, v11  }
0xa9: {  	[tilespmem:s16+$0x3340] =	vst v1;
	v1 =	vmul.f32 v4, v12  }
0xaa: {  	[tilespmem:s17+$0x3340] =	vst v2  }
0xab: {  	[tilespmem:s18+$0x3340] =	vst v1;
	s18 =	simm.s32 $0x0  }
0xac: {  	[hbm4b:s25+s18] =	stream.linear.scatter [tilespmem:s30], [sflag:$0x3], $0x620, $0x38;
	[tilespmem:$0x1D9E0] =	vst v63  }
0xad: {  	_ =	swait.ge [sflag:s31], $0x620  }
0xae: {  	[sflag:s31] =	ssyncset.done $0x0  }
0xaf: {  	s19 =	rddreg [dreg:$0x8];
	[sflag:s31] =	ssyncadd.s32 $0xFFFFF9E0  }
0xb0: {  	[tilespmem:s0], [sflag:$0x3] =	stream.linear.gather [hbm4b:s19+s18], $0x620, $0x38;
	[tilespmem:$0x1D9E0] =	vst v63  }
0xb1: {  	_ =	swait.ge [sflag:s31], $0x620  }
0xb2: {  	[sflag:s31] =	ssyncset.done $0x0  }
0xb3: {  	s20 =	rddreg [dreg:$0x9];
	[sflag:s31] =	ssyncadd.s32 $0xFFFFF9E0  }
0xb4: {  	[tilespmem:s4], [sflag:$0x3] =	stream.linear.gather [hbm4b:s20+s18], $0x620, $0x38;
	[tilespmem:$0x1D9E0] =	vst v63  }
0xb5: {  	_ =	swait.ge [sflag:s31], $0x620  }
0xb6: {  	[sflag:s31] =	ssyncset.done $0x0  }
0xb7: {  	s13 =	simm.s32 $0x0;
	[sflag:s31] =	ssyncadd.s32 $0xFFFFF9E0  }
0xb8: {  	v1 =	vld [tilespmem:s13+$0x2700]  }
0xb9: {  	v2 =	vld [tilespmem:s13+$0x2D20];
	_ =	sdelay $0x3  }
0xba: {  	s12 =	simm.s32 $0x10  }
0xbb: {  	v3 =	vld [tilespmem:s12+$0x2700];
	v1 =	vadd.f32 v2, v1  }
0xbc: {  	v2 =	vld [tilespmem:s12+$0x2D20]  }
0xbd: {  	v1 =	vmax.f32 v1, $1.000000000e+00  }
0xbe: {  	v4 =	vshrl.u32 v1, $0x1;
	v5 =	vmul.f32 $5.000000000e-01, v1  }
0xbf: {  	s14 =	simm.s32 $0x20;
	v4 =	vsub.s32 $0x5F3759DF, v4  }
0xc0: {  	v6 =	vld [tilespmem:s14+$0x2700];
	v1 =	vmul.f32 v4, v5  }
0xc1: {  	v2 =	vadd.f32 v2, v3;
	v3 =	vld [tilespmem:s14+$0x2D20]  }
0xc2: {  	v7 =	vmul.f32 v4, v1  }
0xc3: {  	v1 =	vmax.f32 v2, $1.000000000e+00  }
0xc4: {  	s16 =	simm.s32 $0x30;
	v2 =	vshrl.u32 v1, $0x1;
	v1 =	vmul.f32 $5.000000000e-01, v1;
	v7 =	vsub.f32 $1.500000000e+00, v7  }
0xc5: {  	s17 =	simm.s32 $0x40;
	v8 =	vld [tilespmem:s16+$0x2700];
	v2 =	vsub.s32 $0x5F3759DF, v2  }
0xc6: {  	v11 =	vld [tilespmem:s17+$0x2700];
	v3 =	vadd.f32 v3, v6;
	v6 =	vmul.f32 v2, v1;
	v4 =	vmul.f32 v4, v7  }
0xc7: {  	v7 =	vld [tilespmem:s16+$0x2D20]  }
0xc8: {  	v13 =	vld [tilespmem:s17+$0x2D20];
	v3 =	vmax.f32 v3, $1.000000000e+00;
	v6 =	vmul.f32 v2, v6;
	v9 =	vmul.f32 v4, v5  }
0xc9: {  	v10 =	vshrl.u32 v3, $0x1;
	v3 =	vmul.f32 $5.000000000e-01, v3  }
0xca: {  	v6 =	vsub.f32 $1.500000000e+00, v6;
	v10 =	vsub.s32 $0x5F3759DF, v10;
	v9 =	vmul.f32 v9, v4  }
0xcb: {  	v12 =	vmul.f32 v10, v3  }
0xcc: {  	v7 =	vadd.f32 v7, v8;
	v8 =	vmul.f32 v2, v6;
	v2 =	vsub.f32 $1.500000000e+00, v9  }
0xcd: {  	v11 =	vadd.f32 v13, v11;
	v6 =	vmul.f32 v10, v12  }
0xce: {  	v7 =	vmax.f32 v7, $1.000000000e+00;
	v9 =	vmul.f32 v8, v1;
	v2 =	vmul.f32 v2, v4  }
0xcf: {  	v12 =	vshrl.u32 v7, $0x1;
	v4 =	vmul.f32 $5.000000000e-01, v7;
	v7 =	vsub.f32 $1.500000000e+00, v6  }
0xd0: {  	s18 =	simm.s32 $0x50;
	v9 =	vmul.f32 v9, v8;
	v6 =	vsub.s32 $0x5F3759DF, v12;
	v12 =	vmul.f32 v2, v5  }
0xd1: {  	v13 =	vmul.f32 v6, v4;
	v5 =	vmul.f32 v10, v7;
	v10 =	vld [tilespmem:s18+$0x2700]  }
0xd2: {  	v7 =	vsub.f32 $1.500000000e+00, v9;
	v9 =	vmul.f32 v12, v2;
	v12 =	vmax.f32 v11, $1.000000000e+00;
	v11 =	vld [tilespmem:s18+$0x2D20]  }
0xd3: {  	v13 =	vmul.f32 v6, v13;
	v15 =	vmul.f32 v5, v3  }
0xd4: {  	v14 =	vshrl.u32 v12, $0x1;
	v7 =	vmul.f32 v7, v8;
	v9 =	vsub.f32 $1.500000000e+00, v9  }
0xd5: {  	s19 =	simm.s32 $0x180;
	v8 =	vmul.f32 $5.000000000e-01, v12;
	v13 =	vsub.f32 $1.500000000e+00, v13;
	v12 =	vmul.f32 v15, v5  }
.LBB2_6:
0xd6: {  	s20 =	sshra.s32 s19, $0x2;
	v14 =	vsub.s32 $0x5F3759DF, v14;
	v15 =	vmul.f32 v7, v1;
	v9 =	vmul.f32 v9, v2;
	v2 =	vmovc v7;
	v1 =	vmovc v3;
	p1 =	sne.s32 s19, $0x1840  }
.Ltmp4:
0xd7: {  	v7 =	vadd.f32 v11, v10;
	v10 =	vld [tilespmem:s20+$0x2700];
	v16 =	vmul.f32 v14, v8;
	v13 =	vmul.f32 v6, v13;
	v6 =	vmovc v14;
	(pc) =	sbr.rel @p1 .LBB2_6-.Ltmp4, $4  }
0xd8: {  	v3 =	vmovc v4;
	v12 =	vsub.f32 $1.500000000e+00, v12;
	v4 =	vmov v8;
	v11 =	vld [tilespmem:s20+$0x2D20];
	v15 =	vmul.f32 v15, v2;
	[tilespmem:s13+$0x3340] =	vst v9;
	s13 =	smov.u32 s12;
	s12 =	smov.u32 s14;
	s14 =	smov.u32 s16  }
0xd9: {  	s19 =	sadd.s32 $0x40, s19;
	s16 =	smov.u32 s17;
	v8 =	vmax.f32 v7, $1.000000000e+00;
	v16 =	vmul.f32 v6, v16;
	v17 =	vmul.f32 v13, v3  }
0xda: {  	s17 =	smov.u32 s18;
	s18 =	smov.u32 s20;
	v7 =	vmul.f32 v12, v5;
	v5 =	vmovc v13;
	v14 =	vshrl.u32 v8, $0x1;
	v9 =	vsub.f32 $1.500000000e+00, v15  }
0xdb: {  	v8 =	vmul.f32 $5.000000000e-01, v8;
	v13 =	vsub.f32 $1.500000000e+00, v16;
	v12 =	vmul.f32 v17, v5  }
0xdc: {  	_ = 	snop  }
0xdd: {  	v10 =	vadd.f32 v11, v10;
	_ =	sdelay $0x1  }
0xde: {  	v10 =	vmax.f32 v10, $1.000000000e+00  }
0xdf: {  	v11 =	vsub.s32 $0x5F3759DF, v14;
	v14 =	vshrl.u32 v10, $0x1;
	v10 =	vmul.f32 $5.000000000e-01, v10  }
0xe0: {  	v15 =	vmul.f32 v11, v8;
	v14 =	vsub.s32 $0x5F3759DF, v14  }
0xe1: {  	v16 =	vmul.f32 v14, v10  }
0xe2: {  	v15 =	vmul.f32 v11, v15  }
0xe3: {  	v16 =	vmul.f32 v14, v16  }
0xe4: {  	v15 =	vsub.f32 $1.500000000e+00, v15  }
0xe5: {  	v6 =	vmul.f32 v6, v13;
	v13 =	vsub.f32 $1.500000000e+00, v16  }
0xe6: {  	v11 =	vmul.f32 v11, v15  }
0xe7: {  	v15 =	vmul.f32 v6, v4;
	v13 =	vmul.f32 v14, v13  }
0xe8: {  	v14 =	vmul.f32 v11, v8  }
0xe9: {  	v15 =	vmul.f32 v15, v6;
	v63 =	vmul.f32 v13, v10  }
0xea: {  	v12 =	vsub.f32 $1.500000000e+00, v12;
	v14 =	vmul.f32 v14, v11  }
0xeb: {  	v1 =	vmul.f32 v7, v1;
	v15 =	vsub.f32 $1.500000000e+00, v15;
	v16 =	vmul.f32 v63, v13  }
0xec: {  	v5 =	vmul.f32 v12, v5;
	v12 =	vsub.f32 $1.500000000e+00, v14  }
0xed: {  	v1 =	vmul.f32 v1, v7;
	v6 =	vmul.f32 v15, v6;
	v14 =	vsub.f32 $1.500000000e+00, v16  }
0xee: {  	v3 =	vmul.f32 v5, v3;
	v11 =	vmul.f32 v12, v11  }
0xef: {  	v4 =	vmul.f32 v6, v4;
	v12 =	vmul.f32 v14, v13  }
0xf0: {  	v3 =	vmul.f32 v3, v5;
	v8 =	vmul.f32 v11, v8  }
0xf1: {  	v1 =	vsub.f32 $1.500000000e+00, v1;
	v4 =	vmul.f32 v4, v6;
	v10 =	vmul.f32 v12, v10  }
0xf2: {  	v2 =	vmul.f32 v9, v2;
	v3 =	vsub.f32 $1.500000000e+00, v3;
	v8 =	vmul.f32 v8, v11  }
0xf3: {  	v1 =	vmul.f32 v1, v7;
	v4 =	vsub.f32 $1.500000000e+00, v4;
	v7 =	vmul.f32 v10, v12  }
0xf4: {  	[tilespmem:s13+$0x3340] =	vst v2;
	v2 =	vmul.f32 v3, v5;
	v3 =	vsub.f32 $1.500000000e+00, v8  }
0xf5: {  	[tilespmem:s12+$0x3340] =	vst v1;
	v1 =	vmul.f32 v4, v6;
	v4 =	vsub.f32 $1.500000000e+00, v7  }
0xf6: {  	[tilespmem:s14+$0x3340] =	vst v2;
	v2 =	vmul.f32 v3, v11  }
0xf7: {  	[tilespmem:s16+$0x3340] =	vst v1;
	v1 =	vmul.f32 v4, v12  }
0xf8: {  	[tilespmem:s17+$0x3340] =	vst v2  }
0xf9: {  	[tilespmem:s18+$0x3340] =	vst v1;
	s18 =	simm.s32 $0x0  }
0xfa: {  	[hbm4b:s26+s18] =	stream.linear.scatter [tilespmem:s30], [sflag:$0x3], $0x620, $0x38;
	[tilespmem:$0x1D9E0] =	vst v63  }
0xfb: {  	_ =	swait.ge [sflag:s31], $0x620  }
0xfc: {  	[sflag:s31] =	ssyncset.done $0x0  }
0xfd: {  	s19 =	rddreg [dreg:$0xa];
	[sflag:s31] =	ssyncadd.s32 $0xFFFFF9E0  }
0xfe: {  	[tilespmem:s0], [sflag:$0x3] =	stream.linear.gather [hbm4b:s19+s18], $0x620, $0x38;
	[tilespmem:$0x1D9E0] =	vst v63  }
0xff: {  	_ =	swait.ge [sflag:s31], $0x620  }
0x100: {  	[sflag:s31] =	ssyncset.done $0x0  }
0x101: {  	s20 =	rddreg [dreg:$0xc];
	[sflag:s31] =	ssyncadd.s32 $0xFFFFF9E0  }
0x102: {  	[tilespmem:s4], [sflag:$0x3] =	stream.linear.gather [hbm4b:s20+s18], $0x620, $0x38;
	[tilespmem:$0x1D9E0] =	vst v63  }
0x103: {  	_ =	swait.ge [sflag:s31], $0x620  }
0x104: {  	[sflag:s31] =	ssyncset.done $0x0  }
0x105: {  	s13 =	simm.s32 $0x0;
	[sflag:s31] =	ssyncadd.s32 $0xFFFFF9E0  }
0x106: {  	v1 =	vld [tilespmem:s13+$0x2700]  }
0x107: {  	v2 =	vld [tilespmem:s13+$0x2D20];
	_ =	sdelay $0x3  }
0x108: {  	s12 =	simm.s32 $0x10  }
0x109: {  	v3 =	vld [tilespmem:s12+$0x2700];
	v1 =	vadd.f32 v2, v1  }
0x10a: {  	v2 =	vld [tilespmem:s12+$0x2D20]  }
0x10b: {  	v1 =	vmax.f32 v1, $1.000000000e+00  }
0x10c: {  	v4 =	vshrl.u32 v1, $0x1;
	v5 =	vmul.f32 $5.000000000e-01, v1  }
0x10d: {  	s14 =	simm.s32 $0x20;
	v4 =	vsub.s32 $0x5F3759DF, v4  }
0x10e: {  	v6 =	vld [tilespmem:s14+$0x2700];
	v1 =	vmul.f32 v4, v5  }
0x10f: {  	v2 =	vadd.f32 v2, v3;
	v3 =	vld [tilespmem:s14+$0x2D20]  }
0x110: {  	v7 =	vmul.f32 v4, v1  }
0x111: {  	v1 =	vmax.f32 v2, $1.000000000e+00  }
0x112: {  	s16 =	simm.s32 $0x30;
	v2 =	vshrl.u32 v1, $0x1;
	v1 =	vmul.f32 $5.000000000e-01, v1;
	v7 =	vsub.f32 $1.500000000e+00, v7  }
0x113: {  	s17 =	simm.s32 $0x40;
	v8 =	vld [tilespmem:s16+$0x2700];
	v2 =	vsub.s32 $0x5F3759DF, v2  }
0x114: {  	v11 =	vld [tilespmem:s17+$0x2700];
	v3 =	vadd.f32 v3, v6;
	v6 =	vmul.f32 v2, v1;
	v4 =	vmul.f32 v4, v7  }
0x115: {  	v7 =	vld [tilespmem:s16+$0x2D20]  }
0x116: {  	v13 =	vld [tilespmem:s17+$0x2D20];
	v3 =	vmax.f32 v3, $1.000000000e+00;
	v6 =	vmul.f32 v2, v6;
	v9 =	vmul.f32 v4, v5  }
0x117: {  	v10 =	vshrl.u32 v3, $0x1;
	v3 =	vmul.f32 $5.000000000e-01, v3  }
0x118: {  	v6 =	vsub.f32 $1.500000000e+00, v6;
	v10 =	vsub.s32 $0x5F3759DF, v10;
	v9 =	vmul.f32 v9, v4  }
0x119: {  	v12 =	vmul.f32 v10, v3  }
0x11a: {  	v7 =	vadd.f32 v7, v8;
	v8 =	vmul.f32 v2, v6;
	v2 =	vsub.f32 $1.500000000e+00, v9  }
0x11b: {  	v11 =	vadd.f32 v13, v11;
	v6 =	vmul.f32 v10, v12  }
0x11c: {  	v7 =	vmax.f32 v7, $1.000000000e+00;
	v9 =	vmul.f32 v8, v1;
	v2 =	vmul.f32 v2, v4  }
0x11d: {  	v12 =	vshrl.u32 v7, $0x1;
	v4 =	vmul.f32 $5.000000000e-01, v7;
	v7 =	vsub.f32 $1.500000000e+00, v6  }
0x11e: {  	s18 =	simm.s32 $0x50;
	v9 =	vmul.f32 v9, v8;
	v6 =	vsub.s32 $0x5F3759DF, v12;
	v12 =	vmul.f32 v2, v5  }
0x11f: {  	v13 =	vmul.f32 v6, v4;
	v5 =	vmul.f32 v10, v7;
	v10 =	vld [tilespmem:s18+$0x2700]  }
0x120: {  	v7 =	vsub.f32 $1.500000000e+00, v9;
	v9 =	vmul.f32 v12, v2;
	v12 =	vmax.f32 v11, $1.000000000e+00;
	v11 =	vld [tilespmem:s18+$0x2D20]  }
0x121: {  	v13 =	vmul.f32 v6, v13;
	v15 =	vmul.f32 v5, v3  }
0x122: {  	v14 =	vshrl.u32 v12, $0x1;
	v7 =	vmul.f32 v7, v8;
	v9 =	vsub.f32 $1.500000000e+00, v9  }
0x123: {  	s19 =	simm.s32 $0x180;
	v8 =	vmul.f32 $5.000000000e-01, v12;
	v13 =	vsub.f32 $1.500000000e+00, v13;
	v12 =	vmul.f32 v15, v5  }
.LBB2_8:
0x124: {  	s20 =	sshra.s32 s19, $0x2;
	v14 =	vsub.s32 $0x5F3759DF, v14;
	v15 =	vmul.f32 v7, v1;
	v9 =	vmul.f32 v9, v2;
	v2 =	vmovc v7;
	v1 =	vmovc v3;
	p1 =	sne.s32 s19, $0x1840  }
.Ltmp5:
0x125: {  	v7 =	vadd.f32 v11, v10;
	v10 =	vld [tilespmem:s20+$0x2700];
	v16 =	vmul.f32 v14, v8;
	v13 =	vmul.f32 v6, v13;
	v6 =	vmovc v14;
	(pc) =	sbr.rel @p1 .LBB2_8-.Ltmp5, $4  }
0x126: {  	v3 =	vmovc v4;
	v12 =	vsub.f32 $1.500000000e+00, v12;
	v4 =	vmov v8;
	v11 =	vld [tilespmem:s20+$0x2D20];
	v15 =	vmul.f32 v15, v2;
	[tilespmem:s13+$0x3340] =	vst v9;
	s13 =	smov.u32 s12;
	s12 =	smov.u32 s14;
	s14 =	smov.u32 s16  }
0x127: {  	s19 =	sadd.s32 $0x40, s19;
	s16 =	smov.u32 s17;
	v8 =	vmax.f32 v7, $1.000000000e+00;
	v16 =	vmul.f32 v6, v16;
	v17 =	vmul.f32 v13, v3  }
0x128: {  	s17 =	smov.u32 s18;
	s18 =	smov.u32 s20;
	v7 =	vmul.f32 v12, v5;
	v5 =	vmovc v13;
	v14 =	vshrl.u32 v8, $0x1;
	v9 =	vsub.f32 $1.500000000e+00, v15  }
0x129: {  	v8 =	vmul.f32 $5.000000000e-01, v8;
	v13 =	vsub.f32 $1.500000000e+00, v16;
	v12 =	vmul.f32 v17, v5  }
0x12a: {  	_ = 	snop  }
0x12b: {  	v10 =	vadd.f32 v11, v10;
	_ =	sdelay $0x1  }
0x12c: {  	v10 =	vmax.f32 v10, $1.000000000e+00  }
0x12d: {  	v11 =	vsub.s32 $0x5F3759DF, v14;
	v14 =	vshrl.u32 v10, $0x1;
	v10 =	vmul.f32 $5.000000000e-01, v10  }
0x12e: {  	v15 =	vmul.f32 v11, v8;
	v14 =	vsub.s32 $0x5F3759DF, v14  }
0x12f: {  	v16 =	vmul.f32 v14, v10  }
0x130: {  	v15 =	vmul.f32 v11, v15  }
0x131: {  	v16 =	vmul.f32 v14, v16  }
0x132: {  	v15 =	vsub.f32 $1.500000000e+00, v15  }
0x133: {  	v6 =	vmul.f32 v6, v13;
	v13 =	vsub.f32 $1.500000000e+00, v16  }
0x134: {  	v11 =	vmul.f32 v11, v15  }
0x135: {  	v15 =	vmul.f32 v6, v4;
	v13 =	vmul.f32 v14, v13  }
0x136: {  	v14 =	vmul.f32 v11, v8  }
0x137: {  	v15 =	vmul.f32 v15, v6;
	v63 =	vmul.f32 v13, v10  }
0x138: {  	v12 =	vsub.f32 $1.500000000e+00, v12;
	v14 =	vmul.f32 v14, v11  }
0x139: {  	v1 =	vmul.f32 v7, v1;
	v15 =	vsub.f32 $1.500000000e+00, v15;
	v16 =	vmul.f32 v63, v13  }
0x13a: {  	v5 =	vmul.f32 v12, v5;
	v12 =	vsub.f32 $1.500000000e+00, v14  }
0x13b: {  	v1 =	vmul.f32 v1, v7;
	v6 =	vmul.f32 v15, v6;
	v14 =	vsub.f32 $1.500000000e+00, v16  }
0x13c: {  	v3 =	vmul.f32 v5, v3;
	v11 =	vmul.f32 v12, v11  }
0x13d: {  	v4 =	vmul.f32 v6, v4;
	v12 =	vmul.f32 v14, v13  }
0x13e: {  	v3 =	vmul.f32 v3, v5;
	v8 =	vmul.f32 v11, v8  }
0x13f: {  	v1 =	vsub.f32 $1.500000000e+00, v1;
	v4 =	vmul.f32 v4, v6;
	v10 =	vmul.f32 v12, v10  }
0x140: {  	v2 =	vmul.f32 v9, v2;
	v3 =	vsub.f32 $1.500000000e+00, v3;
	v8 =	vmul.f32 v8, v11  }
0x141: {  	v1 =	vmul.f32 v1, v7;
	v4 =	vsub.f32 $1.500000000e+00, v4;
	v7 =	vmul.f32 v10, v12  }
0x142: {  	[tilespmem:s13+$0x3340] =	vst v2;
	v2 =	vmul.f32 v3, v5;
	v3 =	vsub.f32 $1.500000000e+00, v8  }
0x143: {  	[tilespmem:s12+$0x3340] =	vst v1;
	v1 =	vmul.f32 v4, v6;
	v4 =	vsub.f32 $1.500000000e+00, v7  }
0x144: {  	[tilespmem:s14+$0x3340] =	vst v2;
	v2 =	vmul.f32 v3, v11  }
0x145: {  	[tilespmem:s16+$0x3340] =	vst v1;
	v1 =	vmul.f32 v4, v12  }
0x146: {  	[tilespmem:s17+$0x3340] =	vst v2  }
0x147: {  	[tilespmem:s18+$0x3340] =	vst v1;
	s18 =	simm.s32 $0x0  }
0x148: {  	[hbm4b:s28+s18] =	stream.linear.scatter [tilespmem:s30], [sflag:$0x3], $0x620, $0x38;
	[tilespmem:$0x1D9E0] =	vst v63  }
0x149: {  	_ =	swait.ge [sflag:s31], $0x620  }
0x14a: {  	[sflag:s31] =	ssyncset.done $0x0  }
0x14b: {  	s19 =	rddreg [dreg:$0xb];
	[sflag:s31] =	ssyncadd.s32 $0xFFFFF9E0  }
0x14c: {  	[tilespmem:s0], [sflag:$0x3] =	stream.linear.gather [hbm4b:s19+s18], $0x620, $0x38;
	[tilespmem:$0x1D9E0] =	vst v63  }
0x14d: {  	_ =	swait.ge [sflag:s31], $0x620  }
0x14e: {  	[sflag:s31] =	ssyncset.done $0x0  }
0x14f: {  	s20 =	rddreg [dreg:$0xd];
	[sflag:s31] =	ssyncadd.s32 $0xFFFFF9E0  }
0x150: {  	[tilespmem:s4], [sflag:$0x3] =	stream.linear.gather [hbm4b:s20+s18], $0x620, $0x38;
	[tilespmem:$0x1D9E0] =	vst v63  }
0x151: {  	_ =	swait.ge [sflag:s31], $0x620  }
0x152: {  	[sflag:s31] =	ssyncset.done $0x0  }
0x153: {  	s13 =	simm.s32 $0x0;
	[sflag:s31] =	ssyncadd.s32 $0xFFFFF9E0  }
0x154: {  	v1 =	vld [tilespmem:s13+$0x2700]  }
0x155: {  	v2 =	vld [tilespmem:s13+$0x2D20];
	_ =	sdelay $0x3  }
0x156: {  	s12 =	simm.s32 $0x10  }
0x157: {  	v3 =	vld [tilespmem:s12+$0x2700];
	v1 =	vadd.f32 v2, v1  }
0x158: {  	v2 =	vld [tilespmem:s12+$0x2D20]  }
0x159: {  	v1 =	vmax.f32 v1, $1.000000000e+00  }
0x15a: {  	v4 =	vshrl.u32 v1, $0x1;
	v5 =	vmul.f32 $5.000000000e-01, v1  }
0x15b: {  	s14 =	simm.s32 $0x20;
	v4 =	vsub.s32 $0x5F3759DF, v4  }
0x15c: {  	v6 =	vld [tilespmem:s14+$0x2700];
	v1 =	vmul.f32 v4, v5  }
0x15d: {  	v2 =	vadd.f32 v2, v3;
	v3 =	vld [tilespmem:s14+$0x2D20]  }
0x15e: {  	v7 =	vmul.f32 v4, v1  }
0x15f: {  	v1 =	vmax.f32 v2, $1.000000000e+00  }
0x160: {  	s16 =	simm.s32 $0x30;
	v2 =	vshrl.u32 v1, $0x1;
	v1 =	vmul.f32 $5.000000000e-01, v1;
	v7 =	vsub.f32 $1.500000000e+00, v7  }
0x161: {  	s17 =	simm.s32 $0x40;
	v8 =	vld [tilespmem:s16+$0x2700];
	v2 =	vsub.s32 $0x5F3759DF, v2  }
0x162: {  	v11 =	vld [tilespmem:s17+$0x2700];
	v3 =	vadd.f32 v3, v6;
	v6 =	vmul.f32 v2, v1;
	v4 =	vmul.f32 v4, v7  }
0x163: {  	v7 =	vld [tilespmem:s16+$0x2D20]  }
0x164: {  	v13 =	vld [tilespmem:s17+$0x2D20];
	v3 =	vmax.f32 v3, $1.000000000e+00;
	v6 =	vmul.f32 v2, v6;
	v9 =	vmul.f32 v4, v5  }
0x165: {  	v10 =	vshrl.u32 v3, $0x1;
	v3 =	vmul.f32 $5.000000000e-01, v3  }
0x166: {  	v6 =	vsub.f32 $1.500000000e+00, v6;
	v10 =	vsub.s32 $0x5F3759DF, v10;
	v9 =	vmul.f32 v9, v4  }
0x167: {  	v12 =	vmul.f32 v10, v3  }
0x168: {  	v7 =	vadd.f32 v7, v8;
	v8 =	vmul.f32 v2, v6;
	v2 =	vsub.f32 $1.500000000e+00, v9  }
0x169: {  	v11 =	vadd.f32 v13, v11;
	v6 =	vmul.f32 v10, v12  }
0x16a: {  	v7 =	vmax.f32 v7, $1.000000000e+00;
	v9 =	vmul.f32 v8, v1;
	v2 =	vmul.f32 v2, v4  }
0x16b: {  	v12 =	vshrl.u32 v7, $0x1;
	v4 =	vmul.f32 $5.000000000e-01, v7;
	v7 =	vsub.f32 $1.500000000e+00, v6  }
0x16c: {  	s18 =	simm.s32 $0x50;
	v9 =	vmul.f32 v9, v8;
	v6 =	vsub.s32 $0x5F3759DF, v12;
	v12 =	vmul.f32 v2, v5  }
0x16d: {  	v13 =	vmul.f32 v6, v4;
	v5 =	vmul.f32 v10, v7;
	v10 =	vld [tilespmem:s18+$0x2700]  }
0x16e: {  	v7 =	vsub.f32 $1.500000000e+00, v9;
	v9 =	vmul.f32 v12, v2;
	v12 =	vmax.f32 v11, $1.000000000e+00;
	v11 =	vld [tilespmem:s18+$0x2D20]  }
0x16f: {  	v13 =	vmul.f32 v6, v13;
	v15 =	vmul.f32 v5, v3  }
0x170: {  	v14 =	vshrl.u32 v12, $0x1;
	v7 =	vmul.f32 v7, v8;
	v9 =	vsub.f32 $1.500000000e+00, v9  }
0x171: {  	s19 =	simm.s32 $0x180;
	v8 =	vmul.f32 $5.000000000e-01, v12;
	v13 =	vsub.f32 $1.500000000e+00, v13;
	v12 =	vmul.f32 v15, v5  }
.LBB2_10:
0x172: {  	s20 =	sshra.s32 s19, $0x2;
	v14 =	vsub.s32 $0x5F3759DF, v14;
	v15 =	vmul.f32 v7, v1;
	v9 =	vmul.f32 v9, v2;
	v2 =	vmovc v7;
	v1 =	vmovc v3;
	p1 =	sne.s32 s19, $0x1840  }
.Ltmp6:
0x173: {  	v7 =	vadd.f32 v11, v10;
	v10 =	vld [tilespmem:s20+$0x2700];
	v16 =	vmul.f32 v14, v8;
	v13 =	vmul.f32 v6, v13;
	v6 =	vmovc v14;
	(pc) =	sbr.rel @p1 .LBB2_10-.Ltmp6, $4  }
0x174: {  	v3 =	vmovc v4;
	v12 =	vsub.f32 $1.500000000e+00, v12;
	v4 =	vmov v8;
	v11 =	vld [tilespmem:s20+$0x2D20];
	v15 =	vmul.f32 v15, v2;
	[tilespmem:s13+$0x3340] =	vst v9;
	s13 =	smov.u32 s12;
	s12 =	smov.u32 s14;
	s14 =	smov.u32 s16  }
0x175: {  	s19 =	sadd.s32 $0x40, s19;
	s16 =	smov.u32 s17;
	v8 =	vmax.f32 v7, $1.000000000e+00;
	v16 =	vmul.f32 v6, v16;
	v17 =	vmul.f32 v13, v3  }
0x176: {  	s17 =	smov.u32 s18;
	s18 =	smov.u32 s20;
	v7 =	vmul.f32 v12, v5;
	v5 =	vmovc v13;
	v14 =	vshrl.u32 v8, $0x1;
	v9 =	vsub.f32 $1.500000000e+00, v15  }
0x177: {  	v8 =	vmul.f32 $5.000000000e-01, v8;
	v13 =	vsub.f32 $1.500000000e+00, v16;
	v12 =	vmul.f32 v17, v5  }
0x178: {  	_ = 	snop  }
0x179: {  	v10 =	vadd.f32 v11, v10;
	_ =	sdelay $0x1  }
0x17a: {  	v10 =	vmax.f32 v10, $1.000000000e+00  }
0x17b: {  	v51 =	vsub.s32 $0x5F3759DF, v14;
	v52 =	vshrl.u32 v10, $0x1;
	v10 =	vmul.f32 $5.000000000e-01, v10  }
0x17c: {  	v15 =	vmul.f32 v51, v8;
	v14 =	vsub.s32 $0x5F3759DF, v52  }
0x17d: {  	v16 =	vmul.f32 v14, v10  }
0x17e: {  	v15 =	vmul.f32 v51, v15  }
0x17f: {  	v16 =	vmul.f32 v14, v16  }
0x180: {  	v15 =	vsub.f32 $1.500000000e+00, v15  }
0x181: {  	v6 =	vmul.f32 v6, v13;
	v53 =	vsub.f32 $1.500000000e+00, v16  }
0x182: {  	v11 =	vmul.f32 v51, v15  }
0x183: {  	v54 =	vmul.f32 v6, v4;
	v13 =	vmul.f32 v14, v53  }
0x184: {  	v55 =	vmul.f32 v11, v8  }
0x185: {  	v15 =	vmul.f32 v54, v6;
	v56 =	vmul.f32 v13, v10  }
0x186: {  	v12 =	vsub.f32 $1.500000000e+00, v12;
	v14 =	vmul.f32 v55, v11  }
0x187: {  	v1 =	vmul.f32 v7, v1;
	v15 =	vsub.f32 $1.500000000e+00, v15;
	v16 =	vmul.f32 v56, v13  }
0x188: {  	v5 =	vmul.f32 v12, v5;
	v57 =	vsub.f32 $1.500000000e+00, v14  }
0x189: {  	v1 =	vmul.f32 v1, v7;
	v6 =	vmul.f32 v15, v6;
	v58 =	vsub.f32 $1.500000000e+00, v16  }
0x18a: {  	v3 =	vmul.f32 v5, v3;
	v11 =	vmul.f32 v57, v11  }
0x18b: {  	v59 =	vmul.f32 v6, v4;
	v60 =	vmul.f32 v58, v13  }
0x18c: {  	v3 =	vmul.f32 v3, v5;
	v61 =	vmul.f32 v11, v8  }
0x18d: {  	v1 =	vsub.f32 $1.500000000e+00, v1;
	v4 =	vmul.f32 v59, v6;
	v10 =	vmul.f32 v60, v10  }
0x18e: {  	v2 =	vmul.f32 v9, v2;
	v3 =	vsub.f32 $1.500000000e+00, v3;
	v8 =	vmul.f32 v61, v11  }
0x18f: {  	v1 =	vmul.f32 v1, v7;
	v4 =	vsub.f32 $1.500000000e+00, v4;
	v62 =	vmul.f32 v10, v60  }
0x190: {  	[tilespmem:s13+$0x3340] =	vst v2;
	v2 =	vmul.f32 v3, v5;
	v3 =	vsub.f32 $1.500000000e+00, v8  }
0x191: {  	[tilespmem:s12+$0x3340] =	vst v1;
	v1 =	vmul.f32 v4, v6;
	v63 =	vsub.f32 $1.500000000e+00, v62  }
0x192: {  	[tilespmem:s14+$0x3340] =	vst v2;
	v2 =	vmul.f32 v3, v11  }
0x193: {  	[tilespmem:s16+$0x3340] =	vst v1;
	v1 =	vmul.f32 v63, v60  }
0x194: {  	[tilespmem:s17+$0x3340] =	vst v2  }
0x195: {  	s13 =	simm.s32 $0x0;
	[tilespmem:s18+$0x3340] =	vst v1  }
0x196: {  	[hbm4b:s29+s13] =	stream.linear.scatter [tilespmem:s30], [sflag:$0x3], $0x620, $0x38;
	[tilespmem:$0x1D9E0] =	vst v63  }
0x197: {  	_ =	swait.ge [sflag:s31], $0x620  }
0x198: {  	[sflag:s31] =	ssyncset.done $0x0  }
0x199: {  	[sflag:s31] =	ssyncadd.s32 $0xFFFFF9E0  }
0x19a: {  	[bflag:$0x0] =	sbarrier.arrive $0xFFFF  }
0x19b: {  	[tilespmem:s7], [sflag:$0x3] =	stream.linear.gather [hbm4b:s5+s13], $0x18800, $0x38;
	[tilespmem:$0x1D9E0] =	vst v63  }
0x19c: {  	_ =	swait.ge [sflag:s31], $0x18800  }
.Ltmp7:
0x19d: {  	[sflag:s31] =	ssyncset.done $0x0;
	(pc) =	sbr.rel .LBB2_12-.Ltmp7, $4  }
0x19e: {  	s18 =	rddreg [dreg:$0xe];
	[sflag:s31] =	ssyncadd.s32 $0xFFFE7800  }
0x19f: {  	[tilespmem:s13], [sflag:$0x1] =	stream.linear.gather [hbm4b:s18+s13], $0x680, $0x38;
	[tilespmem:$0x1D9E0] =	vst v63  }
0x1a0: {  	s20 =	simm.s32 $0xD00;
	s19 =	rddreg [dreg:$0xf]  }
0x1a1: {  	[tilespmem:s20], [sflag:$0x1] =	stream.linear.gather [hbm4b:s19+s13], $0x680, $0x38;
	[tilespmem:$0x1D9E0] =	vst v63  }
.LBB2_14:
0x1a2: {  	s13 =	smul.u32 $0x680, s14;
	_ =	sdelay $0x1  }
0x1a3: {  	v1 =	vld [tilespmem:s13+$0xD00];
	_ =	sdelay $0x5  }
0x1a4: {  	v2 =	vld [tilespmem:s13+$0xD10];
	_ =	sdelay $0x1  }
0x1a5: {  	v1 =	vld.idx.msk [tilespmem:v1+s7+$0x0], $0xffff;
	_ =	sdelay $0x3  }
0x1a6: {  	v3 =	vld [tilespmem:s13+$0xD20]  }
0x1a7: {  	[tilespmem:s13+$0x1A00] =	vst v1  }
0x1a8: {  	v1 =	vld.idx.msk [tilespmem:v2+s7+$0x0], $0xffff;
	_ =	sdelay $0x3  }
0x1a9: {  	v2 =	vld [tilespmem:s13+$0xD30]  }
0x1aa: {  	[tilespmem:s13+$0x1A10] =	vst v1  }
0x1ab: {  	v1 =	vld.idx.msk [tilespmem:v3+s7+$0x0], $0xffff;
	_ =	sdelay $0x3  }
0x1ac: {  	v3 =	vld [tilespmem:s13+$0xD40]  }
0x1ad: {  	[tilespmem:s13+$0x1A20] =	vst v1  }
0x1ae: {  	v1 =	vld.idx.msk [tilespmem:v2+s7+$0x0], $0xffff;
	_ =	sdelay $0x3  }
0x1af: {  	v2 =	vld [tilespmem:s13+$0xD50]  }
0x1b0: {  	[tilespmem:s13+$0x1A30] =	vst v1  }
0x1b1: {  	v1 =	vld.idx.msk [tilespmem:v3+s7+$0x0], $0xffff;
	_ =	sdelay $0x3  }
0x1b2: {  	v3 =	vld [tilespmem:s13+$0xD60]  }
0x1b3: {  	[tilespmem:s13+$0x1A40] =	vst v1  }
0x1b4: {  	v1 =	vld.idx.msk [tilespmem:v2+s7+$0x0], $0xffff;
	_ =	sdelay $0x3  }
0x1b5: {  	v2 =	vld [tilespmem:s13+$0xD70]  }
0x1b6: {  	[tilespmem:s13+$0x1A50] =	vst v1  }
0x1b7: {  	v1 =	vld.idx.msk [tilespmem:v3+s7+$0x0], $0xffff;
	_ =	sdelay $0x3  }
0x1b8: {  	v3 =	vld [tilespmem:s13+$0xD80]  }
0x1b9: {  	[tilespmem:s13+$0x1A60] =	vst v1  }
0x1ba: {  	v1 =	vld.idx.msk [tilespmem:v2+s7+$0x0], $0xffff;
	_ =	sdelay $0x3  }
0x1bb: {  	v2 =	vld [tilespmem:s13+$0xD90]  }
0x1bc: {  	[tilespmem:s13+$0x1A70] =	vst v1  }
0x1bd: {  	v1 =	vld.idx.msk [tilespmem:v3+s7+$0x0], $0xffff;
	_ =	sdelay $0x3  }
0x1be: {  	v3 =	vld [tilespmem:s13+$0xDA0]  }
0x1bf: {  	[tilespmem:s13+$0x1A80] =	vst v1  }
0x1c0: {  	v1 =	vld.idx.msk [tilespmem:v2+s7+$0x0], $0xffff;
	_ =	sdelay $0x3  }
0x1c1: {  	v2 =	vld [tilespmem:s13+$0xDB0]  }
0x1c2: {  	[tilespmem:s13+$0x1A90] =	vst v1  }
0x1c3: {  	v1 =	vld.idx.msk [tilespmem:v3+s7+$0x0], $0xffff;
	_ =	sdelay $0x3  }
0x1c4: {  	v3 =	vld [tilespmem:s13+$0xDC0]  }
0x1c5: {  	[tilespmem:s13+$0x1AA0] =	vst v1  }
0x1c6: {  	v1 =	vld.idx.msk [tilespmem:v2+s7+$0x0], $0xffff;
	_ =	sdelay $0x3  }
0x1c7: {  	v2 =	vld [tilespmem:s13+$0xDD0]  }
0x1c8: {  	[tilespmem:s13+$0x1AB0] =	vst v1  }
0x1c9: {  	v1 =	vld.idx.msk [tilespmem:v3+s7+$0x0], $0xffff;
	_ =	sdelay $0x3  }
0x1ca: {  	v3 =	vld [tilespmem:s13+$0xDE0]  }
0x1cb: {  	[tilespmem:s13+$0x1AC0] =	vst v1  }
0x1cc: {  	v1 =	vld.idx.msk [tilespmem:v2+s7+$0x0], $0xffff;
	_ =	sdelay $0x3  }
0x1cd: {  	v2 =	vld [tilespmem:s13+$0xDF0]  }
0x1ce: {  	[tilespmem:s13+$0x1AD0] =	vst v1  }
0x1cf: {  	v1 =	vld.idx.msk [tilespmem:v3+s7+$0x0], $0xffff;
	_ =	sdelay $0x3  }
0x1d0: {  	v3 =	vld [tilespmem:s13+$0xE00]  }
0x1d1: {  	[tilespmem:s13+$0x1AE0] =	vst v1  }
0x1d2: {  	v1 =	vld.idx.msk [tilespmem:v2+s7+$0x0], $0xffff;
	_ =	sdelay $0x3  }
0x1d3: {  	v2 =	vld [tilespmem:s13+$0xE10]  }
0x1d4: {  	[tilespmem:s13+$0x1AF0] =	vst v1  }
0x1d5: {  	v1 =	vld.idx.msk [tilespmem:v3+s7+$0x0], $0xffff;
	_ =	sdelay $0x3  }
0x1d6: {  	v3 =	vld [tilespmem:s13+$0xE20]  }
0x1d7: {  	[tilespmem:s13+$0x1B00] =	vst v1  }
0x1d8: {  	v1 =	vld.idx.msk [tilespmem:v2+s7+$0x0], $0xffff;
	_ =	sdelay $0x3  }
0x1d9: {  	v2 =	vld [tilespmem:s13+$0xE30]  }
0x1da: {  	[tilespmem:s13+$0x1B10] =	vst v1  }
0x1db: {  	v1 =	vld.idx.msk [tilespmem:v3+s7+$0x0], $0xffff;
	_ =	sdelay $0x3  }
0x1dc: {  	v3 =	vld [tilespmem:s13+$0xE40]  }
0x1dd: {  	[tilespmem:s13+$0x1B20] =	vst v1  }
0x1de: {  	v1 =	vld.idx.msk [tilespmem:v2+s7+$0x0], $0xffff;
	_ =	sdelay $0x3  }
0x1df: {  	v2 =	vld [tilespmem:s13+$0xE50]  }
0x1e0: {  	[tilespmem:s13+$0x1B30] =	vst v1  }
0x1e1: {  	v1 =	vld.idx.msk [tilespmem:v3+s7+$0x0], $0xffff;
	_ =	sdelay $0x3  }
0x1e2: {  	v3 =	vld [tilespmem:s13+$0xE60]  }
0x1e3: {  	[tilespmem:s13+$0x1B40] =	vst v1  }
0x1e4: {  	v1 =	vld.idx.msk [tilespmem:v2+s7+$0x0], $0xffff;
	_ =	sdelay $0x3  }
0x1e5: {  	v2 =	vld [tilespmem:s13+$0xE70]  }
0x1e6: {  	[tilespmem:s13+$0x1B50] =	vst v1  }
0x1e7: {  	v1 =	vld.idx.msk [tilespmem:v3+s7+$0x0], $0xffff;
	_ =	sdelay $0x3  }
0x1e8: {  	v3 =	vld [tilespmem:s13+$0xE80]  }
0x1e9: {  	[tilespmem:s13+$0x1B60] =	vst v1  }
0x1ea: {  	v1 =	vld.idx.msk [tilespmem:v2+s7+$0x0], $0xffff;
	_ =	sdelay $0x3  }
0x1eb: {  	v2 =	vld [tilespmem:s13+$0xE90]  }
0x1ec: {  	[tilespmem:s13+$0x1B70] =	vst v1  }
0x1ed: {  	v1 =	vld.idx.msk [tilespmem:v3+s7+$0x0], $0xffff;
	_ =	sdelay $0x3  }
0x1ee: {  	v3 =	vld [tilespmem:s13+$0xEA0]  }
0x1ef: {  	[tilespmem:s13+$0x1B80] =	vst v1  }
0x1f0: {  	v1 =	vld.idx.msk [tilespmem:v2+s7+$0x0], $0xffff;
	_ =	sdelay $0x3  }
0x1f1: {  	v2 =	vld [tilespmem:s13+$0xEB0]  }
0x1f2: {  	[tilespmem:s13+$0x1B90] =	vst v1  }
0x1f3: {  	v1 =	vld.idx.msk [tilespmem:v3+s7+$0x0], $0xffff;
	_ =	sdelay $0x3  }
0x1f4: {  	v3 =	vld [tilespmem:s13+$0xEC0]  }
0x1f5: {  	[tilespmem:s13+$0x1BA0] =	vst v1  }
0x1f6: {  	v1 =	vld.idx.msk [tilespmem:v2+s7+$0x0], $0xffff;
	_ =	sdelay $0x3  }
0x1f7: {  	v2 =	vld [tilespmem:s13+$0xED0]  }
0x1f8: {  	[tilespmem:s13+$0x1BB0] =	vst v1  }
0x1f9: {  	v1 =	vld.idx.msk [tilespmem:v3+s7+$0x0], $0xffff;
	_ =	sdelay $0x3  }
0x1fa: {  	v3 =	vld [tilespmem:s13+$0xEE0]  }
0x1fb: {  	[tilespmem:s13+$0x1BC0] =	vst v1  }
0x1fc: {  	v1 =	vld.idx.msk [tilespmem:v2+s7+$0x0], $0xffff;
	_ =	sdelay $0x3  }
0x1fd: {  	v2 =	vld [tilespmem:s13+$0xEF0]  }
0x1fe: {  	[tilespmem:s13+$0x1BD0] =	vst v1  }
0x1ff: {  	v1 =	vld.idx.msk [tilespmem:v3+s7+$0x0], $0xffff;
	_ =	sdelay $0x3  }
0x200: {  	v3 =	vld [tilespmem:s13+$0xF00]  }
0x201: {  	[tilespmem:s13+$0x1BE0] =	vst v1  }
0x202: {  	v1 =	vld.idx.msk [tilespmem:v2+s7+$0x0], $0xffff;
	_ =	sdelay $0x3  }
0x203: {  	v2 =	vld [tilespmem:s13+$0xF10]  }
0x204: {  	[tilespmem:s13+$0x1BF0] =	vst v1  }
0x205: {  	v1 =	vld.idx.msk [tilespmem:v3+s7+$0x0], $0xffff;
	_ =	sdelay $0x3  }
0x206: {  	v3 =	vld [tilespmem:s13+$0xF20]  }
0x207: {  	[tilespmem:s13+$0x1C00] =	vst v1  }
0x208: {  	v1 =	vld.idx.msk [tilespmem:v2+s7+$0x0], $0xffff;
	_ =	sdelay $0x3  }
0x209: {  	v2 =	vld [tilespmem:s13+$0xF30]  }
0x20a: {  	[tilespmem:s13+$0x1C10] =	vst v1  }
0x20b: {  	v1 =	vld.idx.msk [tilespmem:v3+s7+$0x0], $0xffff;
	_ =	sdelay $0x3  }
0x20c: {  	v3 =	vld [tilespmem:s13+$0xF40]  }
0x20d: {  	[tilespmem:s13+$0x1C20] =	vst v1  }
0x20e: {  	v1 =	vld.idx.msk [tilespmem:v2+s7+$0x0], $0xffff;
	_ =	sdelay $0x3  }
0x20f: {  	v2 =	vld [tilespmem:s13+$0xF50]  }
0x210: {  	[tilespmem:s13+$0x1C30] =	vst v1  }
0x211: {  	v1 =	vld.idx.msk [tilespmem:v3+s7+$0x0], $0xffff;
	_ =	sdelay $0x3  }
0x212: {  	v3 =	vld [tilespmem:s13+$0xF60]  }
0x213: {  	[tilespmem:s13+$0x1C40] =	vst v1  }
0x214: {  	v1 =	vld.idx.msk [tilespmem:v2+s7+$0x0], $0xffff;
	_ =	sdelay $0x3  }
0x215: {  	v2 =	vld [tilespmem:s13+$0xF70]  }
0x216: {  	[tilespmem:s13+$0x1C50] =	vst v1  }
0x217: {  	v1 =	vld.idx.msk [tilespmem:v3+s7+$0x0], $0xffff;
	_ =	sdelay $0x3  }
0x218: {  	v3 =	vld [tilespmem:s13+$0xF80]  }
0x219: {  	[tilespmem:s13+$0x1C60] =	vst v1  }
0x21a: {  	v1 =	vld.idx.msk [tilespmem:v2+s7+$0x0], $0xffff;
	_ =	sdelay $0x3  }
0x21b: {  	v2 =	vld [tilespmem:s13+$0xF90]  }
0x21c: {  	[tilespmem:s13+$0x1C70] =	vst v1  }
0x21d: {  	v1 =	vld.idx.msk [tilespmem:v3+s7+$0x0], $0xffff;
	_ =	sdelay $0x3  }
0x21e: {  	v3 =	vld [tilespmem:s13+$0xFA0]  }
0x21f: {  	[tilespmem:s13+$0x1C80] =	vst v1  }
0x220: {  	v1 =	vld.idx.msk [tilespmem:v2+s7+$0x0], $0xffff;
	_ =	sdelay $0x3  }
0x221: {  	v2 =	vld [tilespmem:s13+$0xFB0]  }
0x222: {  	[tilespmem:s13+$0x1C90] =	vst v1  }
0x223: {  	v1 =	vld.idx.msk [tilespmem:v3+s7+$0x0], $0xffff;
	_ =	sdelay $0x3  }
0x224: {  	v3 =	vld [tilespmem:s13+$0xFC0]  }
0x225: {  	[tilespmem:s13+$0x1CA0] =	vst v1  }
0x226: {  	v1 =	vld.idx.msk [tilespmem:v2+s7+$0x0], $0xffff;
	_ =	sdelay $0x3  }
0x227: {  	v2 =	vld [tilespmem:s13+$0xFD0]  }
0x228: {  	[tilespmem:s13+$0x1CB0] =	vst v1  }
0x229: {  	v1 =	vld.idx.msk [tilespmem:v3+s7+$0x0], $0xffff;
	_ =	sdelay $0x3  }
0x22a: {  	v3 =	vld [tilespmem:s13+$0xFE0]  }
0x22b: {  	[tilespmem:s13+$0x1CC0] =	vst v1  }
0x22c: {  	v1 =	vld.idx.msk [tilespmem:v2+s7+$0x0], $0xffff;
	_ =	sdelay $0x3  }
0x22d: {  	v2 =	vld [tilespmem:s13+$0xFF0]  }
0x22e: {  	[tilespmem:s13+$0x1CD0] =	vst v1  }
0x22f: {  	v1 =	vld.idx.msk [tilespmem:v3+s7+$0x0], $0xffff;
	_ =	sdelay $0x3  }
0x230: {  	v3 =	vld [tilespmem:s13+$0x1000]  }
0x231: {  	[tilespmem:s13+$0x1CE0] =	vst v1  }
0x232: {  	v1 =	vld.idx.msk [tilespmem:v2+s7+$0x0], $0xffff;
	_ =	sdelay $0x3  }
0x233: {  	v2 =	vld [tilespmem:s13+$0x1010]  }
0x234: {  	[tilespmem:s13+$0x1CF0] =	vst v1  }
0x235: {  	v1 =	vld.idx.msk [tilespmem:v3+s7+$0x0], $0xffff;
	_ =	sdelay $0x3  }
0x236: {  	v3 =	vld [tilespmem:s13+$0x1020]  }
0x237: {  	[tilespmem:s13+$0x1D00] =	vst v1  }
0x238: {  	v1 =	vld.idx.msk [tilespmem:v2+s7+$0x0], $0xffff;
	_ =	sdelay $0x3  }
0x239: {  	v2 =	vld [tilespmem:s13+$0x1030]  }
0x23a: {  	[tilespmem:s13+$0x1D10] =	vst v1  }
0x23b: {  	v1 =	vld.idx.msk [tilespmem:v3+s7+$0x0], $0xffff;
	_ =	sdelay $0x3  }
0x23c: {  	v3 =	vld [tilespmem:s13+$0x1040]  }
0x23d: {  	[tilespmem:s13+$0x1D20] =	vst v1  }
0x23e: {  	v1 =	vld.idx.msk [tilespmem:v2+s7+$0x0], $0xffff;
	_ =	sdelay $0x3  }
0x23f: {  	v2 =	vld [tilespmem:s13+$0x1050]  }
0x240: {  	[tilespmem:s13+$0x1D30] =	vst v1  }
0x241: {  	v1 =	vld.idx.msk [tilespmem:v3+s7+$0x0], $0xffff;
	_ =	sdelay $0x3  }
0x242: {  	v3 =	vld [tilespmem:s13+$0x1060]  }
0x243: {  	[tilespmem:s13+$0x1D40] =	vst v1  }
0x244: {  	v1 =	vld.idx.msk [tilespmem:v2+s7+$0x0], $0xffff;
	_ =	sdelay $0x3  }
0x245: {  	v2 =	vld [tilespmem:s13+$0x1070]  }
0x246: {  	[tilespmem:s13+$0x1D50] =	vst v1  }
0x247: {  	v1 =	vld.idx.msk [tilespmem:v3+s7+$0x0], $0xffff;
	_ =	sdelay $0x3  }
0x248: {  	v3 =	vld [tilespmem:s13+$0x1080]  }
0x249: {  	[tilespmem:s13+$0x1D60] =	vst v1  }
0x24a: {  	v1 =	vld.idx.msk [tilespmem:v2+s7+$0x0], $0xffff;
	_ =	sdelay $0x3  }
0x24b: {  	v2 =	vld [tilespmem:s13+$0x1090]  }
0x24c: {  	[tilespmem:s13+$0x1D70] =	vst v1  }
0x24d: {  	v1 =	vld.idx.msk [tilespmem:v3+s7+$0x0], $0xffff;
	_ =	sdelay $0x3  }
0x24e: {  	v3 =	vld [tilespmem:s13+$0x10A0]  }
0x24f: {  	[tilespmem:s13+$0x1D80] =	vst v1  }
0x250: {  	v1 =	vld.idx.msk [tilespmem:v2+s7+$0x0], $0xffff;
	_ =	sdelay $0x3  }
0x251: {  	v2 =	vld [tilespmem:s13+$0x10B0]  }
0x252: {  	[tilespmem:s13+$0x1D90] =	vst v1  }
0x253: {  	v1 =	vld.idx.msk [tilespmem:v3+s7+$0x0], $0xffff;
	_ =	sdelay $0x3  }
0x254: {  	v3 =	vld [tilespmem:s13+$0x10C0]  }
0x255: {  	[tilespmem:s13+$0x1DA0] =	vst v1  }
0x256: {  	v1 =	vld.idx.msk [tilespmem:v2+s7+$0x0], $0xffff;
	_ =	sdelay $0x3  }
0x257: {  	v2 =	vld [tilespmem:s13+$0x10D0]  }
0x258: {  	[tilespmem:s13+$0x1DB0] =	vst v1  }
0x259: {  	v1 =	vld.idx.msk [tilespmem:v3+s7+$0x0], $0xffff;
	_ =	sdelay $0x3  }
0x25a: {  	v3 =	vld [tilespmem:s13+$0x10E0]  }
0x25b: {  	[tilespmem:s13+$0x1DC0] =	vst v1  }
0x25c: {  	v1 =	vld.idx.msk [tilespmem:v2+s7+$0x0], $0xffff;
	_ =	sdelay $0x3  }
0x25d: {  	v2 =	vld [tilespmem:s13+$0x10F0]  }
0x25e: {  	[tilespmem:s13+$0x1DD0] =	vst v1  }
0x25f: {  	v1 =	vld.idx.msk [tilespmem:v3+s7+$0x0], $0xffff;
	_ =	sdelay $0x3  }
0x260: {  	v3 =	vld [tilespmem:s13+$0x1100]  }
0x261: {  	[tilespmem:s13+$0x1DE0] =	vst v1  }
0x262: {  	v1 =	vld.idx.msk [tilespmem:v2+s7+$0x0], $0xffff;
	_ =	sdelay $0x3  }
0x263: {  	v2 =	vld [tilespmem:s13+$0x1110]  }
0x264: {  	[tilespmem:s13+$0x1DF0] =	vst v1  }
0x265: {  	v1 =	vld.idx.msk [tilespmem:v3+s7+$0x0], $0xffff;
	_ =	sdelay $0x3  }
0x266: {  	v3 =	vld [tilespmem:s13+$0x1120]  }
0x267: {  	[tilespmem:s13+$0x1E00] =	vst v1  }
0x268: {  	v1 =	vld.idx.msk [tilespmem:v2+s7+$0x0], $0xffff;
	_ =	sdelay $0x3  }
0x269: {  	v2 =	vld [tilespmem:s13+$0x1130]  }
0x26a: {  	[tilespmem:s13+$0x1E10] =	vst v1  }
0x26b: {  	v1 =	vld.idx.msk [tilespmem:v3+s7+$0x0], $0xffff;
	_ =	sdelay $0x3  }
0x26c: {  	v3 =	vld [tilespmem:s13+$0x1140]  }
0x26d: {  	[tilespmem:s13+$0x1E20] =	vst v1  }
0x26e: {  	v1 =	vld.idx.msk [tilespmem:v2+s7+$0x0], $0xffff;
	_ =	sdelay $0x3  }
0x26f: {  	v2 =	vld [tilespmem:s13+$0x1150]  }
0x270: {  	[tilespmem:s13+$0x1E30] =	vst v1  }
0x271: {  	v1 =	vld.idx.msk [tilespmem:v3+s7+$0x0], $0xffff;
	_ =	sdelay $0x3  }
0x272: {  	v3 =	vld [tilespmem:s13+$0x1160]  }
0x273: {  	[tilespmem:s13+$0x1E40] =	vst v1  }
0x274: {  	v1 =	vld.idx.msk [tilespmem:v2+s7+$0x0], $0xffff;
	_ =	sdelay $0x3  }
0x275: {  	v2 =	vld [tilespmem:s13+$0x1170]  }
0x276: {  	[tilespmem:s13+$0x1E50] =	vst v1  }
0x277: {  	v1 =	vld.idx.msk [tilespmem:v3+s7+$0x0], $0xffff;
	_ =	sdelay $0x3  }
0x278: {  	v3 =	vld [tilespmem:s13+$0x1180]  }
0x279: {  	[tilespmem:s13+$0x1E60] =	vst v1  }
0x27a: {  	v1 =	vld.idx.msk [tilespmem:v2+s7+$0x0], $0xffff;
	_ =	sdelay $0x3  }
0x27b: {  	v2 =	vld [tilespmem:s13+$0x1190]  }
0x27c: {  	[tilespmem:s13+$0x1E70] =	vst v1  }
0x27d: {  	v1 =	vld.idx.msk [tilespmem:v3+s7+$0x0], $0xffff;
	_ =	sdelay $0x3  }
0x27e: {  	v3 =	vld [tilespmem:s13+$0x11A0]  }
0x27f: {  	[tilespmem:s13+$0x1E80] =	vst v1  }
0x280: {  	v1 =	vld.idx.msk [tilespmem:v2+s7+$0x0], $0xffff;
	_ =	sdelay $0x3  }
0x281: {  	v2 =	vld [tilespmem:s13+$0x11B0]  }
0x282: {  	[tilespmem:s13+$0x1E90] =	vst v1  }
0x283: {  	v1 =	vld.idx.msk [tilespmem:v3+s7+$0x0], $0xffff;
	_ =	sdelay $0x3  }
0x284: {  	v3 =	vld [tilespmem:s13+$0x11C0]  }
0x285: {  	[tilespmem:s13+$0x1EA0] =	vst v1  }
0x286: {  	v1 =	vld.idx.msk [tilespmem:v2+s7+$0x0], $0xffff;
	_ =	sdelay $0x3  }
0x287: {  	v2 =	vld [tilespmem:s13+$0x11D0]  }
0x288: {  	[tilespmem:s13+$0x1EB0] =	vst v1  }
0x289: {  	v1 =	vld.idx.msk [tilespmem:v3+s7+$0x0], $0xffff;
	_ =	sdelay $0x3  }
0x28a: {  	v3 =	vld [tilespmem:s13+$0x11E0]  }
0x28b: {  	[tilespmem:s13+$0x1EC0] =	vst v1  }
0x28c: {  	v1 =	vld.idx.msk [tilespmem:v2+s7+$0x0], $0xffff;
	_ =	sdelay $0x3  }
0x28d: {  	v2 =	vld [tilespmem:s13+$0x11F0]  }
0x28e: {  	[tilespmem:s13+$0x1ED0] =	vst v1  }
0x28f: {  	v1 =	vld.idx.msk [tilespmem:v3+s7+$0x0], $0xffff;
	_ =	sdelay $0x3  }
0x290: {  	v3 =	vld [tilespmem:s13+$0x1200]  }
0x291: {  	[tilespmem:s13+$0x1EE0] =	vst v1  }
0x292: {  	v1 =	vld.idx.msk [tilespmem:v2+s7+$0x0], $0xffff;
	_ =	sdelay $0x3  }
0x293: {  	v2 =	vld [tilespmem:s13+$0x1210]  }
0x294: {  	[tilespmem:s13+$0x1EF0] =	vst v1  }
0x295: {  	v1 =	vld.idx.msk [tilespmem:v3+s7+$0x0], $0xffff;
	_ =	sdelay $0x3  }
0x296: {  	v3 =	vld [tilespmem:s13+$0x1220]  }
0x297: {  	[tilespmem:s13+$0x1F00] =	vst v1  }
0x298: {  	v1 =	vld.idx.msk [tilespmem:v2+s7+$0x0], $0xffff;
	_ =	sdelay $0x3  }
0x299: {  	v2 =	vld [tilespmem:s13+$0x1230]  }
0x29a: {  	[tilespmem:s13+$0x1F10] =	vst v1  }
0x29b: {  	v1 =	vld.idx.msk [tilespmem:v3+s7+$0x0], $0xffff;
	_ =	sdelay $0x3  }
0x29c: {  	v3 =	vld [tilespmem:s13+$0x1240]  }
0x29d: {  	[tilespmem:s13+$0x1F20] =	vst v1  }
0x29e: {  	v1 =	vld.idx.msk [tilespmem:v2+s7+$0x0], $0xffff;
	_ =	sdelay $0x3  }
0x29f: {  	v2 =	vld [tilespmem:s13+$0x1250]  }
0x2a0: {  	[tilespmem:s13+$0x1F30] =	vst v1  }
0x2a1: {  	v1 =	vld.idx.msk [tilespmem:v3+s7+$0x0], $0xffff;
	_ =	sdelay $0x3  }
0x2a2: {  	v3 =	vld [tilespmem:s13+$0x1260]  }
0x2a3: {  	[tilespmem:s13+$0x1F40] =	vst v1  }
0x2a4: {  	v1 =	vld.idx.msk [tilespmem:v2+s7+$0x0], $0xffff;
	_ =	sdelay $0x3  }
0x2a5: {  	v2 =	vld [tilespmem:s13+$0x1270]  }
0x2a6: {  	[tilespmem:s13+$0x1F50] =	vst v1  }
0x2a7: {  	v1 =	vld.idx.msk [tilespmem:v3+s7+$0x0], $0xffff;
	_ =	sdelay $0x3  }
0x2a8: {  	v3 =	vld [tilespmem:s13+$0x1280]  }
0x2a9: {  	[tilespmem:s13+$0x1F60] =	vst v1  }
0x2aa: {  	v1 =	vld.idx.msk [tilespmem:v2+s7+$0x0], $0xffff;
	_ =	sdelay $0x3  }
0x2ab: {  	v2 =	vld [tilespmem:s13+$0x1290]  }
0x2ac: {  	[tilespmem:s13+$0x1F70] =	vst v1  }
0x2ad: {  	v1 =	vld.idx.msk [tilespmem:v3+s7+$0x0], $0xffff;
	_ =	sdelay $0x3  }
0x2ae: {  	v3 =	vld [tilespmem:s13+$0x12A0]  }
0x2af: {  	[tilespmem:s13+$0x1F80] =	vst v1  }
0x2b0: {  	v1 =	vld.idx.msk [tilespmem:v2+s7+$0x0], $0xffff;
	_ =	sdelay $0x3  }
0x2b1: {  	v2 =	vld [tilespmem:s13+$0x12B0]  }
0x2b2: {  	[tilespmem:s13+$0x1F90] =	vst v1  }
0x2b3: {  	v1 =	vld.idx.msk [tilespmem:v3+s7+$0x0], $0xffff;
	_ =	sdelay $0x3  }
0x2b4: {  	v3 =	vld [tilespmem:s13+$0x12C0]  }
0x2b5: {  	[tilespmem:s13+$0x1FA0] =	vst v1  }
0x2b6: {  	v1 =	vld.idx.msk [tilespmem:v2+s7+$0x0], $0xffff;
	_ =	sdelay $0x3  }
0x2b7: {  	v2 =	vld [tilespmem:s13+$0x12D0]  }
0x2b8: {  	[tilespmem:s13+$0x1FB0] =	vst v1  }
0x2b9: {  	v1 =	vld.idx.msk [tilespmem:v3+s7+$0x0], $0xffff;
	_ =	sdelay $0x3  }
0x2ba: {  	v3 =	vld [tilespmem:s13+$0x12E0]  }
0x2bb: {  	[tilespmem:s13+$0x1FC0] =	vst v1  }
0x2bc: {  	v1 =	vld.idx.msk [tilespmem:v2+s7+$0x0], $0xffff;
	_ =	sdelay $0x3  }
0x2bd: {  	v2 =	vld [tilespmem:s13+$0x12F0]  }
0x2be: {  	[tilespmem:s13+$0x1FD0] =	vst v1  }
0x2bf: {  	v1 =	vld.idx.msk [tilespmem:v3+s7+$0x0], $0xffff;
	_ =	sdelay $0x3  }
0x2c0: {  	v3 =	vld [tilespmem:s13+$0x1300]  }
0x2c1: {  	[tilespmem:s13+$0x1FE0] =	vst v1  }
0x2c2: {  	v1 =	vld.idx.msk [tilespmem:v2+s7+$0x0], $0xffff;
	_ =	sdelay $0x3  }
0x2c3: {  	v2 =	vld [tilespmem:s13+$0x1310]  }
0x2c4: {  	[tilespmem:s13+$0x1FF0] =	vst v1  }
0x2c5: {  	v1 =	vld.idx.msk [tilespmem:v3+s7+$0x0], $0xffff;
	_ =	sdelay $0x3  }
0x2c6: {  	v3 =	vld [tilespmem:s13+$0x1320]  }
0x2c7: {  	[tilespmem:s13+$0x2000] =	vst v1  }
0x2c8: {  	v1 =	vld.idx.msk [tilespmem:v2+s7+$0x0], $0xffff;
	_ =	sdelay $0x3  }
0x2c9: {  	v2 =	vld [tilespmem:s13+$0x1330]  }
0x2ca: {  	[tilespmem:s13+$0x2010] =	vst v1  }
0x2cb: {  	v1 =	vld.idx.msk [tilespmem:v3+s7+$0x0], $0xffff;
	_ =	sdelay $0x3  }
0x2cc: {  	v3 =	vld [tilespmem:s13+$0x1340]  }
0x2cd: {  	[tilespmem:s13+$0x2020] =	vst v1  }
0x2ce: {  	v1 =	vld.idx.msk [tilespmem:v2+s7+$0x0], $0xffff;
	_ =	sdelay $0x3  }
0x2cf: {  	v2 =	vld [tilespmem:s13+$0x1350]  }
0x2d0: {  	[tilespmem:s13+$0x2030] =	vst v1  }
0x2d1: {  	v1 =	vld.idx.msk [tilespmem:v3+s7+$0x0], $0xffff;
	_ =	sdelay $0x3  }
0x2d2: {  	v3 =	vld [tilespmem:s13+$0x1360]  }
0x2d3: {  	[tilespmem:s13+$0x2040] =	vst v1  }
0x2d4: {  	v1 =	vld.idx.msk [tilespmem:v2+s7+$0x0], $0xffff;
	_ =	sdelay $0x3  }
0x2d5: {  	v2 =	vld [tilespmem:s13+$0x1370]  }
0x2d6: {  	[tilespmem:s13+$0x2050] =	vst v1  }
0x2d7: {  	v1 =	vld.idx.msk [tilespmem:v3+s7+$0x0], $0xffff;
	_ =	sdelay $0x4  }
0x2d8: {  	[tilespmem:s13+$0x2060] =	vst v1  }
0x2d9: {  	v1 =	vld.idx.msk [tilespmem:v2+s7+$0x0], $0xffff;
	_ =	sdelay $0x1  }
0x2da: {  	p1 =	slt.u32 s12, $0x1E  }
.Ltmp8:
0x2db: {  	_ = 	snop;
	(pc) =	sbr.rel @!p1 .LBB2_15-.Ltmp8, $4  }
0x2dc: {  	_ = 	snop  }
0x2dd: {  	s14 =	sadd.s32 $0x1A00, s13;
	[tilespmem:s13+$0x2070] =	vst v1  }
0x2de: {  	[spmem:s1] =	stream.indirect.scatter.add.f32 [tilespmem:s14], [sflag:$0x2], $0x1, s13, s9, $0xb8;
	[tilespmem:$0x1D9E0] =	vst v63  }
0x2df: {  	s13 =	smov.u32 s12  }
.LBB2_12:
0x2e0: {  	_ =	swait.ge [sflag:s8], $0x680  }
0x2e1: {  	p1 =	seq.s32 s13, $0x0;
	[sflag:s8] =	ssyncset.done $0x0  }
0x2e2: {  	p2 =	seq.s32 @!p1 s13, $0x1D;
	[sflag:s8] =	ssyncadd.s32 $0xFFFFF980  }
0x2e3: {  	p2 =	por p1, !p2;
	_ =	swait.ge [sflag:s8], $0x680  }
.Ltmp9:
0x2e4: {  	[sflag:s8] =	ssyncset.done $0x0;
	(pc) =	sbr.rel @!p2 .LBB2_14-.Ltmp9, $4  }
0x2e5: {  	s12 =	simm.s32 @!p1 $0x2;
	[sflag:s8] =	ssyncadd.s32 $0xFFFFF980  }
0x2e6: {  	_ =	swait.ge @!p1 [sflag:s12], $0x680  }
0x2e7: {  	[sflag:s12] =	ssyncset.done @!p1 $0x0  }
0x2e8: {  	s14 =	sand.u32 $0x1, s13;
	[sflag:s12] =	ssyncadd.s32 @!p1 $0xFFFFF980;
	s12 =	simm.s32 @!p1 $0x1E  }
0x2e9: {  	s12 =	sadd.s32 @!p1 $0x1, s13  }
0x2ea: {  	s12 =	simm.s32 @p1 $0x1  }
0x2eb: {  	s20 =	smul.u32 $0x680, s12  }
0x2ec: {  	s16 =	sxor.u32 $0x1, s14  }
0x2ed: {  	s16 =	smul.u32 $0x680, s16;
	s13 =	sadd.s32 s15, s20  }
.Ltmp10:
0x2ee: {  	s13 =	sshrl.u32 s13, $0x3;
	(pc) =	sbr.rel .LBB2_14-.Ltmp10, $4  }
0x2ef: {  	s13 =	sadd.s32 s3, s13  }
0x2f0: {  	[tilespmem:s16], [sflag:$0x1] =	stream.linear.gather [hbm4b:s13+s2], $0x680, $0x38;
	[tilespmem:$0x1D9E0] =	vst v63  }
0x2f1: {  	s16 =	sadd.s32 $0xD00, s16;
	s13 =	sadd.s32 $0x30D40, s13  }
0x2f2: {  	[tilespmem:s16], [sflag:$0x1] =	stream.linear.gather [hbm4b:s13+s2], $0x680, $0x38;
	[tilespmem:$0x1D9E0] =	vst v63  }
.LBB2_16:
0x2f3: {  	_ =	sfence.sel $0x180000  }
0x2f4: {  	[bflag:$0x0] =	sbarrier.arrive $0xFFFF  }
0x2f5: {  	_ =	strace $0x9000004A  }
0x2f6: {  	s0 =	stileid.u32;
	[bflag:$0x2] =	sbarrier.arrive $0xFFFF  }
0x2f7: {  	p0 =	sne.s32 s0, $0x0;
	s0 =	rddreg [dreg:$0x2]  }
0x2f8: {  	s0 =	sadd.s32 @!p0 $0x100000, s0  }
0x2f9: {  	[sflag:s0] =	ssyncadd.tile.s32 @!p0 $0x1;
	_ =	shalt  }
.Lfunc_end2:
_tile_overlayer_lowered:
.L_overlay_start_2:
0x2fa: {  	(tag) =	ssettag $0x2  }
0x2fb: {  	s0 =	rddreg [dreg:$0x0];
	s2 =	stileid.u32  }
0x2fc: {  	s1 =	rddreg [dreg:$0x1];
	p0 =	sne.s32 s2, $0x0  }
0x2fd: {  	s3 =	rddreg [dreg:$0x2];
	[bflag:$0x3] =	sbarrier.arrive $0xFFFF;
	s2 =	simm.s32 @!p0 $0x1C03  }
0x2fe: {  	[timem:s3], [sflag:s2] =	dma.local @!p0 [hbm:s0], s1  }
0x2ff: {  	s0 =	simm.s32 @!p0 $0x3  }
0x300: {  	_ =	swait.ge @!p0 [sflag:s0], s1  }
0x301: {  	s1 =	ssub.s32 @!p0 $0x0, s1;
	[sflag:s0] =	ssyncset.done @!p0 $0x0  }
0x302: {  	[sflag:s0] =	ssyncadd.s32 @!p0 s1  }
0x303: {  	[bflag:$0x3] =	sbarrier.arrive $0xFFFF  }
0x304: {  	_ =	shalt  }

</sc_bundles>
